<compile_context>
chip_gen: v7x
topology: tpu7x:2x2x1
jax: 0.10.2.dev20260603
libtpu: 0.0.44.dev20260713+nightly
codegen_flags: <defaults>
</compile_context>

<pallas_src>
import jax
import jax.numpy as jnp
from jax import lax
from jax.experimental import pallas as pl
from jax.experimental.pallas import tpu as pltpu
from jax.experimental.pallas import tpu_sc as plsc

N = 10000
D = 128
E = 320000

NC = 2
NS = 16
NW = NC * NS
B = 128
GSZ = 8
NBLK = 80
QG = NBLK // GSZ
EPW = NBLK * B
EPAD = EPW * NW
NPAD = 112
NACC = N + NPAD
RPS = NACC // NS
RB = 1264
GRID = NACC // RB

_mesh = plsc.VectorSubcoreMesh(core_axis_name="c", subcore_axis_name="s")

import numpy as _np
_PAD_IDX = N + _np.arange(EPAD - E, dtype=_np.int32) % NPAD



def _sc_deg_body(dstp8_hbm, out_hbm, didx8, ones_v, zbuf, dacc, isem, ssem):
    c = lax.axis_index("c")
    s = lax.axis_index("s")
    wid = c * NS + s
    gbase = wid * QG
    for j in range(B // 16):
        ones_v[pl.ds(j * 16, 16)] = jnp.ones((16,), jnp.float32)

    def zb(i, carry):
        zbuf[pl.ds(i * 16, 16)] = jnp.zeros((16,), jnp.float32)
        return carry

    lax.fori_loop(0, RPS // 16, zb, 0)
    zbuf[pl.ds(RPS - 16, 16)] = jnp.zeros((16,), jnp.float32)
    pltpu.sync_copy(zbuf, dacc.at[pl.ds(s * RPS, RPS)])

    def issue_idx(t):
        tb = lax.rem(t, 4)
        pltpu.async_copy(dstp8_hbm.at[gbase + t], didx8.at[tb], isem.at[tb])

    def wait_idx(t):
        tb = lax.rem(t, 4)
        pltpu.make_async_copy(dstp8_hbm.at[gbase], didx8.at[tb], isem.at[tb]).wait()

    def start_scatter(qb, u):
        pltpu.async_copy(ones_v, dacc.at[didx8.at[qb, u]],
                         ssem.at[u % 2], add=True)

    def wait_scatter(b):
        pltpu.make_async_copy(ones_v, dacc.at[didx8.at[0, 0]],
                              ssem.at[b]).wait()

    issue_idx(0)
    issue_idx(1)
    issue_idx(2)
    plsc.subcore_barrier()
    wait_idx(0)

    def body(q, carry):
        qb = lax.rem(q, 4)
        for u in range(GSZ):
            i = q * GSZ + u
            if u == 2:
                @pl.when(q + 3 < QG)
                def _():
                    issue_idx(q + 3)
            if u == 5:
                @pl.when(q + 1 < QG)
                def _():
                    wait_idx(q + 1)

            @pl.when(i >= 2)
            def _():
                wait_scatter(u % 2)

            start_scatter(qb, u)
        return carry

    lax.fori_loop(0, QG, body, 0)
    wait_scatter(0)
    wait_scatter(1)
    plsc.subcore_barrier()
    pltpu.sync_copy(dacc.at[pl.ds(s * RPS, RPS)], zbuf)
    pltpu.sync_copy(zbuf, out_hbm.at[pl.ds(c * NACC + s * RPS, RPS)])


def _sc_deg(dstp8):
    return pl.kernel(
        _sc_deg_body,
        out_type=jax.ShapeDtypeStruct((NC * NACC,), jnp.float32),
        mesh=_mesh,
        scratch_types=[
            pltpu.VMEM((4, GSZ, B), jnp.int32),
            pltpu.VMEM((B,), jnp.float32),
            pltpu.VMEM((RPS,), jnp.float32),
            pltpu.VMEM_SHARED((NACC,), jnp.float32),
            pltpu.SemaphoreType.DMA((4,)),
            pltpu.SemaphoreType.DMA((2,)),
        ],
    )(dstp8)


def _sc_agg_body(tbl_hbm, srcp8_hbm, dstp8_hbm, zeros_hbm, out_hbm,
                 sidx8, didx8, rows, acc, isem, gsem, ssem):
    c = lax.axis_index("c")
    s = lax.axis_index("s")
    wid = c * NS + s
    gbase = wid * QG
    pltpu.sync_copy(zeros_hbm, acc.at[pl.ds(s * RPS, RPS)])

    def issue_idx(t):
        tb = lax.rem(t, 4)
        pltpu.async_copy(srcp8_hbm.at[gbase + t], sidx8.at[tb], isem.at[tb])
        pltpu.async_copy(dstp8_hbm.at[gbase + t], didx8.at[tb], isem.at[tb])

    def wait_idx(t):
        tb = lax.rem(t, 4)
        pltpu.make_async_copy(srcp8_hbm.at[gbase], sidx8.at[tb], isem.at[tb]).wait()
        pltpu.make_async_copy(dstp8_hbm.at[gbase], didx8.at[tb], isem.at[tb]).wait()

    def start_gather(qg, ug):
        b = ug % 2
        pltpu.async_copy(tbl_hbm.at[sidx8.at[qg, ug]], rows.at[b], gsem.at[b])

    def wait_gather(b):
        pltpu.make_async_copy(tbl_hbm.at[sidx8.at[0, 0]], rows.at[b],
                              gsem.at[b]).wait()

    def start_scatter(qb, u):
        pltpu.async_copy(rows.at[u % 2], acc.at[didx8.at[qb, u]],
                         ssem.at[u % 2], add=True)

    def wait_scatter(b):
        pltpu.make_async_copy(rows.at[b], acc.at[didx8.at[0, 0]],
                              ssem.at[b]).wait()

    issue_idx(0)
    issue_idx(1)
    issue_idx(2)
    plsc.subcore_barrier()
    wait_idx(0)
    start_gather(0, 0)

    def body(q, carry):
        qb = lax.rem(q, 4)
        for u in range(GSZ):
            i = q * GSZ + u
            if u == 2:
                @pl.when(q + 3 < QG)
                def _():
                    issue_idx(q + 3)
            if u == 5:
                @pl.when(q + 1 < QG)
                def _():
                    wait_idx(q + 1)
            wait_gather(u % 2)
            start_scatter(qb, u)

            @pl.when(i >= 1)
            def _():
                wait_scatter((u + 1) % 2)

            @pl.when(i + 1 < NBLK)
            def _():
                k = i + 1
                start_gather(lax.rem(k // GSZ, 4), (u + 1) % GSZ)
        return carry

    lax.fori_loop(0, QG, body, 0)
    wait_scatter((NBLK - 1) % 2)
    plsc.subcore_barrier()
    pltpu.sync_copy(acc.at[pl.ds(s * RPS, RPS)],
                    out_hbm.at[pl.ds(c * NACC + s * RPS, RPS)])


def _sc_agg(tbl, srcp8, dstp8, zerosD):
    return pl.kernel(
        _sc_agg_body,
        out_type=jax.ShapeDtypeStruct((NC * NACC, D), jnp.float32),
        mesh=_mesh,
        scratch_types=[
            pltpu.VMEM((4, GSZ, B), jnp.int32),
            pltpu.VMEM((4, GSZ, B), jnp.int32),
            pltpu.VMEM((2, B, D), jnp.float32),
            pltpu.VMEM_SHARED((NACC, D), jnp.float32),
            pltpu.SemaphoreType.DMA((4,)),
            pltpu.SemaphoreType.DMA((2,)),
            pltpu.SemaphoreType.DMA((2,)),
        ],
    )(tbl, srcp8, dstp8, zerosD)



def _dinv_block(degp_ref):
    d = degp_ref[...]
    return lax.rsqrt(d[:, 0:1] + d[:, 1:2] + 1.0)


def _tc_scale_body(degp_ref, emb_ref, o_ref):
    i = pl.program_id(0)
    rowg = i * RB + lax.broadcasted_iota(jnp.int32, (RB, 1), 0)
    x = jnp.where(rowg < N, emb_ref[...], 0.0)
    o_ref[...] = x * _dinv_block(degp_ref)


def _tc_mm_body(degp_ref, s1a_ref, s1b_ref, x1_ref, w1_ref, b1_ref,
                w2_ref, o_ref):
    dinv = _dinv_block(degp_ref)
    s1 = (s1a_ref[...] + s1b_ref[...] + x1_ref[...]) * dinv
    h = jnp.dot(s1, w1_ref[...], preferred_element_type=jnp.float32) + b1_ref[...]
    v = jnp.dot(h, w2_ref[...], preferred_element_type=jnp.float32)
    o_ref[...] = v * dinv


def _tc_fin_body(degp_ref, s2a_ref, s2b_ref, vp_ref, b2_ref, g_ref,
                 be_ref, o_ref, st_ref):
    p = pl.program_id(0)
    i = pl.program_id(1)
    dinv = _dinv_block(degp_ref)
    pre = (s2a_ref[...] + s2b_ref[...] + vp_ref[...]) * dinv + b2_ref[...]

    @pl.when(p == 0)
    def _():
        @pl.when(i == 0)
        def _():
            st_ref[...] = jnp.zeros_like(st_ref)

        rowg = i * RB + lax.broadcasted_iota(jnp.int32, (RB, 1), 0)
        prem = jnp.where(rowg < N, pre, 0.0)
        sm = jnp.sum(prem, axis=0, keepdims=True)
        sq = jnp.sum(prem * prem, axis=0, keepdims=True)
        st_ref[...] += jnp.concatenate(
            [sm, sq, jnp.zeros((6, D), jnp.float32)], axis=0)
        o_ref[...] = pre

    @pl.when(p == 1)
    def _():
        mean = st_ref[0:1, :] / N
        ex2 = st_ref[1:2, :] / N
        var = ex2 - mean * mean
        o_ref[...] = (pre - mean) * lax.rsqrt(var + 1e-5) * g_ref[...] + be_ref[...]


_blk = lambda i: (i, 0)
_whole = lambda i: (0, 0)


def _row_spec():
    return pl.BlockSpec((RB, D), _blk)


def _tc_scale(degp, emb):
    return pl.pallas_call(
        _tc_scale_body,
        grid=(GRID,),
        in_specs=[
            pl.BlockSpec((RB, 2), _blk),
            _row_spec(),
        ],
        out_specs=_row_spec(),
        out_shape=jax.ShapeDtypeStruct((NACC, D), jnp.float32),
    )(degp, emb)


def _tc_mm(degp, s1, x1p, W1, b1, W2):
    return pl.pallas_call(
        _tc_mm_body,
        grid=(GRID,),
        in_specs=[
            pl.BlockSpec((RB, 2), _blk),
            pl.BlockSpec((RB, D), _blk),
            pl.BlockSpec((RB, D), lambda i: (i + NACC // RB, 0)),
            pl.BlockSpec((RB, D), _blk),
            pl.BlockSpec((D, 2 * D), _whole),
            pl.BlockSpec((1, 2 * D), _whole),
            pl.BlockSpec((2 * D, D), _whole),
        ],
        out_specs=pl.BlockSpec((RB, D), _blk),
        out_shape=jax.ShapeDtypeStruct((NACC, D), jnp.float32),
    )(degp, s1, s1, x1p, W1, b1, W2)


def _tc_fin(degp, s2, vpp, b2, gamma, beta):
    blk2 = lambda p, i: (i, 0)
    whole2 = lambda p, i: (0, 0)
    return pl.pallas_call(
        _tc_fin_body,
        grid=(2, GRID),
        in_specs=[
            pl.BlockSpec((RB, 2), blk2),
            pl.BlockSpec((RB, D), blk2),
            pl.BlockSpec((RB, D), lambda p, i: (i + NACC // RB, 0)),
            pl.BlockSpec((RB, D), blk2),
            pl.BlockSpec((1, D), whole2),
            pl.BlockSpec((1, D), whole2),
            pl.BlockSpec((1, D), whole2),
        ],
        out_specs=pl.BlockSpec((RB, D), blk2),
        out_shape=jax.ShapeDtypeStruct((N, D), jnp.float32),
        scratch_shapes=[pltpu.VMEM((8, D), jnp.float32)],
    )(degp, s2, s2, vpp, b2, gamma, beta)



def kernel(edge_index, emb, W1, b1, W2, b2, gamma, beta):
    src = edge_index[0].astype(jnp.int32)
    dst = edge_index[1].astype(jnp.int32)
    srcp = jnp.concatenate([src, _PAD_IDX])
    dstp = jnp.concatenate([dst, _PAD_IDX])
    srcp8 = srcp.reshape(NW * QG, GSZ, B)
    dstp8 = dstp.reshape(NW * QG, GSZ, B)

    zerosD = jnp.zeros((RPS, D), jnp.float32)

    degp_flat = _sc_deg(dstp8)
    degp = degp_flat.reshape(NC, NACC).T

    x1p = _tc_scale(degp, emb)

    s1 = _sc_agg(x1p, srcp8, dstp8, zerosD)

    vpp = _tc_mm(degp, s1, x1p, W1,
                 b1.reshape(1, 2 * D), W2)

    s2 = _sc_agg(vpp, srcp8, dstp8, zerosD)

    return _tc_fin(degp, s2, vpp, b2.reshape(1, D),
                   gamma.reshape(1, D), beta.reshape(1, D))

# --- scband reference (transcript-rebuilt; emitter-appended) ---
"""Pipeline reference for scband-lstmgnn-4836133175864 (READ-ONLY COPY).

The authoritative reference and input builder live on the scoring server;
editing this copy changes nothing except your own understanding.
"""

import jax, jax.numpy as jnp
import numpy as np

N = 10000
D = 128
E = 320000


def setup_inputs(seed: int = 0):
    key = jax.random.key(seed)
    ks = jax.random.split(key, 8)
    edge_index = jax.random.randint(ks[0], (2, E), 0, N)
    emb = jax.random.normal(ks[1], (N, D), dtype=jnp.float32) * 0.05
    W1 = jax.random.normal(ks[2], (D, 2 * D), dtype=jnp.float32) * (1.0 / np.sqrt(D))
    b1 = jnp.zeros((2 * D,), dtype=jnp.float32)
    W2 = jax.random.normal(ks[3], (2 * D, D), dtype=jnp.float32) * (1.0 / np.sqrt(2 * D))
    b2 = jnp.zeros((D,), dtype=jnp.float32)
    gamma = jnp.ones((D,), dtype=jnp.float32)
    beta = jnp.zeros((D,), dtype=jnp.float32)
    return {"edge_index": edge_index, "emb": emb, "W1": W1, "b1": b1, "W2": W2, "b2": b2, "gamma": gamma, "beta": beta}


def _gcn(x, W, b, src, dst, n):
    # PyG GCNConv: add self-loops, symmetric normalization, aggregate src->dst
    xw = x @ W
    loop = jnp.arange(n)
    s = jnp.concatenate([src, loop])
    d = jnp.concatenate([dst, loop])
    deg = jnp.zeros((n,), xw.dtype).at[d].add(1.0)
    dinv = jnp.where(deg > 0, 1.0 / jnp.sqrt(deg), 0.0)
    norm = dinv[s] * dinv[d]
    msg = xw[s] * norm[:, None]
    out = jnp.zeros((n, W.shape[1]), xw.dtype).at[d].add(msg)
    return out + b


def reference(edge_index, emb, W1, b1, W2, b2, gamma, beta):
    # GraphNN.forward (eval mode: dropout is identity):
    #   h = GCNConv(ninp, 2*ninp)(embedding.weight, edge_index)
    #   out = GCNConv(2*ninp, ninp)(h, edge_index)
    #   out = BatchNorm1d(out)
    src = edge_index[0]
    dst = edge_index[1]
    h = _gcn(emb, W1, b1, src, dst, N)
    out = _gcn(h, W2, b2, src, dst, N)
    mean = out.mean(axis=0)
    var = out.var(axis=0)
    out = (out - mean) / jnp.sqrt(var + 1e-5) * gamma + beta
    return out

if __name__ == "__main__":
    import jax
    _d = setup_inputs()
    print(jax.jit(kernel)(*tuple(_d.values())))

</pallas_src>

<mosaic_0001>
#map = affine_map<(d0, d1) -> (0, 0, 0)>
#map1 = affine_map<(d0, d1) -> (0)>
module attributes {stable_mosaic.version = 14 : i64} {
  func.func @_sc_deg_body(%arg0: i32, %arg1: i32, %arg2: memref<320x8x128xi32, #tpu.memory_space<hbm>>, %arg3: memref<20224xf32, #tpu.memory_space<hbm>>, %arg4: memref<4x8x128xi32, #tpu.memory_space<vmem>>, %arg5: memref<128xf32, #tpu.memory_space<vmem>>, %arg6: memref<632xf32, #tpu.memory_space<vmem>>, %arg7: memref<10112xf32, #tpu.memory_space<vmem_shared>>, %arg8: memref<4x!tpu.dma_semaphore, #tpu.memory_space<semaphore_mem>>, %arg9: memref<2x!tpu.dma_semaphore, #tpu.memory_space<semaphore_mem>>) attributes {dimension_semantics = [#tpu.dimension_semantics<core_parallel>, #tpu.dimension_semantics<subcore_parallel>], iteration_bounds = array<i64: 2, 16>, scalar_prefetch = 0 : i64, scratch_operands = 6 : i64, tpu.core_type = #tpu.core_type<sc_vector_subcore>, window_params = [{transform_indices = #map}, {transform_indices = #map1}]} {
    %mul3A = arith.constant 16 : i32
    %mul3A_0 = arith.muli %arg0, %mul3A : i32
    %add3A = arith.addi %mul3A_0, %arg1 : i32
    %mul3A_1 = arith.constant 10 : i32
    %mul3A_2 = arith.muli %add3A, %mul3A_1 : i32
    %broadcast_in_dim3A = arith.constant 1.000000e+00 : f32
    %broadcast_in_dim3A_3 = vector.broadcast %broadcast_in_dim3A : f32 to vector<16xf32>
    %swap3A = arith.constant 0 : index
    %swap3A_4 = tpu.vector_load %arg5[%swap3A] {strides = array<i32>} : memref<128xf32, #tpu.memory_space<vmem>>, vector<16xf32>,
    %swap3A_5 = vector.shape_cast %swap3A_4 : vector<16xf32> to vector<16xf32>
    %swap3A_6 = vector.shape_cast %broadcast_in_dim3A_3 : vector<16xf32> to vector<16xf32>
    tpu.vector_store %arg5[%swap3A], %swap3A_6 {strides = array<i32>} : memref<128xf32, #tpu.memory_space<vmem>>, vector<16xf32>,
    %broadcast_in_dim3A_7 = arith.constant 1.000000e+00 : f32
    %broadcast_in_dim3A_8 = vector.broadcast %broadcast_in_dim3A_7 : f32 to vector<16xf32>
    %swap3A_9 = arith.constant 16 : index
    %swap3A_10 = tpu.vector_load %arg5[%swap3A_9] {strides = array<i32>} : memref<128xf32, #tpu.memory_space<vmem>>, vector<16xf32>,
    %swap3A_11 = vector.shape_cast %swap3A_10 : vector<16xf32> to vector<16xf32>
    %swap3A_12 = vector.shape_cast %broadcast_in_dim3A_8 : vector<16xf32> to vector<16xf32>
    tpu.vector_store %arg5[%swap3A_9], %swap3A_12 {strides = array<i32>} : memref<128xf32, #tpu.memory_space<vmem>>, vector<16xf32>,
    %broadcast_in_dim3A_13 = arith.constant 1.000000e+00 : f32
    %broadcast_in_dim3A_14 = vector.broadcast %broadcast_in_dim3A_13 : f32 to vector<16xf32>
    %swap3A_15 = arith.constant 32 : index
    %swap3A_16 = tpu.vector_load %arg5[%swap3A_15] {strides = array<i32>} : memref<128xf32, #tpu.memory_space<vmem>>, vector<16xf32>,
    %swap3A_17 = vector.shape_cast %swap3A_16 : vector<16xf32> to vector<16xf32>
    %swap3A_18 = vector.shape_cast %broadcast_in_dim3A_14 : vector<16xf32> to vector<16xf32>
    tpu.vector_store %arg5[%swap3A_15], %swap3A_18 {strides = array<i32>} : memref<128xf32, #tpu.memory_space<vmem>>, vector<16xf32>,
    %broadcast_in_dim3A_19 = arith.constant 1.000000e+00 : f32
    %broadcast_in_dim3A_20 = vector.broadcast %broadcast_in_dim3A_19 : f32 to vector<16xf32>
    %swap3A_21 = arith.constant 48 : index
    %swap3A_22 = tpu.vector_load %arg5[%swap3A_21] {strides = array<i32>} : memref<128xf32, #tpu.memory_space<vmem>>, vector<16xf32>,
    %swap3A_23 = vector.shape_cast %swap3A_22 : vector<16xf32> to vector<16xf32>
    %swap3A_24 = vector.shape_cast %broadcast_in_dim3A_20 : vector<16xf32> to vector<16xf32>
    tpu.vector_store %arg5[%swap3A_21], %swap3A_24 {strides = array<i32>} : memref<128xf32, #tpu.memory_space<vmem>>, vector<16xf32>,
    %broadcast_in_dim3A_25 = arith.constant 1.000000e+00 : f32
    %broadcast_in_dim3A_26 = vector.broadcast %broadcast_in_dim3A_25 : f32 to vector<16xf32>
    %swap3A_27 = arith.constant 64 : index
    %swap3A_28 = tpu.vector_load %arg5[%swap3A_27] {strides = array<i32>} : memref<128xf32, #tpu.memory_space<vmem>>, vector<16xf32>,
    %swap3A_29 = vector.shape_cast %swap3A_28 : vector<16xf32> to vector<16xf32>
    %swap3A_30 = vector.shape_cast %broadcast_in_dim3A_26 : vector<16xf32> to vector<16xf32>
    tpu.vector_store %arg5[%swap3A_27], %swap3A_30 {strides = array<i32>} : memref<128xf32, #tpu.memory_space<vmem>>, vector<16xf32>,
    %broadcast_in_dim3A_31 = arith.constant 1.000000e+00 : f32
    %broadcast_in_dim3A_32 = vector.broadcast %broadcast_in_dim3A_31 : f32 to vector<16xf32>
    %swap3A_33 = arith.constant 80 : index
    %swap3A_34 = tpu.vector_load %arg5[%swap3A_33] {strides = array<i32>} : memref<128xf32, #tpu.memory_space<vmem>>, vector<16xf32>,
    %swap3A_35 = vector.shape_cast %swap3A_34 : vector<16xf32> to vector<16xf32>
    %swap3A_36 = vector.shape_cast %broadcast_in_dim3A_32 : vector<16xf32> to vector<16xf32>
    tpu.vector_store %arg5[%swap3A_33], %swap3A_36 {strides = array<i32>} : memref<128xf32, #tpu.memory_space<vmem>>, vector<16xf32>,
    %broadcast_in_dim3A_37 = arith.constant 1.000000e+00 : f32
    %broadcast_in_dim3A_38 = vector.broadcast %broadcast_in_dim3A_37 : f32 to vector<16xf32>
    %swap3A_39 = arith.constant 96 : index
    %swap3A_40 = tpu.vector_load %arg5[%swap3A_39] {strides = array<i32>} : memref<128xf32, #tpu.memory_space<vmem>>, vector<16xf32>,
    %swap3A_41 = vector.shape_cast %swap3A_40 : vector<16xf32> to vector<16xf32>
    %swap3A_42 = vector.shape_cast %broadcast_in_dim3A_38 : vector<16xf32> to vector<16xf32>
    tpu.vector_store %arg5[%swap3A_39], %swap3A_42 {strides = array<i32>} : memref<128xf32, #tpu.memory_space<vmem>>, vector<16xf32>,
    %broadcast_in_dim3A_43 = arith.constant 1.000000e+00 : f32
    %broadcast_in_dim3A_44 = vector.broadcast %broadcast_in_dim3A_43 : f32 to vector<16xf32>
    %swap3A_45 = arith.constant 112 : index
    %swap3A_46 = tpu.vector_load %arg5[%swap3A_45] {strides = array<i32>} : memref<128xf32, #tpu.memory_space<vmem>>, vector<16xf32>,
    %swap3A_47 = vector.shape_cast %swap3A_46 : vector<16xf32> to vector<16xf32>
    %swap3A_48 = vector.shape_cast %broadcast_in_dim3A_44 : vector<16xf32> to vector<16xf32>
    tpu.vector_store %arg5[%swap3A_45], %swap3A_48 {strides = array<i32>} : memref<128xf32, #tpu.memory_space<vmem>>, vector<16xf32>,
    %scan3A = arith.constant 0 : i32
    %scan3A_49 = arith.constant 0 : i32
    %scan3A_50 = arith.constant 39 : i32
    %scan3A_51 = arith.addi %scan3A_49, %scan3A_50 : i32
    %scan3A_52 = arith.constant 1 : i32
    scf.for %scan3A_183 = %scan3A_49 to %scan3A_51 step %scan3A_52  : i32 {
      %broadcast_in_dim3A_184 = arith.constant 0.000000e+00 : f32
      %broadcast_in_dim3A_185 = vector.broadcast %broadcast_in_dim3A_184 : f32 to vector<16xf32>
      %mul3A_186 = arith.constant 16 : i32
      %mul3A_187 = arith.muli %scan3A_183, %mul3A_186 : i32
      %swap3A_188 = arith.index_cast %mul3A_187 : i32 to index
      %swap3A_189 = tpu.vector_load %arg6[%swap3A_188] {strides = array<i32>} : memref<632xf32, #tpu.memory_space<vmem>>, vector<16xf32>,
      %swap3A_190 = vector.shape_cast %swap3A_189 : vector<16xf32> to vector<16xf32>
      %swap3A_191 = vector.shape_cast %broadcast_in_dim3A_185 : vector<16xf32> to vector<16xf32>
      tpu.vector_store %arg6[%swap3A_188], %swap3A_191 {strides = array<i32>} : memref<632xf32, #tpu.memory_space<vmem>>, vector<16xf32>,
    }
    %scan3A_53 = arith.constant 39 : i32
    %broadcast_in_dim3A_54 = arith.constant 0.000000e+00 : f32
    %broadcast_in_dim3A_55 = vector.broadcast %broadcast_in_dim3A_54 : f32 to vector<16xf32>
    %swap3A_56 = arith.constant 616 : index
    %swap3A_57 = tpu.vector_load %arg6[%swap3A_56] {strides = array<i32>} : memref<632xf32, #tpu.memory_space<vmem>>, vector<16xf32>,
    %swap3A_58 = vector.shape_cast %swap3A_57 : vector<16xf32> to vector<16xf32>
    %swap3A_59 = vector.shape_cast %broadcast_in_dim3A_55 : vector<16xf32> to vector<16xf32>
    tpu.vector_store %arg6[%swap3A_56], %swap3A_59 {strides = array<i32>} : memref<632xf32, #tpu.memory_space<vmem>>, vector<16xf32>,
    %mul3A_60 = arith.constant 632 : i32
    %mul3A_61 = arith.muli %arg1, %mul3A_60 : i32
    "tpu.region"() ({
      %run_scoped3A = tpu.sem_alloc : memref<!tpu.dma_semaphore, #tpu.memory_space<semaphore_mem>>
      %dma_start3A_183 = tpu.memref_slice %arg7[%mul3A_61] : memref<10112xf32, #tpu.memory_space<vmem_shared>> -> memref<632xf32, #tpu.memory_space<vmem_shared>>
      %dma_start3A_184 = tpu.memref_slice %arg7[%mul3A_61] : memref<10112xf32, #tpu.memory_space<vmem_shared>> -> memref<632xf32, #tpu.memory_space<vmem_shared>>
      tpu.enqueue_dma source(%arg6 : memref<632xf32, #tpu.memory_space<vmem>>) target(%dma_start3A_184 : memref<632xf32, #tpu.memory_space<vmem_shared>>) target_semaphore(%run_scoped3A : memref<!tpu.dma_semaphore, #tpu.memory_space<semaphore_mem>>)
      %dma_wait3A_185 = tpu.memref_slice %arg7[%mul3A_61] : memref<10112xf32, #tpu.memory_space<vmem_shared>> -> memref<632xf32, #tpu.memory_space<vmem_shared>>
      %dma_wait3A_186 = tpu.memref_slice %arg7[%mul3A_61] : memref<10112xf32, #tpu.memory_space<vmem_shared>> -> memref<632xf32, #tpu.memory_space<vmem_shared>>
      tpu.wait_dma2 semaphore(%run_scoped3A : memref<!tpu.dma_semaphore, #tpu.memory_space<semaphore_mem>>) src(%arg6 : memref<632xf32, #tpu.memory_space<vmem>>) dst(%dma_wait3A_186 : memref<632xf32, #tpu.memory_space<vmem_shared>>)
      tpu.yield
    }) : () -> ()
    %rem3A = arith.constant 0 : i32
    %rem3A_62 = arith.constant 4 : i32
    %rem3A_63 = arith.remsi %rem3A, %rem3A_62 : i32
    %add3A_64 = arith.constant 0 : i32
    %add3A_65 = arith.addi %mul3A_2, %add3A_64 : i32
    %dma_start3A = arith.constant 0 : i32
    %dma_start3A_66 = arith.constant 0 : i32
    %dma_start3A_67 = tpu.memref_slice %arg4[%rem3A_63, %dma_start3A, %dma_start3A_66] : memref<4x8x128xi32, #tpu.memory_space<vmem>> -> memref<1x8x128xi32, #tpu.memory_space<vmem>>
    %dma_start3A_68 = tpu.memref_squeeze %dma_start3A_67 : memref<1x8x128xi32, #tpu.memory_space<vmem>> -> memref<8x128xi32, #tpu.memory_space<vmem>>
    %dma_start3A_69 = arith.constant 0 : i32
    %dma_start3A_70 = arith.constant 0 : i32
    %dma_start3A_71 = tpu.memref_slice %arg2[%add3A_65, %dma_start3A_69, %dma_start3A_70] : memref<320x8x128xi32, #tpu.memory_space<hbm>> -> memref<1x8x128xi32, #tpu.memory_space<hbm>>
    %dma_start3A_72 = tpu.memref_squeeze %dma_start3A_71 : memref<1x8x128xi32, #tpu.memory_space<hbm>> -> memref<8x128xi32, #tpu.memory_space<hbm>>
    %dma_start3A_73 = tpu.memref_slice %arg8[%rem3A_63] : memref<4x!tpu.dma_semaphore, #tpu.memory_space<semaphore_mem>> -> memref<1x!tpu.dma_semaphore, #tpu.memory_space<semaphore_mem>>
    %dma_start3A_74 = tpu.memref_squeeze %dma_start3A_73 : memref<1x!tpu.dma_semaphore, #tpu.memory_space<semaphore_mem>> -> memref<!tpu.dma_semaphore, #tpu.memory_space<semaphore_mem>>
    %dma_start3A_75 = arith.constant 0 : i32
    %dma_start3A_76 = arith.constant 0 : i32
    %dma_start3A_77 = tpu.memref_slice %arg4[%rem3A_63, %dma_start3A_75, %dma_start3A_76] : memref<4x8x128xi32, #tpu.memory_space<vmem>> -> memref<1x8x128xi32, #tpu.memory_space<vmem>>
    %dma_start3A_78 = tpu.memref_squeeze %dma_start3A_77 : memref<1x8x128xi32, #tpu.memory_space<vmem>> -> memref<8x128xi32, #tpu.memory_space<vmem>>
    %dma_start3A_79 = arith.constant 0 : i32
    %dma_start3A_80 = arith.constant 0 : i32
    %dma_start3A_81 = tpu.memref_slice %arg2[%add3A_65, %dma_start3A_79, %dma_start3A_80] : memref<320x8x128xi32, #tpu.memory_space<hbm>> -> memref<1x8x128xi32, #tpu.memory_space<hbm>>
    %dma_start3A_82 = tpu.memref_squeeze %dma_start3A_81 : memref<1x8x128xi32, #tpu.memory_space<hbm>> -> memref<8x128xi32, #tpu.memory_space<hbm>>
    tpu.enqueue_dma source(%dma_start3A_82 : memref<8x128xi32, #tpu.memory_space<hbm>>) target(%dma_start3A_78 : memref<8x128xi32, #tpu.memory_space<vmem>>) target_semaphore(%dma_start3A_74 : memref<!tpu.dma_semaphore, #tpu.memory_space<semaphore_mem>>)
    %rem3A_83 = arith.constant 1 : i32
    %rem3A_84 = arith.constant 4 : i32
    %rem3A_85 = arith.remsi %rem3A_83, %rem3A_84 : i32
    %add3A_86 = arith.constant 1 : i32
    %add3A_87 = arith.addi %mul3A_2, %add3A_86 : i32
    %dma_start3A_88 = arith.constant 0 : i32
    %dma_start3A_89 = arith.constant 0 : i32
    %dma_start3A_90 = tpu.memref_slice %arg4[%rem3A_85, %dma_start3A_88, %dma_start3A_89] : memref<4x8x128xi32, #tpu.memory_space<vmem>> -> memref<1x8x128xi32, #tpu.memory_space<vmem>>
    %dma_start3A_91 = tpu.memref_squeeze %dma_start3A_90 : memref<1x8x128xi32, #tpu.memory_space<vmem>> -> memref<8x128xi32, #tpu.memory_space<vmem>>
    %dma_start3A_92 = arith.constant 0 : i32
    %dma_start3A_93 = arith.constant 0 : i32
    %dma_start3A_94 = tpu.memref_slice %arg2[%add3A_87, %dma_start3A_92, %dma_start3A_93] : memref<320x8x128xi32, #tpu.memory_space<hbm>> -> memref<1x8x128xi32, #tpu.memory_space<hbm>>
    %dma_start3A_95 = tpu.memref_squeeze %dma_start3A_94 : memref<1x8x128xi32, #tpu.memory_space<hbm>> -> memref<8x128xi32, #tpu.memory_space<hbm>>
    %dma_start3A_96 = tpu.memref_slice %arg8[%rem3A_85] : memref<4x!tpu.dma_semaphore, #tpu.memory_space<semaphore_mem>> -> memref<1x!tpu.dma_semaphore, #tpu.memory_space<semaphore_mem>>
    %dma_start3A_97 = tpu.memref_squeeze %dma_start3A_96 : memref<1x!tpu.dma_semaphore, #tpu.memory_space<semaphore_mem>> -> memref<!tpu.dma_semaphore, #tpu.memory_space<semaphore_mem>>
    %dma_start3A_98 = arith.constant 0 : i32
    %dma_start3A_99 = arith.constant 0 : i32
    %dma_start3A_100 = tpu.memref_slice %arg4[%rem3A_85, %dma_start3A_98, %dma_start3A_99] : memref<4x8x128xi32, #tpu.memory_space<vmem>> -> memref<1x8x128xi32, #tpu.memory_space<vmem>>
    %dma_start3A_101 = tpu.memref_squeeze %dma_start3A_100 : memref<1x8x128xi32, #tpu.memory_space<vmem>> -> memref<8x128xi32, #tpu.memory_space<vmem>>
    %dma_start3A_102 = arith.constant 0 : i32
    %dma_start3A_103 = arith.constant 0 : i32
    %dma_start3A_104 = tpu.memref_slice %arg2[%add3A_87, %dma_start3A_102, %dma_start3A_103] : memref<320x8x128xi32, #tpu.memory_space<hbm>> -> memref<1x8x128xi32, #tpu.memory_space<hbm>>
    %dma_start3A_105 = tpu.memref_squeeze %dma_start3A_104 : memref<1x8x128xi32, #tpu.memory_space<hbm>> -> memref<8x128xi32, #tpu.memory_space<hbm>>
    tpu.enqueue_dma source(%dma_start3A_105 : memref<8x128xi32, #tpu.memory_space<hbm>>) target(%dma_start3A_101 : memref<8x128xi32, #tpu.memory_space<vmem>>) target_semaphore(%dma_start3A_97 : memref<!tpu.dma_semaphore, #tpu.memory_space<semaphore_mem>>)
    %rem3A_106 = arith.constant 2 : i32
    %rem3A_107 = arith.constant 4 : i32
    %rem3A_108 = arith.remsi %rem3A_106, %rem3A_107 : i32
    %add3A_109 = arith.constant 2 : i32
    %add3A_110 = arith.addi %mul3A_2, %add3A_109 : i32
    %dma_start3A_111 = arith.constant 0 : i32
    %dma_start3A_112 = arith.constant 0 : i32
    %dma_start3A_113 = tpu.memref_slice %arg4[%rem3A_108, %dma_start3A_111, %dma_start3A_112] : memref<4x8x128xi32, #tpu.memory_space<vmem>> -> memref<1x8x128xi32, #tpu.memory_space<vmem>>
    %dma_start3A_114 = tpu.memref_squeeze %dma_start3A_113 : memref<1x8x128xi32, #tpu.memory_space<vmem>> -> memref<8x128xi32, #tpu.memory_space<vmem>>
    %dma_start3A_115 = arith.constant 0 : i32
    %dma_start3A_116 = arith.constant 0 : i32
    %dma_start3A_117 = tpu.memref_slice %arg2[%add3A_110, %dma_start3A_115, %dma_start3A_116] : memref<320x8x128xi32, #tpu.memory_space<hbm>> -> memref<1x8x128xi32, #tpu.memory_space<hbm>>
    %dma_start3A_118 = tpu.memref_squeeze %dma_start3A_117 : memref<1x8x128xi32, #tpu.memory_space<hbm>> -> memref<8x128xi32, #tpu.memory_space<hbm>>
    %dma_start3A_119 = tpu.memref_slice %arg8[%rem3A_108] : memref<4x!tpu.dma_semaphore, #tpu.memory_space<semaphore_mem>> -> memref<1x!tpu.dma_semaphore, #tpu.memory_space<semaphore_mem>>
    %dma_start3A_120 = tpu.memref_squeeze %dma_start3A_119 : memref<1x!tpu.dma_semaphore, #tpu.memory_space<semaphore_mem>> -> memref<!tpu.dma_semaphore, #tpu.memory_space<semaphore_mem>>
    %dma_start3A_121 = arith.constant 0 : i32
    %dma_start3A_122 = arith.constant 0 : i32
    %dma_start3A_123 = tpu.memref_slice %arg4[%rem3A_108, %dma_start3A_121, %dma_start3A_122] : memref<4x8x128xi32, #tpu.memory_space<vmem>> -> memref<1x8x128xi32, #tpu.memory_space<vmem>>
    %dma_start3A_124 = tpu.memref_squeeze %dma_start3A_123 : memref<1x8x128xi32, #tpu.memory_space<vmem>> -> memref<8x128xi32, #tpu.memory_space<vmem>>
    %dma_start3A_125 = arith.constant 0 : i32
    %dma_start3A_126 = arith.constant 0 : i32
    %dma_start3A_127 = tpu.memref_slice %arg2[%add3A_110, %dma_start3A_125, %dma_start3A_126] : memref<320x8x128xi32, #tpu.memory_space<hbm>> -> memref<1x8x128xi32, #tpu.memory_space<hbm>>
    %dma_start3A_128 = tpu.memref_squeeze %dma_start3A_127 : memref<1x8x128xi32, #tpu.memory_space<hbm>> -> memref<8x128xi32, #tpu.memory_space<hbm>>
    tpu.enqueue_dma source(%dma_start3A_128 : memref<8x128xi32, #tpu.memory_space<hbm>>) target(%dma_start3A_124 : memref<8x128xi32, #tpu.memory_space<vmem>>) target_semaphore(%dma_start3A_120 : memref<!tpu.dma_semaphore, #tpu.memory_space<semaphore_mem>>)
    %barrier3A = arith.constant 0 : index
    tpu.barrier barrier_id(%barrier3A)
    %rem3A_129 = arith.constant 0 : i32
    %rem3A_130 = arith.constant 4 : i32
    %rem3A_131 = arith.remsi %rem3A_129, %rem3A_130 : i32
    %dma_wait3A = arith.constant 0 : i32
    %dma_wait3A_132 = arith.constant 0 : i32
    %dma_wait3A_133 = tpu.memref_slice %arg4[%rem3A_131, %dma_wait3A, %dma_wait3A_132] : memref<4x8x128xi32, #tpu.memory_space<vmem>> -> memref<1x8x128xi32, #tpu.memory_space<vmem>>
    %dma_wait3A_134 = tpu.memref_squeeze %dma_wait3A_133 : memref<1x8x128xi32, #tpu.memory_space<vmem>> -> memref<8x128xi32, #tpu.memory_space<vmem>>
    %dma_wait3A_135 = arith.constant 0 : i32
    %dma_wait3A_136 = arith.constant 0 : i32
    %dma_wait3A_137 = tpu.memref_slice %arg2[%mul3A_2, %dma_wait3A_135, %dma_wait3A_136] : memref<320x8x128xi32, #tpu.memory_space<hbm>> -> memref<1x8x128xi32, #tpu.memory_space<hbm>>
    %dma_wait3A_138 = tpu.memref_squeeze %dma_wait3A_137 : memref<1x8x128xi32, #tpu.memory_space<hbm>> -> memref<8x128xi32, #tpu.memory_space<hbm>>
    %dma_wait3A_139 = tpu.memref_slice %arg8[%rem3A_131] : memref<4x!tpu.dma_semaphore, #tpu.memory_space<semaphore_mem>> -> memref<1x!tpu.dma_semaphore, #tpu.memory_space<semaphore_mem>>
    %dma_wait3A_140 = tpu.memref_squeeze %dma_wait3A_139 : memref<1x!tpu.dma_semaphore, #tpu.memory_space<semaphore_mem>> -> memref<!tpu.dma_semaphore, #tpu.memory_space<semaphore_mem>>
    %dma_wait3A_141 = arith.constant 0 : i32
    %dma_wait3A_142 = arith.constant 0 : i32
    %dma_wait3A_143 = tpu.memref_slice %arg4[%rem3A_131, %dma_wait3A_141, %dma_wait3A_142] : memref<4x8x128xi32, #tpu.memory_space<vmem>> -> memref<1x8x128xi32, #tpu.memory_space<vmem>>
    %dma_wait3A_144 = tpu.memref_squeeze %dma_wait3A_143 : memref<1x8x128xi32, #tpu.memory_space<vmem>> -> memref<8x128xi32, #tpu.memory_space<vmem>>
    %dma_wait3A_145 = arith.constant 0 : i32
    %dma_wait3A_146 = arith.constant 0 : i32
    %dma_wait3A_147 = tpu.memref_slice %arg2[%mul3A_2, %dma_wait3A_145, %dma_wait3A_146] : memref<320x8x128xi32, #tpu.memory_space<hbm>> -> memref<1x8x128xi32, #tpu.memory_space<hbm>>
    %dma_wait3A_148 = tpu.memref_squeeze %dma_wait3A_147 : memref<1x8x128xi32, #tpu.memory_space<hbm>> -> memref<8x128xi32, #tpu.memory_space<hbm>>
    tpu.wait_dma2 semaphore(%dma_wait3A_140 : memref<!tpu.dma_semaphore, #tpu.memory_space<semaphore_mem>>) src(%dma_wait3A_148 : memref<8x128xi32, #tpu.memory_space<hbm>>) dst(%dma_wait3A_144 : memref<8x128xi32, #tpu.memory_space<vmem>>)
    %scan3A_149 = arith.constant 0 : i32
    %scan3A_150 = arith.constant 0 : i32
    %scan3A_151 = arith.constant 10 : i32
    %scan3A_152 = arith.addi %scan3A_150, %scan3A_151 : i32
    %scan3A_153 = arith.constant 1 : i32
    scf.for %scan3A_183 = %scan3A_150 to %scan3A_152 step %scan3A_153  : i32 {
      %rem3A_184 = arith.constant 4 : i32
      %rem3A_185 = arith.remsi %scan3A_183, %rem3A_184 : i32
      %mul3A_186 = arith.constant 8 : i32
      %mul3A_187 = arith.muli %scan3A_183, %mul3A_186 : i32
      %add3A_188 = arith.constant 0 : i32
      %add3A_189 = arith.addi %mul3A_187, %add3A_188 : i32
      %ge3A = arith.constant 2 : i32
      %ge3A_190 = arith.cmpi sge, %add3A_189, %ge3A : i32
      %convert_element_type3A = arith.extui %ge3A_190 : i1 to i32
      %cond3A = arith.constant 0 : i32
      %cond3A_191 = arith.cmpi ne, %convert_element_type3A, %cond3A : i32
      scf.if %cond3A_191 {
        %dma_wait3A_340 = arith.constant 0 : i32
        %dma_wait3A_341 = arith.constant 0 : i32
        %dma_wait3A_342 = arith.constant 0 : i32
        %dma_wait3A_343 = arith.constant 0 : i32
        %dma_wait3A_344 = tpu.memref_slice %arg4[%dma_wait3A_340, %dma_wait3A_341, %dma_wait3A_343] : memref<4x8x128xi32, #tpu.memory_space<vmem>> -> memref<1x1x128xi32, #tpu.memory_space<vmem>>
        %dma_wait3A_345 = tpu.memref_squeeze %dma_wait3A_344 : memref<1x1x128xi32, #tpu.memory_space<vmem>> -> memref<128xi32, #tpu.memory_space<vmem>>
        %dma_wait3A_346 = arith.constant 0 : i32
        %dma_wait3A_347 = tpu.memref_slice %arg7[%dma_wait3A_346] : memref<10112xf32, #tpu.memory_space<vmem_shared>> -> memref<10112xf32, #tpu.memory_space<vmem_shared>>
        %dma_wait3A_348 = tpu.memref_slice %arg9[%dma_wait3A_342] : memref<2x!tpu.dma_semaphore, #tpu.memory_space<semaphore_mem>> -> memref<1x!tpu.dma_semaphore, #tpu.memory_space<semaphore_mem>>
        %dma_wait3A_349 = tpu.memref_squeeze %dma_wait3A_348 : memref<1x!tpu.dma_semaphore, #tpu.memory_space<semaphore_mem>> -> memref<!tpu.dma_semaphore, #tpu.memory_space<semaphore_mem>>
        tpu.wait_indirect_dma semaphore(%dma_wait3A_349 : memref<!tpu.dma_semaphore, #tpu.memory_space<semaphore_mem>>) src(%arg5 : memref<128xf32, #tpu.memory_space<vmem>>) dst(%dma_wait3A_347 : memref<10112xf32, #tpu.memory_space<vmem_shared>>)
      } else {
      }
      %dma_start3A_192 = arith.constant 0 : i32
      %dma_start3A_193 = arith.constant 0 : i32
      %dma_start3A_194 = arith.constant 0 : i32
      %dma_start3A_195 = tpu.memref_slice %arg4[%rem3A_185, %dma_start3A_192, %dma_start3A_194] : memref<4x8x128xi32, #tpu.memory_space<vmem>> -> memref<1x1x128xi32, #tpu.memory_space<vmem>>
      %dma_start3A_196 = tpu.memref_squeeze %dma_start3A_195 : memref<1x1x128xi32, #tpu.memory_space<vmem>> -> memref<128xi32, #tpu.memory_space<vmem>>
      %dma_start3A_197 = arith.constant 0 : i32
      %dma_start3A_198 = tpu.memref_slice %arg7[%dma_start3A_197] : memref<10112xf32, #tpu.memory_space<vmem_shared>> -> memref<10112xf32, #tpu.memory_space<vmem_shared>>
      %dma_start3A_199 = tpu.memref_slice %arg9[%dma_start3A_193] : memref<2x!tpu.dma_semaphore, #tpu.memory_space<semaphore_mem>> -> memref<1x!tpu.dma_semaphore, #tpu.memory_space<semaphore_mem>>
      %dma_start3A_200 = tpu.memref_squeeze %dma_start3A_199 : memref<1x!tpu.dma_semaphore, #tpu.memory_space<semaphore_mem>> -> memref<!tpu.dma_semaphore, #tpu.memory_space<semaphore_mem>>
      tpu.enqueue_indirect_dma source(%arg5 : memref<128xf32, #tpu.memory_space<vmem>>) target(%dma_start3A_198 : memref<10112xf32, #tpu.memory_space<vmem_shared>>) offsets(%dma_start3A_196 : memref<128xi32, #tpu.memory_space<vmem>>) semaphore(%dma_start3A_200 : memref<!tpu.dma_semaphore, #tpu.memory_space<semaphore_mem>>) {add = true}
      %mul3A_201 = arith.constant 8 : i32
      %mul3A_202 = arith.muli %scan3A_183, %mul3A_201 : i32
      %add3A_203 = arith.constant 1 : i32
      %add3A_204 = arith.addi %mul3A_202, %add3A_203 : i32
      %ge3A_205 = arith.constant 2 : i32
      %ge3A_206 = arith.cmpi sge, %add3A_204, %ge3A_205 : i32
      %convert_element_type3A_207 = arith.extui %ge3A_206 : i1 to i32
      %cond3A_208 = arith.constant 0 : i32
      %cond3A_209 = arith.cmpi ne, %convert_element_type3A_207, %cond3A_208 : i32
      scf.if %cond3A_209 {
        %dma_wait3A_340 = arith.constant 0 : i32
        %dma_wait3A_341 = arith.constant 0 : i32
        %dma_wait3A_342 = arith.constant 1 : i32
        %dma_wait3A_343 = arith.constant 0 : i32
        %dma_wait3A_344 = tpu.memref_slice %arg4[%dma_wait3A_340, %dma_wait3A_341, %dma_wait3A_343] : memref<4x8x128xi32, #tpu.memory_space<vmem>> -> memref<1x1x128xi32, #tpu.memory_space<vmem>>
        %dma_wait3A_345 = tpu.memref_squeeze %dma_wait3A_344 : memref<1x1x128xi32, #tpu.memory_space<vmem>> -> memref<128xi32, #tpu.memory_space<vmem>>
        %dma_wait3A_346 = arith.constant 0 : i32
        %dma_wait3A_347 = tpu.memref_slice %arg7[%dma_wait3A_346] : memref<10112xf32, #tpu.memory_space<vmem_shared>> -> memref<10112xf32, #tpu.memory_space<vmem_shared>>
        %dma_wait3A_348 = tpu.memref_slice %arg9[%dma_wait3A_342] : memref<2x!tpu.dma_semaphore, #tpu.memory_space<semaphore_mem>> -> memref<1x!tpu.dma_semaphore, #tpu.memory_space<semaphore_mem>>
        %dma_wait3A_349 = tpu.memref_squeeze %dma_wait3A_348 : memref<1x!tpu.dma_semaphore, #tpu.memory_space<semaphore_mem>> -> memref<!tpu.dma_semaphore, #tpu.memory_space<semaphore_mem>>
        tpu.wait_indirect_dma semaphore(%dma_wait3A_349 : memref<!tpu.dma_semaphore, #tpu.memory_space<semaphore_mem>>) src(%arg5 : memref<128xf32, #tpu.memory_space<vmem>>) dst(%dma_wait3A_347 : memref<10112xf32, #tpu.memory_space<vmem_shared>>)
      } else {
      }
      %dma_start3A_210 = arith.constant 1 : i32
      %dma_start3A_211 = arith.constant 1 : i32
      %dma_start3A_212 = arith.constant 0 : i32
      %dma_start3A_213 = tpu.memref_slice %arg4[%rem3A_185, %dma_start3A_210, %dma_start3A_212] : memref<4x8x128xi32, #tpu.memory_space<vmem>> -> memref<1x1x128xi32, #tpu.memory_space<vmem>>
      %dma_start3A_214 = tpu.memref_squeeze %dma_start3A_213 : memref<1x1x128xi32, #tpu.memory_space<vmem>> -> memref<128xi32, #tpu.memory_space<vmem>>
      %dma_start3A_215 = arith.constant 0 : i32
      %dma_start3A_216 = tpu.memref_slice %arg7[%dma_start3A_215] : memref<10112xf32, #tpu.memory_space<vmem_shared>> -> memref<10112xf32, #tpu.memory_space<vmem_shared>>
      %dma_start3A_217 = tpu.memref_slice %arg9[%dma_start3A_211] : memref<2x!tpu.dma_semaphore, #tpu.memory_space<semaphore_mem>> -> memref<1x!tpu.dma_semaphore, #tpu.memory_space<semaphore_mem>>
      %dma_start3A_218 = tpu.memref_squeeze %dma_start3A_217 : memref<1x!tpu.dma_semaphore, #tpu.memory_space<semaphore_mem>> -> memref<!tpu.dma_semaphore, #tpu.memory_space<semaphore_mem>>
      tpu.enqueue_indirect_dma source(%arg5 : memref<128xf32, #tpu.memory_space<vmem>>) target(%dma_start3A_216 : memref<10112xf32, #tpu.memory_space<vmem_shared>>) offsets(%dma_start3A_214 : memref<128xi32, #tpu.memory_space<vmem>>) semaphore(%dma_start3A_218 : memref<!tpu.dma_semaphore, #tpu.memory_space<semaphore_mem>>) {add = true}
      %mul3A_219 = arith.constant 8 : i32
      %mul3A_220 = arith.muli %scan3A_183, %mul3A_219 : i32
      %add3A_221 = arith.constant 2 : i32
      %add3A_222 = arith.addi %mul3A_220, %add3A_221 : i32
      %add3A_223 = arith.constant 3 : i32
      %add3A_224 = arith.addi %scan3A_183, %add3A_223 : i32
      %lt3A = arith.constant 10 : i32
      %lt3A_225 = arith.cmpi slt, %add3A_224, %lt3A : i32
      %convert_element_type3A_226 = arith.extui %lt3A_225 : i1 to i32
      %cond3A_227 = arith.constant 0 : i32
      %cond3A_228 = arith.cmpi ne, %convert_element_type3A_226, %cond3A_227 : i32
      scf.if %cond3A_228 {
        %add3A_340 = arith.constant 3 : i32
        %add3A_341 = arith.addi %scan3A_183, %add3A_340 : i32
        %rem3A_342 = arith.constant 4 : i32
        %rem3A_343 = arith.remsi %add3A_341, %rem3A_342 : i32
        %add3A_344 = arith.addi %mul3A_2, %add3A_341 : i32
        %dma_start3A_345 = arith.constant 0 : i32
        %dma_start3A_346 = arith.constant 0 : i32
        %dma_start3A_347 = tpu.memref_slice %arg4[%rem3A_343, %dma_start3A_345, %dma_start3A_346] : memref<4x8x128xi32, #tpu.memory_space<vmem>> -> memref<1x8x128xi32, #tpu.memory_space<vmem>>
        %dma_start3A_348 = tpu.memref_squeeze %dma_start3A_347 : memref<1x8x128xi32, #tpu.memory_space<vmem>> -> memref<8x128xi32, #tpu.memory_space<vmem>>
        %dma_start3A_349 = arith.constant 0 : i32
        %dma_start3A_350 = arith.constant 0 : i32
        %dma_start3A_351 = tpu.memref_slice %arg2[%add3A_344, %dma_start3A_349, %dma_start3A_350] : memref<320x8x128xi32, #tpu.memory_space<hbm>> -> memref<1x8x128xi32, #tpu.memory_space<hbm>>
        %dma_start3A_352 = tpu.memref_squeeze %dma_start3A_351 : memref<1x8x128xi32, #tpu.memory_space<hbm>> -> memref<8x128xi32, #tpu.memory_space<hbm>>
        %dma_start3A_353 = tpu.memref_slice %arg8[%rem3A_343] : memref<4x!tpu.dma_semaphore, #tpu.memory_space<semaphore_mem>> -> memref<1x!tpu.dma_semaphore, #tpu.memory_space<semaphore_mem>>
        %dma_start3A_354 = tpu.memref_squeeze %dma_start3A_353 : memref<1x!tpu.dma_semaphore, #tpu.memory_space<semaphore_mem>> -> memref<!tpu.dma_semaphore, #tpu.memory_space<semaphore_mem>>
        %dma_start3A_355 = arith.constant 0 : i32
        %dma_start3A_356 = arith.constant 0 : i32
        %dma_start3A_357 = tpu.memref_slice %arg4[%rem3A_343, %dma_start3A_355, %dma_start3A_356] : memref<4x8x128xi32, #tpu.memory_space<vmem>> -> memref<1x8x128xi32, #tpu.memory_space<vmem>>
        %dma_start3A_358 = tpu.memref_squeeze %dma_start3A_357 : memref<1x8x128xi32, #tpu.memory_space<vmem>> -> memref<8x128xi32, #tpu.memory_space<vmem>>
        %dma_start3A_359 = arith.constant 0 : i32
        %dma_start3A_360 = arith.constant 0 : i32
        %dma_start3A_361 = tpu.memref_slice %arg2[%add3A_344, %dma_start3A_359, %dma_start3A_360] : memref<320x8x128xi32, #tpu.memory_space<hbm>> -> memref<1x8x128xi32, #tpu.memory_space<hbm>>
        %dma_start3A_362 = tpu.memref_squeeze %dma_start3A_361 : memref<1x8x128xi32, #tpu.memory_space<hbm>> -> memref<8x128xi32, #tpu.memory_space<hbm>>
        tpu.enqueue_dma source(%dma_start3A_362 : memref<8x128xi32, #tpu.memory_space<hbm>>) target(%dma_start3A_358 : memref<8x128xi32, #tpu.memory_space<vmem>>) target_semaphore(%dma_start3A_354 : memref<!tpu.dma_semaphore, #tpu.memory_space<semaphore_mem>>)
      } else {
      }
      %ge3A_229 = arith.constant 2 : i32
      %ge3A_230 = arith.cmpi sge, %add3A_222, %ge3A_229 : i32
      %convert_element_type3A_231 = arith.extui %ge3A_230 : i1 to i32
      %cond3A_232 = arith.constant 0 : i32
      %cond3A_233 = arith.cmpi ne, %convert_element_type3A_231, %cond3A_232 : i32
      scf.if %cond3A_233 {
        %dma_wait3A_340 = arith.constant 0 : i32
        %dma_wait3A_341 = arith.constant 0 : i32
        %dma_wait3A_342 = arith.constant 0 : i32
        %dma_wait3A_343 = arith.constant 0 : i32
        %dma_wait3A_344 = tpu.memref_slice %arg4[%dma_wait3A_340, %dma_wait3A_341, %dma_wait3A_343] : memref<4x8x128xi32, #tpu.memory_space<vmem>> -> memref<1x1x128xi32, #tpu.memory_space<vmem>>
        %dma_wait3A_345 = tpu.memref_squeeze %dma_wait3A_344 : memref<1x1x128xi32, #tpu.memory_space<vmem>> -> memref<128xi32, #tpu.memory_space<vmem>>
        %dma_wait3A_346 = arith.constant 0 : i32
        %dma_wait3A_347 = tpu.memref_slice %arg7[%dma_wait3A_346] : memref<10112xf32, #tpu.memory_space<vmem_shared>> -> memref<10112xf32, #tpu.memory_space<vmem_shared>>
        %dma_wait3A_348 = tpu.memref_slice %arg9[%dma_wait3A_342] : memref<2x!tpu.dma_semaphore, #tpu.memory_space<semaphore_mem>> -> memref<1x!tpu.dma_semaphore, #tpu.memory_space<semaphore_mem>>
        %dma_wait3A_349 = tpu.memref_squeeze %dma_wait3A_348 : memref<1x!tpu.dma_semaphore, #tpu.memory_space<semaphore_mem>> -> memref<!tpu.dma_semaphore, #tpu.memory_space<semaphore_mem>>
        tpu.wait_indirect_dma semaphore(%dma_wait3A_349 : memref<!tpu.dma_semaphore, #tpu.memory_space<semaphore_mem>>) src(%arg5 : memref<128xf32, #tpu.memory_space<vmem>>) dst(%dma_wait3A_347 : memref<10112xf32, #tpu.memory_space<vmem_shared>>)
      } else {
      }
      %dma_start3A_234 = arith.constant 2 : i32
      %dma_start3A_235 = arith.constant 0 : i32
      %dma_start3A_236 = arith.constant 0 : i32
      %dma_start3A_237 = tpu.memref_slice %arg4[%rem3A_185, %dma_start3A_234, %dma_start3A_236] : memref<4x8x128xi32, #tpu.memory_space<vmem>> -> memref<1x1x128xi32, #tpu.memory_space<vmem>>
      %dma_start3A_238 = tpu.memref_squeeze %dma_start3A_237 : memref<1x1x128xi32, #tpu.memory_space<vmem>> -> memref<128xi32, #tpu.memory_space<vmem>>
      %dma_start3A_239 = arith.constant 0 : i32
      %dma_start3A_240 = tpu.memref_slice %arg7[%dma_start3A_239] : memref<10112xf32, #tpu.memory_space<vmem_shared>> -> memref<10112xf32, #tpu.memory_space<vmem_shared>>
      %dma_start3A_241 = tpu.memref_slice %arg9[%dma_start3A_235] : memref<2x!tpu.dma_semaphore, #tpu.memory_space<semaphore_mem>> -> memref<1x!tpu.dma_semaphore, #tpu.memory_space<semaphore_mem>>
      %dma_start3A_242 = tpu.memref_squeeze %dma_start3A_241 : memref<1x!tpu.dma_semaphore, #tpu.memory_space<semaphore_mem>> -> memref<!tpu.dma_semaphore, #tpu.memory_space<semaphore_mem>>
      tpu.enqueue_indirect_dma source(%arg5 : memref<128xf32, #tpu.memory_space<vmem>>) target(%dma_start3A_240 : memref<10112xf32, #tpu.memory_space<vmem_shared>>) offsets(%dma_start3A_238 : memref<128xi32, #tpu.memory_space<vmem>>) semaphore(%dma_start3A_242 : memref<!tpu.dma_semaphore, #tpu.memory_space<semaphore_mem>>) {add = true}
      %mul3A_243 = arith.constant 8 : i32
      %mul3A_244 = arith.muli %scan3A_183, %mul3A_243 : i32
      %add3A_245 = arith.constant 3 : i32
      %add3A_246 = arith.addi %mul3A_244, %add3A_245 : i32
      %ge3A_247 = arith.constant 2 : i32
      %ge3A_248 = arith.cmpi sge, %add3A_246, %ge3A_247 : i32
      %convert_element_type3A_249 = arith.extui %ge3A_248 : i1 to i32
      %cond3A_250 = arith.constant 0 : i32
      %cond3A_251 = arith.cmpi ne, %convert_element_type3A_249, %cond3A_250 : i32
      scf.if %cond3A_251 {
        %dma_wait3A_340 = arith.constant 0 : i32
        %dma_wait3A_341 = arith.constant 0 : i32
        %dma_wait3A_342 = arith.constant 1 : i32
        %dma_wait3A_343 = arith.constant 0 : i32
        %dma_wait3A_344 = tpu.memref_slice %arg4[%dma_wait3A_340, %dma_wait3A_341, %dma_wait3A_343] : memref<4x8x128xi32, #tpu.memory_space<vmem>> -> memref<1x1x128xi32, #tpu.memory_space<vmem>>
        %dma_wait3A_345 = tpu.memref_squeeze %dma_wait3A_344 : memref<1x1x128xi32, #tpu.memory_space<vmem>> -> memref<128xi32, #tpu.memory_space<vmem>>
        %dma_wait3A_346 = arith.constant 0 : i32
        %dma_wait3A_347 = tpu.memref_slice %arg7[%dma_wait3A_346] : memref<10112xf32, #tpu.memory_space<vmem_shared>> -> memref<10112xf32, #tpu.memory_space<vmem_shared>>
        %dma_wait3A_348 = tpu.memref_slice %arg9[%dma_wait3A_342] : memref<2x!tpu.dma_semaphore, #tpu.memory_space<semaphore_mem>> -> memref<1x!tpu.dma_semaphore, #tpu.memory_space<semaphore_mem>>
        %dma_wait3A_349 = tpu.memref_squeeze %dma_wait3A_348 : memref<1x!tpu.dma_semaphore, #tpu.memory_space<semaphore_mem>> -> memref<!tpu.dma_semaphore, #tpu.memory_space<semaphore_mem>>
        tpu.wait_indirect_dma semaphore(%dma_wait3A_349 : memref<!tpu.dma_semaphore, #tpu.memory_space<semaphore_mem>>) src(%arg5 : memref<128xf32, #tpu.memory_space<vmem>>) dst(%dma_wait3A_347 : memref<10112xf32, #tpu.memory_space<vmem_shared>>)
      } else {
      }
      %dma_start3A_252 = arith.constant 3 : i32
      %dma_start3A_253 = arith.constant 1 : i32
      %dma_start3A_254 = arith.constant 0 : i32
      %dma_start3A_255 = tpu.memref_slice %arg4[%rem3A_185, %dma_start3A_252, %dma_start3A_254] : memref<4x8x128xi32, #tpu.memory_space<vmem>> -> memref<1x1x128xi32, #tpu.memory_space<vmem>>
      %dma_start3A_256 = tpu.memref_squeeze %dma_start3A_255 : memref<1x1x128xi32, #tpu.memory_space<vmem>> -> memref<128xi32, #tpu.memory_space<vmem>>
      %dma_start3A_257 = arith.constant 0 : i32
      %dma_start3A_258 = tpu.memref_slice %arg7[%dma_start3A_257] : memref<10112xf32, #tpu.memory_space<vmem_shared>> -> memref<10112xf32, #tpu.memory_space<vmem_shared>>
      %dma_start3A_259 = tpu.memref_slice %arg9[%dma_start3A_253] : memref<2x!tpu.dma_semaphore, #tpu.memory_space<semaphore_mem>> -> memref<1x!tpu.dma_semaphore, #tpu.memory_space<semaphore_mem>>
      %dma_start3A_260 = tpu.memref_squeeze %dma_start3A_259 : memref<1x!tpu.dma_semaphore, #tpu.memory_space<semaphore_mem>> -> memref<!tpu.dma_semaphore, #tpu.memory_space<semaphore_mem>>
      tpu.enqueue_indirect_dma source(%arg5 : memref<128xf32, #tpu.memory_space<vmem>>) target(%dma_start3A_258 : memref<10112xf32, #tpu.memory_space<vmem_shared>>) offsets(%dma_start3A_256 : memref<128xi32, #tpu.memory_space<vmem>>) semaphore(%dma_start3A_260 : memref<!tpu.dma_semaphore, #tpu.memory_space<semaphore_mem>>) {add = true}
      %mul3A_261 = arith.constant 8 : i32
      %mul3A_262 = arith.muli %scan3A_183, %mul3A_261 : i32
      %add3A_263 = arith.constant 4 : i32
      %add3A_264 = arith.addi %mul3A_262, %add3A_263 : i32
      %ge3A_265 = arith.constant 2 : i32
      %ge3A_266 = arith.cmpi sge, %add3A_264, %ge3A_265 : i32
      %convert_element_type3A_267 = arith.extui %ge3A_266 : i1 to i32
      %cond3A_268 = arith.constant 0 : i32
      %cond3A_269 = arith.cmpi ne, %convert_element_type3A_267, %cond3A_268 : i32
      scf.if %cond3A_269 {
        %dma_wait3A_340 = arith.constant 0 : i32
        %dma_wait3A_341 = arith.constant 0 : i32
        %dma_wait3A_342 = arith.constant 0 : i32
        %dma_wait3A_343 = arith.constant 0 : i32
        %dma_wait3A_344 = tpu.memref_slice %arg4[%dma_wait3A_340, %dma_wait3A_341, %dma_wait3A_343] : memref<4x8x128xi32, #tpu.memory_space<vmem>> -> memref<1x1x128xi32, #tpu.memory_space<vmem>>
        %dma_wait3A_345 = tpu.memref_squeeze %dma_wait3A_344 : memref<1x1x128xi32, #tpu.memory_space<vmem>> -> memref<128xi32, #tpu.memory_space<vmem>>
        %dma_wait3A_346 = arith.constant 0 : i32
        %dma_wait3A_347 = tpu.memref_slice %arg7[%dma_wait3A_346] : memref<10112xf32, #tpu.memory_space<vmem_shared>> -> memref<10112xf32, #tpu.memory_space<vmem_shared>>
        %dma_wait3A_348 = tpu.memref_slice %arg9[%dma_wait3A_342] : memref<2x!tpu.dma_semaphore, #tpu.memory_space<semaphore_mem>> -> memref<1x!tpu.dma_semaphore, #tpu.memory_space<semaphore_mem>>
        %dma_wait3A_349 = tpu.memref_squeeze %dma_wait3A_348 : memref<1x!tpu.dma_semaphore, #tpu.memory_space<semaphore_mem>> -> memref<!tpu.dma_semaphore, #tpu.memory_space<semaphore_mem>>
        tpu.wait_indirect_dma semaphore(%dma_wait3A_349 : memref<!tpu.dma_semaphore, #tpu.memory_space<semaphore_mem>>) src(%arg5 : memref<128xf32, #tpu.memory_space<vmem>>) dst(%dma_wait3A_347 : memref<10112xf32, #tpu.memory_space<vmem_shared>>)
      } else {
      }
      %dma_start3A_270 = arith.constant 4 : i32
      %dma_start3A_271 = arith.constant 0 : i32
      %dma_start3A_272 = arith.constant 0 : i32
      %dma_start3A_273 = tpu.memref_slice %arg4[%rem3A_185, %dma_start3A_270, %dma_start3A_272] : memref<4x8x128xi32, #tpu.memory_space<vmem>> -> memref<1x1x128xi32, #tpu.memory_space<vmem>>
      %dma_start3A_274 = tpu.memref_squeeze %dma_start3A_273 : memref<1x1x128xi32, #tpu.memory_space<vmem>> -> memref<128xi32, #tpu.memory_space<vmem>>
      %dma_start3A_275 = arith.constant 0 : i32
      %dma_start3A_276 = tpu.memref_slice %arg7[%dma_start3A_275] : memref<10112xf32, #tpu.memory_space<vmem_shared>> -> memref<10112xf32, #tpu.memory_space<vmem_shared>>
      %dma_start3A_277 = tpu.memref_slice %arg9[%dma_start3A_271] : memref<2x!tpu.dma_semaphore, #tpu.memory_space<semaphore_mem>> -> memref<1x!tpu.dma_semaphore, #tpu.memory_space<semaphore_mem>>
      %dma_start3A_278 = tpu.memref_squeeze %dma_start3A_277 : memref<1x!tpu.dma_semaphore, #tpu.memory_space<semaphore_mem>> -> memref<!tpu.dma_semaphore, #tpu.memory_space<semaphore_mem>>
      tpu.enqueue_indirect_dma source(%arg5 : memref<128xf32, #tpu.memory_space<vmem>>) target(%dma_start3A_276 : memref<10112xf32, #tpu.memory_space<vmem_shared>>) offsets(%dma_start3A_274 : memref<128xi32, #tpu.memory_space<vmem>>) semaphore(%dma_start3A_278 : memref<!tpu.dma_semaphore, #tpu.memory_space<semaphore_mem>>) {add = true}
      %mul3A_279 = arith.constant 8 : i32
      %mul3A_280 = arith.muli %scan3A_183, %mul3A_279 : i32
      %add3A_281 = arith.constant 5 : i32
      %add3A_282 = arith.addi %mul3A_280, %add3A_281 : i32
      %add3A_283 = arith.constant 1 : i32
      %add3A_284 = arith.addi %scan3A_183, %add3A_283 : i32
      %lt3A_285 = arith.constant 10 : i32
      %lt3A_286 = arith.cmpi slt, %add3A_284, %lt3A_285 : i32
      %convert_element_type3A_287 = arith.extui %lt3A_286 : i1 to i32
      %cond3A_288 = arith.constant 0 : i32
      %cond3A_289 = arith.cmpi ne, %convert_element_type3A_287, %cond3A_288 : i32
      scf.if %cond3A_289 {
        %add3A_340 = arith.constant 1 : i32
        %add3A_341 = arith.addi %scan3A_183, %add3A_340 : i32
        %rem3A_342 = arith.constant 4 : i32
        %rem3A_343 = arith.remsi %add3A_341, %rem3A_342 : i32
        %dma_wait3A_344 = arith.constant 0 : i32
        %dma_wait3A_345 = arith.constant 0 : i32
        %dma_wait3A_346 = tpu.memref_slice %arg4[%rem3A_343, %dma_wait3A_344, %dma_wait3A_345] : memref<4x8x128xi32, #tpu.memory_space<vmem>> -> memref<1x8x128xi32, #tpu.memory_space<vmem>>
        %dma_wait3A_347 = tpu.memref_squeeze %dma_wait3A_346 : memref<1x8x128xi32, #tpu.memory_space<vmem>> -> memref<8x128xi32, #tpu.memory_space<vmem>>
        %dma_wait3A_348 = arith.constant 0 : i32
        %dma_wait3A_349 = arith.constant 0 : i32
        %dma_wait3A_350 = tpu.memref_slice %arg2[%mul3A_2, %dma_wait3A_348, %dma_wait3A_349] : memref<320x8x128xi32, #tpu.memory_space<hbm>> -> memref<1x8x128xi32, #tpu.memory_space<hbm>>
        %dma_wait3A_351 = tpu.memref_squeeze %dma_wait3A_350 : memref<1x8x128xi32, #tpu.memory_space<hbm>> -> memref<8x128xi32, #tpu.memory_space<hbm>>
        %dma_wait3A_352 = tpu.memref_slice %arg8[%rem3A_343] : memref<4x!tpu.dma_semaphore, #tpu.memory_space<semaphore_mem>> -> memref<1x!tpu.dma_semaphore, #tpu.memory_space<semaphore_mem>>
        %dma_wait3A_353 = tpu.memref_squeeze %dma_wait3A_352 : memref<1x!tpu.dma_semaphore, #tpu.memory_space<semaphore_mem>> -> memref<!tpu.dma_semaphore, #tpu.memory_space<semaphore_mem>>
        %dma_wait3A_354 = arith.constant 0 : i32
        %dma_wait3A_355 = arith.constant 0 : i32
        %dma_wait3A_356 = tpu.memref_slice %arg4[%rem3A_343, %dma_wait3A_354, %dma_wait3A_355] : memref<4x8x128xi32, #tpu.memory_space<vmem>> -> memref<1x8x128xi32, #tpu.memory_space<vmem>>
        %dma_wait3A_357 = tpu.memref_squeeze %dma_wait3A_356 : memref<1x8x128xi32, #tpu.memory_space<vmem>> -> memref<8x128xi32, #tpu.memory_space<vmem>>
        %dma_wait3A_358 = arith.constant 0 : i32
        %dma_wait3A_359 = arith.constant 0 : i32
        %dma_wait3A_360 = tpu.memref_slice %arg2[%mul3A_2, %dma_wait3A_358, %dma_wait3A_359] : memref<320x8x128xi32, #tpu.memory_space<hbm>> -> memref<1x8x128xi32, #tpu.memory_space<hbm>>
        %dma_wait3A_361 = tpu.memref_squeeze %dma_wait3A_360 : memref<1x8x128xi32, #tpu.memory_space<hbm>> -> memref<8x128xi32, #tpu.memory_space<hbm>>
        tpu.wait_dma2 semaphore(%dma_wait3A_353 : memref<!tpu.dma_semaphore, #tpu.memory_space<semaphore_mem>>) src(%dma_wait3A_361 : memref<8x128xi32, #tpu.memory_space<hbm>>) dst(%dma_wait3A_357 : memref<8x128xi32, #tpu.memory_space<vmem>>)
      } else {
      }
      %ge3A_290 = arith.constant 2 : i32
      %ge3A_291 = arith.cmpi sge, %add3A_282, %ge3A_290 : i32
      %convert_element_type3A_292 = arith.extui %ge3A_291 : i1 to i32
      %cond3A_293 = arith.constant 0 : i32
      %cond3A_294 = arith.cmpi ne, %convert_element_type3A_292, %cond3A_293 : i32
      scf.if %cond3A_294 {
        %dma_wait3A_340 = arith.constant 0 : i32
        %dma_wait3A_341 = arith.constant 0 : i32
        %dma_wait3A_342 = arith.constant 1 : i32
        %dma_wait3A_343 = arith.constant 0 : i32
        %dma_wait3A_344 = tpu.memref_slice %arg4[%dma_wait3A_340, %dma_wait3A_341, %dma_wait3A_343] : memref<4x8x128xi32, #tpu.memory_space<vmem>> -> memref<1x1x128xi32, #tpu.memory_space<vmem>>
        %dma_wait3A_345 = tpu.memref_squeeze %dma_wait3A_344 : memref<1x1x128xi32, #tpu.memory_space<vmem>> -> memref<128xi32, #tpu.memory_space<vmem>>
        %dma_wait3A_346 = arith.constant 0 : i32
        %dma_wait3A_347 = tpu.memref_slice %arg7[%dma_wait3A_346] : memref<10112xf32, #tpu.memory_space<vmem_shared>> -> memref<10112xf32, #tpu.memory_space<vmem_shared>>
        %dma_wait3A_348 = tpu.memref_slice %arg9[%dma_wait3A_342] : memref<2x!tpu.dma_semaphore, #tpu.memory_space<semaphore_mem>> -> memref<1x!tpu.dma_semaphore, #tpu.memory_space<semaphore_mem>>
        %dma_wait3A_349 = tpu.memref_squeeze %dma_wait3A_348 : memref<1x!tpu.dma_semaphore, #tpu.memory_space<semaphore_mem>> -> memref<!tpu.dma_semaphore, #tpu.memory_space<semaphore_mem>>
        tpu.wait_indirect_dma semaphore(%dma_wait3A_349 : memref<!tpu.dma_semaphore, #tpu.memory_space<semaphore_mem>>) src(%arg5 : memref<128xf32, #tpu.memory_space<vmem>>) dst(%dma_wait3A_347 : memref<10112xf32, #tpu.memory_space<vmem_shared>>)
      } else {
      }
      %dma_start3A_295 = arith.constant 5 : i32
      %dma_start3A_296 = arith.constant 1 : i32
      %dma_start3A_297 = arith.constant 0 : i32
      %dma_start3A_298 = tpu.memref_slice %arg4[%rem3A_185, %dma_start3A_295, %dma_start3A_297] : memref<4x8x128xi32, #tpu.memory_space<vmem>> -> memref<1x1x128xi32, #tpu.memory_space<vmem>>
      %dma_start3A_299 = tpu.memref_squeeze %dma_start3A_298 : memref<1x1x128xi32, #tpu.memory_space<vmem>> -> memref<128xi32, #tpu.memory_space<vmem>>
      %dma_start3A_300 = arith.constant 0 : i32
      %dma_start3A_301 = tpu.memref_slice %arg7[%dma_start3A_300] : memref<10112xf32, #tpu.memory_space<vmem_shared>> -> memref<10112xf32, #tpu.memory_space<vmem_shared>>
      %dma_start3A_302 = tpu.memref_slice %arg9[%dma_start3A_296] : memref<2x!tpu.dma_semaphore, #tpu.memory_space<semaphore_mem>> -> memref<1x!tpu.dma_semaphore, #tpu.memory_space<semaphore_mem>>
      %dma_start3A_303 = tpu.memref_squeeze %dma_start3A_302 : memref<1x!tpu.dma_semaphore, #tpu.memory_space<semaphore_mem>> -> memref<!tpu.dma_semaphore, #tpu.memory_space<semaphore_mem>>
      tpu.enqueue_indirect_dma source(%arg5 : memref<128xf32, #tpu.memory_space<vmem>>) target(%dma_start3A_301 : memref<10112xf32, #tpu.memory_space<vmem_shared>>) offsets(%dma_start3A_299 : memref<128xi32, #tpu.memory_space<vmem>>) semaphore(%dma_start3A_303 : memref<!tpu.dma_semaphore, #tpu.memory_space<semaphore_mem>>) {add = true}
      %mul3A_304 = arith.constant 8 : i32
      %mul3A_305 = arith.muli %scan3A_183, %mul3A_304 : i32
      %add3A_306 = arith.constant 6 : i32
      %add3A_307 = arith.addi %mul3A_305, %add3A_306 : i32
      %ge3A_308 = arith.constant 2 : i32
      %ge3A_309 = arith.cmpi sge, %add3A_307, %ge3A_308 : i32
      %convert_element_type3A_310 = arith.extui %ge3A_309 : i1 to i32
      %cond3A_311 = arith.constant 0 : i32
      %cond3A_312 = arith.cmpi ne, %convert_element_type3A_310, %cond3A_311 : i32
      scf.if %cond3A_312 {
        %dma_wait3A_340 = arith.constant 0 : i32
        %dma_wait3A_341 = arith.constant 0 : i32
        %dma_wait3A_342 = arith.constant 0 : i32
        %dma_wait3A_343 = arith.constant 0 : i32
        %dma_wait3A_344 = tpu.memref_slice %arg4[%dma_wait3A_340, %dma_wait3A_341, %dma_wait3A_343] : memref<4x8x128xi32, #tpu.memory_space<vmem>> -> memref<1x1x128xi32, #tpu.memory_space<vmem>>
        %dma_wait3A_345 = tpu.memref_squeeze %dma_wait3A_344 : memref<1x1x128xi32, #tpu.memory_space<vmem>> -> memref<128xi32, #tpu.memory_space<vmem>>
        %dma_wait3A_346 = arith.constant 0 : i32
        %dma_wait3A_347 = tpu.memref_slice %arg7[%dma_wait3A_346] : memref<10112xf32, #tpu.memory_space<vmem_shared>> -> memref<10112xf32, #tpu.memory_space<vmem_shared>>
        %dma_wait3A_348 = tpu.memref_slice %arg9[%dma_wait3A_342] : memref<2x!tpu.dma_semaphore, #tpu.memory_space<semaphore_mem>> -> memref<1x!tpu.dma_semaphore, #tpu.memory_space<semaphore_mem>>
        %dma_wait3A_349 = tpu.memref_squeeze %dma_wait3A_348 : memref<1x!tpu.dma_semaphore, #tpu.memory_space<semaphore_mem>> -> memref<!tpu.dma_semaphore, #tpu.memory_space<semaphore_mem>>
        tpu.wait_indirect_dma semaphore(%dma_wait3A_349 : memref<!tpu.dma_semaphore, #tpu.memory_space<semaphore_mem>>) src(%arg5 : memref<128xf32, #tpu.memory_space<vmem>>) dst(%dma_wait3A_347 : memref<10112xf32, #tpu.memory_space<vmem_shared>>)
      } else {
      }
      %dma_start3A_313 = arith.constant 6 : i32
      %dma_start3A_314 = arith.constant 0 : i32
      %dma_start3A_315 = arith.constant 0 : i32
      %dma_start3A_316 = tpu.memref_slice %arg4[%rem3A_185, %dma_start3A_313, %dma_start3A_315] : memref<4x8x128xi32, #tpu.memory_space<vmem>> -> memref<1x1x128xi32, #tpu.memory_space<vmem>>
      %dma_start3A_317 = tpu.memref_squeeze %dma_start3A_316 : memref<1x1x128xi32, #tpu.memory_space<vmem>> -> memref<128xi32, #tpu.memory_space<vmem>>
      %dma_start3A_318 = arith.constant 0 : i32
      %dma_start3A_319 = tpu.memref_slice %arg7[%dma_start3A_318] : memref<10112xf32, #tpu.memory_space<vmem_shared>> -> memref<10112xf32, #tpu.memory_space<vmem_shared>>
      %dma_start3A_320 = tpu.memref_slice %arg9[%dma_start3A_314] : memref<2x!tpu.dma_semaphore, #tpu.memory_space<semaphore_mem>> -> memref<1x!tpu.dma_semaphore, #tpu.memory_space<semaphore_mem>>
      %dma_start3A_321 = tpu.memref_squeeze %dma_start3A_320 : memref<1x!tpu.dma_semaphore, #tpu.memory_space<semaphore_mem>> -> memref<!tpu.dma_semaphore, #tpu.memory_space<semaphore_mem>>
      tpu.enqueue_indirect_dma source(%arg5 : memref<128xf32, #tpu.memory_space<vmem>>) target(%dma_start3A_319 : memref<10112xf32, #tpu.memory_space<vmem_shared>>) offsets(%dma_start3A_317 : memref<128xi32, #tpu.memory_space<vmem>>) semaphore(%dma_start3A_321 : memref<!tpu.dma_semaphore, #tpu.memory_space<semaphore_mem>>) {add = true}
      %mul3A_322 = arith.constant 8 : i32
      %mul3A_323 = arith.muli %scan3A_183, %mul3A_322 : i32
      %add3A_324 = arith.constant 7 : i32
      %add3A_325 = arith.addi %mul3A_323, %add3A_324 : i32
      %ge3A_326 = arith.constant 2 : i32
      %ge3A_327 = arith.cmpi sge, %add3A_325, %ge3A_326 : i32
      %convert_element_type3A_328 = arith.extui %ge3A_327 : i1 to i32
      %cond3A_329 = arith.constant 0 : i32
      %cond3A_330 = arith.cmpi ne, %convert_element_type3A_328, %cond3A_329 : i32
      scf.if %cond3A_330 {
        %dma_wait3A_340 = arith.constant 0 : i32
        %dma_wait3A_341 = arith.constant 0 : i32
        %dma_wait3A_342 = arith.constant 1 : i32
        %dma_wait3A_343 = arith.constant 0 : i32
        %dma_wait3A_344 = tpu.memref_slice %arg4[%dma_wait3A_340, %dma_wait3A_341, %dma_wait3A_343] : memref<4x8x128xi32, #tpu.memory_space<vmem>> -> memref<1x1x128xi32, #tpu.memory_space<vmem>>
        %dma_wait3A_345 = tpu.memref_squeeze %dma_wait3A_344 : memref<1x1x128xi32, #tpu.memory_space<vmem>> -> memref<128xi32, #tpu.memory_space<vmem>>
        %dma_wait3A_346 = arith.constant 0 : i32
        %dma_wait3A_347 = tpu.memref_slice %arg7[%dma_wait3A_346] : memref<10112xf32, #tpu.memory_space<vmem_shared>> -> memref<10112xf32, #tpu.memory_space<vmem_shared>>
        %dma_wait3A_348 = tpu.memref_slice %arg9[%dma_wait3A_342] : memref<2x!tpu.dma_semaphore, #tpu.memory_space<semaphore_mem>> -> memref<1x!tpu.dma_semaphore, #tpu.memory_space<semaphore_mem>>
        %dma_wait3A_349 = tpu.memref_squeeze %dma_wait3A_348 : memref<1x!tpu.dma_semaphore, #tpu.memory_space<semaphore_mem>> -> memref<!tpu.dma_semaphore, #tpu.memory_space<semaphore_mem>>
        tpu.wait_indirect_dma semaphore(%dma_wait3A_349 : memref<!tpu.dma_semaphore, #tpu.memory_space<semaphore_mem>>) src(%arg5 : memref<128xf32, #tpu.memory_space<vmem>>) dst(%dma_wait3A_347 : memref<10112xf32, #tpu.memory_space<vmem_shared>>)
      } else {
      }
      %dma_start3A_331 = arith.constant 7 : i32
      %dma_start3A_332 = arith.constant 1 : i32
      %dma_start3A_333 = arith.constant 0 : i32
      %dma_start3A_334 = tpu.memref_slice %arg4[%rem3A_185, %dma_start3A_331, %dma_start3A_333] : memref<4x8x128xi32, #tpu.memory_space<vmem>> -> memref<1x1x128xi32, #tpu.memory_space<vmem>>
      %dma_start3A_335 = tpu.memref_squeeze %dma_start3A_334 : memref<1x1x128xi32, #tpu.memory_space<vmem>> -> memref<128xi32, #tpu.memory_space<vmem>>
      %dma_start3A_336 = arith.constant 0 : i32
      %dma_start3A_337 = tpu.memref_slice %arg7[%dma_start3A_336] : memref<10112xf32, #tpu.memory_space<vmem_shared>> -> memref<10112xf32, #tpu.memory_space<vmem_shared>>
      %dma_start3A_338 = tpu.memref_slice %arg9[%dma_start3A_332] : memref<2x!tpu.dma_semaphore, #tpu.memory_space<semaphore_mem>> -> memref<1x!tpu.dma_semaphore, #tpu.memory_space<semaphore_mem>>
      %dma_start3A_339 = tpu.memref_squeeze %dma_start3A_338 : memref<1x!tpu.dma_semaphore, #tpu.memory_space<semaphore_mem>> -> memref<!tpu.dma_semaphore, #tpu.memory_space<semaphore_mem>>
      tpu.enqueue_indirect_dma source(%arg5 : memref<128xf32, #tpu.memory_space<vmem>>) target(%dma_start3A_337 : memref<10112xf32, #tpu.memory_space<vmem_shared>>) offsets(%dma_start3A_335 : memref<128xi32, #tpu.memory_space<vmem>>) semaphore(%dma_start3A_339 : memref<!tpu.dma_semaphore, #tpu.memory_space<semaphore_mem>>) {add = true}
    }
    %scan3A_154 = arith.constant 10 : i32
    %dma_wait3A_155 = arith.constant 0 : i32
    %dma_wait3A_156 = arith.constant 0 : i32
    %dma_wait3A_157 = arith.constant 0 : i32
    %dma_wait3A_158 = arith.constant 0 : i32
    %dma_wait3A_159 = tpu.memref_slice %arg4[%dma_wait3A_155, %dma_wait3A_156, %dma_wait3A_158] : memref<4x8x128xi32, #tpu.memory_space<vmem>> -> memref<1x1x128xi32, #tpu.memory_space<vmem>>
    %dma_wait3A_160 = tpu.memref_squeeze %dma_wait3A_159 : memref<1x1x128xi32, #tpu.memory_space<vmem>> -> memref<128xi32, #tpu.memory_space<vmem>>
    %dma_wait3A_161 = arith.constant 0 : i32
    %dma_wait3A_162 = tpu.memref_slice %arg7[%dma_wait3A_161] : memref<10112xf32, #tpu.memory_space<vmem_shared>> -> memref<10112xf32, #tpu.memory_space<vmem_shared>>
    %dma_wait3A_163 = tpu.memref_slice %arg9[%dma_wait3A_157] : memref<2x!tpu.dma_semaphore, #tpu.memory_space<semaphore_mem>> -> memref<1x!tpu.dma_semaphore, #tpu.memory_space<semaphore_mem>>
    %dma_wait3A_164 = tpu.memref_squeeze %dma_wait3A_163 : memref<1x!tpu.dma_semaphore, #tpu.memory_space<semaphore_mem>> -> memref<!tpu.dma_semaphore, #tpu.memory_space<semaphore_mem>>
    tpu.wait_indirect_dma semaphore(%dma_wait3A_164 : memref<!tpu.dma_semaphore, #tpu.memory_space<semaphore_mem>>) src(%arg5 : memref<128xf32, #tpu.memory_space<vmem>>) dst(%dma_wait3A_162 : memref<10112xf32, #tpu.memory_space<vmem_shared>>)
    %dma_wait3A_165 = arith.constant 0 : i32
    %dma_wait3A_166 = arith.constant 0 : i32
    %dma_wait3A_167 = arith.constant 1 : i32
    %dma_wait3A_168 = arith.constant 0 : i32
    %dma_wait3A_169 = tpu.memref_slice %arg4[%dma_wait3A_165, %dma_wait3A_166, %dma_wait3A_168] : memref<4x8x128xi32, #tpu.memory_space<vmem>> -> memref<1x1x128xi32, #tpu.memory_space<vmem>>
    %dma_wait3A_170 = tpu.memref_squeeze %dma_wait3A_169 : memref<1x1x128xi32, #tpu.memory_space<vmem>> -> memref<128xi32, #tpu.memory_space<vmem>>
    %dma_wait3A_171 = arith.constant 0 : i32
    %dma_wait3A_172 = tpu.memref_slice %arg7[%dma_wait3A_171] : memref<10112xf32, #tpu.memory_space<vmem_shared>> -> memref<10112xf32, #tpu.memory_space<vmem_shared>>
    %dma_wait3A_173 = tpu.memref_slice %arg9[%dma_wait3A_167] : memref<2x!tpu.dma_semaphore, #tpu.memory_space<semaphore_mem>> -> memref<1x!tpu.dma_semaphore, #tpu.memory_space<semaphore_mem>>
    %dma_wait3A_174 = tpu.memref_squeeze %dma_wait3A_173 : memref<1x!tpu.dma_semaphore, #tpu.memory_space<semaphore_mem>> -> memref<!tpu.dma_semaphore, #tpu.memory_space<semaphore_mem>>
    tpu.wait_indirect_dma semaphore(%dma_wait3A_174 : memref<!tpu.dma_semaphore, #tpu.memory_space<semaphore_mem>>) src(%arg5 : memref<128xf32, #tpu.memory_space<vmem>>) dst(%dma_wait3A_172 : memref<10112xf32, #tpu.memory_space<vmem_shared>>)
    %barrier3A_175 = arith.constant 0 : index
    tpu.barrier barrier_id(%barrier3A_175)
    %mul3A_176 = arith.constant 632 : i32
    %mul3A_177 = arith.muli %arg1, %mul3A_176 : i32
    "tpu.region"() ({
      %run_scoped3A = tpu.sem_alloc : memref<!tpu.dma_semaphore, #tpu.memory_space<semaphore_mem>>
      %dma_start3A_183 = tpu.memref_slice %arg7[%mul3A_177] : memref<10112xf32, #tpu.memory_space<vmem_shared>> -> memref<632xf32, #tpu.memory_space<vmem_shared>>
      %dma_start3A_184 = tpu.memref_slice %arg7[%mul3A_177] : memref<10112xf32, #tpu.memory_space<vmem_shared>> -> memref<632xf32, #tpu.memory_space<vmem_shared>>
      tpu.enqueue_dma source(%dma_start3A_184 : memref<632xf32, #tpu.memory_space<vmem_shared>>) target(%arg6 : memref<632xf32, #tpu.memory_space<vmem>>) target_semaphore(%run_scoped3A : memref<!tpu.dma_semaphore, #tpu.memory_space<semaphore_mem>>)
      %dma_wait3A_185 = tpu.memref_slice %arg7[%mul3A_177] : memref<10112xf32, #tpu.memory_space<vmem_shared>> -> memref<632xf32, #tpu.memory_space<vmem_shared>>
      %dma_wait3A_186 = tpu.memref_slice %arg7[%mul3A_177] : memref<10112xf32, #tpu.memory_space<vmem_shared>> -> memref<632xf32, #tpu.memory_space<vmem_shared>>
      tpu.wait_dma2 semaphore(%run_scoped3A : memref<!tpu.dma_semaphore, #tpu.memory_space<semaphore_mem>>) src(%dma_wait3A_186 : memref<632xf32, #tpu.memory_space<vmem_shared>>) dst(%arg6 : memref<632xf32, #tpu.memory_space<vmem>>)
      tpu.yield
    }) : () -> ()
    %mul3A_178 = arith.constant 10112 : i32
    %mul3A_179 = arith.muli %arg0, %mul3A_178 : i32
    %mul3A_180 = arith.constant 632 : i32
    %mul3A_181 = arith.muli %arg1, %mul3A_180 : i32
    %add3A_182 = arith.addi %mul3A_179, %mul3A_181 : i32
    "tpu.region"() ({
      %run_scoped3A = tpu.sem_alloc : memref<!tpu.dma_semaphore, #tpu.memory_space<semaphore_mem>>
      %dma_start3A_183 = tpu.memref_slice %arg3[%add3A_182] : memref<20224xf32, #tpu.memory_space<hbm>> -> memref<632xf32, #tpu.memory_space<hbm>>
      %dma_start3A_184 = tpu.memref_slice %arg3[%add3A_182] : memref<20224xf32, #tpu.memory_space<hbm>> -> memref<632xf32, #tpu.memory_space<hbm>>
      tpu.enqueue_dma source(%arg6 : memref<632xf32, #tpu.memory_space<vmem>>) target(%dma_start3A_184 : memref<632xf32, #tpu.memory_space<hbm>>) target_semaphore(%run_scoped3A : memref<!tpu.dma_semaphore, #tpu.memory_space<semaphore_mem>>)
      %dma_wait3A_185 = tpu.memref_slice %arg3[%add3A_182] : memref<20224xf32, #tpu.memory_space<hbm>> -> memref<632xf32, #tpu.memory_space<hbm>>
      %dma_wait3A_186 = tpu.memref_slice %arg3[%add3A_182] : memref<20224xf32, #tpu.memory_space<hbm>> -> memref<632xf32, #tpu.memory_space<hbm>>
      tpu.wait_dma2 semaphore(%run_scoped3A : memref<!tpu.dma_semaphore, #tpu.memory_space<semaphore_mem>>) src(%arg6 : memref<632xf32, #tpu.memory_space<vmem>>) dst(%dma_wait3A_186 : memref<632xf32, #tpu.memory_space<hbm>>)
      tpu.yield
    }) : () -> ()
    return
  }
}

#map = affine_map<(d0, d1) -> (0, 0)>
#map1 = affine_map<(d0, d1) -> (0, 0, 0)>
module attributes {stable_mosaic.version = 14 : i64} {
  func.func @_sc_agg_body(%arg0: i32, %arg1: i32, %arg2: memref<10112x128xf32, #tpu.memory_space<hbm>>, %arg3: memref<320x8x128xi32, #tpu.memory_space<hbm>>, %arg4: memref<320x8x128xi32, #tpu.memory_space<hbm>>, %arg5: memref<632x128xf32, #tpu.memory_space<hbm>>, %arg6: memref<20224x128xf32, #tpu.memory_space<hbm>>, %arg7: memref<4x8x128xi32, #tpu.memory_space<vmem>>, %arg8: memref<4x8x128xi32, #tpu.memory_space<vmem>>, %arg9: memref<2x128x128xf32, #tpu.memory_space<vmem>>, %arg10: memref<10112x128xf32, #tpu.memory_space<vmem_shared>>, %arg11: memref<4x!tpu.dma_semaphore, #tpu.memory_space<semaphore_mem>>, %arg12: memref<2x!tpu.dma_semaphore, #tpu.memory_space<semaphore_mem>>, %arg13: memref<2x!tpu.dma_semaphore, #tpu.memory_space<semaphore_mem>>) attributes {dimension_semantics = [#tpu.dimension_semantics<core_parallel>, #tpu.dimension_semantics<subcore_parallel>], iteration_bounds = array<i64: 2, 16>, scalar_prefetch = 0 : i64, scratch_operands = 7 : i64, tpu.core_type = #tpu.core_type<sc_vector_subcore>, window_params = [{transform_indices = #map}, {transform_indices = #map1}, {transform_indices = #map1}, {transform_indices = #map}, {transform_indices = #map}]} {
    %mul3A = arith.constant 16 : i32
    %mul3A_0 = arith.muli %arg0, %mul3A : i32
    %add3A = arith.addi %mul3A_0, %arg1 : i32
    %mul3A_1 = arith.constant 10 : i32
    %mul3A_2 = arith.muli %add3A, %mul3A_1 : i32
    %mul3A_3 = arith.constant 632 : i32
    %mul3A_4 = arith.muli %arg1, %mul3A_3 : i32
    "tpu.region"() ({
      %run_scoped3A = tpu.sem_alloc : memref<!tpu.dma_semaphore, #tpu.memory_space<semaphore_mem>>
      %dma_start3A_215 = arith.constant 0 : i32
      %dma_start3A_216 = tpu.memref_slice %arg10[%mul3A_4, %dma_start3A_215] : memref<10112x128xf32, #tpu.memory_space<vmem_shared>> -> memref<632x128xf32, #tpu.memory_space<vmem_shared>>
      tpu.enqueue_dma source(%arg5 : memref<632x128xf32, #tpu.memory_space<hbm>>) target(%dma_start3A_216 : memref<632x128xf32, #tpu.memory_space<vmem_shared>>) target_semaphore(%run_scoped3A : memref<!tpu.dma_semaphore, #tpu.memory_space<semaphore_mem>>)
      %dma_wait3A_217 = arith.constant 0 : i32
      %dma_wait3A_218 = tpu.memref_slice %arg10[%mul3A_4, %dma_wait3A_217] : memref<10112x128xf32, #tpu.memory_space<vmem_shared>> -> memref<632x128xf32, #tpu.memory_space<vmem_shared>>
      tpu.wait_dma2 semaphore(%run_scoped3A : memref<!tpu.dma_semaphore, #tpu.memory_space<semaphore_mem>>) src(%arg5 : memref<632x128xf32, #tpu.memory_space<hbm>>) dst(%dma_wait3A_218 : memref<632x128xf32, #tpu.memory_space<vmem_shared>>)
      tpu.yield
    }) : () -> ()
    %rem3A = arith.constant 0 : i32
    %rem3A_5 = arith.constant 4 : i32
    %rem3A_6 = arith.remsi %rem3A, %rem3A_5 : i32
    %add3A_7 = arith.constant 0 : i32
    %add3A_8 = arith.addi %mul3A_2, %add3A_7 : i32
    %dma_start3A = arith.constant 0 : i32
    %dma_start3A_9 = arith.constant 0 : i32
    %dma_start3A_10 = tpu.memref_slice %arg7[%rem3A_6, %dma_start3A, %dma_start3A_9] : memref<4x8x128xi32, #tpu.memory_space<vmem>> -> memref<1x8x128xi32, #tpu.memory_space<vmem>>
    %dma_start3A_11 = tpu.memref_squeeze %dma_start3A_10 : memref<1x8x128xi32, #tpu.memory_space<vmem>> -> memref<8x128xi32, #tpu.memory_space<vmem>>
    %dma_start3A_12 = arith.constant 0 : i32
    %dma_start3A_13 = arith.constant 0 : i32
    %dma_start3A_14 = tpu.memref_slice %arg3[%add3A_8, %dma_start3A_12, %dma_start3A_13] : memref<320x8x128xi32, #tpu.memory_space<hbm>> -> memref<1x8x128xi32, #tpu.memory_space<hbm>>
    %dma_start3A_15 = tpu.memref_squeeze %dma_start3A_14 : memref<1x8x128xi32, #tpu.memory_space<hbm>> -> memref<8x128xi32, #tpu.memory_space<hbm>>
    %dma_start3A_16 = tpu.memref_slice %arg11[%rem3A_6] : memref<4x!tpu.dma_semaphore, #tpu.memory_space<semaphore_mem>> -> memref<1x!tpu.dma_semaphore, #tpu.memory_space<semaphore_mem>>
    %dma_start3A_17 = tpu.memref_squeeze %dma_start3A_16 : memref<1x!tpu.dma_semaphore, #tpu.memory_space<semaphore_mem>> -> memref<!tpu.dma_semaphore, #tpu.memory_space<semaphore_mem>>
    %dma_start3A_18 = arith.constant 0 : i32
    %dma_start3A_19 = arith.constant 0 : i32
    %dma_start3A_20 = tpu.memref_slice %arg7[%rem3A_6, %dma_start3A_18, %dma_start3A_19] : memref<4x8x128xi32, #tpu.memory_space<vmem>> -> memref<1x8x128xi32, #tpu.memory_space<vmem>>
    %dma_start3A_21 = tpu.memref_squeeze %dma_start3A_20 : memref<1x8x128xi32, #tpu.memory_space<vmem>> -> memref<8x128xi32, #tpu.memory_space<vmem>>
    %dma_start3A_22 = arith.constant 0 : i32
    %dma_start3A_23 = arith.constant 0 : i32
    %dma_start3A_24 = tpu.memref_slice %arg3[%add3A_8, %dma_start3A_22, %dma_start3A_23] : memref<320x8x128xi32, #tpu.memory_space<hbm>> -> memref<1x8x128xi32, #tpu.memory_space<hbm>>
    %dma_start3A_25 = tpu.memref_squeeze %dma_start3A_24 : memref<1x8x128xi32, #tpu.memory_space<hbm>> -> memref<8x128xi32, #tpu.memory_space<hbm>>
    tpu.enqueue_dma source(%dma_start3A_25 : memref<8x128xi32, #tpu.memory_space<hbm>>) target(%dma_start3A_21 : memref<8x128xi32, #tpu.memory_space<vmem>>) target_semaphore(%dma_start3A_17 : memref<!tpu.dma_semaphore, #tpu.memory_space<semaphore_mem>>)
    %add3A_26 = arith.constant 0 : i32
    %add3A_27 = arith.addi %mul3A_2, %add3A_26 : i32
    %dma_start3A_28 = arith.constant 0 : i32
    %dma_start3A_29 = arith.constant 0 : i32
    %dma_start3A_30 = tpu.memref_slice %arg8[%rem3A_6, %dma_start3A_28, %dma_start3A_29] : memref<4x8x128xi32, #tpu.memory_space<vmem>> -> memref<1x8x128xi32, #tpu.memory_space<vmem>>
    %dma_start3A_31 = tpu.memref_squeeze %dma_start3A_30 : memref<1x8x128xi32, #tpu.memory_space<vmem>> -> memref<8x128xi32, #tpu.memory_space<vmem>>
    %dma_start3A_32 = arith.constant 0 : i32
    %dma_start3A_33 = arith.constant 0 : i32
    %dma_start3A_34 = tpu.memref_slice %arg4[%add3A_27, %dma_start3A_32, %dma_start3A_33] : memref<320x8x128xi32, #tpu.memory_space<hbm>> -> memref<1x8x128xi32, #tpu.memory_space<hbm>>
    %dma_start3A_35 = tpu.memref_squeeze %dma_start3A_34 : memref<1x8x128xi32, #tpu.memory_space<hbm>> -> memref<8x128xi32, #tpu.memory_space<hbm>>
    %dma_start3A_36 = tpu.memref_slice %arg11[%rem3A_6] : memref<4x!tpu.dma_semaphore, #tpu.memory_space<semaphore_mem>> -> memref<1x!tpu.dma_semaphore, #tpu.memory_space<semaphore_mem>>
    %dma_start3A_37 = tpu.memref_squeeze %dma_start3A_36 : memref<1x!tpu.dma_semaphore, #tpu.memory_space<semaphore_mem>> -> memref<!tpu.dma_semaphore, #tpu.memory_space<semaphore_mem>>
    %dma_start3A_38 = arith.constant 0 : i32
    %dma_start3A_39 = arith.constant 0 : i32
    %dma_start3A_40 = tpu.memref_slice %arg8[%rem3A_6, %dma_start3A_38, %dma_start3A_39] : memref<4x8x128xi32, #tpu.memory_space<vmem>> -> memref<1x8x128xi32, #tpu.memory_space<vmem>>
    %dma_start3A_41 = tpu.memref_squeeze %dma_start3A_40 : memref<1x8x128xi32, #tpu.memory_space<vmem>> -> memref<8x128xi32, #tpu.memory_space<vmem>>
    %dma_start3A_42 = arith.constant 0 : i32
    %dma_start3A_43 = arith.constant 0 : i32
    %dma_start3A_44 = tpu.memref_slice %arg4[%add3A_27, %dma_start3A_42, %dma_start3A_43] : memref<320x8x128xi32, #tpu.memory_space<hbm>> -> memref<1x8x128xi32, #tpu.memory_space<hbm>>
    %dma_start3A_45 = tpu.memref_squeeze %dma_start3A_44 : memref<1x8x128xi32, #tpu.memory_space<hbm>> -> memref<8x128xi32, #tpu.memory_space<hbm>>
    tpu.enqueue_dma source(%dma_start3A_45 : memref<8x128xi32, #tpu.memory_space<hbm>>) target(%dma_start3A_41 : memref<8x128xi32, #tpu.memory_space<vmem>>) target_semaphore(%dma_start3A_37 : memref<!tpu.dma_semaphore, #tpu.memory_space<semaphore_mem>>)
    %rem3A_46 = arith.constant 1 : i32
    %rem3A_47 = arith.constant 4 : i32
    %rem3A_48 = arith.remsi %rem3A_46, %rem3A_47 : i32
    %add3A_49 = arith.constant 1 : i32
    %add3A_50 = arith.addi %mul3A_2, %add3A_49 : i32
    %dma_start3A_51 = arith.constant 0 : i32
    %dma_start3A_52 = arith.constant 0 : i32
    %dma_start3A_53 = tpu.memref_slice %arg7[%rem3A_48, %dma_start3A_51, %dma_start3A_52] : memref<4x8x128xi32, #tpu.memory_space<vmem>> -> memref<1x8x128xi32, #tpu.memory_space<vmem>>
    %dma_start3A_54 = tpu.memref_squeeze %dma_start3A_53 : memref<1x8x128xi32, #tpu.memory_space<vmem>> -> memref<8x128xi32, #tpu.memory_space<vmem>>
    %dma_start3A_55 = arith.constant 0 : i32
    %dma_start3A_56 = arith.constant 0 : i32
    %dma_start3A_57 = tpu.memref_slice %arg3[%add3A_50, %dma_start3A_55, %dma_start3A_56] : memref<320x8x128xi32, #tpu.memory_space<hbm>> -> memref<1x8x128xi32, #tpu.memory_space<hbm>>
    %dma_start3A_58 = tpu.memref_squeeze %dma_start3A_57 : memref<1x8x128xi32, #tpu.memory_space<hbm>> -> memref<8x128xi32, #tpu.memory_space<hbm>>
    %dma_start3A_59 = tpu.memref_slice %arg11[%rem3A_48] : memref<4x!tpu.dma_semaphore, #tpu.memory_space<semaphore_mem>> -> memref<1x!tpu.dma_semaphore, #tpu.memory_space<semaphore_mem>>
    %dma_start3A_60 = tpu.memref_squeeze %dma_start3A_59 : memref<1x!tpu.dma_semaphore, #tpu.memory_space<semaphore_mem>> -> memref<!tpu.dma_semaphore, #tpu.memory_space<semaphore_mem>>
    %dma_start3A_61 = arith.constant 0 : i32
    %dma_start3A_62 = arith.constant 0 : i32
    %dma_start3A_63 = tpu.memref_slice %arg7[%rem3A_48, %dma_start3A_61, %dma_start3A_62] : memref<4x8x128xi32, #tpu.memory_space<vmem>> -> memref<1x8x128xi32, #tpu.memory_space<vmem>>
    %dma_start3A_64 = tpu.memref_squeeze %dma_start3A_63 : memref<1x8x128xi32, #tpu.memory_space<vmem>> -> memref<8x128xi32, #tpu.memory_space<vmem>>
    %dma_start3A_65 = arith.constant 0 : i32
    %dma_start3A_66 = arith.constant 0 : i32
    %dma_start3A_67 = tpu.memref_slice %arg3[%add3A_50, %dma_start3A_65, %dma_start3A_66] : memref<320x8x128xi32, #tpu.memory_space<hbm>> -> memref<1x8x128xi32, #tpu.memory_space<hbm>>
    %dma_start3A_68 = tpu.memref_squeeze %dma_start3A_67 : memref<1x8x128xi32, #tpu.memory_space<hbm>> -> memref<8x128xi32, #tpu.memory_space<hbm>>
    tpu.enqueue_dma source(%dma_start3A_68 : memref<8x128xi32, #tpu.memory_space<hbm>>) target(%dma_start3A_64 : memref<8x128xi32, #tpu.memory_space<vmem>>) target_semaphore(%dma_start3A_60 : memref<!tpu.dma_semaphore, #tpu.memory_space<semaphore_mem>>)
    %add3A_69 = arith.constant 1 : i32
    %add3A_70 = arith.addi %mul3A_2, %add3A_69 : i32
    %dma_start3A_71 = arith.constant 0 : i32
    %dma_start3A_72 = arith.constant 0 : i32
    %dma_start3A_73 = tpu.memref_slice %arg8[%rem3A_48, %dma_start3A_71, %dma_start3A_72] : memref<4x8x128xi32, #tpu.memory_space<vmem>> -> memref<1x8x128xi32, #tpu.memory_space<vmem>>
    %dma_start3A_74 = tpu.memref_squeeze %dma_start3A_73 : memref<1x8x128xi32, #tpu.memory_space<vmem>> -> memref<8x128xi32, #tpu.memory_space<vmem>>
    %dma_start3A_75 = arith.constant 0 : i32
    %dma_start3A_76 = arith.constant 0 : i32
    %dma_start3A_77 = tpu.memref_slice %arg4[%add3A_70, %dma_start3A_75, %dma_start3A_76] : memref<320x8x128xi32, #tpu.memory_space<hbm>> -> memref<1x8x128xi32, #tpu.memory_space<hbm>>
    %dma_start3A_78 = tpu.memref_squeeze %dma_start3A_77 : memref<1x8x128xi32, #tpu.memory_space<hbm>> -> memref<8x128xi32, #tpu.memory_space<hbm>>
    %dma_start3A_79 = tpu.memref_slice %arg11[%rem3A_48] : memref<4x!tpu.dma_semaphore, #tpu.memory_space<semaphore_mem>> -> memref<1x!tpu.dma_semaphore, #tpu.memory_space<semaphore_mem>>
    %dma_start3A_80 = tpu.memref_squeeze %dma_start3A_79 : memref<1x!tpu.dma_semaphore, #tpu.memory_space<semaphore_mem>> -> memref<!tpu.dma_semaphore, #tpu.memory_space<semaphore_mem>>
    %dma_start3A_81 = arith.constant 0 : i32
    %dma_start3A_82 = arith.constant 0 : i32
    %dma_start3A_83 = tpu.memref_slice %arg8[%rem3A_48, %dma_start3A_81, %dma_start3A_82] : memref<4x8x128xi32, #tpu.memory_space<vmem>> -> memref<1x8x128xi32, #tpu.memory_space<vmem>>
    %dma_start3A_84 = tpu.memref_squeeze %dma_start3A_83 : memref<1x8x128xi32, #tpu.memory_space<vmem>> -> memref<8x128xi32, #tpu.memory_space<vmem>>
    %dma_start3A_85 = arith.constant 0 : i32
    %dma_start3A_86 = arith.constant 0 : i32
    %dma_start3A_87 = tpu.memref_slice %arg4[%add3A_70, %dma_start3A_85, %dma_start3A_86] : memref<320x8x128xi32, #tpu.memory_space<hbm>> -> memref<1x8x128xi32, #tpu.memory_space<hbm>>
    %dma_start3A_88 = tpu.memref_squeeze %dma_start3A_87 : memref<1x8x128xi32, #tpu.memory_space<hbm>> -> memref<8x128xi32, #tpu.memory_space<hbm>>
    tpu.enqueue_dma source(%dma_start3A_88 : memref<8x128xi32, #tpu.memory_space<hbm>>) target(%dma_start3A_84 : memref<8x128xi32, #tpu.memory_space<vmem>>) target_semaphore(%dma_start3A_80 : memref<!tpu.dma_semaphore, #tpu.memory_space<semaphore_mem>>)
    %rem3A_89 = arith.constant 2 : i32
    %rem3A_90 = arith.constant 4 : i32
    %rem3A_91 = arith.remsi %rem3A_89, %rem3A_90 : i32
    %add3A_92 = arith.constant 2 : i32
    %add3A_93 = arith.addi %mul3A_2, %add3A_92 : i32
    %dma_start3A_94 = arith.constant 0 : i32
    %dma_start3A_95 = arith.constant 0 : i32
    %dma_start3A_96 = tpu.memref_slice %arg7[%rem3A_91, %dma_start3A_94, %dma_start3A_95] : memref<4x8x128xi32, #tpu.memory_space<vmem>> -> memref<1x8x128xi32, #tpu.memory_space<vmem>>
    %dma_start3A_97 = tpu.memref_squeeze %dma_start3A_96 : memref<1x8x128xi32, #tpu.memory_space<vmem>> -> memref<8x128xi32, #tpu.memory_space<vmem>>
    %dma_start3A_98 = arith.constant 0 : i32
    %dma_start3A_99 = arith.constant 0 : i32
    %dma_start3A_100 = tpu.memref_slice %arg3[%add3A_93, %dma_start3A_98, %dma_start3A_99] : memref<320x8x128xi32, #tpu.memory_space<hbm>> -> memref<1x8x128xi32, #tpu.memory_space<hbm>>
    %dma_start3A_101 = tpu.memref_squeeze %dma_start3A_100 : memref<1x8x128xi32, #tpu.memory_space<hbm>> -> memref<8x128xi32, #tpu.memory_space<hbm>>
    %dma_start3A_102 = tpu.memref_slice %arg11[%rem3A_91] : memref<4x!tpu.dma_semaphore, #tpu.memory_space<semaphore_mem>> -> memref<1x!tpu.dma_semaphore, #tpu.memory_space<semaphore_mem>>
    %dma_start3A_103 = tpu.memref_squeeze %dma_start3A_102 : memref<1x!tpu.dma_semaphore, #tpu.memory_space<semaphore_mem>> -> memref<!tpu.dma_semaphore, #tpu.memory_space<semaphore_mem>>
    %dma_start3A_104 = arith.constant 0 : i32
    %dma_start3A_105 = arith.constant 0 : i32
    %dma_start3A_106 = tpu.memref_slice %arg7[%rem3A_91, %dma_start3A_104, %dma_start3A_105] : memref<4x8x128xi32, #tpu.memory_space<vmem>> -> memref<1x8x128xi32, #tpu.memory_space<vmem>>
    %dma_start3A_107 = tpu.memref_squeeze %dma_start3A_106 : memref<1x8x128xi32, #tpu.memory_space<vmem>> -> memref<8x128xi32, #tpu.memory_space<vmem>>
    %dma_start3A_108 = arith.constant 0 : i32
    %dma_start3A_109 = arith.constant 0 : i32
    %dma_start3A_110 = tpu.memref_slice %arg3[%add3A_93, %dma_start3A_108, %dma_start3A_109] : memref<320x8x128xi32, #tpu.memory_space<hbm>> -> memref<1x8x128xi32, #tpu.memory_space<hbm>>
    %dma_start3A_111 = tpu.memref_squeeze %dma_start3A_110 : memref<1x8x128xi32, #tpu.memory_space<hbm>> -> memref<8x128xi32, #tpu.memory_space<hbm>>
    tpu.enqueue_dma source(%dma_start3A_111 : memref<8x128xi32, #tpu.memory_space<hbm>>) target(%dma_start3A_107 : memref<8x128xi32, #tpu.memory_space<vmem>>) target_semaphore(%dma_start3A_103 : memref<!tpu.dma_semaphore, #tpu.memory_space<semaphore_mem>>)
    %add3A_112 = arith.constant 2 : i32
    %add3A_113 = arith.addi %mul3A_2, %add3A_112 : i32
    %dma_start3A_114 = arith.constant 0 : i32
    %dma_start3A_115 = arith.constant 0 : i32
    %dma_start3A_116 = tpu.memref_slice %arg8[%rem3A_91, %dma_start3A_114, %dma_start3A_115] : memref<4x8x128xi32, #tpu.memory_space<vmem>> -> memref<1x8x128xi32, #tpu.memory_space<vmem>>
    %dma_start3A_117 = tpu.memref_squeeze %dma_start3A_116 : memref<1x8x128xi32, #tpu.memory_space<vmem>> -> memref<8x128xi32, #tpu.memory_space<vmem>>
    %dma_start3A_118 = arith.constant 0 : i32
    %dma_start3A_119 = arith.constant 0 : i32
    %dma_start3A_120 = tpu.memref_slice %arg4[%add3A_113, %dma_start3A_118, %dma_start3A_119] : memref<320x8x128xi32, #tpu.memory_space<hbm>> -> memref<1x8x128xi32, #tpu.memory_space<hbm>>
    %dma_start3A_121 = tpu.memref_squeeze %dma_start3A_120 : memref<1x8x128xi32, #tpu.memory_space<hbm>> -> memref<8x128xi32, #tpu.memory_space<hbm>>
    %dma_start3A_122 = tpu.memref_slice %arg11[%rem3A_91] : memref<4x!tpu.dma_semaphore, #tpu.memory_space<semaphore_mem>> -> memref<1x!tpu.dma_semaphore, #tpu.memory_space<semaphore_mem>>
    %dma_start3A_123 = tpu.memref_squeeze %dma_start3A_122 : memref<1x!tpu.dma_semaphore, #tpu.memory_space<semaphore_mem>> -> memref<!tpu.dma_semaphore, #tpu.memory_space<semaphore_mem>>
    %dma_start3A_124 = arith.constant 0 : i32
    %dma_start3A_125 = arith.constant 0 : i32
    %dma_start3A_126 = tpu.memref_slice %arg8[%rem3A_91, %dma_start3A_124, %dma_start3A_125] : memref<4x8x128xi32, #tpu.memory_space<vmem>> -> memref<1x8x128xi32, #tpu.memory_space<vmem>>
    %dma_start3A_127 = tpu.memref_squeeze %dma_start3A_126 : memref<1x8x128xi32, #tpu.memory_space<vmem>> -> memref<8x128xi32, #tpu.memory_space<vmem>>
    %dma_start3A_128 = arith.constant 0 : i32
    %dma_start3A_129 = arith.constant 0 : i32
    %dma_start3A_130 = tpu.memref_slice %arg4[%add3A_113, %dma_start3A_128, %dma_start3A_129] : memref<320x8x128xi32, #tpu.memory_space<hbm>> -> memref<1x8x128xi32, #tpu.memory_space<hbm>>
    %dma_start3A_131 = tpu.memref_squeeze %dma_start3A_130 : memref<1x8x128xi32, #tpu.memory_space<hbm>> -> memref<8x128xi32, #tpu.memory_space<hbm>>
    tpu.enqueue_dma source(%dma_start3A_131 : memref<8x128xi32, #tpu.memory_space<hbm>>) target(%dma_start3A_127 : memref<8x128xi32, #tpu.memory_space<vmem>>) target_semaphore(%dma_start3A_123 : memref<!tpu.dma_semaphore, #tpu.memory_space<semaphore_mem>>)
    %barrier3A = arith.constant 0 : index
    tpu.barrier barrier_id(%barrier3A)
    %rem3A_132 = arith.constant 0 : i32
    %rem3A_133 = arith.constant 4 : i32
    %rem3A_134 = arith.remsi %rem3A_132, %rem3A_133 : i32
    %dma_wait3A = arith.constant 0 : i32
    %dma_wait3A_135 = arith.constant 0 : i32
    %dma_wait3A_136 = tpu.memref_slice %arg7[%rem3A_134, %dma_wait3A, %dma_wait3A_135] : memref<4x8x128xi32, #tpu.memory_space<vmem>> -> memref<1x8x128xi32, #tpu.memory_space<vmem>>
    %dma_wait3A_137 = tpu.memref_squeeze %dma_wait3A_136 : memref<1x8x128xi32, #tpu.memory_space<vmem>> -> memref<8x128xi32, #tpu.memory_space<vmem>>
    %dma_wait3A_138 = arith.constant 0 : i32
    %dma_wait3A_139 = arith.constant 0 : i32
    %dma_wait3A_140 = tpu.memref_slice %arg3[%mul3A_2, %dma_wait3A_138, %dma_wait3A_139] : memref<320x8x128xi32, #tpu.memory_space<hbm>> -> memref<1x8x128xi32, #tpu.memory_space<hbm>>
    %dma_wait3A_141 = tpu.memref_squeeze %dma_wait3A_140 : memref<1x8x128xi32, #tpu.memory_space<hbm>> -> memref<8x128xi32, #tpu.memory_space<hbm>>
    %dma_wait3A_142 = tpu.memref_slice %arg11[%rem3A_134] : memref<4x!tpu.dma_semaphore, #tpu.memory_space<semaphore_mem>> -> memref<1x!tpu.dma_semaphore, #tpu.memory_space<semaphore_mem>>
    %dma_wait3A_143 = tpu.memref_squeeze %dma_wait3A_142 : memref<1x!tpu.dma_semaphore, #tpu.memory_space<semaphore_mem>> -> memref<!tpu.dma_semaphore, #tpu.memory_space<semaphore_mem>>
    %dma_wait3A_144 = arith.constant 0 : i32
    %dma_wait3A_145 = arith.constant 0 : i32
    %dma_wait3A_146 = tpu.memref_slice %arg7[%rem3A_134, %dma_wait3A_144, %dma_wait3A_145] : memref<4x8x128xi32, #tpu.memory_space<vmem>> -> memref<1x8x128xi32, #tpu.memory_space<vmem>>
    %dma_wait3A_147 = tpu.memref_squeeze %dma_wait3A_146 : memref<1x8x128xi32, #tpu.memory_space<vmem>> -> memref<8x128xi32, #tpu.memory_space<vmem>>
    %dma_wait3A_148 = arith.constant 0 : i32
    %dma_wait3A_149 = arith.constant 0 : i32
    %dma_wait3A_150 = tpu.memref_slice %arg3[%mul3A_2, %dma_wait3A_148, %dma_wait3A_149] : memref<320x8x128xi32, #tpu.memory_space<hbm>> -> memref<1x8x128xi32, #tpu.memory_space<hbm>>
    %dma_wait3A_151 = tpu.memref_squeeze %dma_wait3A_150 : memref<1x8x128xi32, #tpu.memory_space<hbm>> -> memref<8x128xi32, #tpu.memory_space<hbm>>
    tpu.wait_dma2 semaphore(%dma_wait3A_143 : memref<!tpu.dma_semaphore, #tpu.memory_space<semaphore_mem>>) src(%dma_wait3A_151 : memref<8x128xi32, #tpu.memory_space<hbm>>) dst(%dma_wait3A_147 : memref<8x128xi32, #tpu.memory_space<vmem>>)
    %dma_wait3A_152 = arith.constant 0 : i32
    %dma_wait3A_153 = arith.constant 0 : i32
    %dma_wait3A_154 = tpu.memref_slice %arg8[%rem3A_134, %dma_wait3A_152, %dma_wait3A_153] : memref<4x8x128xi32, #tpu.memory_space<vmem>> -> memref<1x8x128xi32, #tpu.memory_space<vmem>>
    %dma_wait3A_155 = tpu.memref_squeeze %dma_wait3A_154 : memref<1x8x128xi32, #tpu.memory_space<vmem>> -> memref<8x128xi32, #tpu.memory_space<vmem>>
    %dma_wait3A_156 = arith.constant 0 : i32
    %dma_wait3A_157 = arith.constant 0 : i32
    %dma_wait3A_158 = tpu.memref_slice %arg4[%mul3A_2, %dma_wait3A_156, %dma_wait3A_157] : memref<320x8x128xi32, #tpu.memory_space<hbm>> -> memref<1x8x128xi32, #tpu.memory_space<hbm>>
    %dma_wait3A_159 = tpu.memref_squeeze %dma_wait3A_158 : memref<1x8x128xi32, #tpu.memory_space<hbm>> -> memref<8x128xi32, #tpu.memory_space<hbm>>
    %dma_wait3A_160 = tpu.memref_slice %arg11[%rem3A_134] : memref<4x!tpu.dma_semaphore, #tpu.memory_space<semaphore_mem>> -> memref<1x!tpu.dma_semaphore, #tpu.memory_space<semaphore_mem>>
    %dma_wait3A_161 = tpu.memref_squeeze %dma_wait3A_160 : memref<1x!tpu.dma_semaphore, #tpu.memory_space<semaphore_mem>> -> memref<!tpu.dma_semaphore, #tpu.memory_space<semaphore_mem>>
    %dma_wait3A_162 = arith.constant 0 : i32
    %dma_wait3A_163 = arith.constant 0 : i32
    %dma_wait3A_164 = tpu.memref_slice %arg8[%rem3A_134, %dma_wait3A_162, %dma_wait3A_163] : memref<4x8x128xi32, #tpu.memory_space<vmem>> -> memref<1x8x128xi32, #tpu.memory_space<vmem>>
    %dma_wait3A_165 = tpu.memref_squeeze %dma_wait3A_164 : memref<1x8x128xi32, #tpu.memory_space<vmem>> -> memref<8x128xi32, #tpu.memory_space<vmem>>
    %dma_wait3A_166 = arith.constant 0 : i32
    %dma_wait3A_167 = arith.constant 0 : i32
    %dma_wait3A_168 = tpu.memref_slice %arg4[%mul3A_2, %dma_wait3A_166, %dma_wait3A_167] : memref<320x8x128xi32, #tpu.memory_space<hbm>> -> memref<1x8x128xi32, #tpu.memory_space<hbm>>
    %dma_wait3A_169 = tpu.memref_squeeze %dma_wait3A_168 : memref<1x8x128xi32, #tpu.memory_space<hbm>> -> memref<8x128xi32, #tpu.memory_space<hbm>>
    tpu.wait_dma2 semaphore(%dma_wait3A_161 : memref<!tpu.dma_semaphore, #tpu.memory_space<semaphore_mem>>) src(%dma_wait3A_169 : memref<8x128xi32, #tpu.memory_space<hbm>>) dst(%dma_wait3A_165 : memref<8x128xi32, #tpu.memory_space<vmem>>)
    %dma_start3A_170 = arith.constant 0 : i32
    %dma_start3A_171 = arith.constant 0 : i32
    %dma_start3A_172 = arith.constant 0 : i32
    %dma_start3A_173 = arith.constant 0 : i32
    %dma_start3A_174 = arith.constant 0 : i32
    %dma_start3A_175 = arith.constant 0 : i32
    %dma_start3A_176 = tpu.memref_slice %arg9[%dma_start3A_172, %dma_start3A_174, %dma_start3A_175] : memref<2x128x128xf32, #tpu.memory_space<vmem>> -> memref<1x128x128xf32, #tpu.memory_space<vmem>>
    %dma_start3A_177 = tpu.memref_squeeze %dma_start3A_176 : memref<1x128x128xf32, #tpu.memory_space<vmem>> -> memref<128x128xf32, #tpu.memory_space<vmem>>
    %dma_start3A_178 = arith.constant 0 : i32
    %dma_start3A_179 = tpu.memref_slice %arg7[%dma_start3A_170, %dma_start3A_171, %dma_start3A_178] : memref<4x8x128xi32, #tpu.memory_space<vmem>> -> memref<1x1x128xi32, #tpu.memory_space<vmem>>
    %dma_start3A_180 = tpu.memref_squeeze %dma_start3A_179 : memref<1x1x128xi32, #tpu.memory_space<vmem>> -> memref<128xi32, #tpu.memory_space<vmem>>
    %dma_start3A_181 = arith.constant 0 : i32
    %dma_start3A_182 = arith.constant 0 : i32
    %dma_start3A_183 = tpu.memref_slice %arg2[%dma_start3A_181, %dma_start3A_182] : memref<10112x128xf32, #tpu.memory_space<hbm>> -> memref<10112x128xf32, #tpu.memory_space<hbm>>
    %dma_start3A_184 = tpu.memref_slice %arg12[%dma_start3A_173] : memref<2x!tpu.dma_semaphore, #tpu.memory_space<semaphore_mem>> -> memref<1x!tpu.dma_semaphore, #tpu.memory_space<semaphore_mem>>
    %dma_start3A_185 = tpu.memref_squeeze %dma_start3A_184 : memref<1x!tpu.dma_semaphore, #tpu.memory_space<semaphore_mem>> -> memref<!tpu.dma_semaphore, #tpu.memory_space<semaphore_mem>>
    tpu.enqueue_indirect_dma source(%dma_start3A_183 : memref<10112x128xf32, #tpu.memory_space<hbm>>) target(%dma_start3A_177 : memref<128x128xf32, #tpu.memory_space<vmem>>) offsets(%dma_start3A_180 : memref<128xi32, #tpu.memory_space<vmem>>) semaphore(%dma_start3A_185 : memref<!tpu.dma_semaphore, #tpu.memory_space<semaphore_mem>>)
    %scan3A = arith.constant 0 : i32
    %scan3A_186 = arith.constant 0 : i32
    %scan3A_187 = arith.constant 10 : i32
    %scan3A_188 = arith.addi %scan3A_186, %scan3A_187 : i32
    %scan3A_189 = arith.constant 1 : i32
    scf.for %scan3A_215 = %scan3A_186 to %scan3A_188 step %scan3A_189  : i32 {
      %rem3A_216 = arith.constant 4 : i32
      %rem3A_217 = arith.remsi %scan3A_215, %rem3A_216 : i32
      %mul3A_218 = arith.constant 8 : i32
      %mul3A_219 = arith.muli %scan3A_215, %mul3A_218 : i32
      %add3A_220 = arith.constant 0 : i32
      %add3A_221 = arith.addi %mul3A_219, %add3A_220 : i32
      %dma_wait3A_222 = arith.constant 0 : i32
      %dma_wait3A_223 = arith.constant 0 : i32
      %dma_wait3A_224 = arith.constant 0 : i32
      %dma_wait3A_225 = arith.constant 0 : i32
      %dma_wait3A_226 = arith.constant 0 : i32
      %dma_wait3A_227 = arith.constant 0 : i32
      %dma_wait3A_228 = tpu.memref_slice %arg9[%dma_wait3A_224, %dma_wait3A_226, %dma_wait3A_227] : memref<2x128x128xf32, #tpu.memory_space<vmem>> -> memref<1x128x128xf32, #tpu.memory_space<vmem>>
      %dma_wait3A_229 = tpu.memref_squeeze %dma_wait3A_228 : memref<1x128x128xf32, #tpu.memory_space<vmem>> -> memref<128x128xf32, #tpu.memory_space<vmem>>
      %dma_wait3A_230 = arith.constant 0 : i32
      %dma_wait3A_231 = tpu.memref_slice %arg7[%dma_wait3A_222, %dma_wait3A_223, %dma_wait3A_230] : memref<4x8x128xi32, #tpu.memory_space<vmem>> -> memref<1x1x128xi32, #tpu.memory_space<vmem>>
      %dma_wait3A_232 = tpu.memref_squeeze %dma_wait3A_231 : memref<1x1x128xi32, #tpu.memory_space<vmem>> -> memref<128xi32, #tpu.memory_space<vmem>>
      %dma_wait3A_233 = arith.constant 0 : i32
      %dma_wait3A_234 = arith.constant 0 : i32
      %dma_wait3A_235 = tpu.memref_slice %arg2[%dma_wait3A_233, %dma_wait3A_234] : memref<10112x128xf32, #tpu.memory_space<hbm>> -> memref<10112x128xf32, #tpu.memory_space<hbm>>
      %dma_wait3A_236 = tpu.memref_slice %arg12[%dma_wait3A_225] : memref<2x!tpu.dma_semaphore, #tpu.memory_space<semaphore_mem>> -> memref<1x!tpu.dma_semaphore, #tpu.memory_space<semaphore_mem>>
      %dma_wait3A_237 = tpu.memref_squeeze %dma_wait3A_236 : memref<1x!tpu.dma_semaphore, #tpu.memory_space<semaphore_mem>> -> memref<!tpu.dma_semaphore, #tpu.memory_space<semaphore_mem>>
      tpu.wait_indirect_dma semaphore(%dma_wait3A_237 : memref<!tpu.dma_semaphore, #tpu.memory_space<semaphore_mem>>) src(%dma_wait3A_235 : memref<10112x128xf32, #tpu.memory_space<hbm>>) dst(%dma_wait3A_229 : memref<128x128xf32, #tpu.memory_space<vmem>>)
      %dma_start3A_238 = arith.constant 0 : i32
      %dma_start3A_239 = arith.constant 0 : i32
      %dma_start3A_240 = arith.constant 0 : i32
      %dma_start3A_241 = arith.constant 0 : i32
      %dma_start3A_242 = arith.constant 0 : i32
      %dma_start3A_243 = tpu.memref_slice %arg9[%dma_start3A_238, %dma_start3A_241, %dma_start3A_242] : memref<2x128x128xf32, #tpu.memory_space<vmem>> -> memref<1x128x128xf32, #tpu.memory_space<vmem>>
      %dma_start3A_244 = tpu.memref_squeeze %dma_start3A_243 : memref<1x128x128xf32, #tpu.memory_space<vmem>> -> memref<128x128xf32, #tpu.memory_space<vmem>>
      %dma_start3A_245 = arith.constant 0 : i32
      %dma_start3A_246 = tpu.memref_slice %arg8[%rem3A_217, %dma_start3A_239, %dma_start3A_245] : memref<4x8x128xi32, #tpu.memory_space<vmem>> -> memref<1x1x128xi32, #tpu.memory_space<vmem>>
      %dma_start3A_247 = tpu.memref_squeeze %dma_start3A_246 : memref<1x1x128xi32, #tpu.memory_space<vmem>> -> memref<128xi32, #tpu.memory_space<vmem>>
      %dma_start3A_248 = arith.constant 0 : i32
      %dma_start3A_249 = arith.constant 0 : i32
      %dma_start3A_250 = tpu.memref_slice %arg10[%dma_start3A_248, %dma_start3A_249] : memref<10112x128xf32, #tpu.memory_space<vmem_shared>> -> memref<10112x128xf32, #tpu.memory_space<vmem_shared>>
      %dma_start3A_251 = tpu.memref_slice %arg13[%dma_start3A_240] : memref<2x!tpu.dma_semaphore, #tpu.memory_space<semaphore_mem>> -> memref<1x!tpu.dma_semaphore, #tpu.memory_space<semaphore_mem>>
      %dma_start3A_252 = tpu.memref_squeeze %dma_start3A_251 : memref<1x!tpu.dma_semaphore, #tpu.memory_space<semaphore_mem>> -> memref<!tpu.dma_semaphore, #tpu.memory_space<semaphore_mem>>
      tpu.enqueue_indirect_dma source(%dma_start3A_244 : memref<128x128xf32, #tpu.memory_space<vmem>>) target(%dma_start3A_250 : memref<10112x128xf32, #tpu.memory_space<vmem_shared>>) offsets(%dma_start3A_247 : memref<128xi32, #tpu.memory_space<vmem>>) semaphore(%dma_start3A_252 : memref<!tpu.dma_semaphore, #tpu.memory_space<semaphore_mem>>) {add = true}
      %ge3A = arith.constant 1 : i32
      %ge3A_253 = arith.cmpi sge, %add3A_221, %ge3A : i32
      %convert_element_type3A = arith.extui %ge3A_253 : i1 to i32
      %cond3A = arith.constant 0 : i32
      %cond3A_254 = arith.cmpi ne, %convert_element_type3A, %cond3A : i32
      scf.if %cond3A_254 {
        %dma_wait3A_604 = arith.constant 1 : i32
        %dma_wait3A_605 = arith.constant 0 : i32
        %dma_wait3A_606 = arith.constant 0 : i32
        %dma_wait3A_607 = arith.constant 1 : i32
        %dma_wait3A_608 = arith.constant 0 : i32
        %dma_wait3A_609 = arith.constant 0 : i32
        %dma_wait3A_610 = tpu.memref_slice %arg9[%dma_wait3A_604, %dma_wait3A_608, %dma_wait3A_609] : memref<2x128x128xf32, #tpu.memory_space<vmem>> -> memref<1x128x128xf32, #tpu.memory_space<vmem>>
        %dma_wait3A_611 = tpu.memref_squeeze %dma_wait3A_610 : memref<1x128x128xf32, #tpu.memory_space<vmem>> -> memref<128x128xf32, #tpu.memory_space<vmem>>
        %dma_wait3A_612 = arith.constant 0 : i32
        %dma_wait3A_613 = tpu.memref_slice %arg8[%dma_wait3A_605, %dma_wait3A_606, %dma_wait3A_612] : memref<4x8x128xi32, #tpu.memory_space<vmem>> -> memref<1x1x128xi32, #tpu.memory_space<vmem>>
        %dma_wait3A_614 = tpu.memref_squeeze %dma_wait3A_613 : memref<1x1x128xi32, #tpu.memory_space<vmem>> -> memref<128xi32, #tpu.memory_space<vmem>>
        %dma_wait3A_615 = arith.constant 0 : i32
        %dma_wait3A_616 = arith.constant 0 : i32
        %dma_wait3A_617 = tpu.memref_slice %arg10[%dma_wait3A_615, %dma_wait3A_616] : memref<10112x128xf32, #tpu.memory_space<vmem_shared>> -> memref<10112x128xf32, #tpu.memory_space<vmem_shared>>
        %dma_wait3A_618 = tpu.memref_slice %arg13[%dma_wait3A_607] : memref<2x!tpu.dma_semaphore, #tpu.memory_space<semaphore_mem>> -> memref<1x!tpu.dma_semaphore, #tpu.memory_space<semaphore_mem>>
        %dma_wait3A_619 = tpu.memref_squeeze %dma_wait3A_618 : memref<1x!tpu.dma_semaphore, #tpu.memory_space<semaphore_mem>> -> memref<!tpu.dma_semaphore, #tpu.memory_space<semaphore_mem>>
        tpu.wait_indirect_dma semaphore(%dma_wait3A_619 : memref<!tpu.dma_semaphore, #tpu.memory_space<semaphore_mem>>) src(%dma_wait3A_611 : memref<128x128xf32, #tpu.memory_space<vmem>>) dst(%dma_wait3A_617 : memref<10112x128xf32, #tpu.memory_space<vmem_shared>>)
      } else {
      }
      %add3A_255 = arith.constant 1 : i32
      %add3A_256 = arith.addi %add3A_221, %add3A_255 : i32
      %lt3A = arith.constant 80 : i32
      %lt3A_257 = arith.cmpi slt, %add3A_256, %lt3A : i32
      %convert_element_type3A_258 = arith.extui %lt3A_257 : i1 to i32
      %cond3A_259 = arith.constant 0 : i32
      %cond3A_260 = arith.cmpi ne, %convert_element_type3A_258, %cond3A_259 : i32
      scf.if %cond3A_260 {
        %add3A_604 = arith.constant 1 : i32
        %add3A_605 = arith.addi %add3A_221, %add3A_604 : i32
        %jit3A = arith.constant 8 : i32
        %div3A = arith.divsi %add3A_605, %jit3A : i32
        %sign3A = arith.constant 0 : i32
        %sign3A_606 = arith.cmpi sgt, %add3A_605, %sign3A : i32
        %sign3A_607 = arith.extui %sign3A_606 : i1 to i32
        %sign3A_608 = arith.constant 0 : i32
        %sign3A_609 = arith.cmpi slt, %add3A_605, %sign3A_608 : i32
        %sign3A_610 = arith.extui %sign3A_609 : i1 to i32
        %sign3A_611 = arith.subi %sign3A_607, %sign3A_610 : i32
        %sign3A_612 = arith.constant 0 : i32
        %sign3A_613 = arith.cmpi sgt, %jit3A, %sign3A_612 : i32
        %sign3A_614 = arith.extui %sign3A_613 : i1 to i32
        %sign3A_615 = arith.constant 0 : i32
        %sign3A_616 = arith.cmpi slt, %jit3A, %sign3A_615 : i32
        %sign3A_617 = arith.extui %sign3A_616 : i1 to i32
        %sign3A_618 = arith.subi %sign3A_614, %sign3A_617 : i32
        %ne3A = arith.cmpi ne, %sign3A_611, %sign3A_618 : i32
        %rem3A_619 = arith.remsi %add3A_605, %jit3A : i32
        %ne3A_620 = arith.constant 0 : i32
        %ne3A_621 = arith.cmpi ne, %rem3A_619, %ne3A_620 : i32
        %and3A = arith.andi %ne3A, %ne3A_621 : i1
        %sub3A = arith.constant 1 : i32
        %sub3A_622 = arith.subi %div3A, %sub3A : i32
        %select_n3A = arith.select %and3A, %sub3A_622, %div3A : i32
        %rem3A_623 = arith.constant 4 : i32
        %rem3A_624 = arith.remsi %select_n3A, %rem3A_623 : i32
        %dma_start3A_625 = arith.constant 1 : i32
        %dma_start3A_626 = arith.constant 1 : i32
        %dma_start3A_627 = arith.constant 1 : i32
        %dma_start3A_628 = arith.constant 0 : i32
        %dma_start3A_629 = arith.constant 0 : i32
        %dma_start3A_630 = tpu.memref_slice %arg9[%dma_start3A_626, %dma_start3A_628, %dma_start3A_629] : memref<2x128x128xf32, #tpu.memory_space<vmem>> -> memref<1x128x128xf32, #tpu.memory_space<vmem>>
        %dma_start3A_631 = tpu.memref_squeeze %dma_start3A_630 : memref<1x128x128xf32, #tpu.memory_space<vmem>> -> memref<128x128xf32, #tpu.memory_space<vmem>>
        %dma_start3A_632 = arith.constant 0 : i32
        %dma_start3A_633 = tpu.memref_slice %arg7[%rem3A_624, %dma_start3A_625, %dma_start3A_632] : memref<4x8x128xi32, #tpu.memory_space<vmem>> -> memref<1x1x128xi32, #tpu.memory_space<vmem>>
        %dma_start3A_634 = tpu.memref_squeeze %dma_start3A_633 : memref<1x1x128xi32, #tpu.memory_space<vmem>> -> memref<128xi32, #tpu.memory_space<vmem>>
        %dma_start3A_635 = arith.constant 0 : i32
        %dma_start3A_636 = arith.constant 0 : i32
        %dma_start3A_637 = tpu.memref_slice %arg2[%dma_start3A_635, %dma_start3A_636] : memref<10112x128xf32, #tpu.memory_space<hbm>> -> memref<10112x128xf32, #tpu.memory_space<hbm>>
        %dma_start3A_638 = tpu.memref_slice %arg12[%dma_start3A_627] : memref<2x!tpu.dma_semaphore, #tpu.memory_space<semaphore_mem>> -> memref<1x!tpu.dma_semaphore, #tpu.memory_space<semaphore_mem>>
        %dma_start3A_639 = tpu.memref_squeeze %dma_start3A_638 : memref<1x!tpu.dma_semaphore, #tpu.memory_space<semaphore_mem>> -> memref<!tpu.dma_semaphore, #tpu.memory_space<semaphore_mem>>
        tpu.enqueue_indirect_dma source(%dma_start3A_637 : memref<10112x128xf32, #tpu.memory_space<hbm>>) target(%dma_start3A_631 : memref<128x128xf32, #tpu.memory_space<vmem>>) offsets(%dma_start3A_634 : memref<128xi32, #tpu.memory_space<vmem>>) semaphore(%dma_start3A_639 : memref<!tpu.dma_semaphore, #tpu.memory_space<semaphore_mem>>)
      } else {
      }
      %mul3A_261 = arith.constant 8 : i32
      %mul3A_262 = arith.muli %scan3A_215, %mul3A_261 : i32
      %add3A_263 = arith.constant 1 : i32
      %add3A_264 = arith.addi %mul3A_262, %add3A_263 : i32
      %dma_wait3A_265 = arith.constant 0 : i32
      %dma_wait3A_266 = arith.constant 0 : i32
      %dma_wait3A_267 = arith.constant 1 : i32
      %dma_wait3A_268 = arith.constant 1 : i32
      %dma_wait3A_269 = arith.constant 0 : i32
      %dma_wait3A_270 = arith.constant 0 : i32
      %dma_wait3A_271 = tpu.memref_slice %arg9[%dma_wait3A_267, %dma_wait3A_269, %dma_wait3A_270] : memref<2x128x128xf32, #tpu.memory_space<vmem>> -> memref<1x128x128xf32, #tpu.memory_space<vmem>>
      %dma_wait3A_272 = tpu.memref_squeeze %dma_wait3A_271 : memref<1x128x128xf32, #tpu.memory_space<vmem>> -> memref<128x128xf32, #tpu.memory_space<vmem>>
      %dma_wait3A_273 = arith.constant 0 : i32
      %dma_wait3A_274 = tpu.memref_slice %arg7[%dma_wait3A_265, %dma_wait3A_266, %dma_wait3A_273] : memref<4x8x128xi32, #tpu.memory_space<vmem>> -> memref<1x1x128xi32, #tpu.memory_space<vmem>>
      %dma_wait3A_275 = tpu.memref_squeeze %dma_wait3A_274 : memref<1x1x128xi32, #tpu.memory_space<vmem>> -> memref<128xi32, #tpu.memory_space<vmem>>
      %dma_wait3A_276 = arith.constant 0 : i32
      %dma_wait3A_277 = arith.constant 0 : i32
      %dma_wait3A_278 = tpu.memref_slice %arg2[%dma_wait3A_276, %dma_wait3A_277] : memref<10112x128xf32, #tpu.memory_space<hbm>> -> memref<10112x128xf32, #tpu.memory_space<hbm>>
      %dma_wait3A_279 = tpu.memref_slice %arg12[%dma_wait3A_268] : memref<2x!tpu.dma_semaphore, #tpu.memory_space<semaphore_mem>> -> memref<1x!tpu.dma_semaphore, #tpu.memory_space<semaphore_mem>>
      %dma_wait3A_280 = tpu.memref_squeeze %dma_wait3A_279 : memref<1x!tpu.dma_semaphore, #tpu.memory_space<semaphore_mem>> -> memref<!tpu.dma_semaphore, #tpu.memory_space<semaphore_mem>>
      tpu.wait_indirect_dma semaphore(%dma_wait3A_280 : memref<!tpu.dma_semaphore, #tpu.memory_space<semaphore_mem>>) src(%dma_wait3A_278 : memref<10112x128xf32, #tpu.memory_space<hbm>>) dst(%dma_wait3A_272 : memref<128x128xf32, #tpu.memory_space<vmem>>)
      %dma_start3A_281 = arith.constant 1 : i32
      %dma_start3A_282 = arith.constant 1 : i32
      %dma_start3A_283 = arith.constant 1 : i32
      %dma_start3A_284 = arith.constant 0 : i32
      %dma_start3A_285 = arith.constant 0 : i32
      %dma_start3A_286 = tpu.memref_slice %arg9[%dma_start3A_281, %dma_start3A_284, %dma_start3A_285] : memref<2x128x128xf32, #tpu.memory_space<vmem>> -> memref<1x128x128xf32, #tpu.memory_space<vmem>>
      %dma_start3A_287 = tpu.memref_squeeze %dma_start3A_286 : memref<1x128x128xf32, #tpu.memory_space<vmem>> -> memref<128x128xf32, #tpu.memory_space<vmem>>
      %dma_start3A_288 = arith.constant 0 : i32
      %dma_start3A_289 = tpu.memref_slice %arg8[%rem3A_217, %dma_start3A_282, %dma_start3A_288] : memref<4x8x128xi32, #tpu.memory_space<vmem>> -> memref<1x1x128xi32, #tpu.memory_space<vmem>>
      %dma_start3A_290 = tpu.memref_squeeze %dma_start3A_289 : memref<1x1x128xi32, #tpu.memory_space<vmem>> -> memref<128xi32, #tpu.memory_space<vmem>>
      %dma_start3A_291 = arith.constant 0 : i32
      %dma_start3A_292 = arith.constant 0 : i32
      %dma_start3A_293 = tpu.memref_slice %arg10[%dma_start3A_291, %dma_start3A_292] : memref<10112x128xf32, #tpu.memory_space<vmem_shared>> -> memref<10112x128xf32, #tpu.memory_space<vmem_shared>>
      %dma_start3A_294 = tpu.memref_slice %arg13[%dma_start3A_283] : memref<2x!tpu.dma_semaphore, #tpu.memory_space<semaphore_mem>> -> memref<1x!tpu.dma_semaphore, #tpu.memory_space<semaphore_mem>>
      %dma_start3A_295 = tpu.memref_squeeze %dma_start3A_294 : memref<1x!tpu.dma_semaphore, #tpu.memory_space<semaphore_mem>> -> memref<!tpu.dma_semaphore, #tpu.memory_space<semaphore_mem>>
      tpu.enqueue_indirect_dma source(%dma_start3A_287 : memref<128x128xf32, #tpu.memory_space<vmem>>) target(%dma_start3A_293 : memref<10112x128xf32, #tpu.memory_space<vmem_shared>>) offsets(%dma_start3A_290 : memref<128xi32, #tpu.memory_space<vmem>>) semaphore(%dma_start3A_295 : memref<!tpu.dma_semaphore, #tpu.memory_space<semaphore_mem>>) {add = true}
      %ge3A_296 = arith.constant 1 : i32
      %ge3A_297 = arith.cmpi sge, %add3A_264, %ge3A_296 : i32
      %convert_element_type3A_298 = arith.extui %ge3A_297 : i1 to i32
      %cond3A_299 = arith.constant 0 : i32
      %cond3A_300 = arith.cmpi ne, %convert_element_type3A_298, %cond3A_299 : i32
      scf.if %cond3A_300 {
        %dma_wait3A_604 = arith.constant 0 : i32
        %dma_wait3A_605 = arith.constant 0 : i32
        %dma_wait3A_606 = arith.constant 0 : i32
        %dma_wait3A_607 = arith.constant 0 : i32
        %dma_wait3A_608 = arith.constant 0 : i32
        %dma_wait3A_609 = arith.constant 0 : i32
        %dma_wait3A_610 = tpu.memref_slice %arg9[%dma_wait3A_604, %dma_wait3A_608, %dma_wait3A_609] : memref<2x128x128xf32, #tpu.memory_space<vmem>> -> memref<1x128x128xf32, #tpu.memory_space<vmem>>
        %dma_wait3A_611 = tpu.memref_squeeze %dma_wait3A_610 : memref<1x128x128xf32, #tpu.memory_space<vmem>> -> memref<128x128xf32, #tpu.memory_space<vmem>>
        %dma_wait3A_612 = arith.constant 0 : i32
        %dma_wait3A_613 = tpu.memref_slice %arg8[%dma_wait3A_605, %dma_wait3A_606, %dma_wait3A_612] : memref<4x8x128xi32, #tpu.memory_space<vmem>> -> memref<1x1x128xi32, #tpu.memory_space<vmem>>
        %dma_wait3A_614 = tpu.memref_squeeze %dma_wait3A_613 : memref<1x1x128xi32, #tpu.memory_space<vmem>> -> memref<128xi32, #tpu.memory_space<vmem>>
        %dma_wait3A_615 = arith.constant 0 : i32
        %dma_wait3A_616 = arith.constant 0 : i32
        %dma_wait3A_617 = tpu.memref_slice %arg10[%dma_wait3A_615, %dma_wait3A_616] : memref<10112x128xf32, #tpu.memory_space<vmem_shared>> -> memref<10112x128xf32, #tpu.memory_space<vmem_shared>>
        %dma_wait3A_618 = tpu.memref_slice %arg13[%dma_wait3A_607] : memref<2x!tpu.dma_semaphore, #tpu.memory_space<semaphore_mem>> -> memref<1x!tpu.dma_semaphore, #tpu.memory_space<semaphore_mem>>
        %dma_wait3A_619 = tpu.memref_squeeze %dma_wait3A_618 : memref<1x!tpu.dma_semaphore, #tpu.memory_space<semaphore_mem>> -> memref<!tpu.dma_semaphore, #tpu.memory_space<semaphore_mem>>
        tpu.wait_indirect_dma semaphore(%dma_wait3A_619 : memref<!tpu.dma_semaphore, #tpu.memory_space<semaphore_mem>>) src(%dma_wait3A_611 : memref<128x128xf32, #tpu.memory_space<vmem>>) dst(%dma_wait3A_617 : memref<10112x128xf32, #tpu.memory_space<vmem_shared>>)
      } else {
      }
      %add3A_301 = arith.constant 1 : i32
      %add3A_302 = arith.addi %add3A_264, %add3A_301 : i32
      %lt3A_303 = arith.constant 80 : i32
      %lt3A_304 = arith.cmpi slt, %add3A_302, %lt3A_303 : i32
      %convert_element_type3A_305 = arith.extui %lt3A_304 : i1 to i32
      %cond3A_306 = arith.constant 0 : i32
      %cond3A_307 = arith.cmpi ne, %convert_element_type3A_305, %cond3A_306 : i32
      scf.if %cond3A_307 {
        %add3A_604 = arith.constant 1 : i32
        %add3A_605 = arith.addi %add3A_264, %add3A_604 : i32
        %jit3A = arith.constant 8 : i32
        %div3A = arith.divsi %add3A_605, %jit3A : i32
        %sign3A = arith.constant 0 : i32
        %sign3A_606 = arith.cmpi sgt, %add3A_605, %sign3A : i32
        %sign3A_607 = arith.extui %sign3A_606 : i1 to i32
        %sign3A_608 = arith.constant 0 : i32
        %sign3A_609 = arith.cmpi slt, %add3A_605, %sign3A_608 : i32
        %sign3A_610 = arith.extui %sign3A_609 : i1 to i32
        %sign3A_611 = arith.subi %sign3A_607, %sign3A_610 : i32
        %sign3A_612 = arith.constant 0 : i32
        %sign3A_613 = arith.cmpi sgt, %jit3A, %sign3A_612 : i32
        %sign3A_614 = arith.extui %sign3A_613 : i1 to i32
        %sign3A_615 = arith.constant 0 : i32
        %sign3A_616 = arith.cmpi slt, %jit3A, %sign3A_615 : i32
        %sign3A_617 = arith.extui %sign3A_616 : i1 to i32
        %sign3A_618 = arith.subi %sign3A_614, %sign3A_617 : i32
        %ne3A = arith.cmpi ne, %sign3A_611, %sign3A_618 : i32
        %rem3A_619 = arith.remsi %add3A_605, %jit3A : i32
        %ne3A_620 = arith.constant 0 : i32
        %ne3A_621 = arith.cmpi ne, %rem3A_619, %ne3A_620 : i32
        %and3A = arith.andi %ne3A, %ne3A_621 : i1
        %sub3A = arith.constant 1 : i32
        %sub3A_622 = arith.subi %div3A, %sub3A : i32
        %select_n3A = arith.select %and3A, %sub3A_622, %div3A : i32
        %rem3A_623 = arith.constant 4 : i32
        %rem3A_624 = arith.remsi %select_n3A, %rem3A_623 : i32
        %dma_start3A_625 = arith.constant 2 : i32
        %dma_start3A_626 = arith.constant 0 : i32
        %dma_start3A_627 = arith.constant 0 : i32
        %dma_start3A_628 = arith.constant 0 : i32
        %dma_start3A_629 = arith.constant 0 : i32
        %dma_start3A_630 = tpu.memref_slice %arg9[%dma_start3A_626, %dma_start3A_628, %dma_start3A_629] : memref<2x128x128xf32, #tpu.memory_space<vmem>> -> memref<1x128x128xf32, #tpu.memory_space<vmem>>
        %dma_start3A_631 = tpu.memref_squeeze %dma_start3A_630 : memref<1x128x128xf32, #tpu.memory_space<vmem>> -> memref<128x128xf32, #tpu.memory_space<vmem>>
        %dma_start3A_632 = arith.constant 0 : i32
        %dma_start3A_633 = tpu.memref_slice %arg7[%rem3A_624, %dma_start3A_625, %dma_start3A_632] : memref<4x8x128xi32, #tpu.memory_space<vmem>> -> memref<1x1x128xi32, #tpu.memory_space<vmem>>
        %dma_start3A_634 = tpu.memref_squeeze %dma_start3A_633 : memref<1x1x128xi32, #tpu.memory_space<vmem>> -> memref<128xi32, #tpu.memory_space<vmem>>
        %dma_start3A_635 = arith.constant 0 : i32
        %dma_start3A_636 = arith.constant 0 : i32
        %dma_start3A_637 = tpu.memref_slice %arg2[%dma_start3A_635, %dma_start3A_636] : memref<10112x128xf32, #tpu.memory_space<hbm>> -> memref<10112x128xf32, #tpu.memory_space<hbm>>
        %dma_start3A_638 = tpu.memref_slice %arg12[%dma_start3A_627] : memref<2x!tpu.dma_semaphore, #tpu.memory_space<semaphore_mem>> -> memref<1x!tpu.dma_semaphore, #tpu.memory_space<semaphore_mem>>
        %dma_start3A_639 = tpu.memref_squeeze %dma_start3A_638 : memref<1x!tpu.dma_semaphore, #tpu.memory_space<semaphore_mem>> -> memref<!tpu.dma_semaphore, #tpu.memory_space<semaphore_mem>>
        tpu.enqueue_indirect_dma source(%dma_start3A_637 : memref<10112x128xf32, #tpu.memory_space<hbm>>) target(%dma_start3A_631 : memref<128x128xf32, #tpu.memory_space<vmem>>) offsets(%dma_start3A_634 : memref<128xi32, #tpu.memory_space<vmem>>) semaphore(%dma_start3A_639 : memref<!tpu.dma_semaphore, #tpu.memory_space<semaphore_mem>>)
      } else {
      }
      %mul3A_308 = arith.constant 8 : i32
      %mul3A_309 = arith.muli %scan3A_215, %mul3A_308 : i32
      %add3A_310 = arith.constant 2 : i32
      %add3A_311 = arith.addi %mul3A_309, %add3A_310 : i32
      %add3A_312 = arith.constant 3 : i32
      %add3A_313 = arith.addi %scan3A_215, %add3A_312 : i32
      %lt3A_314 = arith.constant 10 : i32
      %lt3A_315 = arith.cmpi slt, %add3A_313, %lt3A_314 : i32
      %convert_element_type3A_316 = arith.extui %lt3A_315 : i1 to i32
      %cond3A_317 = arith.constant 0 : i32
      %cond3A_318 = arith.cmpi ne, %convert_element_type3A_316, %cond3A_317 : i32
      scf.if %cond3A_318 {
        %add3A_604 = arith.constant 3 : i32
        %add3A_605 = arith.addi %scan3A_215, %add3A_604 : i32
        %rem3A_606 = arith.constant 4 : i32
        %rem3A_607 = arith.remsi %add3A_605, %rem3A_606 : i32
        %add3A_608 = arith.addi %mul3A_2, %add3A_605 : i32
        %dma_start3A_609 = arith.constant 0 : i32
        %dma_start3A_610 = arith.constant 0 : i32
        %dma_start3A_611 = tpu.memref_slice %arg7[%rem3A_607, %dma_start3A_609, %dma_start3A_610] : memref<4x8x128xi32, #tpu.memory_space<vmem>> -> memref<1x8x128xi32, #tpu.memory_space<vmem>>
        %dma_start3A_612 = tpu.memref_squeeze %dma_start3A_611 : memref<1x8x128xi32, #tpu.memory_space<vmem>> -> memref<8x128xi32, #tpu.memory_space<vmem>>
        %dma_start3A_613 = arith.constant 0 : i32
        %dma_start3A_614 = arith.constant 0 : i32
        %dma_start3A_615 = tpu.memref_slice %arg3[%add3A_608, %dma_start3A_613, %dma_start3A_614] : memref<320x8x128xi32, #tpu.memory_space<hbm>> -> memref<1x8x128xi32, #tpu.memory_space<hbm>>
        %dma_start3A_616 = tpu.memref_squeeze %dma_start3A_615 : memref<1x8x128xi32, #tpu.memory_space<hbm>> -> memref<8x128xi32, #tpu.memory_space<hbm>>
        %dma_start3A_617 = tpu.memref_slice %arg11[%rem3A_607] : memref<4x!tpu.dma_semaphore, #tpu.memory_space<semaphore_mem>> -> memref<1x!tpu.dma_semaphore, #tpu.memory_space<semaphore_mem>>
        %dma_start3A_618 = tpu.memref_squeeze %dma_start3A_617 : memref<1x!tpu.dma_semaphore, #tpu.memory_space<semaphore_mem>> -> memref<!tpu.dma_semaphore, #tpu.memory_space<semaphore_mem>>
        %dma_start3A_619 = arith.constant 0 : i32
        %dma_start3A_620 = arith.constant 0 : i32
        %dma_start3A_621 = tpu.memref_slice %arg7[%rem3A_607, %dma_start3A_619, %dma_start3A_620] : memref<4x8x128xi32, #tpu.memory_space<vmem>> -> memref<1x8x128xi32, #tpu.memory_space<vmem>>
        %dma_start3A_622 = tpu.memref_squeeze %dma_start3A_621 : memref<1x8x128xi32, #tpu.memory_space<vmem>> -> memref<8x128xi32, #tpu.memory_space<vmem>>
        %dma_start3A_623 = arith.constant 0 : i32
        %dma_start3A_624 = arith.constant 0 : i32
        %dma_start3A_625 = tpu.memref_slice %arg3[%add3A_608, %dma_start3A_623, %dma_start3A_624] : memref<320x8x128xi32, #tpu.memory_space<hbm>> -> memref<1x8x128xi32, #tpu.memory_space<hbm>>
        %dma_start3A_626 = tpu.memref_squeeze %dma_start3A_625 : memref<1x8x128xi32, #tpu.memory_space<hbm>> -> memref<8x128xi32, #tpu.memory_space<hbm>>
        tpu.enqueue_dma source(%dma_start3A_626 : memref<8x128xi32, #tpu.memory_space<hbm>>) target(%dma_start3A_622 : memref<8x128xi32, #tpu.memory_space<vmem>>) target_semaphore(%dma_start3A_618 : memref<!tpu.dma_semaphore, #tpu.memory_space<semaphore_mem>>)
        %add3A_627 = arith.addi %mul3A_2, %add3A_605 : i32
        %dma_start3A_628 = arith.constant 0 : i32
        %dma_start3A_629 = arith.constant 0 : i32
        %dma_start3A_630 = tpu.memref_slice %arg8[%rem3A_607, %dma_start3A_628, %dma_start3A_629] : memref<4x8x128xi32, #tpu.memory_space<vmem>> -> memref<1x8x128xi32, #tpu.memory_space<vmem>>
        %dma_start3A_631 = tpu.memref_squeeze %dma_start3A_630 : memref<1x8x128xi32, #tpu.memory_space<vmem>> -> memref<8x128xi32, #tpu.memory_space<vmem>>
        %dma_start3A_632 = arith.constant 0 : i32
        %dma_start3A_633 = arith.constant 0 : i32
        %dma_start3A_634 = tpu.memref_slice %arg4[%add3A_627, %dma_start3A_632, %dma_start3A_633] : memref<320x8x128xi32, #tpu.memory_space<hbm>> -> memref<1x8x128xi32, #tpu.memory_space<hbm>>
        %dma_start3A_635 = tpu.memref_squeeze %dma_start3A_634 : memref<1x8x128xi32, #tpu.memory_space<hbm>> -> memref<8x128xi32, #tpu.memory_space<hbm>>
        %dma_start3A_636 = tpu.memref_slice %arg11[%rem3A_607] : memref<4x!tpu.dma_semaphore, #tpu.memory_space<semaphore_mem>> -> memref<1x!tpu.dma_semaphore, #tpu.memory_space<semaphore_mem>>
        %dma_start3A_637 = tpu.memref_squeeze %dma_start3A_636 : memref<1x!tpu.dma_semaphore, #tpu.memory_space<semaphore_mem>> -> memref<!tpu.dma_semaphore, #tpu.memory_space<semaphore_mem>>
        %dma_start3A_638 = arith.constant 0 : i32
        %dma_start3A_639 = arith.constant 0 : i32
        %dma_start3A_640 = tpu.memref_slice %arg8[%rem3A_607, %dma_start3A_638, %dma_start3A_639] : memref<4x8x128xi32, #tpu.memory_space<vmem>> -> memref<1x8x128xi32, #tpu.memory_space<vmem>>
        %dma_start3A_641 = tpu.memref_squeeze %dma_start3A_640 : memref<1x8x128xi32, #tpu.memory_space<vmem>> -> memref<8x128xi32, #tpu.memory_space<vmem>>
        %dma_start3A_642 = arith.constant 0 : i32
        %dma_start3A_643 = arith.constant 0 : i32
        %dma_start3A_644 = tpu.memref_slice %arg4[%add3A_627, %dma_start3A_642, %dma_start3A_643] : memref<320x8x128xi32, #tpu.memory_space<hbm>> -> memref<1x8x128xi32, #tpu.memory_space<hbm>>
        %dma_start3A_645 = tpu.memref_squeeze %dma_start3A_644 : memref<1x8x128xi32, #tpu.memory_space<hbm>> -> memref<8x128xi32, #tpu.memory_space<hbm>>
        tpu.enqueue_dma source(%dma_start3A_645 : memref<8x128xi32, #tpu.memory_space<hbm>>) target(%dma_start3A_641 : memref<8x128xi32, #tpu.memory_space<vmem>>) target_semaphore(%dma_start3A_637 : memref<!tpu.dma_semaphore, #tpu.memory_space<semaphore_mem>>)
      } else {
      }
      %dma_wait3A_319 = arith.constant 0 : i32
      %dma_wait3A_320 = arith.constant 0 : i32
      %dma_wait3A_321 = arith.constant 0 : i32
      %dma_wait3A_322 = arith.constant 0 : i32
      %dma_wait3A_323 = arith.constant 0 : i32
      %dma_wait3A_324 = arith.constant 0 : i32
      %dma_wait3A_325 = tpu.memref_slice %arg9[%dma_wait3A_321, %dma_wait3A_323, %dma_wait3A_324] : memref<2x128x128xf32, #tpu.memory_space<vmem>> -> memref<1x128x128xf32, #tpu.memory_space<vmem>>
      %dma_wait3A_326 = tpu.memref_squeeze %dma_wait3A_325 : memref<1x128x128xf32, #tpu.memory_space<vmem>> -> memref<128x128xf32, #tpu.memory_space<vmem>>
      %dma_wait3A_327 = arith.constant 0 : i32
      %dma_wait3A_328 = tpu.memref_slice %arg7[%dma_wait3A_319, %dma_wait3A_320, %dma_wait3A_327] : memref<4x8x128xi32, #tpu.memory_space<vmem>> -> memref<1x1x128xi32, #tpu.memory_space<vmem>>
      %dma_wait3A_329 = tpu.memref_squeeze %dma_wait3A_328 : memref<1x1x128xi32, #tpu.memory_space<vmem>> -> memref<128xi32, #tpu.memory_space<vmem>>
      %dma_wait3A_330 = arith.constant 0 : i32
      %dma_wait3A_331 = arith.constant 0 : i32
      %dma_wait3A_332 = tpu.memref_slice %arg2[%dma_wait3A_330, %dma_wait3A_331] : memref<10112x128xf32, #tpu.memory_space<hbm>> -> memref<10112x128xf32, #tpu.memory_space<hbm>>
      %dma_wait3A_333 = tpu.memref_slice %arg12[%dma_wait3A_322] : memref<2x!tpu.dma_semaphore, #tpu.memory_space<semaphore_mem>> -> memref<1x!tpu.dma_semaphore, #tpu.memory_space<semaphore_mem>>
      %dma_wait3A_334 = tpu.memref_squeeze %dma_wait3A_333 : memref<1x!tpu.dma_semaphore, #tpu.memory_space<semaphore_mem>> -> memref<!tpu.dma_semaphore, #tpu.memory_space<semaphore_mem>>
      tpu.wait_indirect_dma semaphore(%dma_wait3A_334 : memref<!tpu.dma_semaphore, #tpu.memory_space<semaphore_mem>>) src(%dma_wait3A_332 : memref<10112x128xf32, #tpu.memory_space<hbm>>) dst(%dma_wait3A_326 : memref<128x128xf32, #tpu.memory_space<vmem>>)
      %dma_start3A_335 = arith.constant 0 : i32
      %dma_start3A_336 = arith.constant 2 : i32
      %dma_start3A_337 = arith.constant 0 : i32
      %dma_start3A_338 = arith.constant 0 : i32
      %dma_start3A_339 = arith.constant 0 : i32
      %dma_start3A_340 = tpu.memref_slice %arg9[%dma_start3A_335, %dma_start3A_338, %dma_start3A_339] : memref<2x128x128xf32, #tpu.memory_space<vmem>> -> memref<1x128x128xf32, #tpu.memory_space<vmem>>
      %dma_start3A_341 = tpu.memref_squeeze %dma_start3A_340 : memref<1x128x128xf32, #tpu.memory_space<vmem>> -> memref<128x128xf32, #tpu.memory_space<vmem>>
      %dma_start3A_342 = arith.constant 0 : i32
      %dma_start3A_343 = tpu.memref_slice %arg8[%rem3A_217, %dma_start3A_336, %dma_start3A_342] : memref<4x8x128xi32, #tpu.memory_space<vmem>> -> memref<1x1x128xi32, #tpu.memory_space<vmem>>
      %dma_start3A_344 = tpu.memref_squeeze %dma_start3A_343 : memref<1x1x128xi32, #tpu.memory_space<vmem>> -> memref<128xi32, #tpu.memory_space<vmem>>
      %dma_start3A_345 = arith.constant 0 : i32
      %dma_start3A_346 = arith.constant 0 : i32
      %dma_start3A_347 = tpu.memref_slice %arg10[%dma_start3A_345, %dma_start3A_346] : memref<10112x128xf32, #tpu.memory_space<vmem_shared>> -> memref<10112x128xf32, #tpu.memory_space<vmem_shared>>
      %dma_start3A_348 = tpu.memref_slice %arg13[%dma_start3A_337] : memref<2x!tpu.dma_semaphore, #tpu.memory_space<semaphore_mem>> -> memref<1x!tpu.dma_semaphore, #tpu.memory_space<semaphore_mem>>
      %dma_start3A_349 = tpu.memref_squeeze %dma_start3A_348 : memref<1x!tpu.dma_semaphore, #tpu.memory_space<semaphore_mem>> -> memref<!tpu.dma_semaphore, #tpu.memory_space<semaphore_mem>>
      tpu.enqueue_indirect_dma source(%dma_start3A_341 : memref<128x128xf32, #tpu.memory_space<vmem>>) target(%dma_start3A_347 : memref<10112x128xf32, #tpu.memory_space<vmem_shared>>) offsets(%dma_start3A_344 : memref<128xi32, #tpu.memory_space<vmem>>) semaphore(%dma_start3A_349 : memref<!tpu.dma_semaphore, #tpu.memory_space<semaphore_mem>>) {add = true}
      %ge3A_350 = arith.constant 1 : i32
      %ge3A_351 = arith.cmpi sge, %add3A_311, %ge3A_350 : i32
      %convert_element_type3A_352 = arith.extui %ge3A_351 : i1 to i32
      %cond3A_353 = arith.constant 0 : i32
      %cond3A_354 = arith.cmpi ne, %convert_element_type3A_352, %cond3A_353 : i32
      scf.if %cond3A_354 {
        %dma_wait3A_604 = arith.constant 1 : i32
        %dma_wait3A_605 = arith.constant 0 : i32
        %dma_wait3A_606 = arith.constant 0 : i32
        %dma_wait3A_607 = arith.constant 1 : i32
        %dma_wait3A_608 = arith.constant 0 : i32
        %dma_wait3A_609 = arith.constant 0 : i32
        %dma_wait3A_610 = tpu.memref_slice %arg9[%dma_wait3A_604, %dma_wait3A_608, %dma_wait3A_609] : memref<2x128x128xf32, #tpu.memory_space<vmem>> -> memref<1x128x128xf32, #tpu.memory_space<vmem>>
        %dma_wait3A_611 = tpu.memref_squeeze %dma_wait3A_610 : memref<1x128x128xf32, #tpu.memory_space<vmem>> -> memref<128x128xf32, #tpu.memory_space<vmem>>
        %dma_wait3A_612 = arith.constant 0 : i32
        %dma_wait3A_613 = tpu.memref_slice %arg8[%dma_wait3A_605, %dma_wait3A_606, %dma_wait3A_612] : memref<4x8x128xi32, #tpu.memory_space<vmem>> -> memref<1x1x128xi32, #tpu.memory_space<vmem>>
        %dma_wait3A_614 = tpu.memref_squeeze %dma_wait3A_613 : memref<1x1x128xi32, #tpu.memory_space<vmem>> -> memref<128xi32, #tpu.memory_space<vmem>>
        %dma_wait3A_615 = arith.constant 0 : i32
        %dma_wait3A_616 = arith.constant 0 : i32
        %dma_wait3A_617 = tpu.memref_slice %arg10[%dma_wait3A_615, %dma_wait3A_616] : memref<10112x128xf32, #tpu.memory_space<vmem_shared>> -> memref<10112x128xf32, #tpu.memory_space<vmem_shared>>
        %dma_wait3A_618 = tpu.memref_slice %arg13[%dma_wait3A_607] : memref<2x!tpu.dma_semaphore, #tpu.memory_space<semaphore_mem>> -> memref<1x!tpu.dma_semaphore, #tpu.memory_space<semaphore_mem>>
        %dma_wait3A_619 = tpu.memref_squeeze %dma_wait3A_618 : memref<1x!tpu.dma_semaphore, #tpu.memory_space<semaphore_mem>> -> memref<!tpu.dma_semaphore, #tpu.memory_space<semaphore_mem>>
        tpu.wait_indirect_dma semaphore(%dma_wait3A_619 : memref<!tpu.dma_semaphore, #tpu.memory_space<semaphore_mem>>) src(%dma_wait3A_611 : memref<128x128xf32, #tpu.memory_space<vmem>>) dst(%dma_wait3A_617 : memref<10112x128xf32, #tpu.memory_space<vmem_shared>>)
      } else {
      }
      %add3A_355 = arith.constant 1 : i32
      %add3A_356 = arith.addi %add3A_311, %add3A_355 : i32
      %lt3A_357 = arith.constant 80 : i32
      %lt3A_358 = arith.cmpi slt, %add3A_356, %lt3A_357 : i32
      %convert_element_type3A_359 = arith.extui %lt3A_358 : i1 to i32
      %cond3A_360 = arith.constant 0 : i32
      %cond3A_361 = arith.cmpi ne, %convert_element_type3A_359, %cond3A_360 : i32
      scf.if %cond3A_361 {
        %add3A_604 = arith.constant 1 : i32
        %add3A_605 = arith.addi %add3A_311, %add3A_604 : i32
        %jit3A = arith.constant 8 : i32
        %div3A = arith.divsi %add3A_605, %jit3A : i32
        %sign3A = arith.constant 0 : i32
        %sign3A_606 = arith.cmpi sgt, %add3A_605, %sign3A : i32
        %sign3A_607 = arith.extui %sign3A_606 : i1 to i32
        %sign3A_608 = arith.constant 0 : i32
        %sign3A_609 = arith.cmpi slt, %add3A_605, %sign3A_608 : i32
        %sign3A_610 = arith.extui %sign3A_609 : i1 to i32
        %sign3A_611 = arith.subi %sign3A_607, %sign3A_610 : i32
        %sign3A_612 = arith.constant 0 : i32
        %sign3A_613 = arith.cmpi sgt, %jit3A, %sign3A_612 : i32
        %sign3A_614 = arith.extui %sign3A_613 : i1 to i32
        %sign3A_615 = arith.constant 0 : i32
        %sign3A_616 = arith.cmpi slt, %jit3A, %sign3A_615 : i32
        %sign3A_617 = arith.extui %sign3A_616 : i1 to i32
        %sign3A_618 = arith.subi %sign3A_614, %sign3A_617 : i32
        %ne3A = arith.cmpi ne, %sign3A_611, %sign3A_618 : i32
        %rem3A_619 = arith.remsi %add3A_605, %jit3A : i32
        %ne3A_620 = arith.constant 0 : i32
        %ne3A_621 = arith.cmpi ne, %rem3A_619, %ne3A_620 : i32
        %and3A = arith.andi %ne3A, %ne3A_621 : i1
        %sub3A = arith.constant 1 : i32
        %sub3A_622 = arith.subi %div3A, %sub3A : i32
        %select_n3A = arith.select %and3A, %sub3A_622, %div3A : i32
        %rem3A_623 = arith.constant 4 : i32
        %rem3A_624 = arith.remsi %select_n3A, %rem3A_623 : i32
        %dma_start3A_625 = arith.constant 3 : i32
        %dma_start3A_626 = arith.constant 1 : i32
        %dma_start3A_627 = arith.constant 1 : i32
        %dma_start3A_628 = arith.constant 0 : i32
        %dma_start3A_629 = arith.constant 0 : i32
        %dma_start3A_630 = tpu.memref_slice %arg9[%dma_start3A_626, %dma_start3A_628, %dma_start3A_629] : memref<2x128x128xf32, #tpu.memory_space<vmem>> -> memref<1x128x128xf32, #tpu.memory_space<vmem>>
        %dma_start3A_631 = tpu.memref_squeeze %dma_start3A_630 : memref<1x128x128xf32, #tpu.memory_space<vmem>> -> memref<128x128xf32, #tpu.memory_space<vmem>>
        %dma_start3A_632 = arith.constant 0 : i32
        %dma_start3A_633 = tpu.memref_slice %arg7[%rem3A_624, %dma_start3A_625, %dma_start3A_632] : memref<4x8x128xi32, #tpu.memory_space<vmem>> -> memref<1x1x128xi32, #tpu.memory_space<vmem>>
        %dma_start3A_634 = tpu.memref_squeeze %dma_start3A_633 : memref<1x1x128xi32, #tpu.memory_space<vmem>> -> memref<128xi32, #tpu.memory_space<vmem>>
        %dma_start3A_635 = arith.constant 0 : i32
        %dma_start3A_636 = arith.constant 0 : i32
        %dma_start3A_637 = tpu.memref_slice %arg2[%dma_start3A_635, %dma_start3A_636] : memref<10112x128xf32, #tpu.memory_space<hbm>> -> memref<10112x128xf32, #tpu.memory_space<hbm>>
        %dma_start3A_638 = tpu.memref_slice %arg12[%dma_start3A_627] : memref<2x!tpu.dma_semaphore, #tpu.memory_space<semaphore_mem>> -> memref<1x!tpu.dma_semaphore, #tpu.memory_space<semaphore_mem>>
        %dma_start3A_639 = tpu.memref_squeeze %dma_start3A_638 : memref<1x!tpu.dma_semaphore, #tpu.memory_space<semaphore_mem>> -> memref<!tpu.dma_semaphore, #tpu.memory_space<semaphore_mem>>
        tpu.enqueue_indirect_dma source(%dma_start3A_637 : memref<10112x128xf32, #tpu.memory_space<hbm>>) target(%dma_start3A_631 : memref<128x128xf32, #tpu.memory_space<vmem>>) offsets(%dma_start3A_634 : memref<128xi32, #tpu.memory_space<vmem>>) semaphore(%dma_start3A_639 : memref<!tpu.dma_semaphore, #tpu.memory_space<semaphore_mem>>)
      } else {
      }
      %mul3A_362 = arith.constant 8 : i32
      %mul3A_363 = arith.muli %scan3A_215, %mul3A_362 : i32
      %add3A_364 = arith.constant 3 : i32
      %add3A_365 = arith.addi %mul3A_363, %add3A_364 : i32
      %dma_wait3A_366 = arith.constant 0 : i32
      %dma_wait3A_367 = arith.constant 0 : i32
      %dma_wait3A_368 = arith.constant 1 : i32
      %dma_wait3A_369 = arith.constant 1 : i32
      %dma_wait3A_370 = arith.constant 0 : i32
      %dma_wait3A_371 = arith.constant 0 : i32
      %dma_wait3A_372 = tpu.memref_slice %arg9[%dma_wait3A_368, %dma_wait3A_370, %dma_wait3A_371] : memref<2x128x128xf32, #tpu.memory_space<vmem>> -> memref<1x128x128xf32, #tpu.memory_space<vmem>>
      %dma_wait3A_373 = tpu.memref_squeeze %dma_wait3A_372 : memref<1x128x128xf32, #tpu.memory_space<vmem>> -> memref<128x128xf32, #tpu.memory_space<vmem>>
      %dma_wait3A_374 = arith.constant 0 : i32
      %dma_wait3A_375 = tpu.memref_slice %arg7[%dma_wait3A_366, %dma_wait3A_367, %dma_wait3A_374] : memref<4x8x128xi32, #tpu.memory_space<vmem>> -> memref<1x1x128xi32, #tpu.memory_space<vmem>>
      %dma_wait3A_376 = tpu.memref_squeeze %dma_wait3A_375 : memref<1x1x128xi32, #tpu.memory_space<vmem>> -> memref<128xi32, #tpu.memory_space<vmem>>
      %dma_wait3A_377 = arith.constant 0 : i32
      %dma_wait3A_378 = arith.constant 0 : i32
      %dma_wait3A_379 = tpu.memref_slice %arg2[%dma_wait3A_377, %dma_wait3A_378] : memref<10112x128xf32, #tpu.memory_space<hbm>> -> memref<10112x128xf32, #tpu.memory_space<hbm>>
      %dma_wait3A_380 = tpu.memref_slice %arg12[%dma_wait3A_369] : memref<2x!tpu.dma_semaphore, #tpu.memory_space<semaphore_mem>> -> memref<1x!tpu.dma_semaphore, #tpu.memory_space<semaphore_mem>>
      %dma_wait3A_381 = tpu.memref_squeeze %dma_wait3A_380 : memref<1x!tpu.dma_semaphore, #tpu.memory_space<semaphore_mem>> -> memref<!tpu.dma_semaphore, #tpu.memory_space<semaphore_mem>>
      tpu.wait_indirect_dma semaphore(%dma_wait3A_381 : memref<!tpu.dma_semaphore, #tpu.memory_space<semaphore_mem>>) src(%dma_wait3A_379 : memref<10112x128xf32, #tpu.memory_space<hbm>>) dst(%dma_wait3A_373 : memref<128x128xf32, #tpu.memory_space<vmem>>)
      %dma_start3A_382 = arith.constant 1 : i32
      %dma_start3A_383 = arith.constant 3 : i32
      %dma_start3A_384 = arith.constant 1 : i32
      %dma_start3A_385 = arith.constant 0 : i32
      %dma_start3A_386 = arith.constant 0 : i32
      %dma_start3A_387 = tpu.memref_slice %arg9[%dma_start3A_382, %dma_start3A_385, %dma_start3A_386] : memref<2x128x128xf32, #tpu.memory_space<vmem>> -> memref<1x128x128xf32, #tpu.memory_space<vmem>>
      %dma_start3A_388 = tpu.memref_squeeze %dma_start3A_387 : memref<1x128x128xf32, #tpu.memory_space<vmem>> -> memref<128x128xf32, #tpu.memory_space<vmem>>
      %dma_start3A_389 = arith.constant 0 : i32
      %dma_start3A_390 = tpu.memref_slice %arg8[%rem3A_217, %dma_start3A_383, %dma_start3A_389] : memref<4x8x128xi32, #tpu.memory_space<vmem>> -> memref<1x1x128xi32, #tpu.memory_space<vmem>>
      %dma_start3A_391 = tpu.memref_squeeze %dma_start3A_390 : memref<1x1x128xi32, #tpu.memory_space<vmem>> -> memref<128xi32, #tpu.memory_space<vmem>>
      %dma_start3A_392 = arith.constant 0 : i32
      %dma_start3A_393 = arith.constant 0 : i32
      %dma_start3A_394 = tpu.memref_slice %arg10[%dma_start3A_392, %dma_start3A_393] : memref<10112x128xf32, #tpu.memory_space<vmem_shared>> -> memref<10112x128xf32, #tpu.memory_space<vmem_shared>>
      %dma_start3A_395 = tpu.memref_slice %arg13[%dma_start3A_384] : memref<2x!tpu.dma_semaphore, #tpu.memory_space<semaphore_mem>> -> memref<1x!tpu.dma_semaphore, #tpu.memory_space<semaphore_mem>>
      %dma_start3A_396 = tpu.memref_squeeze %dma_start3A_395 : memref<1x!tpu.dma_semaphore, #tpu.memory_space<semaphore_mem>> -> memref<!tpu.dma_semaphore, #tpu.memory_space<semaphore_mem>>
      tpu.enqueue_indirect_dma source(%dma_start3A_388 : memref<128x128xf32, #tpu.memory_space<vmem>>) target(%dma_start3A_394 : memref<10112x128xf32, #tpu.memory_space<vmem_shared>>) offsets(%dma_start3A_391 : memref<128xi32, #tpu.memory_space<vmem>>) semaphore(%dma_start3A_396 : memref<!tpu.dma_semaphore, #tpu.memory_space<semaphore_mem>>) {add = true}
      %ge3A_397 = arith.constant 1 : i32
      %ge3A_398 = arith.cmpi sge, %add3A_365, %ge3A_397 : i32
      %convert_element_type3A_399 = arith.extui %ge3A_398 : i1 to i32
      %cond3A_400 = arith.constant 0 : i32
      %cond3A_401 = arith.cmpi ne, %convert_element_type3A_399, %cond3A_400 : i32
      scf.if %cond3A_401 {
        %dma_wait3A_604 = arith.constant 0 : i32
        %dma_wait3A_605 = arith.constant 0 : i32
        %dma_wait3A_606 = arith.constant 0 : i32
        %dma_wait3A_607 = arith.constant 0 : i32
        %dma_wait3A_608 = arith.constant 0 : i32
        %dma_wait3A_609 = arith.constant 0 : i32
        %dma_wait3A_610 = tpu.memref_slice %arg9[%dma_wait3A_604, %dma_wait3A_608, %dma_wait3A_609] : memref<2x128x128xf32, #tpu.memory_space<vmem>> -> memref<1x128x128xf32, #tpu.memory_space<vmem>>
        %dma_wait3A_611 = tpu.memref_squeeze %dma_wait3A_610 : memref<1x128x128xf32, #tpu.memory_space<vmem>> -> memref<128x128xf32, #tpu.memory_space<vmem>>
        %dma_wait3A_612 = arith.constant 0 : i32
        %dma_wait3A_613 = tpu.memref_slice %arg8[%dma_wait3A_605, %dma_wait3A_606, %dma_wait3A_612] : memref<4x8x128xi32, #tpu.memory_space<vmem>> -> memref<1x1x128xi32, #tpu.memory_space<vmem>>
        %dma_wait3A_614 = tpu.memref_squeeze %dma_wait3A_613 : memref<1x1x128xi32, #tpu.memory_space<vmem>> -> memref<128xi32, #tpu.memory_space<vmem>>
        %dma_wait3A_615 = arith.constant 0 : i32
        %dma_wait3A_616 = arith.constant 0 : i32
        %dma_wait3A_617 = tpu.memref_slice %arg10[%dma_wait3A_615, %dma_wait3A_616] : memref<10112x128xf32, #tpu.memory_space<vmem_shared>> -> memref<10112x128xf32, #tpu.memory_space<vmem_shared>>
        %dma_wait3A_618 = tpu.memref_slice %arg13[%dma_wait3A_607] : memref<2x!tpu.dma_semaphore, #tpu.memory_space<semaphore_mem>> -> memref<1x!tpu.dma_semaphore, #tpu.memory_space<semaphore_mem>>
        %dma_wait3A_619 = tpu.memref_squeeze %dma_wait3A_618 : memref<1x!tpu.dma_semaphore, #tpu.memory_space<semaphore_mem>> -> memref<!tpu.dma_semaphore, #tpu.memory_space<semaphore_mem>>
        tpu.wait_indirect_dma semaphore(%dma_wait3A_619 : memref<!tpu.dma_semaphore, #tpu.memory_space<semaphore_mem>>) src(%dma_wait3A_611 : memref<128x128xf32, #tpu.memory_space<vmem>>) dst(%dma_wait3A_617 : memref<10112x128xf32, #tpu.memory_space<vmem_shared>>)
      } else {
      }
      %add3A_402 = arith.constant 1 : i32
      %add3A_403 = arith.addi %add3A_365, %add3A_402 : i32
      %lt3A_404 = arith.constant 80 : i32
      %lt3A_405 = arith.cmpi slt, %add3A_403, %lt3A_404 : i32
      %convert_element_type3A_406 = arith.extui %lt3A_405 : i1 to i32
      %cond3A_407 = arith.constant 0 : i32
      %cond3A_408 = arith.cmpi ne, %convert_element_type3A_406, %cond3A_407 : i32
      scf.if %cond3A_408 {
        %add3A_604 = arith.constant 1 : i32
        %add3A_605 = arith.addi %add3A_365, %add3A_604 : i32
        %jit3A = arith.constant 8 : i32
        %div3A = arith.divsi %add3A_605, %jit3A : i32
        %sign3A = arith.constant 0 : i32
        %sign3A_606 = arith.cmpi sgt, %add3A_605, %sign3A : i32
        %sign3A_607 = arith.extui %sign3A_606 : i1 to i32
        %sign3A_608 = arith.constant 0 : i32
        %sign3A_609 = arith.cmpi slt, %add3A_605, %sign3A_608 : i32
        %sign3A_610 = arith.extui %sign3A_609 : i1 to i32
        %sign3A_611 = arith.subi %sign3A_607, %sign3A_610 : i32
        %sign3A_612 = arith.constant 0 : i32
        %sign3A_613 = arith.cmpi sgt, %jit3A, %sign3A_612 : i32
        %sign3A_614 = arith.extui %sign3A_613 : i1 to i32
        %sign3A_615 = arith.constant 0 : i32
        %sign3A_616 = arith.cmpi slt, %jit3A, %sign3A_615 : i32
        %sign3A_617 = arith.extui %sign3A_616 : i1 to i32
        %sign3A_618 = arith.subi %sign3A_614, %sign3A_617 : i32
        %ne3A = arith.cmpi ne, %sign3A_611, %sign3A_618 : i32
        %rem3A_619 = arith.remsi %add3A_605, %jit3A : i32
        %ne3A_620 = arith.constant 0 : i32
        %ne3A_621 = arith.cmpi ne, %rem3A_619, %ne3A_620 : i32
        %and3A = arith.andi %ne3A, %ne3A_621 : i1
        %sub3A = arith.constant 1 : i32
        %sub3A_622 = arith.subi %div3A, %sub3A : i32
        %select_n3A = arith.select %and3A, %sub3A_622, %div3A : i32
        %rem3A_623 = arith.constant 4 : i32
        %rem3A_624 = arith.remsi %select_n3A, %rem3A_623 : i32
        %dma_start3A_625 = arith.constant 4 : i32
        %dma_start3A_626 = arith.constant 0 : i32
        %dma_start3A_627 = arith.constant 0 : i32
        %dma_start3A_628 = arith.constant 0 : i32
        %dma_start3A_629 = arith.constant 0 : i32
        %dma_start3A_630 = tpu.memref_slice %arg9[%dma_start3A_626, %dma_start3A_628, %dma_start3A_629] : memref<2x128x128xf32, #tpu.memory_space<vmem>> -> memref<1x128x128xf32, #tpu.memory_space<vmem>>
        %dma_start3A_631 = tpu.memref_squeeze %dma_start3A_630 : memref<1x128x128xf32, #tpu.memory_space<vmem>> -> memref<128x128xf32, #tpu.memory_space<vmem>>
        %dma_start3A_632 = arith.constant 0 : i32
        %dma_start3A_633 = tpu.memref_slice %arg7[%rem3A_624, %dma_start3A_625, %dma_start3A_632] : memref<4x8x128xi32, #tpu.memory_space<vmem>> -> memref<1x1x128xi32, #tpu.memory_space<vmem>>
        %dma_start3A_634 = tpu.memref_squeeze %dma_start3A_633 : memref<1x1x128xi32, #tpu.memory_space<vmem>> -> memref<128xi32, #tpu.memory_space<vmem>>
        %dma_start3A_635 = arith.constant 0 : i32
        %dma_start3A_636 = arith.constant 0 : i32
        %dma_start3A_637 = tpu.memref_slice %arg2[%dma_start3A_635, %dma_start3A_636] : memref<10112x128xf32, #tpu.memory_space<hbm>> -> memref<10112x128xf32, #tpu.memory_space<hbm>>
        %dma_start3A_638 = tpu.memref_slice %arg12[%dma_start3A_627] : memref<2x!tpu.dma_semaphore, #tpu.memory_space<semaphore_mem>> -> memref<1x!tpu.dma_semaphore, #tpu.memory_space<semaphore_mem>>
        %dma_start3A_639 = tpu.memref_squeeze %dma_start3A_638 : memref<1x!tpu.dma_semaphore, #tpu.memory_space<semaphore_mem>> -> memref<!tpu.dma_semaphore, #tpu.memory_space<semaphore_mem>>
        tpu.enqueue_indirect_dma source(%dma_start3A_637 : memref<10112x128xf32, #tpu.memory_space<hbm>>) target(%dma_start3A_631 : memref<128x128xf32, #tpu.memory_space<vmem>>) offsets(%dma_start3A_634 : memref<128xi32, #tpu.memory_space<vmem>>) semaphore(%dma_start3A_639 : memref<!tpu.dma_semaphore, #tpu.memory_space<semaphore_mem>>)
      } else {
      }
      %mul3A_409 = arith.constant 8 : i32
      %mul3A_410 = arith.muli %scan3A_215, %mul3A_409 : i32
      %add3A_411 = arith.constant 4 : i32
      %add3A_412 = arith.addi %mul3A_410, %add3A_411 : i32
      %dma_wait3A_413 = arith.constant 0 : i32
      %dma_wait3A_414 = arith.constant 0 : i32
      %dma_wait3A_415 = arith.constant 0 : i32
      %dma_wait3A_416 = arith.constant 0 : i32
      %dma_wait3A_417 = arith.constant 0 : i32
      %dma_wait3A_418 = arith.constant 0 : i32
      %dma_wait3A_419 = tpu.memref_slice %arg9[%dma_wait3A_415, %dma_wait3A_417, %dma_wait3A_418] : memref<2x128x128xf32, #tpu.memory_space<vmem>> -> memref<1x128x128xf32, #tpu.memory_space<vmem>>
      %dma_wait3A_420 = tpu.memref_squeeze %dma_wait3A_419 : memref<1x128x128xf32, #tpu.memory_space<vmem>> -> memref<128x128xf32, #tpu.memory_space<vmem>>
      %dma_wait3A_421 = arith.constant 0 : i32
      %dma_wait3A_422 = tpu.memref_slice %arg7[%dma_wait3A_413, %dma_wait3A_414, %dma_wait3A_421] : memref<4x8x128xi32, #tpu.memory_space<vmem>> -> memref<1x1x128xi32, #tpu.memory_space<vmem>>
      %dma_wait3A_423 = tpu.memref_squeeze %dma_wait3A_422 : memref<1x1x128xi32, #tpu.memory_space<vmem>> -> memref<128xi32, #tpu.memory_space<vmem>>
      %dma_wait3A_424 = arith.constant 0 : i32
      %dma_wait3A_425 = arith.constant 0 : i32
      %dma_wait3A_426 = tpu.memref_slice %arg2[%dma_wait3A_424, %dma_wait3A_425] : memref<10112x128xf32, #tpu.memory_space<hbm>> -> memref<10112x128xf32, #tpu.memory_space<hbm>>
      %dma_wait3A_427 = tpu.memref_slice %arg12[%dma_wait3A_416] : memref<2x!tpu.dma_semaphore, #tpu.memory_space<semaphore_mem>> -> memref<1x!tpu.dma_semaphore, #tpu.memory_space<semaphore_mem>>
      %dma_wait3A_428 = tpu.memref_squeeze %dma_wait3A_427 : memref<1x!tpu.dma_semaphore, #tpu.memory_space<semaphore_mem>> -> memref<!tpu.dma_semaphore, #tpu.memory_space<semaphore_mem>>
      tpu.wait_indirect_dma semaphore(%dma_wait3A_428 : memref<!tpu.dma_semaphore, #tpu.memory_space<semaphore_mem>>) src(%dma_wait3A_426 : memref<10112x128xf32, #tpu.memory_space<hbm>>) dst(%dma_wait3A_420 : memref<128x128xf32, #tpu.memory_space<vmem>>)
      %dma_start3A_429 = arith.constant 0 : i32
      %dma_start3A_430 = arith.constant 4 : i32
      %dma_start3A_431 = arith.constant 0 : i32
      %dma_start3A_432 = arith.constant 0 : i32
      %dma_start3A_433 = arith.constant 0 : i32
      %dma_start3A_434 = tpu.memref_slice %arg9[%dma_start3A_429, %dma_start3A_432, %dma_start3A_433] : memref<2x128x128xf32, #tpu.memory_space<vmem>> -> memref<1x128x128xf32, #tpu.memory_space<vmem>>
      %dma_start3A_435 = tpu.memref_squeeze %dma_start3A_434 : memref<1x128x128xf32, #tpu.memory_space<vmem>> -> memref<128x128xf32, #tpu.memory_space<vmem>>
      %dma_start3A_436 = arith.constant 0 : i32
      %dma_start3A_437 = tpu.memref_slice %arg8[%rem3A_217, %dma_start3A_430, %dma_start3A_436] : memref<4x8x128xi32, #tpu.memory_space<vmem>> -> memref<1x1x128xi32, #tpu.memory_space<vmem>>
      %dma_start3A_438 = tpu.memref_squeeze %dma_start3A_437 : memref<1x1x128xi32, #tpu.memory_space<vmem>> -> memref<128xi32, #tpu.memory_space<vmem>>
      %dma_start3A_439 = arith.constant 0 : i32
      %dma_start3A_440 = arith.constant 0 : i32
      %dma_start3A_441 = tpu.memref_slice %arg10[%dma_start3A_439, %dma_start3A_440] : memref<10112x128xf32, #tpu.memory_space<vmem_shared>> -> memref<10112x128xf32, #tpu.memory_space<vmem_shared>>
      %dma_start3A_442 = tpu.memref_slice %arg13[%dma_start3A_431] : memref<2x!tpu.dma_semaphore, #tpu.memory_space<semaphore_mem>> -> memref<1x!tpu.dma_semaphore, #tpu.memory_space<semaphore_mem>>
      %dma_start3A_443 = tpu.memref_squeeze %dma_start3A_442 : memref<1x!tpu.dma_semaphore, #tpu.memory_space<semaphore_mem>> -> memref<!tpu.dma_semaphore, #tpu.memory_space<semaphore_mem>>
      tpu.enqueue_indirect_dma source(%dma_start3A_435 : memref<128x128xf32, #tpu.memory_space<vmem>>) target(%dma_start3A_441 : memref<10112x128xf32, #tpu.memory_space<vmem_shared>>) offsets(%dma_start3A_438 : memref<128xi32, #tpu.memory_space<vmem>>) semaphore(%dma_start3A_443 : memref<!tpu.dma_semaphore, #tpu.memory_space<semaphore_mem>>) {add = true}
      %ge3A_444 = arith.constant 1 : i32
      %ge3A_445 = arith.cmpi sge, %add3A_412, %ge3A_444 : i32
      %convert_element_type3A_446 = arith.extui %ge3A_445 : i1 to i32
      %cond3A_447 = arith.constant 0 : i32
      %cond3A_448 = arith.cmpi ne, %convert_element_type3A_446, %cond3A_447 : i32
      scf.if %cond3A_448 {
        %dma_wait3A_604 = arith.constant 1 : i32
        %dma_wait3A_605 = arith.constant 0 : i32
        %dma_wait3A_606 = arith.constant 0 : i32
        %dma_wait3A_607 = arith.constant 1 : i32
        %dma_wait3A_608 = arith.constant 0 : i32
        %dma_wait3A_609 = arith.constant 0 : i32
        %dma_wait3A_610 = tpu.memref_slice %arg9[%dma_wait3A_604, %dma_wait3A_608, %dma_wait3A_609] : memref<2x128x128xf32, #tpu.memory_space<vmem>> -> memref<1x128x128xf32, #tpu.memory_space<vmem>>
        %dma_wait3A_611 = tpu.memref_squeeze %dma_wait3A_610 : memref<1x128x128xf32, #tpu.memory_space<vmem>> -> memref<128x128xf32, #tpu.memory_space<vmem>>
        %dma_wait3A_612 = arith.constant 0 : i32
        %dma_wait3A_613 = tpu.memref_slice %arg8[%dma_wait3A_605, %dma_wait3A_606, %dma_wait3A_612] : memref<4x8x128xi32, #tpu.memory_space<vmem>> -> memref<1x1x128xi32, #tpu.memory_space<vmem>>
        %dma_wait3A_614 = tpu.memref_squeeze %dma_wait3A_613 : memref<1x1x128xi32, #tpu.memory_space<vmem>> -> memref<128xi32, #tpu.memory_space<vmem>>
        %dma_wait3A_615 = arith.constant 0 : i32
        %dma_wait3A_616 = arith.constant 0 : i32
        %dma_wait3A_617 = tpu.memref_slice %arg10[%dma_wait3A_615, %dma_wait3A_616] : memref<10112x128xf32, #tpu.memory_space<vmem_shared>> -> memref<10112x128xf32, #tpu.memory_space<vmem_shared>>
        %dma_wait3A_618 = tpu.memref_slice %arg13[%dma_wait3A_607] : memref<2x!tpu.dma_semaphore, #tpu.memory_space<semaphore_mem>> -> memref<1x!tpu.dma_semaphore, #tpu.memory_space<semaphore_mem>>
        %dma_wait3A_619 = tpu.memref_squeeze %dma_wait3A_618 : memref<1x!tpu.dma_semaphore, #tpu.memory_space<semaphore_mem>> -> memref<!tpu.dma_semaphore, #tpu.memory_space<semaphore_mem>>
        tpu.wait_indirect_dma semaphore(%dma_wait3A_619 : memref<!tpu.dma_semaphore, #tpu.memory_space<semaphore_mem>>) src(%dma_wait3A_611 : memref<128x128xf32, #tpu.memory_space<vmem>>) dst(%dma_wait3A_617 : memref<10112x128xf32, #tpu.memory_space<vmem_shared>>)
      } else {
      }
      %add3A_449 = arith.constant 1 : i32
      %add3A_450 = arith.addi %add3A_412, %add3A_449 : i32
      %lt3A_451 = arith.constant 80 : i32
      %lt3A_452 = arith.cmpi slt, %add3A_450, %lt3A_451 : i32
      %convert_element_type3A_453 = arith.extui %lt3A_452 : i1 to i32
      %cond3A_454 = arith.constant 0 : i32
      %cond3A_455 = arith.cmpi ne, %convert_element_type3A_453, %cond3A_454 : i32
      scf.if %cond3A_455 {
        %add3A_604 = arith.constant 1 : i32
        %add3A_605 = arith.addi %add3A_412, %add3A_604 : i32
        %jit3A = arith.constant 8 : i32
        %div3A = arith.divsi %add3A_605, %jit3A : i32
        %sign3A = arith.constant 0 : i32
        %sign3A_606 = arith.cmpi sgt, %add3A_605, %sign3A : i32
        %sign3A_607 = arith.extui %sign3A_606 : i1 to i32
        %sign3A_608 = arith.constant 0 : i32
        %sign3A_609 = arith.cmpi slt, %add3A_605, %sign3A_608 : i32
        %sign3A_610 = arith.extui %sign3A_609 : i1 to i32
        %sign3A_611 = arith.subi %sign3A_607, %sign3A_610 : i32
        %sign3A_612 = arith.constant 0 : i32
        %sign3A_613 = arith.cmpi sgt, %jit3A, %sign3A_612 : i32
        %sign3A_614 = arith.extui %sign3A_613 : i1 to i32
        %sign3A_615 = arith.constant 0 : i32
        %sign3A_616 = arith.cmpi slt, %jit3A, %sign3A_615 : i32
        %sign3A_617 = arith.extui %sign3A_616 : i1 to i32
        %sign3A_618 = arith.subi %sign3A_614, %sign3A_617 : i32
        %ne3A = arith.cmpi ne, %sign3A_611, %sign3A_618 : i32
        %rem3A_619 = arith.remsi %add3A_605, %jit3A : i32
        %ne3A_620 = arith.constant 0 : i32
        %ne3A_621 = arith.cmpi ne, %rem3A_619, %ne3A_620 : i32
        %and3A = arith.andi %ne3A, %ne3A_621 : i1
        %sub3A = arith.constant 1 : i32
        %sub3A_622 = arith.subi %div3A, %sub3A : i32
        %select_n3A = arith.select %and3A, %sub3A_622, %div3A : i32
        %rem3A_623 = arith.constant 4 : i32
        %rem3A_624 = arith.remsi %select_n3A, %rem3A_623 : i32
        %dma_start3A_625 = arith.constant 5 : i32
        %dma_start3A_626 = arith.constant 1 : i32
        %dma_start3A_627 = arith.constant 1 : i32
        %dma_start3A_628 = arith.constant 0 : i32
        %dma_start3A_629 = arith.constant 0 : i32
        %dma_start3A_630 = tpu.memref_slice %arg9[%dma_start3A_626, %dma_start3A_628, %dma_start3A_629] : memref<2x128x128xf32, #tpu.memory_space<vmem>> -> memref<1x128x128xf32, #tpu.memory_space<vmem>>
        %dma_start3A_631 = tpu.memref_squeeze %dma_start3A_630 : memref<1x128x128xf32, #tpu.memory_space<vmem>> -> memref<128x128xf32, #tpu.memory_space<vmem>>
        %dma_start3A_632 = arith.constant 0 : i32
        %dma_start3A_633 = tpu.memref_slice %arg7[%rem3A_624, %dma_start3A_625, %dma_start3A_632] : memref<4x8x128xi32, #tpu.memory_space<vmem>> -> memref<1x1x128xi32, #tpu.memory_space<vmem>>
        %dma_start3A_634 = tpu.memref_squeeze %dma_start3A_633 : memref<1x1x128xi32, #tpu.memory_space<vmem>> -> memref<128xi32, #tpu.memory_space<vmem>>
        %dma_start3A_635 = arith.constant 0 : i32
        %dma_start3A_636 = arith.constant 0 : i32
        %dma_start3A_637 = tpu.memref_slice %arg2[%dma_start3A_635, %dma_start3A_636] : memref<10112x128xf32, #tpu.memory_space<hbm>> -> memref<10112x128xf32, #tpu.memory_space<hbm>>
        %dma_start3A_638 = tpu.memref_slice %arg12[%dma_start3A_627] : memref<2x!tpu.dma_semaphore, #tpu.memory_space<semaphore_mem>> -> memref<1x!tpu.dma_semaphore, #tpu.memory_space<semaphore_mem>>
        %dma_start3A_639 = tpu.memref_squeeze %dma_start3A_638 : memref<1x!tpu.dma_semaphore, #tpu.memory_space<semaphore_mem>> -> memref<!tpu.dma_semaphore, #tpu.memory_space<semaphore_mem>>
        tpu.enqueue_indirect_dma source(%dma_start3A_637 : memref<10112x128xf32, #tpu.memory_space<hbm>>) target(%dma_start3A_631 : memref<128x128xf32, #tpu.memory_space<vmem>>) offsets(%dma_start3A_634 : memref<128xi32, #tpu.memory_space<vmem>>) semaphore(%dma_start3A_639 : memref<!tpu.dma_semaphore, #tpu.memory_space<semaphore_mem>>)
      } else {
      }
      %mul3A_456 = arith.constant 8 : i32
      %mul3A_457 = arith.muli %scan3A_215, %mul3A_456 : i32
      %add3A_458 = arith.constant 5 : i32
      %add3A_459 = arith.addi %mul3A_457, %add3A_458 : i32
      %add3A_460 = arith.constant 1 : i32
      %add3A_461 = arith.addi %scan3A_215, %add3A_460 : i32
      %lt3A_462 = arith.constant 10 : i32
      %lt3A_463 = arith.cmpi slt, %add3A_461, %lt3A_462 : i32
      %convert_element_type3A_464 = arith.extui %lt3A_463 : i1 to i32
      %cond3A_465 = arith.constant 0 : i32
      %cond3A_466 = arith.cmpi ne, %convert_element_type3A_464, %cond3A_465 : i32
      scf.if %cond3A_466 {
        %add3A_604 = arith.constant 1 : i32
        %add3A_605 = arith.addi %scan3A_215, %add3A_604 : i32
        %rem3A_606 = arith.constant 4 : i32
        %rem3A_607 = arith.remsi %add3A_605, %rem3A_606 : i32
        %dma_wait3A_608 = arith.constant 0 : i32
        %dma_wait3A_609 = arith.constant 0 : i32
        %dma_wait3A_610 = tpu.memref_slice %arg7[%rem3A_607, %dma_wait3A_608, %dma_wait3A_609] : memref<4x8x128xi32, #tpu.memory_space<vmem>> -> memref<1x8x128xi32, #tpu.memory_space<vmem>>
        %dma_wait3A_611 = tpu.memref_squeeze %dma_wait3A_610 : memref<1x8x128xi32, #tpu.memory_space<vmem>> -> memref<8x128xi32, #tpu.memory_space<vmem>>
        %dma_wait3A_612 = arith.constant 0 : i32
        %dma_wait3A_613 = arith.constant 0 : i32
        %dma_wait3A_614 = tpu.memref_slice %arg3[%mul3A_2, %dma_wait3A_612, %dma_wait3A_613] : memref<320x8x128xi32, #tpu.memory_space<hbm>> -> memref<1x8x128xi32, #tpu.memory_space<hbm>>
        %dma_wait3A_615 = tpu.memref_squeeze %dma_wait3A_614 : memref<1x8x128xi32, #tpu.memory_space<hbm>> -> memref<8x128xi32, #tpu.memory_space<hbm>>
        %dma_wait3A_616 = tpu.memref_slice %arg11[%rem3A_607] : memref<4x!tpu.dma_semaphore, #tpu.memory_space<semaphore_mem>> -> memref<1x!tpu.dma_semaphore, #tpu.memory_space<semaphore_mem>>
        %dma_wait3A_617 = tpu.memref_squeeze %dma_wait3A_616 : memref<1x!tpu.dma_semaphore, #tpu.memory_space<semaphore_mem>> -> memref<!tpu.dma_semaphore, #tpu.memory_space<semaphore_mem>>
        %dma_wait3A_618 = arith.constant 0 : i32
        %dma_wait3A_619 = arith.constant 0 : i32
        %dma_wait3A_620 = tpu.memref_slice %arg7[%rem3A_607, %dma_wait3A_618, %dma_wait3A_619] : memref<4x8x128xi32, #tpu.memory_space<vmem>> -> memref<1x8x128xi32, #tpu.memory_space<vmem>>
        %dma_wait3A_621 = tpu.memref_squeeze %dma_wait3A_620 : memref<1x8x128xi32, #tpu.memory_space<vmem>> -> memref<8x128xi32, #tpu.memory_space<vmem>>
        %dma_wait3A_622 = arith.constant 0 : i32
        %dma_wait3A_623 = arith.constant 0 : i32
        %dma_wait3A_624 = tpu.memref_slice %arg3[%mul3A_2, %dma_wait3A_622, %dma_wait3A_623] : memref<320x8x128xi32, #tpu.memory_space<hbm>> -> memref<1x8x128xi32, #tpu.memory_space<hbm>>
        %dma_wait3A_625 = tpu.memref_squeeze %dma_wait3A_624 : memref<1x8x128xi32, #tpu.memory_space<hbm>> -> memref<8x128xi32, #tpu.memory_space<hbm>>
        tpu.wait_dma2 semaphore(%dma_wait3A_617 : memref<!tpu.dma_semaphore, #tpu.memory_space<semaphore_mem>>) src(%dma_wait3A_625 : memref<8x128xi32, #tpu.memory_space<hbm>>) dst(%dma_wait3A_621 : memref<8x128xi32, #tpu.memory_space<vmem>>)
        %dma_wait3A_626 = arith.constant 0 : i32
        %dma_wait3A_627 = arith.constant 0 : i32
        %dma_wait3A_628 = tpu.memref_slice %arg8[%rem3A_607, %dma_wait3A_626, %dma_wait3A_627] : memref<4x8x128xi32, #tpu.memory_space<vmem>> -> memref<1x8x128xi32, #tpu.memory_space<vmem>>
        %dma_wait3A_629 = tpu.memref_squeeze %dma_wait3A_628 : memref<1x8x128xi32, #tpu.memory_space<vmem>> -> memref<8x128xi32, #tpu.memory_space<vmem>>
        %dma_wait3A_630 = arith.constant 0 : i32
        %dma_wait3A_631 = arith.constant 0 : i32
        %dma_wait3A_632 = tpu.memref_slice %arg4[%mul3A_2, %dma_wait3A_630, %dma_wait3A_631] : memref<320x8x128xi32, #tpu.memory_space<hbm>> -> memref<1x8x128xi32, #tpu.memory_space<hbm>>
        %dma_wait3A_633 = tpu.memref_squeeze %dma_wait3A_632 : memref<1x8x128xi32, #tpu.memory_space<hbm>> -> memref<8x128xi32, #tpu.memory_space<hbm>>
        %dma_wait3A_634 = tpu.memref_slice %arg11[%rem3A_607] : memref<4x!tpu.dma_semaphore, #tpu.memory_space<semaphore_mem>> -> memref<1x!tpu.dma_semaphore, #tpu.memory_space<semaphore_mem>>
        %dma_wait3A_635 = tpu.memref_squeeze %dma_wait3A_634 : memref<1x!tpu.dma_semaphore, #tpu.memory_space<semaphore_mem>> -> memref<!tpu.dma_semaphore, #tpu.memory_space<semaphore_mem>>
        %dma_wait3A_636 = arith.constant 0 : i32
        %dma_wait3A_637 = arith.constant 0 : i32
        %dma_wait3A_638 = tpu.memref_slice %arg8[%rem3A_607, %dma_wait3A_636, %dma_wait3A_637] : memref<4x8x128xi32, #tpu.memory_space<vmem>> -> memref<1x8x128xi32, #tpu.memory_space<vmem>>
        %dma_wait3A_639 = tpu.memref_squeeze %dma_wait3A_638 : memref<1x8x128xi32, #tpu.memory_space<vmem>> -> memref<8x128xi32, #tpu.memory_space<vmem>>
        %dma_wait3A_640 = arith.constant 0 : i32
        %dma_wait3A_641 = arith.constant 0 : i32
        %dma_wait3A_642 = tpu.memref_slice %arg4[%mul3A_2, %dma_wait3A_640, %dma_wait3A_641] : memref<320x8x128xi32, #tpu.memory_space<hbm>> -> memref<1x8x128xi32, #tpu.memory_space<hbm>>
        %dma_wait3A_643 = tpu.memref_squeeze %dma_wait3A_642 : memref<1x8x128xi32, #tpu.memory_space<hbm>> -> memref<8x128xi32, #tpu.memory_space<hbm>>
        tpu.wait_dma2 semaphore(%dma_wait3A_635 : memref<!tpu.dma_semaphore, #tpu.memory_space<semaphore_mem>>) src(%dma_wait3A_643 : memref<8x128xi32, #tpu.memory_space<hbm>>) dst(%dma_wait3A_639 : memref<8x128xi32, #tpu.memory_space<vmem>>)
      } else {
      }
      %dma_wait3A_467 = arith.constant 0 : i32
      %dma_wait3A_468 = arith.constant 0 : i32
      %dma_wait3A_469 = arith.constant 1 : i32
      %dma_wait3A_470 = arith.constant 1 : i32
      %dma_wait3A_471 = arith.constant 0 : i32
      %dma_wait3A_472 = arith.constant 0 : i32
      %dma_wait3A_473 = tpu.memref_slice %arg9[%dma_wait3A_469, %dma_wait3A_471, %dma_wait3A_472] : memref<2x128x128xf32, #tpu.memory_space<vmem>> -> memref<1x128x128xf32, #tpu.memory_space<vmem>>
      %dma_wait3A_474 = tpu.memref_squeeze %dma_wait3A_473 : memref<1x128x128xf32, #tpu.memory_space<vmem>> -> memref<128x128xf32, #tpu.memory_space<vmem>>
      %dma_wait3A_475 = arith.constant 0 : i32
      %dma_wait3A_476 = tpu.memref_slice %arg7[%dma_wait3A_467, %dma_wait3A_468, %dma_wait3A_475] : memref<4x8x128xi32, #tpu.memory_space<vmem>> -> memref<1x1x128xi32, #tpu.memory_space<vmem>>
      %dma_wait3A_477 = tpu.memref_squeeze %dma_wait3A_476 : memref<1x1x128xi32, #tpu.memory_space<vmem>> -> memref<128xi32, #tpu.memory_space<vmem>>
      %dma_wait3A_478 = arith.constant 0 : i32
      %dma_wait3A_479 = arith.constant 0 : i32
      %dma_wait3A_480 = tpu.memref_slice %arg2[%dma_wait3A_478, %dma_wait3A_479] : memref<10112x128xf32, #tpu.memory_space<hbm>> -> memref<10112x128xf32, #tpu.memory_space<hbm>>
      %dma_wait3A_481 = tpu.memref_slice %arg12[%dma_wait3A_470] : memref<2x!tpu.dma_semaphore, #tpu.memory_space<semaphore_mem>> -> memref<1x!tpu.dma_semaphore, #tpu.memory_space<semaphore_mem>>
      %dma_wait3A_482 = tpu.memref_squeeze %dma_wait3A_481 : memref<1x!tpu.dma_semaphore, #tpu.memory_space<semaphore_mem>> -> memref<!tpu.dma_semaphore, #tpu.memory_space<semaphore_mem>>
      tpu.wait_indirect_dma semaphore(%dma_wait3A_482 : memref<!tpu.dma_semaphore, #tpu.memory_space<semaphore_mem>>) src(%dma_wait3A_480 : memref<10112x128xf32, #tpu.memory_space<hbm>>) dst(%dma_wait3A_474 : memref<128x128xf32, #tpu.memory_space<vmem>>)
      %dma_start3A_483 = arith.constant 1 : i32
      %dma_start3A_484 = arith.constant 5 : i32
      %dma_start3A_485 = arith.constant 1 : i32
      %dma_start3A_486 = arith.constant 0 : i32
      %dma_start3A_487 = arith.constant 0 : i32
      %dma_start3A_488 = tpu.memref_slice %arg9[%dma_start3A_483, %dma_start3A_486, %dma_start3A_487] : memref<2x128x128xf32, #tpu.memory_space<vmem>> -> memref<1x128x128xf32, #tpu.memory_space<vmem>>
      %dma_start3A_489 = tpu.memref_squeeze %dma_start3A_488 : memref<1x128x128xf32, #tpu.memory_space<vmem>> -> memref<128x128xf32, #tpu.memory_space<vmem>>
      %dma_start3A_490 = arith.constant 0 : i32
      %dma_start3A_491 = tpu.memref_slice %arg8[%rem3A_217, %dma_start3A_484, %dma_start3A_490] : memref<4x8x128xi32, #tpu.memory_space<vmem>> -> memref<1x1x128xi32, #tpu.memory_space<vmem>>
      %dma_start3A_492 = tpu.memref_squeeze %dma_start3A_491 : memref<1x1x128xi32, #tpu.memory_space<vmem>> -> memref<128xi32, #tpu.memory_space<vmem>>
      %dma_start3A_493 = arith.constant 0 : i32
      %dma_start3A_494 = arith.constant 0 : i32
      %dma_start3A_495 = tpu.memref_slice %arg10[%dma_start3A_493, %dma_start3A_494] : memref<10112x128xf32, #tpu.memory_space<vmem_shared>> -> memref<10112x128xf32, #tpu.memory_space<vmem_shared>>
      %dma_start3A_496 = tpu.memref_slice %arg13[%dma_start3A_485] : memref<2x!tpu.dma_semaphore, #tpu.memory_space<semaphore_mem>> -> memref<1x!tpu.dma_semaphore, #tpu.memory_space<semaphore_mem>>
      %dma_start3A_497 = tpu.memref_squeeze %dma_start3A_496 : memref<1x!tpu.dma_semaphore, #tpu.memory_space<semaphore_mem>> -> memref<!tpu.dma_semaphore, #tpu.memory_space<semaphore_mem>>
      tpu.enqueue_indirect_dma source(%dma_start3A_489 : memref<128x128xf32, #tpu.memory_space<vmem>>) target(%dma_start3A_495 : memref<10112x128xf32, #tpu.memory_space<vmem_shared>>) offsets(%dma_start3A_492 : memref<128xi32, #tpu.memory_space<vmem>>) semaphore(%dma_start3A_497 : memref<!tpu.dma_semaphore, #tpu.memory_space<semaphore_mem>>) {add = true}
      %ge3A_498 = arith.constant 1 : i32
      %ge3A_499 = arith.cmpi sge, %add3A_459, %ge3A_498 : i32
      %convert_element_type3A_500 = arith.extui %ge3A_499 : i1 to i32
      %cond3A_501 = arith.constant 0 : i32
      %cond3A_502 = arith.cmpi ne, %convert_element_type3A_500, %cond3A_501 : i32
      scf.if %cond3A_502 {
        %dma_wait3A_604 = arith.constant 0 : i32
        %dma_wait3A_605 = arith.constant 0 : i32
        %dma_wait3A_606 = arith.constant 0 : i32
        %dma_wait3A_607 = arith.constant 0 : i32
        %dma_wait3A_608 = arith.constant 0 : i32
        %dma_wait3A_609 = arith.constant 0 : i32
        %dma_wait3A_610 = tpu.memref_slice %arg9[%dma_wait3A_604, %dma_wait3A_608, %dma_wait3A_609] : memref<2x128x128xf32, #tpu.memory_space<vmem>> -> memref<1x128x128xf32, #tpu.memory_space<vmem>>
        %dma_wait3A_611 = tpu.memref_squeeze %dma_wait3A_610 : memref<1x128x128xf32, #tpu.memory_space<vmem>> -> memref<128x128xf32, #tpu.memory_space<vmem>>
        %dma_wait3A_612 = arith.constant 0 : i32
        %dma_wait3A_613 = tpu.memref_slice %arg8[%dma_wait3A_605, %dma_wait3A_606, %dma_wait3A_612] : memref<4x8x128xi32, #tpu.memory_space<vmem>> -> memref<1x1x128xi32, #tpu.memory_space<vmem>>
        %dma_wait3A_614 = tpu.memref_squeeze %dma_wait3A_613 : memref<1x1x128xi32, #tpu.memory_space<vmem>> -> memref<128xi32, #tpu.memory_space<vmem>>
        %dma_wait3A_615 = arith.constant 0 : i32
        %dma_wait3A_616 = arith.constant 0 : i32
        %dma_wait3A_617 = tpu.memref_slice %arg10[%dma_wait3A_615, %dma_wait3A_616] : memref<10112x128xf32, #tpu.memory_space<vmem_shared>> -> memref<10112x128xf32, #tpu.memory_space<vmem_shared>>
        %dma_wait3A_618 = tpu.memref_slice %arg13[%dma_wait3A_607] : memref<2x!tpu.dma_semaphore, #tpu.memory_space<semaphore_mem>> -> memref<1x!tpu.dma_semaphore, #tpu.memory_space<semaphore_mem>>
        %dma_wait3A_619 = tpu.memref_squeeze %dma_wait3A_618 : memref<1x!tpu.dma_semaphore, #tpu.memory_space<semaphore_mem>> -> memref<!tpu.dma_semaphore, #tpu.memory_space<semaphore_mem>>
        tpu.wait_indirect_dma semaphore(%dma_wait3A_619 : memref<!tpu.dma_semaphore, #tpu.memory_space<semaphore_mem>>) src(%dma_wait3A_611 : memref<128x128xf32, #tpu.memory_space<vmem>>) dst(%dma_wait3A_617 : memref<10112x128xf32, #tpu.memory_space<vmem_shared>>)
      } else {
      }
      %add3A_503 = arith.constant 1 : i32
      %add3A_504 = arith.addi %add3A_459, %add3A_503 : i32
      %lt3A_505 = arith.constant 80 : i32
      %lt3A_506 = arith.cmpi slt, %add3A_504, %lt3A_505 : i32
      %convert_element_type3A_507 = arith.extui %lt3A_506 : i1 to i32
      %cond3A_508 = arith.constant 0 : i32
      %cond3A_509 = arith.cmpi ne, %convert_element_type3A_507, %cond3A_508 : i32
      scf.if %cond3A_509 {
        %add3A_604 = arith.constant 1 : i32
        %add3A_605 = arith.addi %add3A_459, %add3A_604 : i32
        %jit3A = arith.constant 8 : i32
        %div3A = arith.divsi %add3A_605, %jit3A : i32
        %sign3A = arith.constant 0 : i32
        %sign3A_606 = arith.cmpi sgt, %add3A_605, %sign3A : i32
        %sign3A_607 = arith.extui %sign3A_606 : i1 to i32
        %sign3A_608 = arith.constant 0 : i32
        %sign3A_609 = arith.cmpi slt, %add3A_605, %sign3A_608 : i32
        %sign3A_610 = arith.extui %sign3A_609 : i1 to i32
        %sign3A_611 = arith.subi %sign3A_607, %sign3A_610 : i32
        %sign3A_612 = arith.constant 0 : i32
        %sign3A_613 = arith.cmpi sgt, %jit3A, %sign3A_612 : i32
        %sign3A_614 = arith.extui %sign3A_613 : i1 to i32
        %sign3A_615 = arith.constant 0 : i32
        %sign3A_616 = arith.cmpi slt, %jit3A, %sign3A_615 : i32
        %sign3A_617 = arith.extui %sign3A_616 : i1 to i32
        %sign3A_618 = arith.subi %sign3A_614, %sign3A_617 : i32
        %ne3A = arith.cmpi ne, %sign3A_611, %sign3A_618 : i32
        %rem3A_619 = arith.remsi %add3A_605, %jit3A : i32
        %ne3A_620 = arith.constant 0 : i32
        %ne3A_621 = arith.cmpi ne, %rem3A_619, %ne3A_620 : i32
        %and3A = arith.andi %ne3A, %ne3A_621 : i1
        %sub3A = arith.constant 1 : i32
        %sub3A_622 = arith.subi %div3A, %sub3A : i32
        %select_n3A = arith.select %and3A, %sub3A_622, %div3A : i32
        %rem3A_623 = arith.constant 4 : i32
        %rem3A_624 = arith.remsi %select_n3A, %rem3A_623 : i32
        %dma_start3A_625 = arith.constant 6 : i32
        %dma_start3A_626 = arith.constant 0 : i32
        %dma_start3A_627 = arith.constant 0 : i32
        %dma_start3A_628 = arith.constant 0 : i32
        %dma_start3A_629 = arith.constant 0 : i32
        %dma_start3A_630 = tpu.memref_slice %arg9[%dma_start3A_626, %dma_start3A_628, %dma_start3A_629] : memref<2x128x128xf32, #tpu.memory_space<vmem>> -> memref<1x128x128xf32, #tpu.memory_space<vmem>>
        %dma_start3A_631 = tpu.memref_squeeze %dma_start3A_630 : memref<1x128x128xf32, #tpu.memory_space<vmem>> -> memref<128x128xf32, #tpu.memory_space<vmem>>
        %dma_start3A_632 = arith.constant 0 : i32
        %dma_start3A_633 = tpu.memref_slice %arg7[%rem3A_624, %dma_start3A_625, %dma_start3A_632] : memref<4x8x128xi32, #tpu.memory_space<vmem>> -> memref<1x1x128xi32, #tpu.memory_space<vmem>>
        %dma_start3A_634 = tpu.memref_squeeze %dma_start3A_633 : memref<1x1x128xi32, #tpu.memory_space<vmem>> -> memref<128xi32, #tpu.memory_space<vmem>>
        %dma_start3A_635 = arith.constant 0 : i32
        %dma_start3A_636 = arith.constant 0 : i32
        %dma_start3A_637 = tpu.memref_slice %arg2[%dma_start3A_635, %dma_start3A_636] : memref<10112x128xf32, #tpu.memory_space<hbm>> -> memref<10112x128xf32, #tpu.memory_space<hbm>>
        %dma_start3A_638 = tpu.memref_slice %arg12[%dma_start3A_627] : memref<2x!tpu.dma_semaphore, #tpu.memory_space<semaphore_mem>> -> memref<1x!tpu.dma_semaphore, #tpu.memory_space<semaphore_mem>>
        %dma_start3A_639 = tpu.memref_squeeze %dma_start3A_638 : memref<1x!tpu.dma_semaphore, #tpu.memory_space<semaphore_mem>> -> memref<!tpu.dma_semaphore, #tpu.memory_space<semaphore_mem>>
        tpu.enqueue_indirect_dma source(%dma_start3A_637 : memref<10112x128xf32, #tpu.memory_space<hbm>>) target(%dma_start3A_631 : memref<128x128xf32, #tpu.memory_space<vmem>>) offsets(%dma_start3A_634 : memref<128xi32, #tpu.memory_space<vmem>>) semaphore(%dma_start3A_639 : memref<!tpu.dma_semaphore, #tpu.memory_space<semaphore_mem>>)
      } else {
      }
      %mul3A_510 = arith.constant 8 : i32
      %mul3A_511 = arith.muli %scan3A_215, %mul3A_510 : i32
      %add3A_512 = arith.constant 6 : i32
      %add3A_513 = arith.addi %mul3A_511, %add3A_512 : i32
      %dma_wait3A_514 = arith.constant 0 : i32
      %dma_wait3A_515 = arith.constant 0 : i32
      %dma_wait3A_516 = arith.constant 0 : i32
      %dma_wait3A_517 = arith.constant 0 : i32
      %dma_wait3A_518 = arith.constant 0 : i32
      %dma_wait3A_519 = arith.constant 0 : i32
      %dma_wait3A_520 = tpu.memref_slice %arg9[%dma_wait3A_516, %dma_wait3A_518, %dma_wait3A_519] : memref<2x128x128xf32, #tpu.memory_space<vmem>> -> memref<1x128x128xf32, #tpu.memory_space<vmem>>
      %dma_wait3A_521 = tpu.memref_squeeze %dma_wait3A_520 : memref<1x128x128xf32, #tpu.memory_space<vmem>> -> memref<128x128xf32, #tpu.memory_space<vmem>>
      %dma_wait3A_522 = arith.constant 0 : i32
      %dma_wait3A_523 = tpu.memref_slice %arg7[%dma_wait3A_514, %dma_wait3A_515, %dma_wait3A_522] : memref<4x8x128xi32, #tpu.memory_space<vmem>> -> memref<1x1x128xi32, #tpu.memory_space<vmem>>
      %dma_wait3A_524 = tpu.memref_squeeze %dma_wait3A_523 : memref<1x1x128xi32, #tpu.memory_space<vmem>> -> memref<128xi32, #tpu.memory_space<vmem>>
      %dma_wait3A_525 = arith.constant 0 : i32
      %dma_wait3A_526 = arith.constant 0 : i32
      %dma_wait3A_527 = tpu.memref_slice %arg2[%dma_wait3A_525, %dma_wait3A_526] : memref<10112x128xf32, #tpu.memory_space<hbm>> -> memref<10112x128xf32, #tpu.memory_space<hbm>>
      %dma_wait3A_528 = tpu.memref_slice %arg12[%dma_wait3A_517] : memref<2x!tpu.dma_semaphore, #tpu.memory_space<semaphore_mem>> -> memref<1x!tpu.dma_semaphore, #tpu.memory_space<semaphore_mem>>
      %dma_wait3A_529 = tpu.memref_squeeze %dma_wait3A_528 : memref<1x!tpu.dma_semaphore, #tpu.memory_space<semaphore_mem>> -> memref<!tpu.dma_semaphore, #tpu.memory_space<semaphore_mem>>
      tpu.wait_indirect_dma semaphore(%dma_wait3A_529 : memref<!tpu.dma_semaphore, #tpu.memory_space<semaphore_mem>>) src(%dma_wait3A_527 : memref<10112x128xf32, #tpu.memory_space<hbm>>) dst(%dma_wait3A_521 : memref<128x128xf32, #tpu.memory_space<vmem>>)
      %dma_start3A_530 = arith.constant 0 : i32
      %dma_start3A_531 = arith.constant 6 : i32
      %dma_start3A_532 = arith.constant 0 : i32
      %dma_start3A_533 = arith.constant 0 : i32
      %dma_start3A_534 = arith.constant 0 : i32
      %dma_start3A_535 = tpu.memref_slice %arg9[%dma_start3A_530, %dma_start3A_533, %dma_start3A_534] : memref<2x128x128xf32, #tpu.memory_space<vmem>> -> memref<1x128x128xf32, #tpu.memory_space<vmem>>
      %dma_start3A_536 = tpu.memref_squeeze %dma_start3A_535 : memref<1x128x128xf32, #tpu.memory_space<vmem>> -> memref<128x128xf32, #tpu.memory_space<vmem>>
      %dma_start3A_537 = arith.constant 0 : i32
      %dma_start3A_538 = tpu.memref_slice %arg8[%rem3A_217, %dma_start3A_531, %dma_start3A_537] : memref<4x8x128xi32, #tpu.memory_space<vmem>> -> memref<1x1x128xi32, #tpu.memory_space<vmem>>
      %dma_start3A_539 = tpu.memref_squeeze %dma_start3A_538 : memref<1x1x128xi32, #tpu.memory_space<vmem>> -> memref<128xi32, #tpu.memory_space<vmem>>
      %dma_start3A_540 = arith.constant 0 : i32
      %dma_start3A_541 = arith.constant 0 : i32
      %dma_start3A_542 = tpu.memref_slice %arg10[%dma_start3A_540, %dma_start3A_541] : memref<10112x128xf32, #tpu.memory_space<vmem_shared>> -> memref<10112x128xf32, #tpu.memory_space<vmem_shared>>
      %dma_start3A_543 = tpu.memref_slice %arg13[%dma_start3A_532] : memref<2x!tpu.dma_semaphore, #tpu.memory_space<semaphore_mem>> -> memref<1x!tpu.dma_semaphore, #tpu.memory_space<semaphore_mem>>
      %dma_start3A_544 = tpu.memref_squeeze %dma_start3A_543 : memref<1x!tpu.dma_semaphore, #tpu.memory_space<semaphore_mem>> -> memref<!tpu.dma_semaphore, #tpu.memory_space<semaphore_mem>>
      tpu.enqueue_indirect_dma source(%dma_start3A_536 : memref<128x128xf32, #tpu.memory_space<vmem>>) target(%dma_start3A_542 : memref<10112x128xf32, #tpu.memory_space<vmem_shared>>) offsets(%dma_start3A_539 : memref<128xi32, #tpu.memory_space<vmem>>) semaphore(%dma_start3A_544 : memref<!tpu.dma_semaphore, #tpu.memory_space<semaphore_mem>>) {add = true}
      %ge3A_545 = arith.constant 1 : i32
      %ge3A_546 = arith.cmpi sge, %add3A_513, %ge3A_545 : i32
      %convert_element_type3A_547 = arith.extui %ge3A_546 : i1 to i32
      %cond3A_548 = arith.constant 0 : i32
      %cond3A_549 = arith.cmpi ne, %convert_element_type3A_547, %cond3A_548 : i32
      scf.if %cond3A_549 {
        %dma_wait3A_604 = arith.constant 1 : i32
        %dma_wait3A_605 = arith.constant 0 : i32
        %dma_wait3A_606 = arith.constant 0 : i32
        %dma_wait3A_607 = arith.constant 1 : i32
        %dma_wait3A_608 = arith.constant 0 : i32
        %dma_wait3A_609 = arith.constant 0 : i32
        %dma_wait3A_610 = tpu.memref_slice %arg9[%dma_wait3A_604, %dma_wait3A_608, %dma_wait3A_609] : memref<2x128x128xf32, #tpu.memory_space<vmem>> -> memref<1x128x128xf32, #tpu.memory_space<vmem>>
        %dma_wait3A_611 = tpu.memref_squeeze %dma_wait3A_610 : memref<1x128x128xf32, #tpu.memory_space<vmem>> -> memref<128x128xf32, #tpu.memory_space<vmem>>
        %dma_wait3A_612 = arith.constant 0 : i32
        %dma_wait3A_613 = tpu.memref_slice %arg8[%dma_wait3A_605, %dma_wait3A_606, %dma_wait3A_612] : memref<4x8x128xi32, #tpu.memory_space<vmem>> -> memref<1x1x128xi32, #tpu.memory_space<vmem>>
        %dma_wait3A_614 = tpu.memref_squeeze %dma_wait3A_613 : memref<1x1x128xi32, #tpu.memory_space<vmem>> -> memref<128xi32, #tpu.memory_space<vmem>>
        %dma_wait3A_615 = arith.constant 0 : i32
        %dma_wait3A_616 = arith.constant 0 : i32
        %dma_wait3A_617 = tpu.memref_slice %arg10[%dma_wait3A_615, %dma_wait3A_616] : memref<10112x128xf32, #tpu.memory_space<vmem_shared>> -> memref<10112x128xf32, #tpu.memory_space<vmem_shared>>
        %dma_wait3A_618 = tpu.memref_slice %arg13[%dma_wait3A_607] : memref<2x!tpu.dma_semaphore, #tpu.memory_space<semaphore_mem>> -> memref<1x!tpu.dma_semaphore, #tpu.memory_space<semaphore_mem>>
        %dma_wait3A_619 = tpu.memref_squeeze %dma_wait3A_618 : memref<1x!tpu.dma_semaphore, #tpu.memory_space<semaphore_mem>> -> memref<!tpu.dma_semaphore, #tpu.memory_space<semaphore_mem>>
        tpu.wait_indirect_dma semaphore(%dma_wait3A_619 : memref<!tpu.dma_semaphore, #tpu.memory_space<semaphore_mem>>) src(%dma_wait3A_611 : memref<128x128xf32, #tpu.memory_space<vmem>>) dst(%dma_wait3A_617 : memref<10112x128xf32, #tpu.memory_space<vmem_shared>>)
      } else {
      }
      %add3A_550 = arith.constant 1 : i32
      %add3A_551 = arith.addi %add3A_513, %add3A_550 : i32
      %lt3A_552 = arith.constant 80 : i32
      %lt3A_553 = arith.cmpi slt, %add3A_551, %lt3A_552 : i32
      %convert_element_type3A_554 = arith.extui %lt3A_553 : i1 to i32
      %cond3A_555 = arith.constant 0 : i32
      %cond3A_556 = arith.cmpi ne, %convert_element_type3A_554, %cond3A_555 : i32
      scf.if %cond3A_556 {
        %add3A_604 = arith.constant 1 : i32
        %add3A_605 = arith.addi %add3A_513, %add3A_604 : i32
        %jit3A = arith.constant 8 : i32
        %div3A = arith.divsi %add3A_605, %jit3A : i32
        %sign3A = arith.constant 0 : i32
        %sign3A_606 = arith.cmpi sgt, %add3A_605, %sign3A : i32
        %sign3A_607 = arith.extui %sign3A_606 : i1 to i32
        %sign3A_608 = arith.constant 0 : i32
        %sign3A_609 = arith.cmpi slt, %add3A_605, %sign3A_608 : i32
        %sign3A_610 = arith.extui %sign3A_609 : i1 to i32
        %sign3A_611 = arith.subi %sign3A_607, %sign3A_610 : i32
        %sign3A_612 = arith.constant 0 : i32
        %sign3A_613 = arith.cmpi sgt, %jit3A, %sign3A_612 : i32
        %sign3A_614 = arith.extui %sign3A_613 : i1 to i32
        %sign3A_615 = arith.constant 0 : i32
        %sign3A_616 = arith.cmpi slt, %jit3A, %sign3A_615 : i32
        %sign3A_617 = arith.extui %sign3A_616 : i1 to i32
        %sign3A_618 = arith.subi %sign3A_614, %sign3A_617 : i32
        %ne3A = arith.cmpi ne, %sign3A_611, %sign3A_618 : i32
        %rem3A_619 = arith.remsi %add3A_605, %jit3A : i32
        %ne3A_620 = arith.constant 0 : i32
        %ne3A_621 = arith.cmpi ne, %rem3A_619, %ne3A_620 : i32
        %and3A = arith.andi %ne3A, %ne3A_621 : i1
        %sub3A = arith.constant 1 : i32
        %sub3A_622 = arith.subi %div3A, %sub3A : i32
        %select_n3A = arith.select %and3A, %sub3A_622, %div3A : i32
        %rem3A_623 = arith.constant 4 : i32
        %rem3A_624 = arith.remsi %select_n3A, %rem3A_623 : i32
        %dma_start3A_625 = arith.constant 7 : i32
        %dma_start3A_626 = arith.constant 1 : i32
        %dma_start3A_627 = arith.constant 1 : i32
        %dma_start3A_628 = arith.constant 0 : i32
        %dma_start3A_629 = arith.constant 0 : i32
        %dma_start3A_630 = tpu.memref_slice %arg9[%dma_start3A_626, %dma_start3A_628, %dma_start3A_629] : memref<2x128x128xf32, #tpu.memory_space<vmem>> -> memref<1x128x128xf32, #tpu.memory_space<vmem>>
        %dma_start3A_631 = tpu.memref_squeeze %dma_start3A_630 : memref<1x128x128xf32, #tpu.memory_space<vmem>> -> memref<128x128xf32, #tpu.memory_space<vmem>>
        %dma_start3A_632 = arith.constant 0 : i32
        %dma_start3A_633 = tpu.memref_slice %arg7[%rem3A_624, %dma_start3A_625, %dma_start3A_632] : memref<4x8x128xi32, #tpu.memory_space<vmem>> -> memref<1x1x128xi32, #tpu.memory_space<vmem>>
        %dma_start3A_634 = tpu.memref_squeeze %dma_start3A_633 : memref<1x1x128xi32, #tpu.memory_space<vmem>> -> memref<128xi32, #tpu.memory_space<vmem>>
        %dma_start3A_635 = arith.constant 0 : i32
        %dma_start3A_636 = arith.constant 0 : i32
        %dma_start3A_637 = tpu.memref_slice %arg2[%dma_start3A_635, %dma_start3A_636] : memref<10112x128xf32, #tpu.memory_space<hbm>> -> memref<10112x128xf32, #tpu.memory_space<hbm>>
        %dma_start3A_638 = tpu.memref_slice %arg12[%dma_start3A_627] : memref<2x!tpu.dma_semaphore, #tpu.memory_space<semaphore_mem>> -> memref<1x!tpu.dma_semaphore, #tpu.memory_space<semaphore_mem>>
        %dma_start3A_639 = tpu.memref_squeeze %dma_start3A_638 : memref<1x!tpu.dma_semaphore, #tpu.memory_space<semaphore_mem>> -> memref<!tpu.dma_semaphore, #tpu.memory_space<semaphore_mem>>
        tpu.enqueue_indirect_dma source(%dma_start3A_637 : memref<10112x128xf32, #tpu.memory_space<hbm>>) target(%dma_start3A_631 : memref<128x128xf32, #tpu.memory_space<vmem>>) offsets(%dma_start3A_634 : memref<128xi32, #tpu.memory_space<vmem>>) semaphore(%dma_start3A_639 : memref<!tpu.dma_semaphore, #tpu.memory_space<semaphore_mem>>)
      } else {
      }
      %mul3A_557 = arith.constant 8 : i32
      %mul3A_558 = arith.muli %scan3A_215, %mul3A_557 : i32
      %add3A_559 = arith.constant 7 : i32
      %add3A_560 = arith.addi %mul3A_558, %add3A_559 : i32
      %dma_wait3A_561 = arith.constant 0 : i32
      %dma_wait3A_562 = arith.constant 0 : i32
      %dma_wait3A_563 = arith.constant 1 : i32
      %dma_wait3A_564 = arith.constant 1 : i32
      %dma_wait3A_565 = arith.constant 0 : i32
      %dma_wait3A_566 = arith.constant 0 : i32
      %dma_wait3A_567 = tpu.memref_slice %arg9[%dma_wait3A_563, %dma_wait3A_565, %dma_wait3A_566] : memref<2x128x128xf32, #tpu.memory_space<vmem>> -> memref<1x128x128xf32, #tpu.memory_space<vmem>>
      %dma_wait3A_568 = tpu.memref_squeeze %dma_wait3A_567 : memref<1x128x128xf32, #tpu.memory_space<vmem>> -> memref<128x128xf32, #tpu.memory_space<vmem>>
      %dma_wait3A_569 = arith.constant 0 : i32
      %dma_wait3A_570 = tpu.memref_slice %arg7[%dma_wait3A_561, %dma_wait3A_562, %dma_wait3A_569] : memref<4x8x128xi32, #tpu.memory_space<vmem>> -> memref<1x1x128xi32, #tpu.memory_space<vmem>>
      %dma_wait3A_571 = tpu.memref_squeeze %dma_wait3A_570 : memref<1x1x128xi32, #tpu.memory_space<vmem>> -> memref<128xi32, #tpu.memory_space<vmem>>
      %dma_wait3A_572 = arith.constant 0 : i32
      %dma_wait3A_573 = arith.constant 0 : i32
      %dma_wait3A_574 = tpu.memref_slice %arg2[%dma_wait3A_572, %dma_wait3A_573] : memref<10112x128xf32, #tpu.memory_space<hbm>> -> memref<10112x128xf32, #tpu.memory_space<hbm>>
      %dma_wait3A_575 = tpu.memref_slice %arg12[%dma_wait3A_564] : memref<2x!tpu.dma_semaphore, #tpu.memory_space<semaphore_mem>> -> memref<1x!tpu.dma_semaphore, #tpu.memory_space<semaphore_mem>>
      %dma_wait3A_576 = tpu.memref_squeeze %dma_wait3A_575 : memref<1x!tpu.dma_semaphore, #tpu.memory_space<semaphore_mem>> -> memref<!tpu.dma_semaphore, #tpu.memory_space<semaphore_mem>>
      tpu.wait_indirect_dma semaphore(%dma_wait3A_576 : memref<!tpu.dma_semaphore, #tpu.memory_space<semaphore_mem>>) src(%dma_wait3A_574 : memref<10112x128xf32, #tpu.memory_space<hbm>>) dst(%dma_wait3A_568 : memref<128x128xf32, #tpu.memory_space<vmem>>)
      %dma_start3A_577 = arith.constant 1 : i32
      %dma_start3A_578 = arith.constant 7 : i32
      %dma_start3A_579 = arith.constant 1 : i32
      %dma_start3A_580 = arith.constant 0 : i32
      %dma_start3A_581 = arith.constant 0 : i32
      %dma_start3A_582 = tpu.memref_slice %arg9[%dma_start3A_577, %dma_start3A_580, %dma_start3A_581] : memref<2x128x128xf32, #tpu.memory_space<vmem>> -> memref<1x128x128xf32, #tpu.memory_space<vmem>>
      %dma_start3A_583 = tpu.memref_squeeze %dma_start3A_582 : memref<1x128x128xf32, #tpu.memory_space<vmem>> -> memref<128x128xf32, #tpu.memory_space<vmem>>
      %dma_start3A_584 = arith.constant 0 : i32
      %dma_start3A_585 = tpu.memref_slice %arg8[%rem3A_217, %dma_start3A_578, %dma_start3A_584] : memref<4x8x128xi32, #tpu.memory_space<vmem>> -> memref<1x1x128xi32, #tpu.memory_space<vmem>>
      %dma_start3A_586 = tpu.memref_squeeze %dma_start3A_585 : memref<1x1x128xi32, #tpu.memory_space<vmem>> -> memref<128xi32, #tpu.memory_space<vmem>>
      %dma_start3A_587 = arith.constant 0 : i32
      %dma_start3A_588 = arith.constant 0 : i32
      %dma_start3A_589 = tpu.memref_slice %arg10[%dma_start3A_587, %dma_start3A_588] : memref<10112x128xf32, #tpu.memory_space<vmem_shared>> -> memref<10112x128xf32, #tpu.memory_space<vmem_shared>>
      %dma_start3A_590 = tpu.memref_slice %arg13[%dma_start3A_579] : memref<2x!tpu.dma_semaphore, #tpu.memory_space<semaphore_mem>> -> memref<1x!tpu.dma_semaphore, #tpu.memory_space<semaphore_mem>>
      %dma_start3A_591 = tpu.memref_squeeze %dma_start3A_590 : memref<1x!tpu.dma_semaphore, #tpu.memory_space<semaphore_mem>> -> memref<!tpu.dma_semaphore, #tpu.memory_space<semaphore_mem>>
      tpu.enqueue_indirect_dma source(%dma_start3A_583 : memref<128x128xf32, #tpu.memory_space<vmem>>) target(%dma_start3A_589 : memref<10112x128xf32, #tpu.memory_space<vmem_shared>>) offsets(%dma_start3A_586 : memref<128xi32, #tpu.memory_space<vmem>>) semaphore(%dma_start3A_591 : memref<!tpu.dma_semaphore, #tpu.memory_space<semaphore_mem>>) {add = true}
      %ge3A_592 = arith.constant 1 : i32
      %ge3A_593 = arith.cmpi sge, %add3A_560, %ge3A_592 : i32
      %convert_element_type3A_594 = arith.extui %ge3A_593 : i1 to i32
      %cond3A_595 = arith.constant 0 : i32
      %cond3A_596 = arith.cmpi ne, %convert_element_type3A_594, %cond3A_595 : i32
      scf.if %cond3A_596 {
        %dma_wait3A_604 = arith.constant 0 : i32
        %dma_wait3A_605 = arith.constant 0 : i32
        %dma_wait3A_606 = arith.constant 0 : i32
        %dma_wait3A_607 = arith.constant 0 : i32
        %dma_wait3A_608 = arith.constant 0 : i32
        %dma_wait3A_609 = arith.constant 0 : i32
        %dma_wait3A_610 = tpu.memref_slice %arg9[%dma_wait3A_604, %dma_wait3A_608, %dma_wait3A_609] : memref<2x128x128xf32, #tpu.memory_space<vmem>> -> memref<1x128x128xf32, #tpu.memory_space<vmem>>
        %dma_wait3A_611 = tpu.memref_squeeze %dma_wait3A_610 : memref<1x128x128xf32, #tpu.memory_space<vmem>> -> memref<128x128xf32, #tpu.memory_space<vmem>>
        %dma_wait3A_612 = arith.constant 0 : i32
        %dma_wait3A_613 = tpu.memref_slice %arg8[%dma_wait3A_605, %dma_wait3A_606, %dma_wait3A_612] : memref<4x8x128xi32, #tpu.memory_space<vmem>> -> memref<1x1x128xi32, #tpu.memory_space<vmem>>
        %dma_wait3A_614 = tpu.memref_squeeze %dma_wait3A_613 : memref<1x1x128xi32, #tpu.memory_space<vmem>> -> memref<128xi32, #tpu.memory_space<vmem>>
        %dma_wait3A_615 = arith.constant 0 : i32
        %dma_wait3A_616 = arith.constant 0 : i32
        %dma_wait3A_617 = tpu.memref_slice %arg10[%dma_wait3A_615, %dma_wait3A_616] : memref<10112x128xf32, #tpu.memory_space<vmem_shared>> -> memref<10112x128xf32, #tpu.memory_space<vmem_shared>>
        %dma_wait3A_618 = tpu.memref_slice %arg13[%dma_wait3A_607] : memref<2x!tpu.dma_semaphore, #tpu.memory_space<semaphore_mem>> -> memref<1x!tpu.dma_semaphore, #tpu.memory_space<semaphore_mem>>
        %dma_wait3A_619 = tpu.memref_squeeze %dma_wait3A_618 : memref<1x!tpu.dma_semaphore, #tpu.memory_space<semaphore_mem>> -> memref<!tpu.dma_semaphore, #tpu.memory_space<semaphore_mem>>
        tpu.wait_indirect_dma semaphore(%dma_wait3A_619 : memref<!tpu.dma_semaphore, #tpu.memory_space<semaphore_mem>>) src(%dma_wait3A_611 : memref<128x128xf32, #tpu.memory_space<vmem>>) dst(%dma_wait3A_617 : memref<10112x128xf32, #tpu.memory_space<vmem_shared>>)
      } else {
      }
      %add3A_597 = arith.constant 1 : i32
      %add3A_598 = arith.addi %add3A_560, %add3A_597 : i32
      %lt3A_599 = arith.constant 80 : i32
      %lt3A_600 = arith.cmpi slt, %add3A_598, %lt3A_599 : i32
      %convert_element_type3A_601 = arith.extui %lt3A_600 : i1 to i32
      %cond3A_602 = arith.constant 0 : i32
      %cond3A_603 = arith.cmpi ne, %convert_element_type3A_601, %cond3A_602 : i32
      scf.if %cond3A_603 {
        %add3A_604 = arith.constant 1 : i32
        %add3A_605 = arith.addi %add3A_560, %add3A_604 : i32
        %jit3A = arith.constant 8 : i32
        %div3A = arith.divsi %add3A_605, %jit3A : i32
        %sign3A = arith.constant 0 : i32
        %sign3A_606 = arith.cmpi sgt, %add3A_605, %sign3A : i32
        %sign3A_607 = arith.extui %sign3A_606 : i1 to i32
        %sign3A_608 = arith.constant 0 : i32
        %sign3A_609 = arith.cmpi slt, %add3A_605, %sign3A_608 : i32
        %sign3A_610 = arith.extui %sign3A_609 : i1 to i32
        %sign3A_611 = arith.subi %sign3A_607, %sign3A_610 : i32
        %sign3A_612 = arith.constant 0 : i32
        %sign3A_613 = arith.cmpi sgt, %jit3A, %sign3A_612 : i32
        %sign3A_614 = arith.extui %sign3A_613 : i1 to i32
        %sign3A_615 = arith.constant 0 : i32
        %sign3A_616 = arith.cmpi slt, %jit3A, %sign3A_615 : i32
        %sign3A_617 = arith.extui %sign3A_616 : i1 to i32
        %sign3A_618 = arith.subi %sign3A_614, %sign3A_617 : i32
        %ne3A = arith.cmpi ne, %sign3A_611, %sign3A_618 : i32
        %rem3A_619 = arith.remsi %add3A_605, %jit3A : i32
        %ne3A_620 = arith.constant 0 : i32
        %ne3A_621 = arith.cmpi ne, %rem3A_619, %ne3A_620 : i32
        %and3A = arith.andi %ne3A, %ne3A_621 : i1
        %sub3A = arith.constant 1 : i32
        %sub3A_622 = arith.subi %div3A, %sub3A : i32
        %select_n3A = arith.select %and3A, %sub3A_622, %div3A : i32
        %rem3A_623 = arith.constant 4 : i32
        %rem3A_624 = arith.remsi %select_n3A, %rem3A_623 : i32
        %dma_start3A_625 = arith.constant 0 : i32
        %dma_start3A_626 = arith.constant 0 : i32
        %dma_start3A_627 = arith.constant 0 : i32
        %dma_start3A_628 = arith.constant 0 : i32
        %dma_start3A_629 = arith.constant 0 : i32
        %dma_start3A_630 = tpu.memref_slice %arg9[%dma_start3A_626, %dma_start3A_628, %dma_start3A_629] : memref<2x128x128xf32, #tpu.memory_space<vmem>> -> memref<1x128x128xf32, #tpu.memory_space<vmem>>
        %dma_start3A_631 = tpu.memref_squeeze %dma_start3A_630 : memref<1x128x128xf32, #tpu.memory_space<vmem>> -> memref<128x128xf32, #tpu.memory_space<vmem>>
        %dma_start3A_632 = arith.constant 0 : i32
        %dma_start3A_633 = tpu.memref_slice %arg7[%rem3A_624, %dma_start3A_625, %dma_start3A_632] : memref<4x8x128xi32, #tpu.memory_space<vmem>> -> memref<1x1x128xi32, #tpu.memory_space<vmem>>
        %dma_start3A_634 = tpu.memref_squeeze %dma_start3A_633 : memref<1x1x128xi32, #tpu.memory_space<vmem>> -> memref<128xi32, #tpu.memory_space<vmem>>
        %dma_start3A_635 = arith.constant 0 : i32
        %dma_start3A_636 = arith.constant 0 : i32
        %dma_start3A_637 = tpu.memref_slice %arg2[%dma_start3A_635, %dma_start3A_636] : memref<10112x128xf32, #tpu.memory_space<hbm>> -> memref<10112x128xf32, #tpu.memory_space<hbm>>
        %dma_start3A_638 = tpu.memref_slice %arg12[%dma_start3A_627] : memref<2x!tpu.dma_semaphore, #tpu.memory_space<semaphore_mem>> -> memref<1x!tpu.dma_semaphore, #tpu.memory_space<semaphore_mem>>
        %dma_start3A_639 = tpu.memref_squeeze %dma_start3A_638 : memref<1x!tpu.dma_semaphore, #tpu.memory_space<semaphore_mem>> -> memref<!tpu.dma_semaphore, #tpu.memory_space<semaphore_mem>>
        tpu.enqueue_indirect_dma source(%dma_start3A_637 : memref<10112x128xf32, #tpu.memory_space<hbm>>) target(%dma_start3A_631 : memref<128x128xf32, #tpu.memory_space<vmem>>) offsets(%dma_start3A_634 : memref<128xi32, #tpu.memory_space<vmem>>) semaphore(%dma_start3A_639 : memref<!tpu.dma_semaphore, #tpu.memory_space<semaphore_mem>>)
      } else {
      }
    }
    %scan3A_190 = arith.constant 10 : i32
    %dma_wait3A_191 = arith.constant 1 : i32
    %dma_wait3A_192 = arith.constant 0 : i32
    %dma_wait3A_193 = arith.constant 0 : i32
    %dma_wait3A_194 = arith.constant 1 : i32
    %dma_wait3A_195 = arith.constant 0 : i32
    %dma_wait3A_196 = arith.constant 0 : i32
    %dma_wait3A_197 = tpu.memref_slice %arg9[%dma_wait3A_191, %dma_wait3A_195, %dma_wait3A_196] : memref<2x128x128xf32, #tpu.memory_space<vmem>> -> memref<1x128x128xf32, #tpu.memory_space<vmem>>
    %dma_wait3A_198 = tpu.memref_squeeze %dma_wait3A_197 : memref<1x128x128xf32, #tpu.memory_space<vmem>> -> memref<128x128xf32, #tpu.memory_space<vmem>>
    %dma_wait3A_199 = arith.constant 0 : i32
    %dma_wait3A_200 = tpu.memref_slice %arg8[%dma_wait3A_192, %dma_wait3A_193, %dma_wait3A_199] : memref<4x8x128xi32, #tpu.memory_space<vmem>> -> memref<1x1x128xi32, #tpu.memory_space<vmem>>
    %dma_wait3A_201 = tpu.memref_squeeze %dma_wait3A_200 : memref<1x1x128xi32, #tpu.memory_space<vmem>> -> memref<128xi32, #tpu.memory_space<vmem>>
    %dma_wait3A_202 = arith.constant 0 : i32
    %dma_wait3A_203 = arith.constant 0 : i32
    %dma_wait3A_204 = tpu.memref_slice %arg10[%dma_wait3A_202, %dma_wait3A_203] : memref<10112x128xf32, #tpu.memory_space<vmem_shared>> -> memref<10112x128xf32, #tpu.memory_space<vmem_shared>>
    %dma_wait3A_205 = tpu.memref_slice %arg13[%dma_wait3A_194] : memref<2x!tpu.dma_semaphore, #tpu.memory_space<semaphore_mem>> -> memref<1x!tpu.dma_semaphore, #tpu.memory_space<semaphore_mem>>
    %dma_wait3A_206 = tpu.memref_squeeze %dma_wait3A_205 : memref<1x!tpu.dma_semaphore, #tpu.memory_space<semaphore_mem>> -> memref<!tpu.dma_semaphore, #tpu.memory_space<semaphore_mem>>
    tpu.wait_indirect_dma semaphore(%dma_wait3A_206 : memref<!tpu.dma_semaphore, #tpu.memory_space<semaphore_mem>>) src(%dma_wait3A_198 : memref<128x128xf32, #tpu.memory_space<vmem>>) dst(%dma_wait3A_204 : memref<10112x128xf32, #tpu.memory_space<vmem_shared>>)
    %barrier3A_207 = arith.constant 0 : index
    tpu.barrier barrier_id(%barrier3A_207)
    %mul3A_208 = arith.constant 632 : i32
    %mul3A_209 = arith.muli %arg1, %mul3A_208 : i32
    %mul3A_210 = arith.constant 10112 : i32
    %mul3A_211 = arith.muli %arg0, %mul3A_210 : i32
    %mul3A_212 = arith.constant 632 : i32
    %mul3A_213 = arith.muli %arg1, %mul3A_212 : i32
    %add3A_214 = arith.addi %mul3A_211, %mul3A_213 : i32
    "tpu.region"() ({
      %run_scoped3A = tpu.sem_alloc : memref<!tpu.dma_semaphore, #tpu.memory_space<semaphore_mem>>
      %dma_start3A_215 = arith.constant 0 : i32
      %dma_start3A_216 = tpu.memref_slice %arg6[%add3A_214, %dma_start3A_215] : memref<20224x128xf32, #tpu.memory_space<hbm>> -> memref<632x128xf32, #tpu.memory_space<hbm>>
      %dma_start3A_217 = arith.constant 0 : i32
      %dma_start3A_218 = tpu.memref_slice %arg10[%mul3A_209, %dma_start3A_217] : memref<10112x128xf32, #tpu.memory_space<vmem_shared>> -> memref<632x128xf32, #tpu.memory_space<vmem_shared>>
      tpu.enqueue_dma source(%dma_start3A_218 : memref<632x128xf32, #tpu.memory_space<vmem_shared>>) target(%dma_start3A_216 : memref<632x128xf32, #tpu.memory_space<hbm>>) target_semaphore(%run_scoped3A : memref<!tpu.dma_semaphore, #tpu.memory_space<semaphore_mem>>)
      %dma_wait3A_219 = arith.constant 0 : i32
      %dma_wait3A_220 = tpu.memref_slice %arg6[%add3A_214, %dma_wait3A_219] : memref<20224x128xf32, #tpu.memory_space<hbm>> -> memref<632x128xf32, #tpu.memory_space<hbm>>
      %dma_wait3A_221 = arith.constant 0 : i32
      %dma_wait3A_222 = tpu.memref_slice %arg10[%mul3A_209, %dma_wait3A_221] : memref<10112x128xf32, #tpu.memory_space<vmem_shared>> -> memref<632x128xf32, #tpu.memory_space<vmem_shared>>
      tpu.wait_dma2 semaphore(%run_scoped3A : memref<!tpu.dma_semaphore, #tpu.memory_space<semaphore_mem>>) src(%dma_wait3A_222 : memref<632x128xf32, #tpu.memory_space<vmem_shared>>) dst(%dma_wait3A_220 : memref<632x128xf32, #tpu.memory_space<hbm>>)
      tpu.yield
    }) : () -> ()
    return
  }
}

#map = affine_map<(d0, d1) -> (0, 0)>
#map1 = affine_map<(d0, d1) -> (0, 0, 0)>
module attributes {stable_mosaic.version = 14 : i64} {
  func.func @_sc_agg_body(%arg0: i32, %arg1: i32, %arg2: memref<10112x128xf32, #tpu.memory_space<hbm>>, %arg3: memref<320x8x128xi32, #tpu.memory_space<hbm>>, %arg4: memref<320x8x128xi32, #tpu.memory_space<hbm>>, %arg5: memref<632x128xf32, #tpu.memory_space<hbm>>, %arg6: memref<20224x128xf32, #tpu.memory_space<hbm>>, %arg7: memref<4x8x128xi32, #tpu.memory_space<vmem>>, %arg8: memref<4x8x128xi32, #tpu.memory_space<vmem>>, %arg9: memref<2x128x128xf32, #tpu.memory_space<vmem>>, %arg10: memref<10112x128xf32, #tpu.memory_space<vmem_shared>>, %arg11: memref<4x!tpu.dma_semaphore, #tpu.memory_space<semaphore_mem>>, %arg12: memref<2x!tpu.dma_semaphore, #tpu.memory_space<semaphore_mem>>, %arg13: memref<2x!tpu.dma_semaphore, #tpu.memory_space<semaphore_mem>>) attributes {dimension_semantics = [#tpu.dimension_semantics<core_parallel>, #tpu.dimension_semantics<subcore_parallel>], iteration_bounds = array<i64: 2, 16>, scalar_prefetch = 0 : i64, scratch_operands = 7 : i64, tpu.core_type = #tpu.core_type<sc_vector_subcore>, window_params = [{transform_indices = #map}, {transform_indices = #map1}, {transform_indices = #map1}, {transform_indices = #map}, {transform_indices = #map}]} {
    %mul3A = arith.constant 16 : i32
    %mul3A_0 = arith.muli %arg0, %mul3A : i32
    %add3A = arith.addi %mul3A_0, %arg1 : i32
    %mul3A_1 = arith.constant 10 : i32
    %mul3A_2 = arith.muli %add3A, %mul3A_1 : i32
    %mul3A_3 = arith.constant 632 : i32
    %mul3A_4 = arith.muli %arg1, %mul3A_3 : i32
    "tpu.region"() ({
      %run_scoped3A = tpu.sem_alloc : memref<!tpu.dma_semaphore, #tpu.memory_space<semaphore_mem>>
      %dma_start3A_215 = arith.constant 0 : i32
      %dma_start3A_216 = tpu.memref_slice %arg10[%mul3A_4, %dma_start3A_215] : memref<10112x128xf32, #tpu.memory_space<vmem_shared>> -> memref<632x128xf32, #tpu.memory_space<vmem_shared>>
      tpu.enqueue_dma source(%arg5 : memref<632x128xf32, #tpu.memory_space<hbm>>) target(%dma_start3A_216 : memref<632x128xf32, #tpu.memory_space<vmem_shared>>) target_semaphore(%run_scoped3A : memref<!tpu.dma_semaphore, #tpu.memory_space<semaphore_mem>>)
      %dma_wait3A_217 = arith.constant 0 : i32
      %dma_wait3A_218 = tpu.memref_slice %arg10[%mul3A_4, %dma_wait3A_217] : memref<10112x128xf32, #tpu.memory_space<vmem_shared>> -> memref<632x128xf32, #tpu.memory_space<vmem_shared>>
      tpu.wait_dma2 semaphore(%run_scoped3A : memref<!tpu.dma_semaphore, #tpu.memory_space<semaphore_mem>>) src(%arg5 : memref<632x128xf32, #tpu.memory_space<hbm>>) dst(%dma_wait3A_218 : memref<632x128xf32, #tpu.memory_space<vmem_shared>>)
      tpu.yield
    }) : () -> ()
    %rem3A = arith.constant 0 : i32
    %rem3A_5 = arith.constant 4 : i32
    %rem3A_6 = arith.remsi %rem3A, %rem3A_5 : i32
    %add3A_7 = arith.constant 0 : i32
    %add3A_8 = arith.addi %mul3A_2, %add3A_7 : i32
    %dma_start3A = arith.constant 0 : i32
    %dma_start3A_9 = arith.constant 0 : i32
    %dma_start3A_10 = tpu.memref_slice %arg7[%rem3A_6, %dma_start3A, %dma_start3A_9] : memref<4x8x128xi32, #tpu.memory_space<vmem>> -> memref<1x8x128xi32, #tpu.memory_space<vmem>>
    %dma_start3A_11 = tpu.memref_squeeze %dma_start3A_10 : memref<1x8x128xi32, #tpu.memory_space<vmem>> -> memref<8x128xi32, #tpu.memory_space<vmem>>
    %dma_start3A_12 = arith.constant 0 : i32
    %dma_start3A_13 = arith.constant 0 : i32
    %dma_start3A_14 = tpu.memref_slice %arg3[%add3A_8, %dma_start3A_12, %dma_start3A_13] : memref<320x8x128xi32, #tpu.memory_space<hbm>> -> memref<1x8x128xi32, #tpu.memory_space<hbm>>
    %dma_start3A_15 = tpu.memref_squeeze %dma_start3A_14 : memref<1x8x128xi32, #tpu.memory_space<hbm>> -> memref<8x128xi32, #tpu.memory_space<hbm>>
    %dma_start3A_16 = tpu.memref_slice %arg11[%rem3A_6] : memref<4x!tpu.dma_semaphore, #tpu.memory_space<semaphore_mem>> -> memref<1x!tpu.dma_semaphore, #tpu.memory_space<semaphore_mem>>
    %dma_start3A_17 = tpu.memref_squeeze %dma_start3A_16 : memref<1x!tpu.dma_semaphore, #tpu.memory_space<semaphore_mem>> -> memref<!tpu.dma_semaphore, #tpu.memory_space<semaphore_mem>>
    %dma_start3A_18 = arith.constant 0 : i32
    %dma_start3A_19 = arith.constant 0 : i32
    %dma_start3A_20 = tpu.memref_slice %arg7[%rem3A_6, %dma_start3A_18, %dma_start3A_19] : memref<4x8x128xi32, #tpu.memory_space<vmem>> -> memref<1x8x128xi32, #tpu.memory_space<vmem>>
    %dma_start3A_21 = tpu.memref_squeeze %dma_start3A_20 : memref<1x8x128xi32, #tpu.memory_space<vmem>> -> memref<8x128xi32, #tpu.memory_space<vmem>>
    %dma_start3A_22 = arith.constant 0 : i32
    %dma_start3A_23 = arith.constant 0 : i32
    %dma_start3A_24 = tpu.memref_slice %arg3[%add3A_8, %dma_start3A_22, %dma_start3A_23] : memref<320x8x128xi32, #tpu.memory_space<hbm>> -> memref<1x8x128xi32, #tpu.memory_space<hbm>>
    %dma_start3A_25 = tpu.memref_squeeze %dma_start3A_24 : memref<1x8x128xi32, #tpu.memory_space<hbm>> -> memref<8x128xi32, #tpu.memory_space<hbm>>
    tpu.enqueue_dma source(%dma_start3A_25 : memref<8x128xi32, #tpu.memory_space<hbm>>) target(%dma_start3A_21 : memref<8x128xi32, #tpu.memory_space<vmem>>) target_semaphore(%dma_start3A_17 : memref<!tpu.dma_semaphore, #tpu.memory_space<semaphore_mem>>)
    %add3A_26 = arith.constant 0 : i32
    %add3A_27 = arith.addi %mul3A_2, %add3A_26 : i32
    %dma_start3A_28 = arith.constant 0 : i32
    %dma_start3A_29 = arith.constant 0 : i32
    %dma_start3A_30 = tpu.memref_slice %arg8[%rem3A_6, %dma_start3A_28, %dma_start3A_29] : memref<4x8x128xi32, #tpu.memory_space<vmem>> -> memref<1x8x128xi32, #tpu.memory_space<vmem>>
    %dma_start3A_31 = tpu.memref_squeeze %dma_start3A_30 : memref<1x8x128xi32, #tpu.memory_space<vmem>> -> memref<8x128xi32, #tpu.memory_space<vmem>>
    %dma_start3A_32 = arith.constant 0 : i32
    %dma_start3A_33 = arith.constant 0 : i32
    %dma_start3A_34 = tpu.memref_slice %arg4[%add3A_27, %dma_start3A_32, %dma_start3A_33] : memref<320x8x128xi32, #tpu.memory_space<hbm>> -> memref<1x8x128xi32, #tpu.memory_space<hbm>>
    %dma_start3A_35 = tpu.memref_squeeze %dma_start3A_34 : memref<1x8x128xi32, #tpu.memory_space<hbm>> -> memref<8x128xi32, #tpu.memory_space<hbm>>
    %dma_start3A_36 = tpu.memref_slice %arg11[%rem3A_6] : memref<4x!tpu.dma_semaphore, #tpu.memory_space<semaphore_mem>> -> memref<1x!tpu.dma_semaphore, #tpu.memory_space<semaphore_mem>>
    %dma_start3A_37 = tpu.memref_squeeze %dma_start3A_36 : memref<1x!tpu.dma_semaphore, #tpu.memory_space<semaphore_mem>> -> memref<!tpu.dma_semaphore, #tpu.memory_space<semaphore_mem>>
    %dma_start3A_38 = arith.constant 0 : i32
    %dma_start3A_39 = arith.constant 0 : i32
    %dma_start3A_40 = tpu.memref_slice %arg8[%rem3A_6, %dma_start3A_38, %dma_start3A_39] : memref<4x8x128xi32, #tpu.memory_space<vmem>> -> memref<1x8x128xi32, #tpu.memory_space<vmem>>
    %dma_start3A_41 = tpu.memref_squeeze %dma_start3A_40 : memref<1x8x128xi32, #tpu.memory_space<vmem>> -> memref<8x128xi32, #tpu.memory_space<vmem>>
    %dma_start3A_42 = arith.constant 0 : i32
    %dma_start3A_43 = arith.constant 0 : i32
    %dma_start3A_44 = tpu.memref_slice %arg4[%add3A_27, %dma_start3A_42, %dma_start3A_43] : memref<320x8x128xi32, #tpu.memory_space<hbm>> -> memref<1x8x128xi32, #tpu.memory_space<hbm>>
    %dma_start3A_45 = tpu.memref_squeeze %dma_start3A_44 : memref<1x8x128xi32, #tpu.memory_space<hbm>> -> memref<8x128xi32, #tpu.memory_space<hbm>>
    tpu.enqueue_dma source(%dma_start3A_45 : memref<8x128xi32, #tpu.memory_space<hbm>>) target(%dma_start3A_41 : memref<8x128xi32, #tpu.memory_space<vmem>>) target_semaphore(%dma_start3A_37 : memref<!tpu.dma_semaphore, #tpu.memory_space<semaphore_mem>>)
    %rem3A_46 = arith.constant 1 : i32
    %rem3A_47 = arith.constant 4 : i32
    %rem3A_48 = arith.remsi %rem3A_46, %rem3A_47 : i32
    %add3A_49 = arith.constant 1 : i32
    %add3A_50 = arith.addi %mul3A_2, %add3A_49 : i32
    %dma_start3A_51 = arith.constant 0 : i32
    %dma_start3A_52 = arith.constant 0 : i32
    %dma_start3A_53 = tpu.memref_slice %arg7[%rem3A_48, %dma_start3A_51, %dma_start3A_52] : memref<4x8x128xi32, #tpu.memory_space<vmem>> -> memref<1x8x128xi32, #tpu.memory_space<vmem>>
    %dma_start3A_54 = tpu.memref_squeeze %dma_start3A_53 : memref<1x8x128xi32, #tpu.memory_space<vmem>> -> memref<8x128xi32, #tpu.memory_space<vmem>>
    %dma_start3A_55 = arith.constant 0 : i32
    %dma_start3A_56 = arith.constant 0 : i32
    %dma_start3A_57 = tpu.memref_slice %arg3[%add3A_50, %dma_start3A_55, %dma_start3A_56] : memref<320x8x128xi32, #tpu.memory_space<hbm>> -> memref<1x8x128xi32, #tpu.memory_space<hbm>>
    %dma_start3A_58 = tpu.memref_squeeze %dma_start3A_57 : memref<1x8x128xi32, #tpu.memory_space<hbm>> -> memref<8x128xi32, #tpu.memory_space<hbm>>
    %dma_start3A_59 = tpu.memref_slice %arg11[%rem3A_48] : memref<4x!tpu.dma_semaphore, #tpu.memory_space<semaphore_mem>> -> memref<1x!tpu.dma_semaphore, #tpu.memory_space<semaphore_mem>>
    %dma_start3A_60 = tpu.memref_squeeze %dma_start3A_59 : memref<1x!tpu.dma_semaphore, #tpu.memory_space<semaphore_mem>> -> memref<!tpu.dma_semaphore, #tpu.memory_space<semaphore_mem>>
    %dma_start3A_61 = arith.constant 0 : i32
    %dma_start3A_62 = arith.constant 0 : i32
    %dma_start3A_63 = tpu.memref_slice %arg7[%rem3A_48, %dma_start3A_61, %dma_start3A_62] : memref<4x8x128xi32, #tpu.memory_space<vmem>> -> memref<1x8x128xi32, #tpu.memory_space<vmem>>
    %dma_start3A_64 = tpu.memref_squeeze %dma_start3A_63 : memref<1x8x128xi32, #tpu.memory_space<vmem>> -> memref<8x128xi32, #tpu.memory_space<vmem>>
    %dma_start3A_65 = arith.constant 0 : i32
    %dma_start3A_66 = arith.constant 0 : i32
    %dma_start3A_67 = tpu.memref_slice %arg3[%add3A_50, %dma_start3A_65, %dma_start3A_66] : memref<320x8x128xi32, #tpu.memory_space<hbm>> -> memref<1x8x128xi32, #tpu.memory_space<hbm>>
    %dma_start3A_68 = tpu.memref_squeeze %dma_start3A_67 : memref<1x8x128xi32, #tpu.memory_space<hbm>> -> memref<8x128xi32, #tpu.memory_space<hbm>>
    tpu.enqueue_dma source(%dma_start3A_68 : memref<8x128xi32, #tpu.memory_space<hbm>>) target(%dma_start3A_64 : memref<8x128xi32, #tpu.memory_space<vmem>>) target_semaphore(%dma_start3A_60 : memref<!tpu.dma_semaphore, #tpu.memory_space<semaphore_mem>>)
    %add3A_69 = arith.constant 1 : i32
    %add3A_70 = arith.addi %mul3A_2, %add3A_69 : i32
    %dma_start3A_71 = arith.constant 0 : i32
    %dma_start3A_72 = arith.constant 0 : i32
    %dma_start3A_73 = tpu.memref_slice %arg8[%rem3A_48, %dma_start3A_71, %dma_start3A_72] : memref<4x8x128xi32, #tpu.memory_space<vmem>> -> memref<1x8x128xi32, #tpu.memory_space<vmem>>
    %dma_start3A_74 = tpu.memref_squeeze %dma_start3A_73 : memref<1x8x128xi32, #tpu.memory_space<vmem>> -> memref<8x128xi32, #tpu.memory_space<vmem>>
    %dma_start3A_75 = arith.constant 0 : i32
    %dma_start3A_76 = arith.constant 0 : i32
    %dma_start3A_77 = tpu.memref_slice %arg4[%add3A_70, %dma_start3A_75, %dma_start3A_76] : memref<320x8x128xi32, #tpu.memory_space<hbm>> -> memref<1x8x128xi32, #tpu.memory_space<hbm>>
    %dma_start3A_78 = tpu.memref_squeeze %dma_start3A_77 : memref<1x8x128xi32, #tpu.memory_space<hbm>> -> memref<8x128xi32, #tpu.memory_space<hbm>>
    %dma_start3A_79 = tpu.memref_slice %arg11[%rem3A_48] : memref<4x!tpu.dma_semaphore, #tpu.memory_space<semaphore_mem>> -> memref<1x!tpu.dma_semaphore, #tpu.memory_space<semaphore_mem>>
    %dma_start3A_80 = tpu.memref_squeeze %dma_start3A_79 : memref<1x!tpu.dma_semaphore, #tpu.memory_space<semaphore_mem>> -> memref<!tpu.dma_semaphore, #tpu.memory_space<semaphore_mem>>
    %dma_start3A_81 = arith.constant 0 : i32
    %dma_start3A_82 = arith.constant 0 : i32
    %dma_start3A_83 = tpu.memref_slice %arg8[%rem3A_48, %dma_start3A_81, %dma_start3A_82] : memref<4x8x128xi32, #tpu.memory_space<vmem>> -> memref<1x8x128xi32, #tpu.memory_space<vmem>>
    %dma_start3A_84 = tpu.memref_squeeze %dma_start3A_83 : memref<1x8x128xi32, #tpu.memory_space<vmem>> -> memref<8x128xi32, #tpu.memory_space<vmem>>
    %dma_start3A_85 = arith.constant 0 : i32
    %dma_start3A_86 = arith.constant 0 : i32
    %dma_start3A_87 = tpu.memref_slice %arg4[%add3A_70, %dma_start3A_85, %dma_start3A_86] : memref<320x8x128xi32, #tpu.memory_space<hbm>> -> memref<1x8x128xi32, #tpu.memory_space<hbm>>
    %dma_start3A_88 = tpu.memref_squeeze %dma_start3A_87 : memref<1x8x128xi32, #tpu.memory_space<hbm>> -> memref<8x128xi32, #tpu.memory_space<hbm>>
    tpu.enqueue_dma source(%dma_start3A_88 : memref<8x128xi32, #tpu.memory_space<hbm>>) target(%dma_start3A_84 : memref<8x128xi32, #tpu.memory_space<vmem>>) target_semaphore(%dma_start3A_80 : memref<!tpu.dma_semaphore, #tpu.memory_space<semaphore_mem>>)
    %rem3A_89 = arith.constant 2 : i32
    %rem3A_90 = arith.constant 4 : i32
    %rem3A_91 = arith.remsi %rem3A_89, %rem3A_90 : i32
    %add3A_92 = arith.constant 2 : i32
    %add3A_93 = arith.addi %mul3A_2, %add3A_92 : i32
    %dma_start3A_94 = arith.constant 0 : i32
    %dma_start3A_95 = arith.constant 0 : i32
    %dma_start3A_96 = tpu.memref_slice %arg7[%rem3A_91, %dma_start3A_94, %dma_start3A_95] : memref<4x8x128xi32, #tpu.memory_space<vmem>> -> memref<1x8x128xi32, #tpu.memory_space<vmem>>
    %dma_start3A_97 = tpu.memref_squeeze %dma_start3A_96 : memref<1x8x128xi32, #tpu.memory_space<vmem>> -> memref<8x128xi32, #tpu.memory_space<vmem>>
    %dma_start3A_98 = arith.constant 0 : i32
    %dma_start3A_99 = arith.constant 0 : i32
    %dma_start3A_100 = tpu.memref_slice %arg3[%add3A_93, %dma_start3A_98, %dma_start3A_99] : memref<320x8x128xi32, #tpu.memory_space<hbm>> -> memref<1x8x128xi32, #tpu.memory_space<hbm>>
    %dma_start3A_101 = tpu.memref_squeeze %dma_start3A_100 : memref<1x8x128xi32, #tpu.memory_space<hbm>> -> memref<8x128xi32, #tpu.memory_space<hbm>>
    %dma_start3A_102 = tpu.memref_slice %arg11[%rem3A_91] : memref<4x!tpu.dma_semaphore, #tpu.memory_space<semaphore_mem>> -> memref<1x!tpu.dma_semaphore, #tpu.memory_space<semaphore_mem>>
    %dma_start3A_103 = tpu.memref_squeeze %dma_start3A_102 : memref<1x!tpu.dma_semaphore, #tpu.memory_space<semaphore_mem>> -> memref<!tpu.dma_semaphore, #tpu.memory_space<semaphore_mem>>
    %dma_start3A_104 = arith.constant 0 : i32
    %dma_start3A_105 = arith.constant 0 : i32
    %dma_start3A_106 = tpu.memref_slice %arg7[%rem3A_91, %dma_start3A_104, %dma_start3A_105] : memref<4x8x128xi32, #tpu.memory_space<vmem>> -> memref<1x8x128xi32, #tpu.memory_space<vmem>>
    %dma_start3A_107 = tpu.memref_squeeze %dma_start3A_106 : memref<1x8x128xi32, #tpu.memory_space<vmem>> -> memref<8x128xi32, #tpu.memory_space<vmem>>
    %dma_start3A_108 = arith.constant 0 : i32
    %dma_start3A_109 = arith.constant 0 : i32
    %dma_start3A_110 = tpu.memref_slice %arg3[%add3A_93, %dma_start3A_108, %dma_start3A_109] : memref<320x8x128xi32, #tpu.memory_space<hbm>> -> memref<1x8x128xi32, #tpu.memory_space<hbm>>
    %dma_start3A_111 = tpu.memref_squeeze %dma_start3A_110 : memref<1x8x128xi32, #tpu.memory_space<hbm>> -> memref<8x128xi32, #tpu.memory_space<hbm>>
    tpu.enqueue_dma source(%dma_start3A_111 : memref<8x128xi32, #tpu.memory_space<hbm>>) target(%dma_start3A_107 : memref<8x128xi32, #tpu.memory_space<vmem>>) target_semaphore(%dma_start3A_103 : memref<!tpu.dma_semaphore, #tpu.memory_space<semaphore_mem>>)
    %add3A_112 = arith.constant 2 : i32
    %add3A_113 = arith.addi %mul3A_2, %add3A_112 : i32
    %dma_start3A_114 = arith.constant 0 : i32
    %dma_start3A_115 = arith.constant 0 : i32
    %dma_start3A_116 = tpu.memref_slice %arg8[%rem3A_91, %dma_start3A_114, %dma_start3A_115] : memref<4x8x128xi32, #tpu.memory_space<vmem>> -> memref<1x8x128xi32, #tpu.memory_space<vmem>>
    %dma_start3A_117 = tpu.memref_squeeze %dma_start3A_116 : memref<1x8x128xi32, #tpu.memory_space<vmem>> -> memref<8x128xi32, #tpu.memory_space<vmem>>
    %dma_start3A_118 = arith.constant 0 : i32
    %dma_start3A_119 = arith.constant 0 : i32
    %dma_start3A_120 = tpu.memref_slice %arg4[%add3A_113, %dma_start3A_118, %dma_start3A_119] : memref<320x8x128xi32, #tpu.memory_space<hbm>> -> memref<1x8x128xi32, #tpu.memory_space<hbm>>
    %dma_start3A_121 = tpu.memref_squeeze %dma_start3A_120 : memref<1x8x128xi32, #tpu.memory_space<hbm>> -> memref<8x128xi32, #tpu.memory_space<hbm>>
    %dma_start3A_122 = tpu.memref_slice %arg11[%rem3A_91] : memref<4x!tpu.dma_semaphore, #tpu.memory_space<semaphore_mem>> -> memref<1x!tpu.dma_semaphore, #tpu.memory_space<semaphore_mem>>
    %dma_start3A_123 = tpu.memref_squeeze %dma_start3A_122 : memref<1x!tpu.dma_semaphore, #tpu.memory_space<semaphore_mem>> -> memref<!tpu.dma_semaphore, #tpu.memory_space<semaphore_mem>>
    %dma_start3A_124 = arith.constant 0 : i32
    %dma_start3A_125 = arith.constant 0 : i32
    %dma_start3A_126 = tpu.memref_slice %arg8[%rem3A_91, %dma_start3A_124, %dma_start3A_125] : memref<4x8x128xi32, #tpu.memory_space<vmem>> -> memref<1x8x128xi32, #tpu.memory_space<vmem>>
    %dma_start3A_127 = tpu.memref_squeeze %dma_start3A_126 : memref<1x8x128xi32, #tpu.memory_space<vmem>> -> memref<8x128xi32, #tpu.memory_space<vmem>>
    %dma_start3A_128 = arith.constant 0 : i32
    %dma_start3A_129 = arith.constant 0 : i32
    %dma_start3A_130 = tpu.memref_slice %arg4[%add3A_113, %dma_start3A_128, %dma_start3A_129] : memref<320x8x128xi32, #tpu.memory_space<hbm>> -> memref<1x8x128xi32, #tpu.memory_space<hbm>>
    %dma_start3A_131 = tpu.memref_squeeze %dma_start3A_130 : memref<1x8x128xi32, #tpu.memory_space<hbm>> -> memref<8x128xi32, #tpu.memory_space<hbm>>
    tpu.enqueue_dma source(%dma_start3A_131 : memref<8x128xi32, #tpu.memory_space<hbm>>) target(%dma_start3A_127 : memref<8x128xi32, #tpu.memory_space<vmem>>) target_semaphore(%dma_start3A_123 : memref<!tpu.dma_semaphore, #tpu.memory_space<semaphore_mem>>)
    %barrier3A = arith.constant 0 : index
    tpu.barrier barrier_id(%barrier3A)
    %rem3A_132 = arith.constant 0 : i32
    %rem3A_133 = arith.constant 4 : i32
    %rem3A_134 = arith.remsi %rem3A_132, %rem3A_133 : i32
    %dma_wait3A = arith.constant 0 : i32
    %dma_wait3A_135 = arith.constant 0 : i32
    %dma_wait3A_136 = tpu.memref_slice %arg7[%rem3A_134, %dma_wait3A, %dma_wait3A_135] : memref<4x8x128xi32, #tpu.memory_space<vmem>> -> memref<1x8x128xi32, #tpu.memory_space<vmem>>
    %dma_wait3A_137 = tpu.memref_squeeze %dma_wait3A_136 : memref<1x8x128xi32, #tpu.memory_space<vmem>> -> memref<8x128xi32, #tpu.memory_space<vmem>>
    %dma_wait3A_138 = arith.constant 0 : i32
    %dma_wait3A_139 = arith.constant 0 : i32
    %dma_wait3A_140 = tpu.memref_slice %arg3[%mul3A_2, %dma_wait3A_138, %dma_wait3A_139] : memref<320x8x128xi32, #tpu.memory_space<hbm>> -> memref<1x8x128xi32, #tpu.memory_space<hbm>>
    %dma_wait3A_141 = tpu.memref_squeeze %dma_wait3A_140 : memref<1x8x128xi32, #tpu.memory_space<hbm>> -> memref<8x128xi32, #tpu.memory_space<hbm>>
    %dma_wait3A_142 = tpu.memref_slice %arg11[%rem3A_134] : memref<4x!tpu.dma_semaphore, #tpu.memory_space<semaphore_mem>> -> memref<1x!tpu.dma_semaphore, #tpu.memory_space<semaphore_mem>>
    %dma_wait3A_143 = tpu.memref_squeeze %dma_wait3A_142 : memref<1x!tpu.dma_semaphore, #tpu.memory_space<semaphore_mem>> -> memref<!tpu.dma_semaphore, #tpu.memory_space<semaphore_mem>>
    %dma_wait3A_144 = arith.constant 0 : i32
    %dma_wait3A_145 = arith.constant 0 : i32
    %dma_wait3A_146 = tpu.memref_slice %arg7[%rem3A_134, %dma_wait3A_144, %dma_wait3A_145] : memref<4x8x128xi32, #tpu.memory_space<vmem>> -> memref<1x8x128xi32, #tpu.memory_space<vmem>>
    %dma_wait3A_147 = tpu.memref_squeeze %dma_wait3A_146 : memref<1x8x128xi32, #tpu.memory_space<vmem>> -> memref<8x128xi32, #tpu.memory_space<vmem>>
    %dma_wait3A_148 = arith.constant 0 : i32
    %dma_wait3A_149 = arith.constant 0 : i32
    %dma_wait3A_150 = tpu.memref_slice %arg3[%mul3A_2, %dma_wait3A_148, %dma_wait3A_149] : memref<320x8x128xi32, #tpu.memory_space<hbm>> -> memref<1x8x128xi32, #tpu.memory_space<hbm>>
    %dma_wait3A_151 = tpu.memref_squeeze %dma_wait3A_150 : memref<1x8x128xi32, #tpu.memory_space<hbm>> -> memref<8x128xi32, #tpu.memory_space<hbm>>
    tpu.wait_dma2 semaphore(%dma_wait3A_143 : memref<!tpu.dma_semaphore, #tpu.memory_space<semaphore_mem>>) src(%dma_wait3A_151 : memref<8x128xi32, #tpu.memory_space<hbm>>) dst(%dma_wait3A_147 : memref<8x128xi32, #tpu.memory_space<vmem>>)
    %dma_wait3A_152 = arith.constant 0 : i32
    %dma_wait3A_153 = arith.constant 0 : i32
    %dma_wait3A_154 = tpu.memref_slice %arg8[%rem3A_134, %dma_wait3A_152, %dma_wait3A_153] : memref<4x8x128xi32, #tpu.memory_space<vmem>> -> memref<1x8x128xi32, #tpu.memory_space<vmem>>
    %dma_wait3A_155 = tpu.memref_squeeze %dma_wait3A_154 : memref<1x8x128xi32, #tpu.memory_space<vmem>> -> memref<8x128xi32, #tpu.memory_space<vmem>>
    %dma_wait3A_156 = arith.constant 0 : i32
    %dma_wait3A_157 = arith.constant 0 : i32
    %dma_wait3A_158 = tpu.memref_slice %arg4[%mul3A_2, %dma_wait3A_156, %dma_wait3A_157] : memref<320x8x128xi32, #tpu.memory_space<hbm>> -> memref<1x8x128xi32, #tpu.memory_space<hbm>>
    %dma_wait3A_159 = tpu.memref_squeeze %dma_wait3A_158 : memref<1x8x128xi32, #tpu.memory_space<hbm>> -> memref<8x128xi32, #tpu.memory_space<hbm>>
    %dma_wait3A_160 = tpu.memref_slice %arg11[%rem3A_134] : memref<4x!tpu.dma_semaphore, #tpu.memory_space<semaphore_mem>> -> memref<1x!tpu.dma_semaphore, #tpu.memory_space<semaphore_mem>>
    %dma_wait3A_161 = tpu.memref_squeeze %dma_wait3A_160 : memref<1x!tpu.dma_semaphore, #tpu.memory_space<semaphore_mem>> -> memref<!tpu.dma_semaphore, #tpu.memory_space<semaphore_mem>>
    %dma_wait3A_162 = arith.constant 0 : i32
    %dma_wait3A_163 = arith.constant 0 : i32
    %dma_wait3A_164 = tpu.memref_slice %arg8[%rem3A_134, %dma_wait3A_162, %dma_wait3A_163] : memref<4x8x128xi32, #tpu.memory_space<vmem>> -> memref<1x8x128xi32, #tpu.memory_space<vmem>>
    %dma_wait3A_165 = tpu.memref_squeeze %dma_wait3A_164 : memref<1x8x128xi32, #tpu.memory_space<vmem>> -> memref<8x128xi32, #tpu.memory_space<vmem>>
    %dma_wait3A_166 = arith.constant 0 : i32
    %dma_wait3A_167 = arith.constant 0 : i32
    %dma_wait3A_168 = tpu.memref_slice %arg4[%mul3A_2, %dma_wait3A_166, %dma_wait3A_167] : memref<320x8x128xi32, #tpu.memory_space<hbm>> -> memref<1x8x128xi32, #tpu.memory_space<hbm>>
    %dma_wait3A_169 = tpu.memref_squeeze %dma_wait3A_168 : memref<1x8x128xi32, #tpu.memory_space<hbm>> -> memref<8x128xi32, #tpu.memory_space<hbm>>
    tpu.wait_dma2 semaphore(%dma_wait3A_161 : memref<!tpu.dma_semaphore, #tpu.memory_space<semaphore_mem>>) src(%dma_wait3A_169 : memref<8x128xi32, #tpu.memory_space<hbm>>) dst(%dma_wait3A_165 : memref<8x128xi32, #tpu.memory_space<vmem>>)
    %dma_start3A_170 = arith.constant 0 : i32
    %dma_start3A_171 = arith.constant 0 : i32
    %dma_start3A_172 = arith.constant 0 : i32
    %dma_start3A_173 = arith.constant 0 : i32
    %dma_start3A_174 = arith.constant 0 : i32
    %dma_start3A_175 = arith.constant 0 : i32
    %dma_start3A_176 = tpu.memref_slice %arg9[%dma_start3A_172, %dma_start3A_174, %dma_start3A_175] : memref<2x128x128xf32, #tpu.memory_space<vmem>> -> memref<1x128x128xf32, #tpu.memory_space<vmem>>
    %dma_start3A_177 = tpu.memref_squeeze %dma_start3A_176 : memref<1x128x128xf32, #tpu.memory_space<vmem>> -> memref<128x128xf32, #tpu.memory_space<vmem>>
    %dma_start3A_178 = arith.constant 0 : i32
    %dma_start3A_179 = tpu.memref_slice %arg7[%dma_start3A_170, %dma_start3A_171, %dma_start3A_178] : memref<4x8x128xi32, #tpu.memory_space<vmem>> -> memref<1x1x128xi32, #tpu.memory_space<vmem>>
    %dma_start3A_180 = tpu.memref_squeeze %dma_start3A_179 : memref<1x1x128xi32, #tpu.memory_space<vmem>> -> memref<128xi32, #tpu.memory_space<vmem>>
    %dma_start3A_181 = arith.constant 0 : i32
    %dma_start3A_182 = arith.constant 0 : i32
    %dma_start3A_183 = tpu.memref_slice %arg2[%dma_start3A_181, %dma_start3A_182] : memref<10112x128xf32, #tpu.memory_space<hbm>> -> memref<10112x128xf32, #tpu.memory_space<hbm>>
    %dma_start3A_184 = tpu.memref_slice %arg12[%dma_start3A_173] : memref<2x!tpu.dma_semaphore, #tpu.memory_space<semaphore_mem>> -> memref<1x!tpu.dma_semaphore, #tpu.memory_space<semaphore_mem>>
    %dma_start3A_185 = tpu.memref_squeeze %dma_start3A_184 : memref<1x!tpu.dma_semaphore, #tpu.memory_space<semaphore_mem>> -> memref<!tpu.dma_semaphore, #tpu.memory_space<semaphore_mem>>
    tpu.enqueue_indirect_dma source(%dma_start3A_183 : memref<10112x128xf32, #tpu.memory_space<hbm>>) target(%dma_start3A_177 : memref<128x128xf32, #tpu.memory_space<vmem>>) offsets(%dma_start3A_180 : memref<128xi32, #tpu.memory_space<vmem>>) semaphore(%dma_start3A_185 : memref<!tpu.dma_semaphore, #tpu.memory_space<semaphore_mem>>)
    %scan3A = arith.constant 0 : i32
    %scan3A_186 = arith.constant 0 : i32
    %scan3A_187 = arith.constant 10 : i32
    %scan3A_188 = arith.addi %scan3A_186, %scan3A_187 : i32
    %scan3A_189 = arith.constant 1 : i32
    scf.for %scan3A_215 = %scan3A_186 to %scan3A_188 step %scan3A_189  : i32 {
      %rem3A_216 = arith.constant 4 : i32
      %rem3A_217 = arith.remsi %scan3A_215, %rem3A_216 : i32
      %mul3A_218 = arith.constant 8 : i32
      %mul3A_219 = arith.muli %scan3A_215, %mul3A_218 : i32
      %add3A_220 = arith.constant 0 : i32
      %add3A_221 = arith.addi %mul3A_219, %add3A_220 : i32
      %dma_wait3A_222 = arith.constant 0 : i32
      %dma_wait3A_223 = arith.constant 0 : i32
      %dma_wait3A_224 = arith.constant 0 : i32
      %dma_wait3A_225 = arith.constant 0 : i32
      %dma_wait3A_226 = arith.constant 0 : i32
      %dma_wait3A_227 = arith.constant 0 : i32
      %dma_wait3A_228 = tpu.memref_slice %arg9[%dma_wait3A_224, %dma_wait3A_226, %dma_wait3A_227] : memref<2x128x128xf32, #tpu.memory_space<vmem>> -> memref<1x128x128xf32, #tpu.memory_space<vmem>>
      %dma_wait3A_229 = tpu.memref_squeeze %dma_wait3A_228 : memref<1x128x128xf32, #tpu.memory_space<vmem>> -> memref<128x128xf32, #tpu.memory_space<vmem>>
      %dma_wait3A_230 = arith.constant 0 : i32
      %dma_wait3A_231 = tpu.memref_slice %arg7[%dma_wait3A_222, %dma_wait3A_223, %dma_wait3A_230] : memref<4x8x128xi32, #tpu.memory_space<vmem>> -> memref<1x1x128xi32, #tpu.memory_space<vmem>>
      %dma_wait3A_232 = tpu.memref_squeeze %dma_wait3A_231 : memref<1x1x128xi32, #tpu.memory_space<vmem>> -> memref<128xi32, #tpu.memory_space<vmem>>
      %dma_wait3A_233 = arith.constant 0 : i32
      %dma_wait3A_234 = arith.constant 0 : i32
      %dma_wait3A_235 = tpu.memref_slice %arg2[%dma_wait3A_233, %dma_wait3A_234] : memref<10112x128xf32, #tpu.memory_space<hbm>> -> memref<10112x128xf32, #tpu.memory_space<hbm>>
      %dma_wait3A_236 = tpu.memref_slice %arg12[%dma_wait3A_225] : memref<2x!tpu.dma_semaphore, #tpu.memory_space<semaphore_mem>> -> memref<1x!tpu.dma_semaphore, #tpu.memory_space<semaphore_mem>>
      %dma_wait3A_237 = tpu.memref_squeeze %dma_wait3A_236 : memref<1x!tpu.dma_semaphore, #tpu.memory_space<semaphore_mem>> -> memref<!tpu.dma_semaphore, #tpu.memory_space<semaphore_mem>>
      tpu.wait_indirect_dma semaphore(%dma_wait3A_237 : memref<!tpu.dma_semaphore, #tpu.memory_space<semaphore_mem>>) src(%dma_wait3A_235 : memref<10112x128xf32, #tpu.memory_space<hbm>>) dst(%dma_wait3A_229 : memref<128x128xf32, #tpu.memory_space<vmem>>)
      %dma_start3A_238 = arith.constant 0 : i32
      %dma_start3A_239 = arith.constant 0 : i32
      %dma_start3A_240 = arith.constant 0 : i32
      %dma_start3A_241 = arith.constant 0 : i32
      %dma_start3A_242 = arith.constant 0 : i32
      %dma_start3A_243 = tpu.memref_slice %arg9[%dma_start3A_238, %dma_start3A_241, %dma_start3A_242] : memref<2x128x128xf32, #tpu.memory_space<vmem>> -> memref<1x128x128xf32, #tpu.memory_space<vmem>>
      %dma_start3A_244 = tpu.memref_squeeze %dma_start3A_243 : memref<1x128x128xf32, #tpu.memory_space<vmem>> -> memref<128x128xf32, #tpu.memory_space<vmem>>
      %dma_start3A_245 = arith.constant 0 : i32
      %dma_start3A_246 = tpu.memref_slice %arg8[%rem3A_217, %dma_start3A_239, %dma_start3A_245] : memref<4x8x128xi32, #tpu.memory_space<vmem>> -> memref<1x1x128xi32, #tpu.memory_space<vmem>>
      %dma_start3A_247 = tpu.memref_squeeze %dma_start3A_246 : memref<1x1x128xi32, #tpu.memory_space<vmem>> -> memref<128xi32, #tpu.memory_space<vmem>>
      %dma_start3A_248 = arith.constant 0 : i32
      %dma_start3A_249 = arith.constant 0 : i32
      %dma_start3A_250 = tpu.memref_slice %arg10[%dma_start3A_248, %dma_start3A_249] : memref<10112x128xf32, #tpu.memory_space<vmem_shared>> -> memref<10112x128xf32, #tpu.memory_space<vmem_shared>>
      %dma_start3A_251 = tpu.memref_slice %arg13[%dma_start3A_240] : memref<2x!tpu.dma_semaphore, #tpu.memory_space<semaphore_mem>> -> memref<1x!tpu.dma_semaphore, #tpu.memory_space<semaphore_mem>>
      %dma_start3A_252 = tpu.memref_squeeze %dma_start3A_251 : memref<1x!tpu.dma_semaphore, #tpu.memory_space<semaphore_mem>> -> memref<!tpu.dma_semaphore, #tpu.memory_space<semaphore_mem>>
      tpu.enqueue_indirect_dma source(%dma_start3A_244 : memref<128x128xf32, #tpu.memory_space<vmem>>) target(%dma_start3A_250 : memref<10112x128xf32, #tpu.memory_space<vmem_shared>>) offsets(%dma_start3A_247 : memref<128xi32, #tpu.memory_space<vmem>>) semaphore(%dma_start3A_252 : memref<!tpu.dma_semaphore, #tpu.memory_space<semaphore_mem>>) {add = true}
      %ge3A = arith.constant 1 : i32
      %ge3A_253 = arith.cmpi sge, %add3A_221, %ge3A : i32
      %convert_element_type3A = arith.extui %ge3A_253 : i1 to i32
      %cond3A = arith.constant 0 : i32
      %cond3A_254 = arith.cmpi ne, %convert_element_type3A, %cond3A : i32
      scf.if %cond3A_254 {
        %dma_wait3A_604 = arith.constant 1 : i32
        %dma_wait3A_605 = arith.constant 0 : i32
        %dma_wait3A_606 = arith.constant 0 : i32
        %dma_wait3A_607 = arith.constant 1 : i32
        %dma_wait3A_608 = arith.constant 0 : i32
        %dma_wait3A_609 = arith.constant 0 : i32
        %dma_wait3A_610 = tpu.memref_slice %arg9[%dma_wait3A_604, %dma_wait3A_608, %dma_wait3A_609] : memref<2x128x128xf32, #tpu.memory_space<vmem>> -> memref<1x128x128xf32, #tpu.memory_space<vmem>>
        %dma_wait3A_611 = tpu.memref_squeeze %dma_wait3A_610 : memref<1x128x128xf32, #tpu.memory_space<vmem>> -> memref<128x128xf32, #tpu.memory_space<vmem>>
        %dma_wait3A_612 = arith.constant 0 : i32
        %dma_wait3A_613 = tpu.memref_slice %arg8[%dma_wait3A_605, %dma_wait3A_606, %dma_wait3A_612] : memref<4x8x128xi32, #tpu.memory_space<vmem>> -> memref<1x1x128xi32, #tpu.memory_space<vmem>>
        %dma_wait3A_614 = tpu.memref_squeeze %dma_wait3A_613 : memref<1x1x128xi32, #tpu.memory_space<vmem>> -> memref<128xi32, #tpu.memory_space<vmem>>
        %dma_wait3A_615 = arith.constant 0 : i32
        %dma_wait3A_616 = arith.constant 0 : i32
        %dma_wait3A_617 = tpu.memref_slice %arg10[%dma_wait3A_615, %dma_wait3A_616] : memref<10112x128xf32, #tpu.memory_space<vmem_shared>> -> memref<10112x128xf32, #tpu.memory_space<vmem_shared>>
        %dma_wait3A_618 = tpu.memref_slice %arg13[%dma_wait3A_607] : memref<2x!tpu.dma_semaphore, #tpu.memory_space<semaphore_mem>> -> memref<1x!tpu.dma_semaphore, #tpu.memory_space<semaphore_mem>>
        %dma_wait3A_619 = tpu.memref_squeeze %dma_wait3A_618 : memref<1x!tpu.dma_semaphore, #tpu.memory_space<semaphore_mem>> -> memref<!tpu.dma_semaphore, #tpu.memory_space<semaphore_mem>>
        tpu.wait_indirect_dma semaphore(%dma_wait3A_619 : memref<!tpu.dma_semaphore, #tpu.memory_space<semaphore_mem>>) src(%dma_wait3A_611 : memref<128x128xf32, #tpu.memory_space<vmem>>) dst(%dma_wait3A_617 : memref<10112x128xf32, #tpu.memory_space<vmem_shared>>)
      } else {
      }
      %add3A_255 = arith.constant 1 : i32
      %add3A_256 = arith.addi %add3A_221, %add3A_255 : i32
      %lt3A = arith.constant 80 : i32
      %lt3A_257 = arith.cmpi slt, %add3A_256, %lt3A : i32
      %convert_element_type3A_258 = arith.extui %lt3A_257 : i1 to i32
      %cond3A_259 = arith.constant 0 : i32
      %cond3A_260 = arith.cmpi ne, %convert_element_type3A_258, %cond3A_259 : i32
      scf.if %cond3A_260 {
        %add3A_604 = arith.constant 1 : i32
        %add3A_605 = arith.addi %add3A_221, %add3A_604 : i32
        %jit3A = arith.constant 8 : i32
        %div3A = arith.divsi %add3A_605, %jit3A : i32
        %sign3A = arith.constant 0 : i32
        %sign3A_606 = arith.cmpi sgt, %add3A_605, %sign3A : i32
        %sign3A_607 = arith.extui %sign3A_606 : i1 to i32
        %sign3A_608 = arith.constant 0 : i32
        %sign3A_609 = arith.cmpi slt, %add3A_605, %sign3A_608 : i32
        %sign3A_610 = arith.extui %sign3A_609 : i1 to i32
        %sign3A_611 = arith.subi %sign3A_607, %sign3A_610 : i32
        %sign3A_612 = arith.constant 0 : i32
        %sign3A_613 = arith.cmpi sgt, %jit3A, %sign3A_612 : i32
        %sign3A_614 = arith.extui %sign3A_613 : i1 to i32
        %sign3A_615 = arith.constant 0 : i32
        %sign3A_616 = arith.cmpi slt, %jit3A, %sign3A_615 : i32
        %sign3A_617 = arith.extui %sign3A_616 : i1 to i32
        %sign3A_618 = arith.subi %sign3A_614, %sign3A_617 : i32
        %ne3A = arith.cmpi ne, %sign3A_611, %sign3A_618 : i32
        %rem3A_619 = arith.remsi %add3A_605, %jit3A : i32
        %ne3A_620 = arith.constant 0 : i32
        %ne3A_621 = arith.cmpi ne, %rem3A_619, %ne3A_620 : i32
        %and3A = arith.andi %ne3A, %ne3A_621 : i1
        %sub3A = arith.constant 1 : i32
        %sub3A_622 = arith.subi %div3A, %sub3A : i32
        %select_n3A = arith.select %and3A, %sub3A_622, %div3A : i32
        %rem3A_623 = arith.constant 4 : i32
        %rem3A_624 = arith.remsi %select_n3A, %rem3A_623 : i32
        %dma_start3A_625 = arith.constant 1 : i32
        %dma_start3A_626 = arith.constant 1 : i32
        %dma_start3A_627 = arith.constant 1 : i32
        %dma_start3A_628 = arith.constant 0 : i32
        %dma_start3A_629 = arith.constant 0 : i32
        %dma_start3A_630 = tpu.memref_slice %arg9[%dma_start3A_626, %dma_start3A_628, %dma_start3A_629] : memref<2x128x128xf32, #tpu.memory_space<vmem>> -> memref<1x128x128xf32, #tpu.memory_space<vmem>>
        %dma_start3A_631 = tpu.memref_squeeze %dma_start3A_630 : memref<1x128x128xf32, #tpu.memory_space<vmem>> -> memref<128x128xf32, #tpu.memory_space<vmem>>
        %dma_start3A_632 = arith.constant 0 : i32
        %dma_start3A_633 = tpu.memref_slice %arg7[%rem3A_624, %dma_start3A_625, %dma_start3A_632] : memref<4x8x128xi32, #tpu.memory_space<vmem>> -> memref<1x1x128xi32, #tpu.memory_space<vmem>>
        %dma_start3A_634 = tpu.memref_squeeze %dma_start3A_633 : memref<1x1x128xi32, #tpu.memory_space<vmem>> -> memref<128xi32, #tpu.memory_space<vmem>>
        %dma_start3A_635 = arith.constant 0 : i32
        %dma_start3A_636 = arith.constant 0 : i32
        %dma_start3A_637 = tpu.memref_slice %arg2[%dma_start3A_635, %dma_start3A_636] : memref<10112x128xf32, #tpu.memory_space<hbm>> -> memref<10112x128xf32, #tpu.memory_space<hbm>>
        %dma_start3A_638 = tpu.memref_slice %arg12[%dma_start3A_627] : memref<2x!tpu.dma_semaphore, #tpu.memory_space<semaphore_mem>> -> memref<1x!tpu.dma_semaphore, #tpu.memory_space<semaphore_mem>>
        %dma_start3A_639 = tpu.memref_squeeze %dma_start3A_638 : memref<1x!tpu.dma_semaphore, #tpu.memory_space<semaphore_mem>> -> memref<!tpu.dma_semaphore, #tpu.memory_space<semaphore_mem>>
        tpu.enqueue_indirect_dma source(%dma_start3A_637 : memref<10112x128xf32, #tpu.memory_space<hbm>>) target(%dma_start3A_631 : memref<128x128xf32, #tpu.memory_space<vmem>>) offsets(%dma_start3A_634 : memref<128xi32, #tpu.memory_space<vmem>>) semaphore(%dma_start3A_639 : memref<!tpu.dma_semaphore, #tpu.memory_space<semaphore_mem>>)
      } else {
      }
      %mul3A_261 = arith.constant 8 : i32
      %mul3A_262 = arith.muli %scan3A_215, %mul3A_261 : i32
      %add3A_263 = arith.constant 1 : i32
      %add3A_264 = arith.addi %mul3A_262, %add3A_263 : i32
      %dma_wait3A_265 = arith.constant 0 : i32
      %dma_wait3A_266 = arith.constant 0 : i32
      %dma_wait3A_267 = arith.constant 1 : i32
      %dma_wait3A_268 = arith.constant 1 : i32
      %dma_wait3A_269 = arith.constant 0 : i32
      %dma_wait3A_270 = arith.constant 0 : i32
      %dma_wait3A_271 = tpu.memref_slice %arg9[%dma_wait3A_267, %dma_wait3A_269, %dma_wait3A_270] : memref<2x128x128xf32, #tpu.memory_space<vmem>> -> memref<1x128x128xf32, #tpu.memory_space<vmem>>
      %dma_wait3A_272 = tpu.memref_squeeze %dma_wait3A_271 : memref<1x128x128xf32, #tpu.memory_space<vmem>> -> memref<128x128xf32, #tpu.memory_space<vmem>>
      %dma_wait3A_273 = arith.constant 0 : i32
      %dma_wait3A_274 = tpu.memref_slice %arg7[%dma_wait3A_265, %dma_wait3A_266, %dma_wait3A_273] : memref<4x8x128xi32, #tpu.memory_space<vmem>> -> memref<1x1x128xi32, #tpu.memory_space<vmem>>
      %dma_wait3A_275 = tpu.memref_squeeze %dma_wait3A_274 : memref<1x1x128xi32, #tpu.memory_space<vmem>> -> memref<128xi32, #tpu.memory_space<vmem>>
      %dma_wait3A_276 = arith.constant 0 : i32
      %dma_wait3A_277 = arith.constant 0 : i32
      %dma_wait3A_278 = tpu.memref_slice %arg2[%dma_wait3A_276, %dma_wait3A_277] : memref<10112x128xf32, #tpu.memory_space<hbm>> -> memref<10112x128xf32, #tpu.memory_space<hbm>>
      %dma_wait3A_279 = tpu.memref_slice %arg12[%dma_wait3A_268] : memref<2x!tpu.dma_semaphore, #tpu.memory_space<semaphore_mem>> -> memref<1x!tpu.dma_semaphore, #tpu.memory_space<semaphore_mem>>
      %dma_wait3A_280 = tpu.memref_squeeze %dma_wait3A_279 : memref<1x!tpu.dma_semaphore, #tpu.memory_space<semaphore_mem>> -> memref<!tpu.dma_semaphore, #tpu.memory_space<semaphore_mem>>
      tpu.wait_indirect_dma semaphore(%dma_wait3A_280 : memref<!tpu.dma_semaphore, #tpu.memory_space<semaphore_mem>>) src(%dma_wait3A_278 : memref<10112x128xf32, #tpu.memory_space<hbm>>) dst(%dma_wait3A_272 : memref<128x128xf32, #tpu.memory_space<vmem>>)
      %dma_start3A_281 = arith.constant 1 : i32
      %dma_start3A_282 = arith.constant 1 : i32
      %dma_start3A_283 = arith.constant 1 : i32
      %dma_start3A_284 = arith.constant 0 : i32
      %dma_start3A_285 = arith.constant 0 : i32
      %dma_start3A_286 = tpu.memref_slice %arg9[%dma_start3A_281, %dma_start3A_284, %dma_start3A_285] : memref<2x128x128xf32, #tpu.memory_space<vmem>> -> memref<1x128x128xf32, #tpu.memory_space<vmem>>
      %dma_start3A_287 = tpu.memref_squeeze %dma_start3A_286 : memref<1x128x128xf32, #tpu.memory_space<vmem>> -> memref<128x128xf32, #tpu.memory_space<vmem>>
      %dma_start3A_288 = arith.constant 0 : i32
      %dma_start3A_289 = tpu.memref_slice %arg8[%rem3A_217, %dma_start3A_282, %dma_start3A_288] : memref<4x8x128xi32, #tpu.memory_space<vmem>> -> memref<1x1x128xi32, #tpu.memory_space<vmem>>
      %dma_start3A_290 = tpu.memref_squeeze %dma_start3A_289 : memref<1x1x128xi32, #tpu.memory_space<vmem>> -> memref<128xi32, #tpu.memory_space<vmem>>
      %dma_start3A_291 = arith.constant 0 : i32
      %dma_start3A_292 = arith.constant 0 : i32
      %dma_start3A_293 = tpu.memref_slice %arg10[%dma_start3A_291, %dma_start3A_292] : memref<10112x128xf32, #tpu.memory_space<vmem_shared>> -> memref<10112x128xf32, #tpu.memory_space<vmem_shared>>
      %dma_start3A_294 = tpu.memref_slice %arg13[%dma_start3A_283] : memref<2x!tpu.dma_semaphore, #tpu.memory_space<semaphore_mem>> -> memref<1x!tpu.dma_semaphore, #tpu.memory_space<semaphore_mem>>
      %dma_start3A_295 = tpu.memref_squeeze %dma_start3A_294 : memref<1x!tpu.dma_semaphore, #tpu.memory_space<semaphore_mem>> -> memref<!tpu.dma_semaphore, #tpu.memory_space<semaphore_mem>>
      tpu.enqueue_indirect_dma source(%dma_start3A_287 : memref<128x128xf32, #tpu.memory_space<vmem>>) target(%dma_start3A_293 : memref<10112x128xf32, #tpu.memory_space<vmem_shared>>) offsets(%dma_start3A_290 : memref<128xi32, #tpu.memory_space<vmem>>) semaphore(%dma_start3A_295 : memref<!tpu.dma_semaphore, #tpu.memory_space<semaphore_mem>>) {add = true}
      %ge3A_296 = arith.constant 1 : i32
      %ge3A_297 = arith.cmpi sge, %add3A_264, %ge3A_296 : i32
      %convert_element_type3A_298 = arith.extui %ge3A_297 : i1 to i32
      %cond3A_299 = arith.constant 0 : i32
      %cond3A_300 = arith.cmpi ne, %convert_element_type3A_298, %cond3A_299 : i32
      scf.if %cond3A_300 {
        %dma_wait3A_604 = arith.constant 0 : i32
        %dma_wait3A_605 = arith.constant 0 : i32
        %dma_wait3A_606 = arith.constant 0 : i32
        %dma_wait3A_607 = arith.constant 0 : i32
        %dma_wait3A_608 = arith.constant 0 : i32
        %dma_wait3A_609 = arith.constant 0 : i32
        %dma_wait3A_610 = tpu.memref_slice %arg9[%dma_wait3A_604, %dma_wait3A_608, %dma_wait3A_609] : memref<2x128x128xf32, #tpu.memory_space<vmem>> -> memref<1x128x128xf32, #tpu.memory_space<vmem>>
        %dma_wait3A_611 = tpu.memref_squeeze %dma_wait3A_610 : memref<1x128x128xf32, #tpu.memory_space<vmem>> -> memref<128x128xf32, #tpu.memory_space<vmem>>
        %dma_wait3A_612 = arith.constant 0 : i32
        %dma_wait3A_613 = tpu.memref_slice %arg8[%dma_wait3A_605, %dma_wait3A_606, %dma_wait3A_612] : memref<4x8x128xi32, #tpu.memory_space<vmem>> -> memref<1x1x128xi32, #tpu.memory_space<vmem>>
        %dma_wait3A_614 = tpu.memref_squeeze %dma_wait3A_613 : memref<1x1x128xi32, #tpu.memory_space<vmem>> -> memref<128xi32, #tpu.memory_space<vmem>>
        %dma_wait3A_615 = arith.constant 0 : i32
        %dma_wait3A_616 = arith.constant 0 : i32
        %dma_wait3A_617 = tpu.memref_slice %arg10[%dma_wait3A_615, %dma_wait3A_616] : memref<10112x128xf32, #tpu.memory_space<vmem_shared>> -> memref<10112x128xf32, #tpu.memory_space<vmem_shared>>
        %dma_wait3A_618 = tpu.memref_slice %arg13[%dma_wait3A_607] : memref<2x!tpu.dma_semaphore, #tpu.memory_space<semaphore_mem>> -> memref<1x!tpu.dma_semaphore, #tpu.memory_space<semaphore_mem>>
        %dma_wait3A_619 = tpu.memref_squeeze %dma_wait3A_618 : memref<1x!tpu.dma_semaphore, #tpu.memory_space<semaphore_mem>> -> memref<!tpu.dma_semaphore, #tpu.memory_space<semaphore_mem>>
        tpu.wait_indirect_dma semaphore(%dma_wait3A_619 : memref<!tpu.dma_semaphore, #tpu.memory_space<semaphore_mem>>) src(%dma_wait3A_611 : memref<128x128xf32, #tpu.memory_space<vmem>>) dst(%dma_wait3A_617 : memref<10112x128xf32, #tpu.memory_space<vmem_shared>>)
      } else {
      }
      %add3A_301 = arith.constant 1 : i32
      %add3A_302 = arith.addi %add3A_264, %add3A_301 : i32
      %lt3A_303 = arith.constant 80 : i32
      %lt3A_304 = arith.cmpi slt, %add3A_302, %lt3A_303 : i32
      %convert_element_type3A_305 = arith.extui %lt3A_304 : i1 to i32
      %cond3A_306 = arith.constant 0 : i32
      %cond3A_307 = arith.cmpi ne, %convert_element_type3A_305, %cond3A_306 : i32
      scf.if %cond3A_307 {
        %add3A_604 = arith.constant 1 : i32
        %add3A_605 = arith.addi %add3A_264, %add3A_604 : i32
        %jit3A = arith.constant 8 : i32
        %div3A = arith.divsi %add3A_605, %jit3A : i32
        %sign3A = arith.constant 0 : i32
        %sign3A_606 = arith.cmpi sgt, %add3A_605, %sign3A : i32
        %sign3A_607 = arith.extui %sign3A_606 : i1 to i32
        %sign3A_608 = arith.constant 0 : i32
        %sign3A_609 = arith.cmpi slt, %add3A_605, %sign3A_608 : i32
        %sign3A_610 = arith.extui %sign3A_609 : i1 to i32
        %sign3A_611 = arith.subi %sign3A_607, %sign3A_610 : i32
        %sign3A_612 = arith.constant 0 : i32
        %sign3A_613 = arith.cmpi sgt, %jit3A, %sign3A_612 : i32
        %sign3A_614 = arith.extui %sign3A_613 : i1 to i32
        %sign3A_615 = arith.constant 0 : i32
        %sign3A_616 = arith.cmpi slt, %jit3A, %sign3A_615 : i32
        %sign3A_617 = arith.extui %sign3A_616 : i1 to i32
        %sign3A_618 = arith.subi %sign3A_614, %sign3A_617 : i32
        %ne3A = arith.cmpi ne, %sign3A_611, %sign3A_618 : i32
        %rem3A_619 = arith.remsi %add3A_605, %jit3A : i32
        %ne3A_620 = arith.constant 0 : i32
        %ne3A_621 = arith.cmpi ne, %rem3A_619, %ne3A_620 : i32
        %and3A = arith.andi %ne3A, %ne3A_621 : i1
        %sub3A = arith.constant 1 : i32
        %sub3A_622 = arith.subi %div3A, %sub3A : i32
        %select_n3A = arith.select %and3A, %sub3A_622, %div3A : i32
        %rem3A_623 = arith.constant 4 : i32
        %rem3A_624 = arith.remsi %select_n3A, %rem3A_623 : i32
        %dma_start3A_625 = arith.constant 2 : i32
        %dma_start3A_626 = arith.constant 0 : i32
        %dma_start3A_627 = arith.constant 0 : i32
        %dma_start3A_628 = arith.constant 0 : i32
        %dma_start3A_629 = arith.constant 0 : i32
        %dma_start3A_630 = tpu.memref_slice %arg9[%dma_start3A_626, %dma_start3A_628, %dma_start3A_629] : memref<2x128x128xf32, #tpu.memory_space<vmem>> -> memref<1x128x128xf32, #tpu.memory_space<vmem>>
        %dma_start3A_631 = tpu.memref_squeeze %dma_start3A_630 : memref<1x128x128xf32, #tpu.memory_space<vmem>> -> memref<128x128xf32, #tpu.memory_space<vmem>>
        %dma_start3A_632 = arith.constant 0 : i32
        %dma_start3A_633 = tpu.memref_slice %arg7[%rem3A_624, %dma_start3A_625, %dma_start3A_632] : memref<4x8x128xi32, #tpu.memory_space<vmem>> -> memref<1x1x128xi32, #tpu.memory_space<vmem>>
        %dma_start3A_634 = tpu.memref_squeeze %dma_start3A_633 : memref<1x1x128xi32, #tpu.memory_space<vmem>> -> memref<128xi32, #tpu.memory_space<vmem>>
        %dma_start3A_635 = arith.constant 0 : i32
        %dma_start3A_636 = arith.constant 0 : i32
        %dma_start3A_637 = tpu.memref_slice %arg2[%dma_start3A_635, %dma_start3A_636] : memref<10112x128xf32, #tpu.memory_space<hbm>> -> memref<10112x128xf32, #tpu.memory_space<hbm>>
        %dma_start3A_638 = tpu.memref_slice %arg12[%dma_start3A_627] : memref<2x!tpu.dma_semaphore, #tpu.memory_space<semaphore_mem>> -> memref<1x!tpu.dma_semaphore, #tpu.memory_space<semaphore_mem>>
        %dma_start3A_639 = tpu.memref_squeeze %dma_start3A_638 : memref<1x!tpu.dma_semaphore, #tpu.memory_space<semaphore_mem>> -> memref<!tpu.dma_semaphore, #tpu.memory_space<semaphore_mem>>
        tpu.enqueue_indirect_dma source(%dma_start3A_637 : memref<10112x128xf32, #tpu.memory_space<hbm>>) target(%dma_start3A_631 : memref<128x128xf32, #tpu.memory_space<vmem>>) offsets(%dma_start3A_634 : memref<128xi32, #tpu.memory_space<vmem>>) semaphore(%dma_start3A_639 : memref<!tpu.dma_semaphore, #tpu.memory_space<semaphore_mem>>)
      } else {
      }
      %mul3A_308 = arith.constant 8 : i32
      %mul3A_309 = arith.muli %scan3A_215, %mul3A_308 : i32
      %add3A_310 = arith.constant 2 : i32
      %add3A_311 = arith.addi %mul3A_309, %add3A_310 : i32
      %add3A_312 = arith.constant 3 : i32
      %add3A_313 = arith.addi %scan3A_215, %add3A_312 : i32
      %lt3A_314 = arith.constant 10 : i32
      %lt3A_315 = arith.cmpi slt, %add3A_313, %lt3A_314 : i32
      %convert_element_type3A_316 = arith.extui %lt3A_315 : i1 to i32
      %cond3A_317 = arith.constant 0 : i32
      %cond3A_318 = arith.cmpi ne, %convert_element_type3A_316, %cond3A_317 : i32
      scf.if %cond3A_318 {
        %add3A_604 = arith.constant 3 : i32
        %add3A_605 = arith.addi %scan3A_215, %add3A_604 : i32
        %rem3A_606 = arith.constant 4 : i32
        %rem3A_607 = arith.remsi %add3A_605, %rem3A_606 : i32
        %add3A_608 = arith.addi %mul3A_2, %add3A_605 : i32
        %dma_start3A_609 = arith.constant 0 : i32
        %dma_start3A_610 = arith.constant 0 : i32
        %dma_start3A_611 = tpu.memref_slice %arg7[%rem3A_607, %dma_start3A_609, %dma_start3A_610] : memref<4x8x128xi32, #tpu.memory_space<vmem>> -> memref<1x8x128xi32, #tpu.memory_space<vmem>>
        %dma_start3A_612 = tpu.memref_squeeze %dma_start3A_611 : memref<1x8x128xi32, #tpu.memory_space<vmem>> -> memref<8x128xi32, #tpu.memory_space<vmem>>
        %dma_start3A_613 = arith.constant 0 : i32
        %dma_start3A_614 = arith.constant 0 : i32
        %dma_start3A_615 = tpu.memref_slice %arg3[%add3A_608, %dma_start3A_613, %dma_start3A_614] : memref<320x8x128xi32, #tpu.memory_space<hbm>> -> memref<1x8x128xi32, #tpu.memory_space<hbm>>
        %dma_start3A_616 = tpu.memref_squeeze %dma_start3A_615 : memref<1x8x128xi32, #tpu.memory_space<hbm>> -> memref<8x128xi32, #tpu.memory_space<hbm>>
        %dma_start3A_617 = tpu.memref_slice %arg11[%rem3A_607] : memref<4x!tpu.dma_semaphore, #tpu.memory_space<semaphore_mem>> -> memref<1x!tpu.dma_semaphore, #tpu.memory_space<semaphore_mem>>
        %dma_start3A_618 = tpu.memref_squeeze %dma_start3A_617 : memref<1x!tpu.dma_semaphore, #tpu.memory_space<semaphore_mem>> -> memref<!tpu.dma_semaphore, #tpu.memory_space<semaphore_mem>>
        %dma_start3A_619 = arith.constant 0 : i32
        %dma_start3A_620 = arith.constant 0 : i32
        %dma_start3A_621 = tpu.memref_slice %arg7[%rem3A_607, %dma_start3A_619, %dma_start3A_620] : memref<4x8x128xi32, #tpu.memory_space<vmem>> -> memref<1x8x128xi32, #tpu.memory_space<vmem>>
        %dma_start3A_622 = tpu.memref_squeeze %dma_start3A_621 : memref<1x8x128xi32, #tpu.memory_space<vmem>> -> memref<8x128xi32, #tpu.memory_space<vmem>>
        %dma_start3A_623 = arith.constant 0 : i32
        %dma_start3A_624 = arith.constant 0 : i32
        %dma_start3A_625 = tpu.memref_slice %arg3[%add3A_608, %dma_start3A_623, %dma_start3A_624] : memref<320x8x128xi32, #tpu.memory_space<hbm>> -> memref<1x8x128xi32, #tpu.memory_space<hbm>>
        %dma_start3A_626 = tpu.memref_squeeze %dma_start3A_625 : memref<1x8x128xi32, #tpu.memory_space<hbm>> -> memref<8x128xi32, #tpu.memory_space<hbm>>
        tpu.enqueue_dma source(%dma_start3A_626 : memref<8x128xi32, #tpu.memory_space<hbm>>) target(%dma_start3A_622 : memref<8x128xi32, #tpu.memory_space<vmem>>) target_semaphore(%dma_start3A_618 : memref<!tpu.dma_semaphore, #tpu.memory_space<semaphore_mem>>)
        %add3A_627 = arith.addi %mul3A_2, %add3A_605 : i32
        %dma_start3A_628 = arith.constant 0 : i32
        %dma_start3A_629 = arith.constant 0 : i32
        %dma_start3A_630 = tpu.memref_slice %arg8[%rem3A_607, %dma_start3A_628, %dma_start3A_629] : memref<4x8x128xi32, #tpu.memory_space<vmem>> -> memref<1x8x128xi32, #tpu.memory_space<vmem>>
        %dma_start3A_631 = tpu.memref_squeeze %dma_start3A_630 : memref<1x8x128xi32, #tpu.memory_space<vmem>> -> memref<8x128xi32, #tpu.memory_space<vmem>>
        %dma_start3A_632 = arith.constant 0 : i32
        %dma_start3A_633 = arith.constant 0 : i32
        %dma_start3A_634 = tpu.memref_slice %arg4[%add3A_627, %dma_start3A_632, %dma_start3A_633] : memref<320x8x128xi32, #tpu.memory_space<hbm>> -> memref<1x8x128xi32, #tpu.memory_space<hbm>>
        %dma_start3A_635 = tpu.memref_squeeze %dma_start3A_634 : memref<1x8x128xi32, #tpu.memory_space<hbm>> -> memref<8x128xi32, #tpu.memory_space<hbm>>
        %dma_start3A_636 = tpu.memref_slice %arg11[%rem3A_607] : memref<4x!tpu.dma_semaphore, #tpu.memory_space<semaphore_mem>> -> memref<1x!tpu.dma_semaphore, #tpu.memory_space<semaphore_mem>>
        %dma_start3A_637 = tpu.memref_squeeze %dma_start3A_636 : memref<1x!tpu.dma_semaphore, #tpu.memory_space<semaphore_mem>> -> memref<!tpu.dma_semaphore, #tpu.memory_space<semaphore_mem>>
        %dma_start3A_638 = arith.constant 0 : i32
        %dma_start3A_639 = arith.constant 0 : i32
        %dma_start3A_640 = tpu.memref_slice %arg8[%rem3A_607, %dma_start3A_638, %dma_start3A_639] : memref<4x8x128xi32, #tpu.memory_space<vmem>> -> memref<1x8x128xi32, #tpu.memory_space<vmem>>
        %dma_start3A_641 = tpu.memref_squeeze %dma_start3A_640 : memref<1x8x128xi32, #tpu.memory_space<vmem>> -> memref<8x128xi32, #tpu.memory_space<vmem>>
        %dma_start3A_642 = arith.constant 0 : i32
        %dma_start3A_643 = arith.constant 0 : i32
        %dma_start3A_644 = tpu.memref_slice %arg4[%add3A_627, %dma_start3A_642, %dma_start3A_643] : memref<320x8x128xi32, #tpu.memory_space<hbm>> -> memref<1x8x128xi32, #tpu.memory_space<hbm>>
        %dma_start3A_645 = tpu.memref_squeeze %dma_start3A_644 : memref<1x8x128xi32, #tpu.memory_space<hbm>> -> memref<8x128xi32, #tpu.memory_space<hbm>>
        tpu.enqueue_dma source(%dma_start3A_645 : memref<8x128xi32, #tpu.memory_space<hbm>>) target(%dma_start3A_641 : memref<8x128xi32, #tpu.memory_space<vmem>>) target_semaphore(%dma_start3A_637 : memref<!tpu.dma_semaphore, #tpu.memory_space<semaphore_mem>>)
      } else {
      }
      %dma_wait3A_319 = arith.constant 0 : i32
      %dma_wait3A_320 = arith.constant 0 : i32
      %dma_wait3A_321 = arith.constant 0 : i32
      %dma_wait3A_322 = arith.constant 0 : i32
      %dma_wait3A_323 = arith.constant 0 : i32
      %dma_wait3A_324 = arith.constant 0 : i32
      %dma_wait3A_325 = tpu.memref_slice %arg9[%dma_wait3A_321, %dma_wait3A_323, %dma_wait3A_324] : memref<2x128x128xf32, #tpu.memory_space<vmem>> -> memref<1x128x128xf32, #tpu.memory_space<vmem>>
      %dma_wait3A_326 = tpu.memref_squeeze %dma_wait3A_325 : memref<1x128x128xf32, #tpu.memory_space<vmem>> -> memref<128x128xf32, #tpu.memory_space<vmem>>
      %dma_wait3A_327 = arith.constant 0 : i32
      %dma_wait3A_328 = tpu.memref_slice %arg7[%dma_wait3A_319, %dma_wait3A_320, %dma_wait3A_327] : memref<4x8x128xi32, #tpu.memory_space<vmem>> -> memref<1x1x128xi32, #tpu.memory_space<vmem>>
      %dma_wait3A_329 = tpu.memref_squeeze %dma_wait3A_328 : memref<1x1x128xi32, #tpu.memory_space<vmem>> -> memref<128xi32, #tpu.memory_space<vmem>>
      %dma_wait3A_330 = arith.constant 0 : i32
      %dma_wait3A_331 = arith.constant 0 : i32
      %dma_wait3A_332 = tpu.memref_slice %arg2[%dma_wait3A_330, %dma_wait3A_331] : memref<10112x128xf32, #tpu.memory_space<hbm>> -> memref<10112x128xf32, #tpu.memory_space<hbm>>
      %dma_wait3A_333 = tpu.memref_slice %arg12[%dma_wait3A_322] : memref<2x!tpu.dma_semaphore, #tpu.memory_space<semaphore_mem>> -> memref<1x!tpu.dma_semaphore, #tpu.memory_space<semaphore_mem>>
      %dma_wait3A_334 = tpu.memref_squeeze %dma_wait3A_333 : memref<1x!tpu.dma_semaphore, #tpu.memory_space<semaphore_mem>> -> memref<!tpu.dma_semaphore, #tpu.memory_space<semaphore_mem>>
      tpu.wait_indirect_dma semaphore(%dma_wait3A_334 : memref<!tpu.dma_semaphore, #tpu.memory_space<semaphore_mem>>) src(%dma_wait3A_332 : memref<10112x128xf32, #tpu.memory_space<hbm>>) dst(%dma_wait3A_326 : memref<128x128xf32, #tpu.memory_space<vmem>>)
      %dma_start3A_335 = arith.constant 0 : i32
      %dma_start3A_336 = arith.constant 2 : i32
      %dma_start3A_337 = arith.constant 0 : i32
      %dma_start3A_338 = arith.constant 0 : i32
      %dma_start3A_339 = arith.constant 0 : i32
      %dma_start3A_340 = tpu.memref_slice %arg9[%dma_start3A_335, %dma_start3A_338, %dma_start3A_339] : memref<2x128x128xf32, #tpu.memory_space<vmem>> -> memref<1x128x128xf32, #tpu.memory_space<vmem>>
      %dma_start3A_341 = tpu.memref_squeeze %dma_start3A_340 : memref<1x128x128xf32, #tpu.memory_space<vmem>> -> memref<128x128xf32, #tpu.memory_space<vmem>>
      %dma_start3A_342 = arith.constant 0 : i32
      %dma_start3A_343 = tpu.memref_slice %arg8[%rem3A_217, %dma_start3A_336, %dma_start3A_342] : memref<4x8x128xi32, #tpu.memory_space<vmem>> -> memref<1x1x128xi32, #tpu.memory_space<vmem>>
      %dma_start3A_344 = tpu.memref_squeeze %dma_start3A_343 : memref<1x1x128xi32, #tpu.memory_space<vmem>> -> memref<128xi32, #tpu.memory_space<vmem>>
      %dma_start3A_345 = arith.constant 0 : i32
      %dma_start3A_346 = arith.constant 0 : i32
      %dma_start3A_347 = tpu.memref_slice %arg10[%dma_start3A_345, %dma_start3A_346] : memref<10112x128xf32, #tpu.memory_space<vmem_shared>> -> memref<10112x128xf32, #tpu.memory_space<vmem_shared>>
      %dma_start3A_348 = tpu.memref_slice %arg13[%dma_start3A_337] : memref<2x!tpu.dma_semaphore, #tpu.memory_space<semaphore_mem>> -> memref<1x!tpu.dma_semaphore, #tpu.memory_space<semaphore_mem>>
      %dma_start3A_349 = tpu.memref_squeeze %dma_start3A_348 : memref<1x!tpu.dma_semaphore, #tpu.memory_space<semaphore_mem>> -> memref<!tpu.dma_semaphore, #tpu.memory_space<semaphore_mem>>
      tpu.enqueue_indirect_dma source(%dma_start3A_341 : memref<128x128xf32, #tpu.memory_space<vmem>>) target(%dma_start3A_347 : memref<10112x128xf32, #tpu.memory_space<vmem_shared>>) offsets(%dma_start3A_344 : memref<128xi32, #tpu.memory_space<vmem>>) semaphore(%dma_start3A_349 : memref<!tpu.dma_semaphore, #tpu.memory_space<semaphore_mem>>) {add = true}
      %ge3A_350 = arith.constant 1 : i32
      %ge3A_351 = arith.cmpi sge, %add3A_311, %ge3A_350 : i32
      %convert_element_type3A_352 = arith.extui %ge3A_351 : i1 to i32
      %cond3A_353 = arith.constant 0 : i32
      %cond3A_354 = arith.cmpi ne, %convert_element_type3A_352, %cond3A_353 : i32
      scf.if %cond3A_354 {
        %dma_wait3A_604 = arith.constant 1 : i32
        %dma_wait3A_605 = arith.constant 0 : i32
        %dma_wait3A_606 = arith.constant 0 : i32
        %dma_wait3A_607 = arith.constant 1 : i32
        %dma_wait3A_608 = arith.constant 0 : i32
        %dma_wait3A_609 = arith.constant 0 : i32
        %dma_wait3A_610 = tpu.memref_slice %arg9[%dma_wait3A_604, %dma_wait3A_608, %dma_wait3A_609] : memref<2x128x128xf32, #tpu.memory_space<vmem>> -> memref<1x128x128xf32, #tpu.memory_space<vmem>>
        %dma_wait3A_611 = tpu.memref_squeeze %dma_wait3A_610 : memref<1x128x128xf32, #tpu.memory_space<vmem>> -> memref<128x128xf32, #tpu.memory_space<vmem>>
        %dma_wait3A_612 = arith.constant 0 : i32
        %dma_wait3A_613 = tpu.memref_slice %arg8[%dma_wait3A_605, %dma_wait3A_606, %dma_wait3A_612] : memref<4x8x128xi32, #tpu.memory_space<vmem>> -> memref<1x1x128xi32, #tpu.memory_space<vmem>>
        %dma_wait3A_614 = tpu.memref_squeeze %dma_wait3A_613 : memref<1x1x128xi32, #tpu.memory_space<vmem>> -> memref<128xi32, #tpu.memory_space<vmem>>
        %dma_wait3A_615 = arith.constant 0 : i32
        %dma_wait3A_616 = arith.constant 0 : i32
        %dma_wait3A_617 = tpu.memref_slice %arg10[%dma_wait3A_615, %dma_wait3A_616] : memref<10112x128xf32, #tpu.memory_space<vmem_shared>> -> memref<10112x128xf32, #tpu.memory_space<vmem_shared>>
        %dma_wait3A_618 = tpu.memref_slice %arg13[%dma_wait3A_607] : memref<2x!tpu.dma_semaphore, #tpu.memory_space<semaphore_mem>> -> memref<1x!tpu.dma_semaphore, #tpu.memory_space<semaphore_mem>>
        %dma_wait3A_619 = tpu.memref_squeeze %dma_wait3A_618 : memref<1x!tpu.dma_semaphore, #tpu.memory_space<semaphore_mem>> -> memref<!tpu.dma_semaphore, #tpu.memory_space<semaphore_mem>>
        tpu.wait_indirect_dma semaphore(%dma_wait3A_619 : memref<!tpu.dma_semaphore, #tpu.memory_space<semaphore_mem>>) src(%dma_wait3A_611 : memref<128x128xf32, #tpu.memory_space<vmem>>) dst(%dma_wait3A_617 : memref<10112x128xf32, #tpu.memory_space<vmem_shared>>)
      } else {
      }
      %add3A_355 = arith.constant 1 : i32
      %add3A_356 = arith.addi %add3A_311, %add3A_355 : i32
      %lt3A_357 = arith.constant 80 : i32
      %lt3A_358 = arith.cmpi slt, %add3A_356, %lt3A_357 : i32
      %convert_element_type3A_359 = arith.extui %lt3A_358 : i1 to i32
      %cond3A_360 = arith.constant 0 : i32
      %cond3A_361 = arith.cmpi ne, %convert_element_type3A_359, %cond3A_360 : i32
      scf.if %cond3A_361 {
        %add3A_604 = arith.constant 1 : i32
        %add3A_605 = arith.addi %add3A_311, %add3A_604 : i32
        %jit3A = arith.constant 8 : i32
        %div3A = arith.divsi %add3A_605, %jit3A : i32
        %sign3A = arith.constant 0 : i32
        %sign3A_606 = arith.cmpi sgt, %add3A_605, %sign3A : i32
        %sign3A_607 = arith.extui %sign3A_606 : i1 to i32
        %sign3A_608 = arith.constant 0 : i32
        %sign3A_609 = arith.cmpi slt, %add3A_605, %sign3A_608 : i32
        %sign3A_610 = arith.extui %sign3A_609 : i1 to i32
        %sign3A_611 = arith.subi %sign3A_607, %sign3A_610 : i32
        %sign3A_612 = arith.constant 0 : i32
        %sign3A_613 = arith.cmpi sgt, %jit3A, %sign3A_612 : i32
        %sign3A_614 = arith.extui %sign3A_613 : i1 to i32
        %sign3A_615 = arith.constant 0 : i32
        %sign3A_616 = arith.cmpi slt, %jit3A, %sign3A_615 : i32
        %sign3A_617 = arith.extui %sign3A_616 : i1 to i32
        %sign3A_618 = arith.subi %sign3A_614, %sign3A_617 : i32
        %ne3A = arith.cmpi ne, %sign3A_611, %sign3A_618 : i32
        %rem3A_619 = arith.remsi %add3A_605, %jit3A : i32
        %ne3A_620 = arith.constant 0 : i32
        %ne3A_621 = arith.cmpi ne, %rem3A_619, %ne3A_620 : i32
        %and3A = arith.andi %ne3A, %ne3A_621 : i1
        %sub3A = arith.constant 1 : i32
        %sub3A_622 = arith.subi %div3A, %sub3A : i32
        %select_n3A = arith.select %and3A, %sub3A_622, %div3A : i32
        %rem3A_623 = arith.constant 4 : i32
        %rem3A_624 = arith.remsi %select_n3A, %rem3A_623 : i32
        %dma_start3A_625 = arith.constant 3 : i32
        %dma_start3A_626 = arith.constant 1 : i32
        %dma_start3A_627 = arith.constant 1 : i32
        %dma_start3A_628 = arith.constant 0 : i32
        %dma_start3A_629 = arith.constant 0 : i32
        %dma_start3A_630 = tpu.memref_slice %arg9[%dma_start3A_626, %dma_start3A_628, %dma_start3A_629] : memref<2x128x128xf32, #tpu.memory_space<vmem>> -> memref<1x128x128xf32, #tpu.memory_space<vmem>>
        %dma_start3A_631 = tpu.memref_squeeze %dma_start3A_630 : memref<1x128x128xf32, #tpu.memory_space<vmem>> -> memref<128x128xf32, #tpu.memory_space<vmem>>
        %dma_start3A_632 = arith.constant 0 : i32
        %dma_start3A_633 = tpu.memref_slice %arg7[%rem3A_624, %dma_start3A_625, %dma_start3A_632] : memref<4x8x128xi32, #tpu.memory_space<vmem>> -> memref<1x1x128xi32, #tpu.memory_space<vmem>>
        %dma_start3A_634 = tpu.memref_squeeze %dma_start3A_633 : memref<1x1x128xi32, #tpu.memory_space<vmem>> -> memref<128xi32, #tpu.memory_space<vmem>>
        %dma_start3A_635 = arith.constant 0 : i32
        %dma_start3A_636 = arith.constant 0 : i32
        %dma_start3A_637 = tpu.memref_slice %arg2[%dma_start3A_635, %dma_start3A_636] : memref<10112x128xf32, #tpu.memory_space<hbm>> -> memref<10112x128xf32, #tpu.memory_space<hbm>>
        %dma_start3A_638 = tpu.memref_slice %arg12[%dma_start3A_627] : memref<2x!tpu.dma_semaphore, #tpu.memory_space<semaphore_mem>> -> memref<1x!tpu.dma_semaphore, #tpu.memory_space<semaphore_mem>>
        %dma_start3A_639 = tpu.memref_squeeze %dma_start3A_638 : memref<1x!tpu.dma_semaphore, #tpu.memory_space<semaphore_mem>> -> memref<!tpu.dma_semaphore, #tpu.memory_space<semaphore_mem>>
        tpu.enqueue_indirect_dma source(%dma_start3A_637 : memref<10112x128xf32, #tpu.memory_space<hbm>>) target(%dma_start3A_631 : memref<128x128xf32, #tpu.memory_space<vmem>>) offsets(%dma_start3A_634 : memref<128xi32, #tpu.memory_space<vmem>>) semaphore(%dma_start3A_639 : memref<!tpu.dma_semaphore, #tpu.memory_space<semaphore_mem>>)
      } else {
      }
      %mul3A_362 = arith.constant 8 : i32
      %mul3A_363 = arith.muli %scan3A_215, %mul3A_362 : i32
      %add3A_364 = arith.constant 3 : i32
      %add3A_365 = arith.addi %mul3A_363, %add3A_364 : i32
      %dma_wait3A_366 = arith.constant 0 : i32
      %dma_wait3A_367 = arith.constant 0 : i32
      %dma_wait3A_368 = arith.constant 1 : i32
      %dma_wait3A_369 = arith.constant 1 : i32
      %dma_wait3A_370 = arith.constant 0 : i32
      %dma_wait3A_371 = arith.constant 0 : i32
      %dma_wait3A_372 = tpu.memref_slice %arg9[%dma_wait3A_368, %dma_wait3A_370, %dma_wait3A_371] : memref<2x128x128xf32, #tpu.memory_space<vmem>> -> memref<1x128x128xf32, #tpu.memory_space<vmem>>
      %dma_wait3A_373 = tpu.memref_squeeze %dma_wait3A_372 : memref<1x128x128xf32, #tpu.memory_space<vmem>> -> memref<128x128xf32, #tpu.memory_space<vmem>>
      %dma_wait3A_374 = arith.constant 0 : i32
      %dma_wait3A_375 = tpu.memref_slice %arg7[%dma_wait3A_366, %dma_wait3A_367, %dma_wait3A_374] : memref<4x8x128xi32, #tpu.memory_space<vmem>> -> memref<1x1x128xi32, #tpu.memory_space<vmem>>
      %dma_wait3A_376 = tpu.memref_squeeze %dma_wait3A_375 : memref<1x1x128xi32, #tpu.memory_space<vmem>> -> memref<128xi32, #tpu.memory_space<vmem>>
      %dma_wait3A_377 = arith.constant 0 : i32
      %dma_wait3A_378 = arith.constant 0 : i32
      %dma_wait3A_379 = tpu.memref_slice %arg2[%dma_wait3A_377, %dma_wait3A_378] : memref<10112x128xf32, #tpu.memory_space<hbm>> -> memref<10112x128xf32, #tpu.memory_space<hbm>>
      %dma_wait3A_380 = tpu.memref_slice %arg12[%dma_wait3A_369] : memref<2x!tpu.dma_semaphore, #tpu.memory_space<semaphore_mem>> -> memref<1x!tpu.dma_semaphore, #tpu.memory_space<semaphore_mem>>
      %dma_wait3A_381 = tpu.memref_squeeze %dma_wait3A_380 : memref<1x!tpu.dma_semaphore, #tpu.memory_space<semaphore_mem>> -> memref<!tpu.dma_semaphore, #tpu.memory_space<semaphore_mem>>
      tpu.wait_indirect_dma semaphore(%dma_wait3A_381 : memref<!tpu.dma_semaphore, #tpu.memory_space<semaphore_mem>>) src(%dma_wait3A_379 : memref<10112x128xf32, #tpu.memory_space<hbm>>) dst(%dma_wait3A_373 : memref<128x128xf32, #tpu.memory_space<vmem>>)
      %dma_start3A_382 = arith.constant 1 : i32
      %dma_start3A_383 = arith.constant 3 : i32
      %dma_start3A_384 = arith.constant 1 : i32
      %dma_start3A_385 = arith.constant 0 : i32
      %dma_start3A_386 = arith.constant 0 : i32
      %dma_start3A_387 = tpu.memref_slice %arg9[%dma_start3A_382, %dma_start3A_385, %dma_start3A_386] : memref<2x128x128xf32, #tpu.memory_space<vmem>> -> memref<1x128x128xf32, #tpu.memory_space<vmem>>
      %dma_start3A_388 = tpu.memref_squeeze %dma_start3A_387 : memref<1x128x128xf32, #tpu.memory_space<vmem>> -> memref<128x128xf32, #tpu.memory_space<vmem>>
      %dma_start3A_389 = arith.constant 0 : i32
      %dma_start3A_390 = tpu.memref_slice %arg8[%rem3A_217, %dma_start3A_383, %dma_start3A_389] : memref<4x8x128xi32, #tpu.memory_space<vmem>> -> memref<1x1x128xi32, #tpu.memory_space<vmem>>
      %dma_start3A_391 = tpu.memref_squeeze %dma_start3A_390 : memref<1x1x128xi32, #tpu.memory_space<vmem>> -> memref<128xi32, #tpu.memory_space<vmem>>
      %dma_start3A_392 = arith.constant 0 : i32
      %dma_start3A_393 = arith.constant 0 : i32
      %dma_start3A_394 = tpu.memref_slice %arg10[%dma_start3A_392, %dma_start3A_393] : memref<10112x128xf32, #tpu.memory_space<vmem_shared>> -> memref<10112x128xf32, #tpu.memory_space<vmem_shared>>
      %dma_start3A_395 = tpu.memref_slice %arg13[%dma_start3A_384] : memref<2x!tpu.dma_semaphore, #tpu.memory_space<semaphore_mem>> -> memref<1x!tpu.dma_semaphore, #tpu.memory_space<semaphore_mem>>
      %dma_start3A_396 = tpu.memref_squeeze %dma_start3A_395 : memref<1x!tpu.dma_semaphore, #tpu.memory_space<semaphore_mem>> -> memref<!tpu.dma_semaphore, #tpu.memory_space<semaphore_mem>>
      tpu.enqueue_indirect_dma source(%dma_start3A_388 : memref<128x128xf32, #tpu.memory_space<vmem>>) target(%dma_start3A_394 : memref<10112x128xf32, #tpu.memory_space<vmem_shared>>) offsets(%dma_start3A_391 : memref<128xi32, #tpu.memory_space<vmem>>) semaphore(%dma_start3A_396 : memref<!tpu.dma_semaphore, #tpu.memory_space<semaphore_mem>>) {add = true}
      %ge3A_397 = arith.constant 1 : i32
      %ge3A_398 = arith.cmpi sge, %add3A_365, %ge3A_397 : i32
      %convert_element_type3A_399 = arith.extui %ge3A_398 : i1 to i32
      %cond3A_400 = arith.constant 0 : i32
      %cond3A_401 = arith.cmpi ne, %convert_element_type3A_399, %cond3A_400 : i32
      scf.if %cond3A_401 {
        %dma_wait3A_604 = arith.constant 0 : i32
        %dma_wait3A_605 = arith.constant 0 : i32
        %dma_wait3A_606 = arith.constant 0 : i32
        %dma_wait3A_607 = arith.constant 0 : i32
        %dma_wait3A_608 = arith.constant 0 : i32
        %dma_wait3A_609 = arith.constant 0 : i32
        %dma_wait3A_610 = tpu.memref_slice %arg9[%dma_wait3A_604, %dma_wait3A_608, %dma_wait3A_609] : memref<2x128x128xf32, #tpu.memory_space<vmem>> -> memref<1x128x128xf32, #tpu.memory_space<vmem>>
        %dma_wait3A_611 = tpu.memref_squeeze %dma_wait3A_610 : memref<1x128x128xf32, #tpu.memory_space<vmem>> -> memref<128x128xf32, #tpu.memory_space<vmem>>
        %dma_wait3A_612 = arith.constant 0 : i32
        %dma_wait3A_613 = tpu.memref_slice %arg8[%dma_wait3A_605, %dma_wait3A_606, %dma_wait3A_612] : memref<4x8x128xi32, #tpu.memory_space<vmem>> -> memref<1x1x128xi32, #tpu.memory_space<vmem>>
        %dma_wait3A_614 = tpu.memref_squeeze %dma_wait3A_613 : memref<1x1x128xi32, #tpu.memory_space<vmem>> -> memref<128xi32, #tpu.memory_space<vmem>>
        %dma_wait3A_615 = arith.constant 0 : i32
        %dma_wait3A_616 = arith.constant 0 : i32
        %dma_wait3A_617 = tpu.memref_slice %arg10[%dma_wait3A_615, %dma_wait3A_616] : memref<10112x128xf32, #tpu.memory_space<vmem_shared>> -> memref<10112x128xf32, #tpu.memory_space<vmem_shared>>
        %dma_wait3A_618 = tpu.memref_slice %arg13[%dma_wait3A_607] : memref<2x!tpu.dma_semaphore, #tpu.memory_space<semaphore_mem>> -> memref<1x!tpu.dma_semaphore, #tpu.memory_space<semaphore_mem>>
        %dma_wait3A_619 = tpu.memref_squeeze %dma_wait3A_618 : memref<1x!tpu.dma_semaphore, #tpu.memory_space<semaphore_mem>> -> memref<!tpu.dma_semaphore, #tpu.memory_space<semaphore_mem>>
        tpu.wait_indirect_dma semaphore(%dma_wait3A_619 : memref<!tpu.dma_semaphore, #tpu.memory_space<semaphore_mem>>) src(%dma_wait3A_611 : memref<128x128xf32, #tpu.memory_space<vmem>>) dst(%dma_wait3A_617 : memref<10112x128xf32, #tpu.memory_space<vmem_shared>>)
      } else {
      }
      %add3A_402 = arith.constant 1 : i32
      %add3A_403 = arith.addi %add3A_365, %add3A_402 : i32
      %lt3A_404 = arith.constant 80 : i32
      %lt3A_405 = arith.cmpi slt, %add3A_403, %lt3A_404 : i32
      %convert_element_type3A_406 = arith.extui %lt3A_405 : i1 to i32
      %cond3A_407 = arith.constant 0 : i32
      %cond3A_408 = arith.cmpi ne, %convert_element_type3A_406, %cond3A_407 : i32
      scf.if %cond3A_408 {
        %add3A_604 = arith.constant 1 : i32
        %add3A_605 = arith.addi %add3A_365, %add3A_604 : i32
        %jit3A = arith.constant 8 : i32
        %div3A = arith.divsi %add3A_605, %jit3A : i32
        %sign3A = arith.constant 0 : i32
        %sign3A_606 = arith.cmpi sgt, %add3A_605, %sign3A : i32
        %sign3A_607 = arith.extui %sign3A_606 : i1 to i32
        %sign3A_608 = arith.constant 0 : i32
        %sign3A_609 = arith.cmpi slt, %add3A_605, %sign3A_608 : i32
        %sign3A_610 = arith.extui %sign3A_609 : i1 to i32
        %sign3A_611 = arith.subi %sign3A_607, %sign3A_610 : i32
        %sign3A_612 = arith.constant 0 : i32
        %sign3A_613 = arith.cmpi sgt, %jit3A, %sign3A_612 : i32
        %sign3A_614 = arith.extui %sign3A_613 : i1 to i32
        %sign3A_615 = arith.constant 0 : i32
        %sign3A_616 = arith.cmpi slt, %jit3A, %sign3A_615 : i32
        %sign3A_617 = arith.extui %sign3A_616 : i1 to i32
        %sign3A_618 = arith.subi %sign3A_614, %sign3A_617 : i32
        %ne3A = arith.cmpi ne, %sign3A_611, %sign3A_618 : i32
        %rem3A_619 = arith.remsi %add3A_605, %jit3A : i32
        %ne3A_620 = arith.constant 0 : i32
        %ne3A_621 = arith.cmpi ne, %rem3A_619, %ne3A_620 : i32
        %and3A = arith.andi %ne3A, %ne3A_621 : i1
        %sub3A = arith.constant 1 : i32
        %sub3A_622 = arith.subi %div3A, %sub3A : i32
        %select_n3A = arith.select %and3A, %sub3A_622, %div3A : i32
        %rem3A_623 = arith.constant 4 : i32
        %rem3A_624 = arith.remsi %select_n3A, %rem3A_623 : i32
        %dma_start3A_625 = arith.constant 4 : i32
        %dma_start3A_626 = arith.constant 0 : i32
        %dma_start3A_627 = arith.constant 0 : i32
        %dma_start3A_628 = arith.constant 0 : i32
        %dma_start3A_629 = arith.constant 0 : i32
        %dma_start3A_630 = tpu.memref_slice %arg9[%dma_start3A_626, %dma_start3A_628, %dma_start3A_629] : memref<2x128x128xf32, #tpu.memory_space<vmem>> -> memref<1x128x128xf32, #tpu.memory_space<vmem>>
        %dma_start3A_631 = tpu.memref_squeeze %dma_start3A_630 : memref<1x128x128xf32, #tpu.memory_space<vmem>> -> memref<128x128xf32, #tpu.memory_space<vmem>>
        %dma_start3A_632 = arith.constant 0 : i32
        %dma_start3A_633 = tpu.memref_slice %arg7[%rem3A_624, %dma_start3A_625, %dma_start3A_632] : memref<4x8x128xi32, #tpu.memory_space<vmem>> -> memref<1x1x128xi32, #tpu.memory_space<vmem>>
        %dma_start3A_634 = tpu.memref_squeeze %dma_start3A_633 : memref<1x1x128xi32, #tpu.memory_space<vmem>> -> memref<128xi32, #tpu.memory_space<vmem>>
        %dma_start3A_635 = arith.constant 0 : i32
        %dma_start3A_636 = arith.constant 0 : i32
        %dma_start3A_637 = tpu.memref_slice %arg2[%dma_start3A_635, %dma_start3A_636] : memref<10112x128xf32, #tpu.memory_space<hbm>> -> memref<10112x128xf32, #tpu.memory_space<hbm>>
        %dma_start3A_638 = tpu.memref_slice %arg12[%dma_start3A_627] : memref<2x!tpu.dma_semaphore, #tpu.memory_space<semaphore_mem>> -> memref<1x!tpu.dma_semaphore, #tpu.memory_space<semaphore_mem>>
        %dma_start3A_639 = tpu.memref_squeeze %dma_start3A_638 : memref<1x!tpu.dma_semaphore, #tpu.memory_space<semaphore_mem>> -> memref<!tpu.dma_semaphore, #tpu.memory_space<semaphore_mem>>
        tpu.enqueue_indirect_dma source(%dma_start3A_637 : memref<10112x128xf32, #tpu.memory_space<hbm>>) target(%dma_start3A_631 : memref<128x128xf32, #tpu.memory_space<vmem>>) offsets(%dma_start3A_634 : memref<128xi32, #tpu.memory_space<vmem>>) semaphore(%dma_start3A_639 : memref<!tpu.dma_semaphore, #tpu.memory_space<semaphore_mem>>)
      } else {
      }
      %mul3A_409 = arith.constant 8 : i32
      %mul3A_410 = arith.muli %scan3A_215, %mul3A_409 : i32
      %add3A_411 = arith.constant 4 : i32
      %add3A_412 = arith.addi %mul3A_410, %add3A_411 : i32
      %dma_wait3A_413 = arith.constant 0 : i32
      %dma_wait3A_414 = arith.constant 0 : i32
      %dma_wait3A_415 = arith.constant 0 : i32
      %dma_wait3A_416 = arith.constant 0 : i32
      %dma_wait3A_417 = arith.constant 0 : i32
      %dma_wait3A_418 = arith.constant 0 : i32
      %dma_wait3A_419 = tpu.memref_slice %arg9[%dma_wait3A_415, %dma_wait3A_417, %dma_wait3A_418] : memref<2x128x128xf32, #tpu.memory_space<vmem>> -> memref<1x128x128xf32, #tpu.memory_space<vmem>>
      %dma_wait3A_420 = tpu.memref_squeeze %dma_wait3A_419 : memref<1x128x128xf32, #tpu.memory_space<vmem>> -> memref<128x128xf32, #tpu.memory_space<vmem>>
      %dma_wait3A_421 = arith.constant 0 : i32
      %dma_wait3A_422 = tpu.memref_slice %arg7[%dma_wait3A_413, %dma_wait3A_414, %dma_wait3A_421] : memref<4x8x128xi32, #tpu.memory_space<vmem>> -> memref<1x1x128xi32, #tpu.memory_space<vmem>>
      %dma_wait3A_423 = tpu.memref_squeeze %dma_wait3A_422 : memref<1x1x128xi32, #tpu.memory_space<vmem>> -> memref<128xi32, #tpu.memory_space<vmem>>
      %dma_wait3A_424 = arith.constant 0 : i32
      %dma_wait3A_425 = arith.constant 0 : i32
      %dma_wait3A_426 = tpu.memref_slice %arg2[%dma_wait3A_424, %dma_wait3A_425] : memref<10112x128xf32, #tpu.memory_space<hbm>> -> memref<10112x128xf32, #tpu.memory_space<hbm>>
      %dma_wait3A_427 = tpu.memref_slice %arg12[%dma_wait3A_416] : memref<2x!tpu.dma_semaphore, #tpu.memory_space<semaphore_mem>> -> memref<1x!tpu.dma_semaphore, #tpu.memory_space<semaphore_mem>>
      %dma_wait3A_428 = tpu.memref_squeeze %dma_wait3A_427 : memref<1x!tpu.dma_semaphore, #tpu.memory_space<semaphore_mem>> -> memref<!tpu.dma_semaphore, #tpu.memory_space<semaphore_mem>>
      tpu.wait_indirect_dma semaphore(%dma_wait3A_428 : memref<!tpu.dma_semaphore, #tpu.memory_space<semaphore_mem>>) src(%dma_wait3A_426 : memref<10112x128xf32, #tpu.memory_space<hbm>>) dst(%dma_wait3A_420 : memref<128x128xf32, #tpu.memory_space<vmem>>)
      %dma_start3A_429 = arith.constant 0 : i32
      %dma_start3A_430 = arith.constant 4 : i32
      %dma_start3A_431 = arith.constant 0 : i32
      %dma_start3A_432 = arith.constant 0 : i32
      %dma_start3A_433 = arith.constant 0 : i32
      %dma_start3A_434 = tpu.memref_slice %arg9[%dma_start3A_429, %dma_start3A_432, %dma_start3A_433] : memref<2x128x128xf32, #tpu.memory_space<vmem>> -> memref<1x128x128xf32, #tpu.memory_space<vmem>>
      %dma_start3A_435 = tpu.memref_squeeze %dma_start3A_434 : memref<1x128x128xf32, #tpu.memory_space<vmem>> -> memref<128x128xf32, #tpu.memory_space<vmem>>
      %dma_start3A_436 = arith.constant 0 : i32
      %dma_start3A_437 = tpu.memref_slice %arg8[%rem3A_217, %dma_start3A_430, %dma_start3A_436] : memref<4x8x128xi32, #tpu.memory_space<vmem>> -> memref<1x1x128xi32, #tpu.memory_space<vmem>>
      %dma_start3A_438 = tpu.memref_squeeze %dma_start3A_437 : memref<1x1x128xi32, #tpu.memory_space<vmem>> -> memref<128xi32, #tpu.memory_space<vmem>>
      %dma_start3A_439 = arith.constant 0 : i32
      %dma_start3A_440 = arith.constant 0 : i32
      %dma_start3A_441 = tpu.memref_slice %arg10[%dma_start3A_439, %dma_start3A_440] : memref<10112x128xf32, #tpu.memory_space<vmem_shared>> -> memref<10112x128xf32, #tpu.memory_space<vmem_shared>>
      %dma_start3A_442 = tpu.memref_slice %arg13[%dma_start3A_431] : memref<2x!tpu.dma_semaphore, #tpu.memory_space<semaphore_mem>> -> memref<1x!tpu.dma_semaphore, #tpu.memory_space<semaphore_mem>>
      %dma_start3A_443 = tpu.memref_squeeze %dma_start3A_442 : memref<1x!tpu.dma_semaphore, #tpu.memory_space<semaphore_mem>> -> memref<!tpu.dma_semaphore, #tpu.memory_space<semaphore_mem>>
      tpu.enqueue_indirect_dma source(%dma_start3A_435 : memref<128x128xf32, #tpu.memory_space<vmem>>) target(%dma_start3A_441 : memref<10112x128xf32, #tpu.memory_space<vmem_shared>>) offsets(%dma_start3A_438 : memref<128xi32, #tpu.memory_space<vmem>>) semaphore(%dma_start3A_443 : memref<!tpu.dma_semaphore, #tpu.memory_space<semaphore_mem>>) {add = true}
      %ge3A_444 = arith.constant 1 : i32
      %ge3A_445 = arith.cmpi sge, %add3A_412, %ge3A_444 : i32
      %convert_element_type3A_446 = arith.extui %ge3A_445 : i1 to i32
      %cond3A_447 = arith.constant 0 : i32
      %cond3A_448 = arith.cmpi ne, %convert_element_type3A_446, %cond3A_447 : i32
      scf.if %cond3A_448 {
        %dma_wait3A_604 = arith.constant 1 : i32
        %dma_wait3A_605 = arith.constant 0 : i32
        %dma_wait3A_606 = arith.constant 0 : i32
        %dma_wait3A_607 = arith.constant 1 : i32
        %dma_wait3A_608 = arith.constant 0 : i32
        %dma_wait3A_609 = arith.constant 0 : i32
        %dma_wait3A_610 = tpu.memref_slice %arg9[%dma_wait3A_604, %dma_wait3A_608, %dma_wait3A_609] : memref<2x128x128xf32, #tpu.memory_space<vmem>> -> memref<1x128x128xf32, #tpu.memory_space<vmem>>
        %dma_wait3A_611 = tpu.memref_squeeze %dma_wait3A_610 : memref<1x128x128xf32, #tpu.memory_space<vmem>> -> memref<128x128xf32, #tpu.memory_space<vmem>>
        %dma_wait3A_612 = arith.constant 0 : i32
        %dma_wait3A_613 = tpu.memref_slice %arg8[%dma_wait3A_605, %dma_wait3A_606, %dma_wait3A_612] : memref<4x8x128xi32, #tpu.memory_space<vmem>> -> memref<1x1x128xi32, #tpu.memory_space<vmem>>
        %dma_wait3A_614 = tpu.memref_squeeze %dma_wait3A_613 : memref<1x1x128xi32, #tpu.memory_space<vmem>> -> memref<128xi32, #tpu.memory_space<vmem>>
        %dma_wait3A_615 = arith.constant 0 : i32
        %dma_wait3A_616 = arith.constant 0 : i32
        %dma_wait3A_617 = tpu.memref_slice %arg10[%dma_wait3A_615, %dma_wait3A_616] : memref<10112x128xf32, #tpu.memory_space<vmem_shared>> -> memref<10112x128xf32, #tpu.memory_space<vmem_shared>>
        %dma_wait3A_618 = tpu.memref_slice %arg13[%dma_wait3A_607] : memref<2x!tpu.dma_semaphore, #tpu.memory_space<semaphore_mem>> -> memref<1x!tpu.dma_semaphore, #tpu.memory_space<semaphore_mem>>
        %dma_wait3A_619 = tpu.memref_squeeze %dma_wait3A_618 : memref<1x!tpu.dma_semaphore, #tpu.memory_space<semaphore_mem>> -> memref<!tpu.dma_semaphore, #tpu.memory_space<semaphore_mem>>
        tpu.wait_indirect_dma semaphore(%dma_wait3A_619 : memref<!tpu.dma_semaphore, #tpu.memory_space<semaphore_mem>>) src(%dma_wait3A_611 : memref<128x128xf32, #tpu.memory_space<vmem>>) dst(%dma_wait3A_617 : memref<10112x128xf32, #tpu.memory_space<vmem_shared>>)
      } else {
      }
      %add3A_449 = arith.constant 1 : i32
      %add3A_450 = arith.addi %add3A_412, %add3A_449 : i32
      %lt3A_451 = arith.constant 80 : i32
      %lt3A_452 = arith.cmpi slt, %add3A_450, %lt3A_451 : i32
      %convert_element_type3A_453 = arith.extui %lt3A_452 : i1 to i32
      %cond3A_454 = arith.constant 0 : i32
      %cond3A_455 = arith.cmpi ne, %convert_element_type3A_453, %cond3A_454 : i32
      scf.if %cond3A_455 {
        %add3A_604 = arith.constant 1 : i32
        %add3A_605 = arith.addi %add3A_412, %add3A_604 : i32
        %jit3A = arith.constant 8 : i32
        %div3A = arith.divsi %add3A_605, %jit3A : i32
        %sign3A = arith.constant 0 : i32
        %sign3A_606 = arith.cmpi sgt, %add3A_605, %sign3A : i32
        %sign3A_607 = arith.extui %sign3A_606 : i1 to i32
        %sign3A_608 = arith.constant 0 : i32
        %sign3A_609 = arith.cmpi slt, %add3A_605, %sign3A_608 : i32
        %sign3A_610 = arith.extui %sign3A_609 : i1 to i32
        %sign3A_611 = arith.subi %sign3A_607, %sign3A_610 : i32
        %sign3A_612 = arith.constant 0 : i32
        %sign3A_613 = arith.cmpi sgt, %jit3A, %sign3A_612 : i32
        %sign3A_614 = arith.extui %sign3A_613 : i1 to i32
        %sign3A_615 = arith.constant 0 : i32
        %sign3A_616 = arith.cmpi slt, %jit3A, %sign3A_615 : i32
        %sign3A_617 = arith.extui %sign3A_616 : i1 to i32
        %sign3A_618 = arith.subi %sign3A_614, %sign3A_617 : i32
        %ne3A = arith.cmpi ne, %sign3A_611, %sign3A_618 : i32
        %rem3A_619 = arith.remsi %add3A_605, %jit3A : i32
        %ne3A_620 = arith.constant 0 : i32
        %ne3A_621 = arith.cmpi ne, %rem3A_619, %ne3A_620 : i32
        %and3A = arith.andi %ne3A, %ne3A_621 : i1
        %sub3A = arith.constant 1 : i32
        %sub3A_622 = arith.subi %div3A, %sub3A : i32
        %select_n3A = arith.select %and3A, %sub3A_622, %div3A : i32
        %rem3A_623 = arith.constant 4 : i32
        %rem3A_624 = arith.remsi %select_n3A, %rem3A_623 : i32
        %dma_start3A_625 = arith.constant 5 : i32
        %dma_start3A_626 = arith.constant 1 : i32
        %dma_start3A_627 = arith.constant 1 : i32
        %dma_start3A_628 = arith.constant 0 : i32
        %dma_start3A_629 = arith.constant 0 : i32
        %dma_start3A_630 = tpu.memref_slice %arg9[%dma_start3A_626, %dma_start3A_628, %dma_start3A_629] : memref<2x128x128xf32, #tpu.memory_space<vmem>> -> memref<1x128x128xf32, #tpu.memory_space<vmem>>
        %dma_start3A_631 = tpu.memref_squeeze %dma_start3A_630 : memref<1x128x128xf32, #tpu.memory_space<vmem>> -> memref<128x128xf32, #tpu.memory_space<vmem>>
        %dma_start3A_632 = arith.constant 0 : i32
        %dma_start3A_633 = tpu.memref_slice %arg7[%rem3A_624, %dma_start3A_625, %dma_start3A_632] : memref<4x8x128xi32, #tpu.memory_space<vmem>> -> memref<1x1x128xi32, #tpu.memory_space<vmem>>
        %dma_start3A_634 = tpu.memref_squeeze %dma_start3A_633 : memref<1x1x128xi32, #tpu.memory_space<vmem>> -> memref<128xi32, #tpu.memory_space<vmem>>
        %dma_start3A_635 = arith.constant 0 : i32
        %dma_start3A_636 = arith.constant 0 : i32
        %dma_start3A_637 = tpu.memref_slice %arg2[%dma_start3A_635, %dma_start3A_636] : memref<10112x128xf32, #tpu.memory_space<hbm>> -> memref<10112x128xf32, #tpu.memory_space<hbm>>
        %dma_start3A_638 = tpu.memref_slice %arg12[%dma_start3A_627] : memref<2x!tpu.dma_semaphore, #tpu.memory_space<semaphore_mem>> -> memref<1x!tpu.dma_semaphore, #tpu.memory_space<semaphore_mem>>
        %dma_start3A_639 = tpu.memref_squeeze %dma_start3A_638 : memref<1x!tpu.dma_semaphore, #tpu.memory_space<semaphore_mem>> -> memref<!tpu.dma_semaphore, #tpu.memory_space<semaphore_mem>>
        tpu.enqueue_indirect_dma source(%dma_start3A_637 : memref<10112x128xf32, #tpu.memory_space<hbm>>) target(%dma_start3A_631 : memref<128x128xf32, #tpu.memory_space<vmem>>) offsets(%dma_start3A_634 : memref<128xi32, #tpu.memory_space<vmem>>) semaphore(%dma_start3A_639 : memref<!tpu.dma_semaphore, #tpu.memory_space<semaphore_mem>>)
      } else {
      }
      %mul3A_456 = arith.constant 8 : i32
      %mul3A_457 = arith.muli %scan3A_215, %mul3A_456 : i32
      %add3A_458 = arith.constant 5 : i32
      %add3A_459 = arith.addi %mul3A_457, %add3A_458 : i32
      %add3A_460 = arith.constant 1 : i32
      %add3A_461 = arith.addi %scan3A_215, %add3A_460 : i32
      %lt3A_462 = arith.constant 10 : i32
      %lt3A_463 = arith.cmpi slt, %add3A_461, %lt3A_462 : i32
      %convert_element_type3A_464 = arith.extui %lt3A_463 : i1 to i32
      %cond3A_465 = arith.constant 0 : i32
      %cond3A_466 = arith.cmpi ne, %convert_element_type3A_464, %cond3A_465 : i32
      scf.if %cond3A_466 {
        %add3A_604 = arith.constant 1 : i32
        %add3A_605 = arith.addi %scan3A_215, %add3A_604 : i32
        %rem3A_606 = arith.constant 4 : i32
        %rem3A_607 = arith.remsi %add3A_605, %rem3A_606 : i32
        %dma_wait3A_608 = arith.constant 0 : i32
        %dma_wait3A_609 = arith.constant 0 : i32
        %dma_wait3A_610 = tpu.memref_slice %arg7[%rem3A_607, %dma_wait3A_608, %dma_wait3A_609] : memref<4x8x128xi32, #tpu.memory_space<vmem>> -> memref<1x8x128xi32, #tpu.memory_space<vmem>>
        %dma_wait3A_611 = tpu.memref_squeeze %dma_wait3A_610 : memref<1x8x128xi32, #tpu.memory_space<vmem>> -> memref<8x128xi32, #tpu.memory_space<vmem>>
        %dma_wait3A_612 = arith.constant 0 : i32
        %dma_wait3A_613 = arith.constant 0 : i32
        %dma_wait3A_614 = tpu.memref_slice %arg3[%mul3A_2, %dma_wait3A_612, %dma_wait3A_613] : memref<320x8x128xi32, #tpu.memory_space<hbm>> -> memref<1x8x128xi32, #tpu.memory_space<hbm>>
        %dma_wait3A_615 = tpu.memref_squeeze %dma_wait3A_614 : memref<1x8x128xi32, #tpu.memory_space<hbm>> -> memref<8x128xi32, #tpu.memory_space<hbm>>
        %dma_wait3A_616 = tpu.memref_slice %arg11[%rem3A_607] : memref<4x!tpu.dma_semaphore, #tpu.memory_space<semaphore_mem>> -> memref<1x!tpu.dma_semaphore, #tpu.memory_space<semaphore_mem>>
        %dma_wait3A_617 = tpu.memref_squeeze %dma_wait3A_616 : memref<1x!tpu.dma_semaphore, #tpu.memory_space<semaphore_mem>> -> memref<!tpu.dma_semaphore, #tpu.memory_space<semaphore_mem>>
        %dma_wait3A_618 = arith.constant 0 : i32
        %dma_wait3A_619 = arith.constant 0 : i32
        %dma_wait3A_620 = tpu.memref_slice %arg7[%rem3A_607, %dma_wait3A_618, %dma_wait3A_619] : memref<4x8x128xi32, #tpu.memory_space<vmem>> -> memref<1x8x128xi32, #tpu.memory_space<vmem>>
        %dma_wait3A_621 = tpu.memref_squeeze %dma_wait3A_620 : memref<1x8x128xi32, #tpu.memory_space<vmem>> -> memref<8x128xi32, #tpu.memory_space<vmem>>
        %dma_wait3A_622 = arith.constant 0 : i32
        %dma_wait3A_623 = arith.constant 0 : i32
        %dma_wait3A_624 = tpu.memref_slice %arg3[%mul3A_2, %dma_wait3A_622, %dma_wait3A_623] : memref<320x8x128xi32, #tpu.memory_space<hbm>> -> memref<1x8x128xi32, #tpu.memory_space<hbm>>
        %dma_wait3A_625 = tpu.memref_squeeze %dma_wait3A_624 : memref<1x8x128xi32, #tpu.memory_space<hbm>> -> memref<8x128xi32, #tpu.memory_space<hbm>>
        tpu.wait_dma2 semaphore(%dma_wait3A_617 : memref<!tpu.dma_semaphore, #tpu.memory_space<semaphore_mem>>) src(%dma_wait3A_625 : memref<8x128xi32, #tpu.memory_space<hbm>>) dst(%dma_wait3A_621 : memref<8x128xi32, #tpu.memory_space<vmem>>)
        %dma_wait3A_626 = arith.constant 0 : i32
        %dma_wait3A_627 = arith.constant 0 : i32
        %dma_wait3A_628 = tpu.memref_slice %arg8[%rem3A_607, %dma_wait3A_626, %dma_wait3A_627] : memref<4x8x128xi32, #tpu.memory_space<vmem>> -> memref<1x8x128xi32, #tpu.memory_space<vmem>>
        %dma_wait3A_629 = tpu.memref_squeeze %dma_wait3A_628 : memref<1x8x128xi32, #tpu.memory_space<vmem>> -> memref<8x128xi32, #tpu.memory_space<vmem>>
        %dma_wait3A_630 = arith.constant 0 : i32
        %dma_wait3A_631 = arith.constant 0 : i32
        %dma_wait3A_632 = tpu.memref_slice %arg4[%mul3A_2, %dma_wait3A_630, %dma_wait3A_631] : memref<320x8x128xi32, #tpu.memory_space<hbm>> -> memref<1x8x128xi32, #tpu.memory_space<hbm>>
        %dma_wait3A_633 = tpu.memref_squeeze %dma_wait3A_632 : memref<1x8x128xi32, #tpu.memory_space<hbm>> -> memref<8x128xi32, #tpu.memory_space<hbm>>
        %dma_wait3A_634 = tpu.memref_slice %arg11[%rem3A_607] : memref<4x!tpu.dma_semaphore, #tpu.memory_space<semaphore_mem>> -> memref<1x!tpu.dma_semaphore, #tpu.memory_space<semaphore_mem>>
        %dma_wait3A_635 = tpu.memref_squeeze %dma_wait3A_634 : memref<1x!tpu.dma_semaphore, #tpu.memory_space<semaphore_mem>> -> memref<!tpu.dma_semaphore, #tpu.memory_space<semaphore_mem>>
        %dma_wait3A_636 = arith.constant 0 : i32
        %dma_wait3A_637 = arith.constant 0 : i32
        %dma_wait3A_638 = tpu.memref_slice %arg8[%rem3A_607, %dma_wait3A_636, %dma_wait3A_637] : memref<4x8x128xi32, #tpu.memory_space<vmem>> -> memref<1x8x128xi32, #tpu.memory_space<vmem>>
        %dma_wait3A_639 = tpu.memref_squeeze %dma_wait3A_638 : memref<1x8x128xi32, #tpu.memory_space<vmem>> -> memref<8x128xi32, #tpu.memory_space<vmem>>
        %dma_wait3A_640 = arith.constant 0 : i32
        %dma_wait3A_641 = arith.constant 0 : i32
        %dma_wait3A_642 = tpu.memref_slice %arg4[%mul3A_2, %dma_wait3A_640, %dma_wait3A_641] : memref<320x8x128xi32, #tpu.memory_space<hbm>> -> memref<1x8x128xi32, #tpu.memory_space<hbm>>
        %dma_wait3A_643 = tpu.memref_squeeze %dma_wait3A_642 : memref<1x8x128xi32, #tpu.memory_space<hbm>> -> memref<8x128xi32, #tpu.memory_space<hbm>>
        tpu.wait_dma2 semaphore(%dma_wait3A_635 : memref<!tpu.dma_semaphore, #tpu.memory_space<semaphore_mem>>) src(%dma_wait3A_643 : memref<8x128xi32, #tpu.memory_space<hbm>>) dst(%dma_wait3A_639 : memref<8x128xi32, #tpu.memory_space<vmem>>)
      } else {
      }
      %dma_wait3A_467 = arith.constant 0 : i32
      %dma_wait3A_468 = arith.constant 0 : i32
      %dma_wait3A_469 = arith.constant 1 : i32
      %dma_wait3A_470 = arith.constant 1 : i32
      %dma_wait3A_471 = arith.constant 0 : i32
      %dma_wait3A_472 = arith.constant 0 : i32
      %dma_wait3A_473 = tpu.memref_slice %arg9[%dma_wait3A_469, %dma_wait3A_471, %dma_wait3A_472] : memref<2x128x128xf32, #tpu.memory_space<vmem>> -> memref<1x128x128xf32, #tpu.memory_space<vmem>>
      %dma_wait3A_474 = tpu.memref_squeeze %dma_wait3A_473 : memref<1x128x128xf32, #tpu.memory_space<vmem>> -> memref<128x128xf32, #tpu.memory_space<vmem>>
      %dma_wait3A_475 = arith.constant 0 : i32
      %dma_wait3A_476 = tpu.memref_slice %arg7[%dma_wait3A_467, %dma_wait3A_468, %dma_wait3A_475] : memref<4x8x128xi32, #tpu.memory_space<vmem>> -> memref<1x1x128xi32, #tpu.memory_space<vmem>>
      %dma_wait3A_477 = tpu.memref_squeeze %dma_wait3A_476 : memref<1x1x128xi32, #tpu.memory_space<vmem>> -> memref<128xi32, #tpu.memory_space<vmem>>
      %dma_wait3A_478 = arith.constant 0 : i32
      %dma_wait3A_479 = arith.constant 0 : i32
      %dma_wait3A_480 = tpu.memref_slice %arg2[%dma_wait3A_478, %dma_wait3A_479] : memref<10112x128xf32, #tpu.memory_space<hbm>> -> memref<10112x128xf32, #tpu.memory_space<hbm>>
      %dma_wait3A_481 = tpu.memref_slice %arg12[%dma_wait3A_470] : memref<2x!tpu.dma_semaphore, #tpu.memory_space<semaphore_mem>> -> memref<1x!tpu.dma_semaphore, #tpu.memory_space<semaphore_mem>>
      %dma_wait3A_482 = tpu.memref_squeeze %dma_wait3A_481 : memref<1x!tpu.dma_semaphore, #tpu.memory_space<semaphore_mem>> -> memref<!tpu.dma_semaphore, #tpu.memory_space<semaphore_mem>>
      tpu.wait_indirect_dma semaphore(%dma_wait3A_482 : memref<!tpu.dma_semaphore, #tpu.memory_space<semaphore_mem>>) src(%dma_wait3A_480 : memref<10112x128xf32, #tpu.memory_space<hbm>>) dst(%dma_wait3A_474 : memref<128x128xf32, #tpu.memory_space<vmem>>)
      %dma_start3A_483 = arith.constant 1 : i32
      %dma_start3A_484 = arith.constant 5 : i32
      %dma_start3A_485 = arith.constant 1 : i32
      %dma_start3A_486 = arith.constant 0 : i32
      %dma_start3A_487 = arith.constant 0 : i32
      %dma_start3A_488 = tpu.memref_slice %arg9[%dma_start3A_483, %dma_start3A_486, %dma_start3A_487] : memref<2x128x128xf32, #tpu.memory_space<vmem>> -> memref<1x128x128xf32, #tpu.memory_space<vmem>>
      %dma_start3A_489 = tpu.memref_squeeze %dma_start3A_488 : memref<1x128x128xf32, #tpu.memory_space<vmem>> -> memref<128x128xf32, #tpu.memory_space<vmem>>
      %dma_start3A_490 = arith.constant 0 : i32
      %dma_start3A_491 = tpu.memref_slice %arg8[%rem3A_217, %dma_start3A_484, %dma_start3A_490] : memref<4x8x128xi32, #tpu.memory_space<vmem>> -> memref<1x1x128xi32, #tpu.memory_space<vmem>>
      %dma_start3A_492 = tpu.memref_squeeze %dma_start3A_491 : memref<1x1x128xi32, #tpu.memory_space<vmem>> -> memref<128xi32, #tpu.memory_space<vmem>>
      %dma_start3A_493 = arith.constant 0 : i32
      %dma_start3A_494 = arith.constant 0 : i32
      %dma_start3A_495 = tpu.memref_slice %arg10[%dma_start3A_493, %dma_start3A_494] : memref<10112x128xf32, #tpu.memory_space<vmem_shared>> -> memref<10112x128xf32, #tpu.memory_space<vmem_shared>>
      %dma_start3A_496 = tpu.memref_slice %arg13[%dma_start3A_485] : memref<2x!tpu.dma_semaphore, #tpu.memory_space<semaphore_mem>> -> memref<1x!tpu.dma_semaphore, #tpu.memory_space<semaphore_mem>>
      %dma_start3A_497 = tpu.memref_squeeze %dma_start3A_496 : memref<1x!tpu.dma_semaphore, #tpu.memory_space<semaphore_mem>> -> memref<!tpu.dma_semaphore, #tpu.memory_space<semaphore_mem>>
      tpu.enqueue_indirect_dma source(%dma_start3A_489 : memref<128x128xf32, #tpu.memory_space<vmem>>) target(%dma_start3A_495 : memref<10112x128xf32, #tpu.memory_space<vmem_shared>>) offsets(%dma_start3A_492 : memref<128xi32, #tpu.memory_space<vmem>>) semaphore(%dma_start3A_497 : memref<!tpu.dma_semaphore, #tpu.memory_space<semaphore_mem>>) {add = true}
      %ge3A_498 = arith.constant 1 : i32
      %ge3A_499 = arith.cmpi sge, %add3A_459, %ge3A_498 : i32
      %convert_element_type3A_500 = arith.extui %ge3A_499 : i1 to i32
      %cond3A_501 = arith.constant 0 : i32
      %cond3A_502 = arith.cmpi ne, %convert_element_type3A_500, %cond3A_501 : i32
      scf.if %cond3A_502 {
        %dma_wait3A_604 = arith.constant 0 : i32
        %dma_wait3A_605 = arith.constant 0 : i32
        %dma_wait3A_606 = arith.constant 0 : i32
        %dma_wait3A_607 = arith.constant 0 : i32
        %dma_wait3A_608 = arith.constant 0 : i32
        %dma_wait3A_609 = arith.constant 0 : i32
        %dma_wait3A_610 = tpu.memref_slice %arg9[%dma_wait3A_604, %dma_wait3A_608, %dma_wait3A_609] : memref<2x128x128xf32, #tpu.memory_space<vmem>> -> memref<1x128x128xf32, #tpu.memory_space<vmem>>
        %dma_wait3A_611 = tpu.memref_squeeze %dma_wait3A_610 : memref<1x128x128xf32, #tpu.memory_space<vmem>> -> memref<128x128xf32, #tpu.memory_space<vmem>>
        %dma_wait3A_612 = arith.constant 0 : i32
        %dma_wait3A_613 = tpu.memref_slice %arg8[%dma_wait3A_605, %dma_wait3A_606, %dma_wait3A_612] : memref<4x8x128xi32, #tpu.memory_space<vmem>> -> memref<1x1x128xi32, #tpu.memory_space<vmem>>
        %dma_wait3A_614 = tpu.memref_squeeze %dma_wait3A_613 : memref<1x1x128xi32, #tpu.memory_space<vmem>> -> memref<128xi32, #tpu.memory_space<vmem>>
        %dma_wait3A_615 = arith.constant 0 : i32
        %dma_wait3A_616 = arith.constant 0 : i32
        %dma_wait3A_617 = tpu.memref_slice %arg10[%dma_wait3A_615, %dma_wait3A_616] : memref<10112x128xf32, #tpu.memory_space<vmem_shared>> -> memref<10112x128xf32, #tpu.memory_space<vmem_shared>>
        %dma_wait3A_618 = tpu.memref_slice %arg13[%dma_wait3A_607] : memref<2x!tpu.dma_semaphore, #tpu.memory_space<semaphore_mem>> -> memref<1x!tpu.dma_semaphore, #tpu.memory_space<semaphore_mem>>
        %dma_wait3A_619 = tpu.memref_squeeze %dma_wait3A_618 : memref<1x!tpu.dma_semaphore, #tpu.memory_space<semaphore_mem>> -> memref<!tpu.dma_semaphore, #tpu.memory_space<semaphore_mem>>
        tpu.wait_indirect_dma semaphore(%dma_wait3A_619 : memref<!tpu.dma_semaphore, #tpu.memory_space<semaphore_mem>>) src(%dma_wait3A_611 : memref<128x128xf32, #tpu.memory_space<vmem>>) dst(%dma_wait3A_617 : memref<10112x128xf32, #tpu.memory_space<vmem_shared>>)
      } else {
      }
      %add3A_503 = arith.constant 1 : i32
      %add3A_504 = arith.addi %add3A_459, %add3A_503 : i32
      %lt3A_505 = arith.constant 80 : i32
      %lt3A_506 = arith.cmpi slt, %add3A_504, %lt3A_505 : i32
      %convert_element_type3A_507 = arith.extui %lt3A_506 : i1 to i32
      %cond3A_508 = arith.constant 0 : i32
      %cond3A_509 = arith.cmpi ne, %convert_element_type3A_507, %cond3A_508 : i32
      scf.if %cond3A_509 {
        %add3A_604 = arith.constant 1 : i32
        %add3A_605 = arith.addi %add3A_459, %add3A_604 : i32
        %jit3A = arith.constant 8 : i32
        %div3A = arith.divsi %add3A_605, %jit3A : i32
        %sign3A = arith.constant 0 : i32
        %sign3A_606 = arith.cmpi sgt, %add3A_605, %sign3A : i32
        %sign3A_607 = arith.extui %sign3A_606 : i1 to i32
        %sign3A_608 = arith.constant 0 : i32
        %sign3A_609 = arith.cmpi slt, %add3A_605, %sign3A_608 : i32
        %sign3A_610 = arith.extui %sign3A_609 : i1 to i32
        %sign3A_611 = arith.subi %sign3A_607, %sign3A_610 : i32
        %sign3A_612 = arith.constant 0 : i32
        %sign3A_613 = arith.cmpi sgt, %jit3A, %sign3A_612 : i32
        %sign3A_614 = arith.extui %sign3A_613 : i1 to i32
        %sign3A_615 = arith.constant 0 : i32
        %sign3A_616 = arith.cmpi slt, %jit3A, %sign3A_615 : i32
        %sign3A_617 = arith.extui %sign3A_616 : i1 to i32
        %sign3A_618 = arith.subi %sign3A_614, %sign3A_617 : i32
        %ne3A = arith.cmpi ne, %sign3A_611, %sign3A_618 : i32
        %rem3A_619 = arith.remsi %add3A_605, %jit3A : i32
        %ne3A_620 = arith.constant 0 : i32
        %ne3A_621 = arith.cmpi ne, %rem3A_619, %ne3A_620 : i32
        %and3A = arith.andi %ne3A, %ne3A_621 : i1
        %sub3A = arith.constant 1 : i32
        %sub3A_622 = arith.subi %div3A, %sub3A : i32
        %select_n3A = arith.select %and3A, %sub3A_622, %div3A : i32
        %rem3A_623 = arith.constant 4 : i32
        %rem3A_624 = arith.remsi %select_n3A, %rem3A_623 : i32
        %dma_start3A_625 = arith.constant 6 : i32
        %dma_start3A_626 = arith.constant 0 : i32
        %dma_start3A_627 = arith.constant 0 : i32
        %dma_start3A_628 = arith.constant 0 : i32
        %dma_start3A_629 = arith.constant 0 : i32
        %dma_start3A_630 = tpu.memref_slice %arg9[%dma_start3A_626, %dma_start3A_628, %dma_start3A_629] : memref<2x128x128xf32, #tpu.memory_space<vmem>> -> memref<1x128x128xf32, #tpu.memory_space<vmem>>
        %dma_start3A_631 = tpu.memref_squeeze %dma_start3A_630 : memref<1x128x128xf32, #tpu.memory_space<vmem>> -> memref<128x128xf32, #tpu.memory_space<vmem>>
        %dma_start3A_632 = arith.constant 0 : i32
        %dma_start3A_633 = tpu.memref_slice %arg7[%rem3A_624, %dma_start3A_625, %dma_start3A_632] : memref<4x8x128xi32, #tpu.memory_space<vmem>> -> memref<1x1x128xi32, #tpu.memory_space<vmem>>
        %dma_start3A_634 = tpu.memref_squeeze %dma_start3A_633 : memref<1x1x128xi32, #tpu.memory_space<vmem>> -> memref<128xi32, #tpu.memory_space<vmem>>
        %dma_start3A_635 = arith.constant 0 : i32
        %dma_start3A_636 = arith.constant 0 : i32
        %dma_start3A_637 = tpu.memref_slice %arg2[%dma_start3A_635, %dma_start3A_636] : memref<10112x128xf32, #tpu.memory_space<hbm>> -> memref<10112x128xf32, #tpu.memory_space<hbm>>
        %dma_start3A_638 = tpu.memref_slice %arg12[%dma_start3A_627] : memref<2x!tpu.dma_semaphore, #tpu.memory_space<semaphore_mem>> -> memref<1x!tpu.dma_semaphore, #tpu.memory_space<semaphore_mem>>
        %dma_start3A_639 = tpu.memref_squeeze %dma_start3A_638 : memref<1x!tpu.dma_semaphore, #tpu.memory_space<semaphore_mem>> -> memref<!tpu.dma_semaphore, #tpu.memory_space<semaphore_mem>>
        tpu.enqueue_indirect_dma source(%dma_start3A_637 : memref<10112x128xf32, #tpu.memory_space<hbm>>) target(%dma_start3A_631 : memref<128x128xf32, #tpu.memory_space<vmem>>) offsets(%dma_start3A_634 : memref<128xi32, #tpu.memory_space<vmem>>) semaphore(%dma_start3A_639 : memref<!tpu.dma_semaphore, #tpu.memory_space<semaphore_mem>>)
      } else {
      }
      %mul3A_510 = arith.constant 8 : i32
      %mul3A_511 = arith.muli %scan3A_215, %mul3A_510 : i32
      %add3A_512 = arith.constant 6 : i32
      %add3A_513 = arith.addi %mul3A_511, %add3A_512 : i32
      %dma_wait3A_514 = arith.constant 0 : i32
      %dma_wait3A_515 = arith.constant 0 : i32
      %dma_wait3A_516 = arith.constant 0 : i32
      %dma_wait3A_517 = arith.constant 0 : i32
      %dma_wait3A_518 = arith.constant 0 : i32
      %dma_wait3A_519 = arith.constant 0 : i32
      %dma_wait3A_520 = tpu.memref_slice %arg9[%dma_wait3A_516, %dma_wait3A_518, %dma_wait3A_519] : memref<2x128x128xf32, #tpu.memory_space<vmem>> -> memref<1x128x128xf32, #tpu.memory_space<vmem>>
      %dma_wait3A_521 = tpu.memref_squeeze %dma_wait3A_520 : memref<1x128x128xf32, #tpu.memory_space<vmem>> -> memref<128x128xf32, #tpu.memory_space<vmem>>
      %dma_wait3A_522 = arith.constant 0 : i32
      %dma_wait3A_523 = tpu.memref_slice %arg7[%dma_wait3A_514, %dma_wait3A_515, %dma_wait3A_522] : memref<4x8x128xi32, #tpu.memory_space<vmem>> -> memref<1x1x128xi32, #tpu.memory_space<vmem>>
      %dma_wait3A_524 = tpu.memref_squeeze %dma_wait3A_523 : memref<1x1x128xi32, #tpu.memory_space<vmem>> -> memref<128xi32, #tpu.memory_space<vmem>>
      %dma_wait3A_525 = arith.constant 0 : i32
      %dma_wait3A_526 = arith.constant 0 : i32
      %dma_wait3A_527 = tpu.memref_slice %arg2[%dma_wait3A_525, %dma_wait3A_526] : memref<10112x128xf32, #tpu.memory_space<hbm>> -> memref<10112x128xf32, #tpu.memory_space<hbm>>
      %dma_wait3A_528 = tpu.memref_slice %arg12[%dma_wait3A_517] : memref<2x!tpu.dma_semaphore, #tpu.memory_space<semaphore_mem>> -> memref<1x!tpu.dma_semaphore, #tpu.memory_space<semaphore_mem>>
      %dma_wait3A_529 = tpu.memref_squeeze %dma_wait3A_528 : memref<1x!tpu.dma_semaphore, #tpu.memory_space<semaphore_mem>> -> memref<!tpu.dma_semaphore, #tpu.memory_space<semaphore_mem>>
      tpu.wait_indirect_dma semaphore(%dma_wait3A_529 : memref<!tpu.dma_semaphore, #tpu.memory_space<semaphore_mem>>) src(%dma_wait3A_527 : memref<10112x128xf32, #tpu.memory_space<hbm>>) dst(%dma_wait3A_521 : memref<128x128xf32, #tpu.memory_space<vmem>>)
      %dma_start3A_530 = arith.constant 0 : i32
      %dma_start3A_531 = arith.constant 6 : i32
      %dma_start3A_532 = arith.constant 0 : i32
      %dma_start3A_533 = arith.constant 0 : i32
      %dma_start3A_534 = arith.constant 0 : i32
      %dma_start3A_535 = tpu.memref_slice %arg9[%dma_start3A_530, %dma_start3A_533, %dma_start3A_534] : memref<2x128x128xf32, #tpu.memory_space<vmem>> -> memref<1x128x128xf32, #tpu.memory_space<vmem>>
      %dma_start3A_536 = tpu.memref_squeeze %dma_start3A_535 : memref<1x128x128xf32, #tpu.memory_space<vmem>> -> memref<128x128xf32, #tpu.memory_space<vmem>>
      %dma_start3A_537 = arith.constant 0 : i32
      %dma_start3A_538 = tpu.memref_slice %arg8[%rem3A_217, %dma_start3A_531, %dma_start3A_537] : memref<4x8x128xi32, #tpu.memory_space<vmem>> -> memref<1x1x128xi32, #tpu.memory_space<vmem>>
      %dma_start3A_539 = tpu.memref_squeeze %dma_start3A_538 : memref<1x1x128xi32, #tpu.memory_space<vmem>> -> memref<128xi32, #tpu.memory_space<vmem>>
      %dma_start3A_540 = arith.constant 0 : i32
      %dma_start3A_541 = arith.constant 0 : i32
      %dma_start3A_542 = tpu.memref_slice %arg10[%dma_start3A_540, %dma_start3A_541] : memref<10112x128xf32, #tpu.memory_space<vmem_shared>> -> memref<10112x128xf32, #tpu.memory_space<vmem_shared>>
      %dma_start3A_543 = tpu.memref_slice %arg13[%dma_start3A_532] : memref<2x!tpu.dma_semaphore, #tpu.memory_space<semaphore_mem>> -> memref<1x!tpu.dma_semaphore, #tpu.memory_space<semaphore_mem>>
      %dma_start3A_544 = tpu.memref_squeeze %dma_start3A_543 : memref<1x!tpu.dma_semaphore, #tpu.memory_space<semaphore_mem>> -> memref<!tpu.dma_semaphore, #tpu.memory_space<semaphore_mem>>
      tpu.enqueue_indirect_dma source(%dma_start3A_536 : memref<128x128xf32, #tpu.memory_space<vmem>>) target(%dma_start3A_542 : memref<10112x128xf32, #tpu.memory_space<vmem_shared>>) offsets(%dma_start3A_539 : memref<128xi32, #tpu.memory_space<vmem>>) semaphore(%dma_start3A_544 : memref<!tpu.dma_semaphore, #tpu.memory_space<semaphore_mem>>) {add = true}
      %ge3A_545 = arith.constant 1 : i32
      %ge3A_546 = arith.cmpi sge, %add3A_513, %ge3A_545 : i32
      %convert_element_type3A_547 = arith.extui %ge3A_546 : i1 to i32
      %cond3A_548 = arith.constant 0 : i32
      %cond3A_549 = arith.cmpi ne, %convert_element_type3A_547, %cond3A_548 : i32
      scf.if %cond3A_549 {
        %dma_wait3A_604 = arith.constant 1 : i32
        %dma_wait3A_605 = arith.constant 0 : i32
        %dma_wait3A_606 = arith.constant 0 : i32
        %dma_wait3A_607 = arith.constant 1 : i32
        %dma_wait3A_608 = arith.constant 0 : i32
        %dma_wait3A_609 = arith.constant 0 : i32
        %dma_wait3A_610 = tpu.memref_slice %arg9[%dma_wait3A_604, %dma_wait3A_608, %dma_wait3A_609] : memref<2x128x128xf32, #tpu.memory_space<vmem>> -> memref<1x128x128xf32, #tpu.memory_space<vmem>>
        %dma_wait3A_611 = tpu.memref_squeeze %dma_wait3A_610 : memref<1x128x128xf32, #tpu.memory_space<vmem>> -> memref<128x128xf32, #tpu.memory_space<vmem>>
        %dma_wait3A_612 = arith.constant 0 : i32
        %dma_wait3A_613 = tpu.memref_slice %arg8[%dma_wait3A_605, %dma_wait3A_606, %dma_wait3A_612] : memref<4x8x128xi32, #tpu.memory_space<vmem>> -> memref<1x1x128xi32, #tpu.memory_space<vmem>>
        %dma_wait3A_614 = tpu.memref_squeeze %dma_wait3A_613 : memref<1x1x128xi32, #tpu.memory_space<vmem>> -> memref<128xi32, #tpu.memory_space<vmem>>
        %dma_wait3A_615 = arith.constant 0 : i32
        %dma_wait3A_616 = arith.constant 0 : i32
        %dma_wait3A_617 = tpu.memref_slice %arg10[%dma_wait3A_615, %dma_wait3A_616] : memref<10112x128xf32, #tpu.memory_space<vmem_shared>> -> memref<10112x128xf32, #tpu.memory_space<vmem_shared>>
        %dma_wait3A_618 = tpu.memref_slice %arg13[%dma_wait3A_607] : memref<2x!tpu.dma_semaphore, #tpu.memory_space<semaphore_mem>> -> memref<1x!tpu.dma_semaphore, #tpu.memory_space<semaphore_mem>>
        %dma_wait3A_619 = tpu.memref_squeeze %dma_wait3A_618 : memref<1x!tpu.dma_semaphore, #tpu.memory_space<semaphore_mem>> -> memref<!tpu.dma_semaphore, #tpu.memory_space<semaphore_mem>>
        tpu.wait_indirect_dma semaphore(%dma_wait3A_619 : memref<!tpu.dma_semaphore, #tpu.memory_space<semaphore_mem>>) src(%dma_wait3A_611 : memref<128x128xf32, #tpu.memory_space<vmem>>) dst(%dma_wait3A_617 : memref<10112x128xf32, #tpu.memory_space<vmem_shared>>)
      } else {
      }
      %add3A_550 = arith.constant 1 : i32
      %add3A_551 = arith.addi %add3A_513, %add3A_550 : i32
      %lt3A_552 = arith.constant 80 : i32
      %lt3A_553 = arith.cmpi slt, %add3A_551, %lt3A_552 : i32
      %convert_element_type3A_554 = arith.extui %lt3A_553 : i1 to i32
      %cond3A_555 = arith.constant 0 : i32
      %cond3A_556 = arith.cmpi ne, %convert_element_type3A_554, %cond3A_555 : i32
      scf.if %cond3A_556 {
        %add3A_604 = arith.constant 1 : i32
        %add3A_605 = arith.addi %add3A_513, %add3A_604 : i32
        %jit3A = arith.constant 8 : i32
        %div3A = arith.divsi %add3A_605, %jit3A : i32
        %sign3A = arith.constant 0 : i32
        %sign3A_606 = arith.cmpi sgt, %add3A_605, %sign3A : i32
        %sign3A_607 = arith.extui %sign3A_606 : i1 to i32
        %sign3A_608 = arith.constant 0 : i32
        %sign3A_609 = arith.cmpi slt, %add3A_605, %sign3A_608 : i32
        %sign3A_610 = arith.extui %sign3A_609 : i1 to i32
        %sign3A_611 = arith.subi %sign3A_607, %sign3A_610 : i32
        %sign3A_612 = arith.constant 0 : i32
        %sign3A_613 = arith.cmpi sgt, %jit3A, %sign3A_612 : i32
        %sign3A_614 = arith.extui %sign3A_613 : i1 to i32
        %sign3A_615 = arith.constant 0 : i32
        %sign3A_616 = arith.cmpi slt, %jit3A, %sign3A_615 : i32
        %sign3A_617 = arith.extui %sign3A_616 : i1 to i32
        %sign3A_618 = arith.subi %sign3A_614, %sign3A_617 : i32
        %ne3A = arith.cmpi ne, %sign3A_611, %sign3A_618 : i32
        %rem3A_619 = arith.remsi %add3A_605, %jit3A : i32
        %ne3A_620 = arith.constant 0 : i32
        %ne3A_621 = arith.cmpi ne, %rem3A_619, %ne3A_620 : i32
        %and3A = arith.andi %ne3A, %ne3A_621 : i1
        %sub3A = arith.constant 1 : i32
        %sub3A_622 = arith.subi %div3A, %sub3A : i32
        %select_n3A = arith.select %and3A, %sub3A_622, %div3A : i32
        %rem3A_623 = arith.constant 4 : i32
        %rem3A_624 = arith.remsi %select_n3A, %rem3A_623 : i32
        %dma_start3A_625 = arith.constant 7 : i32
        %dma_start3A_626 = arith.constant 1 : i32
        %dma_start3A_627 = arith.constant 1 : i32
        %dma_start3A_628 = arith.constant 0 : i32
        %dma_start3A_629 = arith.constant 0 : i32
        %dma_start3A_630 = tpu.memref_slice %arg9[%dma_start3A_626, %dma_start3A_628, %dma_start3A_629] : memref<2x128x128xf32, #tpu.memory_space<vmem>> -> memref<1x128x128xf32, #tpu.memory_space<vmem>>
        %dma_start3A_631 = tpu.memref_squeeze %dma_start3A_630 : memref<1x128x128xf32, #tpu.memory_space<vmem>> -> memref<128x128xf32, #tpu.memory_space<vmem>>
        %dma_start3A_632 = arith.constant 0 : i32
        %dma_start3A_633 = tpu.memref_slice %arg7[%rem3A_624, %dma_start3A_625, %dma_start3A_632] : memref<4x8x128xi32, #tpu.memory_space<vmem>> -> memref<1x1x128xi32, #tpu.memory_space<vmem>>
        %dma_start3A_634 = tpu.memref_squeeze %dma_start3A_633 : memref<1x1x128xi32, #tpu.memory_space<vmem>> -> memref<128xi32, #tpu.memory_space<vmem>>
        %dma_start3A_635 = arith.constant 0 : i32
        %dma_start3A_636 = arith.constant 0 : i32
        %dma_start3A_637 = tpu.memref_slice %arg2[%dma_start3A_635, %dma_start3A_636] : memref<10112x128xf32, #tpu.memory_space<hbm>> -> memref<10112x128xf32, #tpu.memory_space<hbm>>
        %dma_start3A_638 = tpu.memref_slice %arg12[%dma_start3A_627] : memref<2x!tpu.dma_semaphore, #tpu.memory_space<semaphore_mem>> -> memref<1x!tpu.dma_semaphore, #tpu.memory_space<semaphore_mem>>
        %dma_start3A_639 = tpu.memref_squeeze %dma_start3A_638 : memref<1x!tpu.dma_semaphore, #tpu.memory_space<semaphore_mem>> -> memref<!tpu.dma_semaphore, #tpu.memory_space<semaphore_mem>>
        tpu.enqueue_indirect_dma source(%dma_start3A_637 : memref<10112x128xf32, #tpu.memory_space<hbm>>) target(%dma_start3A_631 : memref<128x128xf32, #tpu.memory_space<vmem>>) offsets(%dma_start3A_634 : memref<128xi32, #tpu.memory_space<vmem>>) semaphore(%dma_start3A_639 : memref<!tpu.dma_semaphore, #tpu.memory_space<semaphore_mem>>)
      } else {
      }
      %mul3A_557 = arith.constant 8 : i32
      %mul3A_558 = arith.muli %scan3A_215, %mul3A_557 : i32
      %add3A_559 = arith.constant 7 : i32
      %add3A_560 = arith.addi %mul3A_558, %add3A_559 : i32
      %dma_wait3A_561 = arith.constant 0 : i32
      %dma_wait3A_562 = arith.constant 0 : i32
      %dma_wait3A_563 = arith.constant 1 : i32
      %dma_wait3A_564 = arith.constant 1 : i32
      %dma_wait3A_565 = arith.constant 0 : i32
      %dma_wait3A_566 = arith.constant 0 : i32
      %dma_wait3A_567 = tpu.memref_slice %arg9[%dma_wait3A_563, %dma_wait3A_565, %dma_wait3A_566] : memref<2x128x128xf32, #tpu.memory_space<vmem>> -> memref<1x128x128xf32, #tpu.memory_space<vmem>>
      %dma_wait3A_568 = tpu.memref_squeeze %dma_wait3A_567 : memref<1x128x128xf32, #tpu.memory_space<vmem>> -> memref<128x128xf32, #tpu.memory_space<vmem>>
      %dma_wait3A_569 = arith.constant 0 : i32
      %dma_wait3A_570 = tpu.memref_slice %arg7[%dma_wait3A_561, %dma_wait3A_562, %dma_wait3A_569] : memref<4x8x128xi32, #tpu.memory_space<vmem>> -> memref<1x1x128xi32, #tpu.memory_space<vmem>>
      %dma_wait3A_571 = tpu.memref_squeeze %dma_wait3A_570 : memref<1x1x128xi32, #tpu.memory_space<vmem>> -> memref<128xi32, #tpu.memory_space<vmem>>
      %dma_wait3A_572 = arith.constant 0 : i32
      %dma_wait3A_573 = arith.constant 0 : i32
      %dma_wait3A_574 = tpu.memref_slice %arg2[%dma_wait3A_572, %dma_wait3A_573] : memref<10112x128xf32, #tpu.memory_space<hbm>> -> memref<10112x128xf32, #tpu.memory_space<hbm>>
      %dma_wait3A_575 = tpu.memref_slice %arg12[%dma_wait3A_564] : memref<2x!tpu.dma_semaphore, #tpu.memory_space<semaphore_mem>> -> memref<1x!tpu.dma_semaphore, #tpu.memory_space<semaphore_mem>>
      %dma_wait3A_576 = tpu.memref_squeeze %dma_wait3A_575 : memref<1x!tpu.dma_semaphore, #tpu.memory_space<semaphore_mem>> -> memref<!tpu.dma_semaphore, #tpu.memory_space<semaphore_mem>>
      tpu.wait_indirect_dma semaphore(%dma_wait3A_576 : memref<!tpu.dma_semaphore, #tpu.memory_space<semaphore_mem>>) src(%dma_wait3A_574 : memref<10112x128xf32, #tpu.memory_space<hbm>>) dst(%dma_wait3A_568 : memref<128x128xf32, #tpu.memory_space<vmem>>)
      %dma_start3A_577 = arith.constant 1 : i32
      %dma_start3A_578 = arith.constant 7 : i32
      %dma_start3A_579 = arith.constant 1 : i32
      %dma_start3A_580 = arith.constant 0 : i32
      %dma_start3A_581 = arith.constant 0 : i32
      %dma_start3A_582 = tpu.memref_slice %arg9[%dma_start3A_577, %dma_start3A_580, %dma_start3A_581] : memref<2x128x128xf32, #tpu.memory_space<vmem>> -> memref<1x128x128xf32, #tpu.memory_space<vmem>>
      %dma_start3A_583 = tpu.memref_squeeze %dma_start3A_582 : memref<1x128x128xf32, #tpu.memory_space<vmem>> -> memref<128x128xf32, #tpu.memory_space<vmem>>
      %dma_start3A_584 = arith.constant 0 : i32
      %dma_start3A_585 = tpu.memref_slice %arg8[%rem3A_217, %dma_start3A_578, %dma_start3A_584] : memref<4x8x128xi32, #tpu.memory_space<vmem>> -> memref<1x1x128xi32, #tpu.memory_space<vmem>>
      %dma_start3A_586 = tpu.memref_squeeze %dma_start3A_585 : memref<1x1x128xi32, #tpu.memory_space<vmem>> -> memref<128xi32, #tpu.memory_space<vmem>>
      %dma_start3A_587 = arith.constant 0 : i32
      %dma_start3A_588 = arith.constant 0 : i32
      %dma_start3A_589 = tpu.memref_slice %arg10[%dma_start3A_587, %dma_start3A_588] : memref<10112x128xf32, #tpu.memory_space<vmem_shared>> -> memref<10112x128xf32, #tpu.memory_space<vmem_shared>>
      %dma_start3A_590 = tpu.memref_slice %arg13[%dma_start3A_579] : memref<2x!tpu.dma_semaphore, #tpu.memory_space<semaphore_mem>> -> memref<1x!tpu.dma_semaphore, #tpu.memory_space<semaphore_mem>>
      %dma_start3A_591 = tpu.memref_squeeze %dma_start3A_590 : memref<1x!tpu.dma_semaphore, #tpu.memory_space<semaphore_mem>> -> memref<!tpu.dma_semaphore, #tpu.memory_space<semaphore_mem>>
      tpu.enqueue_indirect_dma source(%dma_start3A_583 : memref<128x128xf32, #tpu.memory_space<vmem>>) target(%dma_start3A_589 : memref<10112x128xf32, #tpu.memory_space<vmem_shared>>) offsets(%dma_start3A_586 : memref<128xi32, #tpu.memory_space<vmem>>) semaphore(%dma_start3A_591 : memref<!tpu.dma_semaphore, #tpu.memory_space<semaphore_mem>>) {add = true}
      %ge3A_592 = arith.constant 1 : i32
      %ge3A_593 = arith.cmpi sge, %add3A_560, %ge3A_592 : i32
      %convert_element_type3A_594 = arith.extui %ge3A_593 : i1 to i32
      %cond3A_595 = arith.constant 0 : i32
      %cond3A_596 = arith.cmpi ne, %convert_element_type3A_594, %cond3A_595 : i32
      scf.if %cond3A_596 {
        %dma_wait3A_604 = arith.constant 0 : i32
        %dma_wait3A_605 = arith.constant 0 : i32
        %dma_wait3A_606 = arith.constant 0 : i32
        %dma_wait3A_607 = arith.constant 0 : i32
        %dma_wait3A_608 = arith.constant 0 : i32
        %dma_wait3A_609 = arith.constant 0 : i32
        %dma_wait3A_610 = tpu.memref_slice %arg9[%dma_wait3A_604, %dma_wait3A_608, %dma_wait3A_609] : memref<2x128x128xf32, #tpu.memory_space<vmem>> -> memref<1x128x128xf32, #tpu.memory_space<vmem>>
        %dma_wait3A_611 = tpu.memref_squeeze %dma_wait3A_610 : memref<1x128x128xf32, #tpu.memory_space<vmem>> -> memref<128x128xf32, #tpu.memory_space<vmem>>
        %dma_wait3A_612 = arith.constant 0 : i32
        %dma_wait3A_613 = tpu.memref_slice %arg8[%dma_wait3A_605, %dma_wait3A_606, %dma_wait3A_612] : memref<4x8x128xi32, #tpu.memory_space<vmem>> -> memref<1x1x128xi32, #tpu.memory_space<vmem>>
        %dma_wait3A_614 = tpu.memref_squeeze %dma_wait3A_613 : memref<1x1x128xi32, #tpu.memory_space<vmem>> -> memref<128xi32, #tpu.memory_space<vmem>>
        %dma_wait3A_615 = arith.constant 0 : i32
        %dma_wait3A_616 = arith.constant 0 : i32
        %dma_wait3A_617 = tpu.memref_slice %arg10[%dma_wait3A_615, %dma_wait3A_616] : memref<10112x128xf32, #tpu.memory_space<vmem_shared>> -> memref<10112x128xf32, #tpu.memory_space<vmem_shared>>
        %dma_wait3A_618 = tpu.memref_slice %arg13[%dma_wait3A_607] : memref<2x!tpu.dma_semaphore, #tpu.memory_space<semaphore_mem>> -> memref<1x!tpu.dma_semaphore, #tpu.memory_space<semaphore_mem>>
        %dma_wait3A_619 = tpu.memref_squeeze %dma_wait3A_618 : memref<1x!tpu.dma_semaphore, #tpu.memory_space<semaphore_mem>> -> memref<!tpu.dma_semaphore, #tpu.memory_space<semaphore_mem>>
        tpu.wait_indirect_dma semaphore(%dma_wait3A_619 : memref<!tpu.dma_semaphore, #tpu.memory_space<semaphore_mem>>) src(%dma_wait3A_611 : memref<128x128xf32, #tpu.memory_space<vmem>>) dst(%dma_wait3A_617 : memref<10112x128xf32, #tpu.memory_space<vmem_shared>>)
      } else {
      }
      %add3A_597 = arith.constant 1 : i32
      %add3A_598 = arith.addi %add3A_560, %add3A_597 : i32
      %lt3A_599 = arith.constant 80 : i32
      %lt3A_600 = arith.cmpi slt, %add3A_598, %lt3A_599 : i32
      %convert_element_type3A_601 = arith.extui %lt3A_600 : i1 to i32
      %cond3A_602 = arith.constant 0 : i32
      %cond3A_603 = arith.cmpi ne, %convert_element_type3A_601, %cond3A_602 : i32
      scf.if %cond3A_603 {
        %add3A_604 = arith.constant 1 : i32
        %add3A_605 = arith.addi %add3A_560, %add3A_604 : i32
        %jit3A = arith.constant 8 : i32
        %div3A = arith.divsi %add3A_605, %jit3A : i32
        %sign3A = arith.constant 0 : i32
        %sign3A_606 = arith.cmpi sgt, %add3A_605, %sign3A : i32
        %sign3A_607 = arith.extui %sign3A_606 : i1 to i32
        %sign3A_608 = arith.constant 0 : i32
        %sign3A_609 = arith.cmpi slt, %add3A_605, %sign3A_608 : i32
        %sign3A_610 = arith.extui %sign3A_609 : i1 to i32
        %sign3A_611 = arith.subi %sign3A_607, %sign3A_610 : i32
        %sign3A_612 = arith.constant 0 : i32
        %sign3A_613 = arith.cmpi sgt, %jit3A, %sign3A_612 : i32
        %sign3A_614 = arith.extui %sign3A_613 : i1 to i32
        %sign3A_615 = arith.constant 0 : i32
        %sign3A_616 = arith.cmpi slt, %jit3A, %sign3A_615 : i32
        %sign3A_617 = arith.extui %sign3A_616 : i1 to i32
        %sign3A_618 = arith.subi %sign3A_614, %sign3A_617 : i32
        %ne3A = arith.cmpi ne, %sign3A_611, %sign3A_618 : i32
        %rem3A_619 = arith.remsi %add3A_605, %jit3A : i32
        %ne3A_620 = arith.constant 0 : i32
        %ne3A_621 = arith.cmpi ne, %rem3A_619, %ne3A_620 : i32
        %and3A = arith.andi %ne3A, %ne3A_621 : i1
        %sub3A = arith.constant 1 : i32
        %sub3A_622 = arith.subi %div3A, %sub3A : i32
        %select_n3A = arith.select %and3A, %sub3A_622, %div3A : i32
        %rem3A_623 = arith.constant 4 : i32
        %rem3A_624 = arith.remsi %select_n3A, %rem3A_623 : i32
        %dma_start3A_625 = arith.constant 0 : i32
        %dma_start3A_626 = arith.constant 0 : i32
        %dma_start3A_627 = arith.constant 0 : i32
        %dma_start3A_628 = arith.constant 0 : i32
        %dma_start3A_629 = arith.constant 0 : i32
        %dma_start3A_630 = tpu.memref_slice %arg9[%dma_start3A_626, %dma_start3A_628, %dma_start3A_629] : memref<2x128x128xf32, #tpu.memory_space<vmem>> -> memref<1x128x128xf32, #tpu.memory_space<vmem>>
        %dma_start3A_631 = tpu.memref_squeeze %dma_start3A_630 : memref<1x128x128xf32, #tpu.memory_space<vmem>> -> memref<128x128xf32, #tpu.memory_space<vmem>>
        %dma_start3A_632 = arith.constant 0 : i32
        %dma_start3A_633 = tpu.memref_slice %arg7[%rem3A_624, %dma_start3A_625, %dma_start3A_632] : memref<4x8x128xi32, #tpu.memory_space<vmem>> -> memref<1x1x128xi32, #tpu.memory_space<vmem>>
        %dma_start3A_634 = tpu.memref_squeeze %dma_start3A_633 : memref<1x1x128xi32, #tpu.memory_space<vmem>> -> memref<128xi32, #tpu.memory_space<vmem>>
        %dma_start3A_635 = arith.constant 0 : i32
        %dma_start3A_636 = arith.constant 0 : i32
        %dma_start3A_637 = tpu.memref_slice %arg2[%dma_start3A_635, %dma_start3A_636] : memref<10112x128xf32, #tpu.memory_space<hbm>> -> memref<10112x128xf32, #tpu.memory_space<hbm>>
        %dma_start3A_638 = tpu.memref_slice %arg12[%dma_start3A_627] : memref<2x!tpu.dma_semaphore, #tpu.memory_space<semaphore_mem>> -> memref<1x!tpu.dma_semaphore, #tpu.memory_space<semaphore_mem>>
        %dma_start3A_639 = tpu.memref_squeeze %dma_start3A_638 : memref<1x!tpu.dma_semaphore, #tpu.memory_space<semaphore_mem>> -> memref<!tpu.dma_semaphore, #tpu.memory_space<semaphore_mem>>
        tpu.enqueue_indirect_dma source(%dma_start3A_637 : memref<10112x128xf32, #tpu.memory_space<hbm>>) target(%dma_start3A_631 : memref<128x128xf32, #tpu.memory_space<vmem>>) offsets(%dma_start3A_634 : memref<128xi32, #tpu.memory_space<vmem>>) semaphore(%dma_start3A_639 : memref<!tpu.dma_semaphore, #tpu.memory_space<semaphore_mem>>)
      } else {
      }
    }
    %scan3A_190 = arith.constant 10 : i32
    %dma_wait3A_191 = arith.constant 1 : i32
    %dma_wait3A_192 = arith.constant 0 : i32
    %dma_wait3A_193 = arith.constant 0 : i32
    %dma_wait3A_194 = arith.constant 1 : i32
    %dma_wait3A_195 = arith.constant 0 : i32
    %dma_wait3A_196 = arith.constant 0 : i32
    %dma_wait3A_197 = tpu.memref_slice %arg9[%dma_wait3A_191, %dma_wait3A_195, %dma_wait3A_196] : memref<2x128x128xf32, #tpu.memory_space<vmem>> -> memref<1x128x128xf32, #tpu.memory_space<vmem>>
    %dma_wait3A_198 = tpu.memref_squeeze %dma_wait3A_197 : memref<1x128x128xf32, #tpu.memory_space<vmem>> -> memref<128x128xf32, #tpu.memory_space<vmem>>
    %dma_wait3A_199 = arith.constant 0 : i32
    %dma_wait3A_200 = tpu.memref_slice %arg8[%dma_wait3A_192, %dma_wait3A_193, %dma_wait3A_199] : memref<4x8x128xi32, #tpu.memory_space<vmem>> -> memref<1x1x128xi32, #tpu.memory_space<vmem>>
    %dma_wait3A_201 = tpu.memref_squeeze %dma_wait3A_200 : memref<1x1x128xi32, #tpu.memory_space<vmem>> -> memref<128xi32, #tpu.memory_space<vmem>>
    %dma_wait3A_202 = arith.constant 0 : i32
    %dma_wait3A_203 = arith.constant 0 : i32
    %dma_wait3A_204 = tpu.memref_slice %arg10[%dma_wait3A_202, %dma_wait3A_203] : memref<10112x128xf32, #tpu.memory_space<vmem_shared>> -> memref<10112x128xf32, #tpu.memory_space<vmem_shared>>
    %dma_wait3A_205 = tpu.memref_slice %arg13[%dma_wait3A_194] : memref<2x!tpu.dma_semaphore, #tpu.memory_space<semaphore_mem>> -> memref<1x!tpu.dma_semaphore, #tpu.memory_space<semaphore_mem>>
    %dma_wait3A_206 = tpu.memref_squeeze %dma_wait3A_205 : memref<1x!tpu.dma_semaphore, #tpu.memory_space<semaphore_mem>> -> memref<!tpu.dma_semaphore, #tpu.memory_space<semaphore_mem>>
    tpu.wait_indirect_dma semaphore(%dma_wait3A_206 : memref<!tpu.dma_semaphore, #tpu.memory_space<semaphore_mem>>) src(%dma_wait3A_198 : memref<128x128xf32, #tpu.memory_space<vmem>>) dst(%dma_wait3A_204 : memref<10112x128xf32, #tpu.memory_space<vmem_shared>>)
    %barrier3A_207 = arith.constant 0 : index
    tpu.barrier barrier_id(%barrier3A_207)
    %mul3A_208 = arith.constant 632 : i32
    %mul3A_209 = arith.muli %arg1, %mul3A_208 : i32
    %mul3A_210 = arith.constant 10112 : i32
    %mul3A_211 = arith.muli %arg0, %mul3A_210 : i32
    %mul3A_212 = arith.constant 632 : i32
    %mul3A_213 = arith.muli %arg1, %mul3A_212 : i32
    %add3A_214 = arith.addi %mul3A_211, %mul3A_213 : i32
    "tpu.region"() ({
      %run_scoped3A = tpu.sem_alloc : memref<!tpu.dma_semaphore, #tpu.memory_space<semaphore_mem>>
      %dma_start3A_215 = arith.constant 0 : i32
      %dma_start3A_216 = tpu.memref_slice %arg6[%add3A_214, %dma_start3A_215] : memref<20224x128xf32, #tpu.memory_space<hbm>> -> memref<632x128xf32, #tpu.memory_space<hbm>>
      %dma_start3A_217 = arith.constant 0 : i32
      %dma_start3A_218 = tpu.memref_slice %arg10[%mul3A_209, %dma_start3A_217] : memref<10112x128xf32, #tpu.memory_space<vmem_shared>> -> memref<632x128xf32, #tpu.memory_space<vmem_shared>>
      tpu.enqueue_dma source(%dma_start3A_218 : memref<632x128xf32, #tpu.memory_space<vmem_shared>>) target(%dma_start3A_216 : memref<632x128xf32, #tpu.memory_space<hbm>>) target_semaphore(%run_scoped3A : memref<!tpu.dma_semaphore, #tpu.memory_space<semaphore_mem>>)
      %dma_wait3A_219 = arith.constant 0 : i32
      %dma_wait3A_220 = tpu.memref_slice %arg6[%add3A_214, %dma_wait3A_219] : memref<20224x128xf32, #tpu.memory_space<hbm>> -> memref<632x128xf32, #tpu.memory_space<hbm>>
      %dma_wait3A_221 = arith.constant 0 : i32
      %dma_wait3A_222 = tpu.memref_slice %arg10[%mul3A_209, %dma_wait3A_221] : memref<10112x128xf32, #tpu.memory_space<vmem_shared>> -> memref<632x128xf32, #tpu.memory_space<vmem_shared>>
      tpu.wait_dma2 semaphore(%run_scoped3A : memref<!tpu.dma_semaphore, #tpu.memory_space<semaphore_mem>>) src(%dma_wait3A_222 : memref<632x128xf32, #tpu.memory_space<vmem_shared>>) dst(%dma_wait3A_220 : memref<632x128xf32, #tpu.memory_space<hbm>>)
      tpu.yield
    }) : () -> ()
    return
  }
}

module attributes {stable_mosaic.version = 14 : i64} {
  func.func @_tc_scale_body(%arg0: i32, %arg1: memref<1264x2xf32, #tpu.memory_space<vmem>>, %arg2: memref<1264x128xf32, #tpu.memory_space<vmem>>, %arg3: memref<1264x128xf32, #tpu.memory_space<vmem>>) attributes {dimension_semantics = [#tpu.dimension_semantics<arbitrary>], iteration_bounds = array<i64: 8>, scalar_prefetch = 0 : i64, scratch_operands = 0 : i64, tpu.core_type = #tpu.core_type<tc>, window_params = [{transform_indices = @transform_0, window_bounds = array<i64: 1264, 2>}, {transform_indices = @transform_1, window_bounds = array<i64: 1264, 128>}, {transform_indices = @transform_2, window_bounds = array<i64: 1264, 128>}]} {
    %mul3A = arith.constant 1264 : i32
    %mul3A_0 = arith.muli %arg0, %mul3A : i32
    %iota3A = tpu.iota {dimensions = array<i32: 0>} : vector<1264x1xi32>
    %add3A = vector.broadcast %mul3A_0 : i32 to vector<1264x1xi32>
    %add3A_1 = arith.addi %add3A, %iota3A : vector<1264x1xi32>
    %lt3A = arith.constant 10000 : i32
    %lt3A_2 = vector.broadcast %lt3A : i32 to vector<1264x1xi32>
    %lt3A_3 = arith.cmpi slt, %add3A_1, %lt3A_2 : vector<1264x1xi32>
    %get3A = arith.constant 0 : index
    %get3A_4 = arith.constant 0 : index
    %get3A_5 = vector.load %arg2[%get3A, %get3A_4] : memref<1264x128xf32, #tpu.memory_space<vmem>>, vector<1264x128xf32>
    %jit3A = arith.constant 0.000000e+00 : f32
    %broadcast_in_dim3A = vector.shape_cast %lt3A_3 : vector<1264x1xi1> to vector<1264x1xi1>
    %broadcast_in_dim3A_6 = vector.broadcast %broadcast_in_dim3A : vector<1264x1xi1> to vector<1264x128xi1>
    %broadcast_in_dim3A_7 = vector.broadcast %jit3A : f32 to vector<1264x128xf32>
    %select_n3A = arith.select %broadcast_in_dim3A_6, %get3A_5, %broadcast_in_dim3A_7 : vector<1264x128xi1>, vector<1264x128xf32>
    %get3A_8 = arith.constant 0 : index
    %get3A_9 = arith.constant 0 : index
    %get3A_10 = vector.load %arg1[%get3A_8, %get3A_9] : memref<1264x2xf32, #tpu.memory_space<vmem>>, vector<1264x2xf32>
    %slice3A = vector.extract_strided_slice %get3A_10 {offsets = [0, 0], sizes = [1264, 1], strides = [1, 1]} : vector<1264x2xf32> to vector<1264x1xf32>
    %slice3A_11 = vector.extract_strided_slice %get3A_10 {offsets = [0, 1], sizes = [1264, 1], strides = [1, 1]} : vector<1264x2xf32> to vector<1264x1xf32>
    %add3A_12 = arith.addf %slice3A, %slice3A_11 : vector<1264x1xf32>
    %add3A_13 = arith.constant 1.000000e+00 : f32
    %add3A_14 = vector.broadcast %add3A_13 : f32 to vector<1264x1xf32>
    %add3A_15 = arith.addf %add3A_12, %add3A_14 : vector<1264x1xf32>
    %rsqrt3A = math.rsqrt %add3A_15 : vector<1264x1xf32>
    %mul3A_16 = vector.broadcast %rsqrt3A : vector<1264x1xf32> to vector<1264x128xf32>
    %mul3A_17 = arith.mulf %select_n3A, %mul3A_16 : vector<1264x128xf32>
    %swap3A = arith.constant 0 : index
    %swap3A_18 = arith.constant 0 : index
    %swap3A_19 = vector.load %arg3[%swap3A, %swap3A_18] : memref<1264x128xf32, #tpu.memory_space<vmem>>, vector<1264x128xf32>
    tpu.vector_store %arg3[%swap3A, %swap3A_18], %mul3A_17 {strides = array<i32>} : memref<1264x128xf32, #tpu.memory_space<vmem>>, vector<1264x128xf32>,
    return
  }
  func.func @transform_0(%arg0: i32) -> (i32, i32) {
    %c0_i32 = arith.constant 0 : i32
    %c0_i32_0 = arith.constant 0 : i32
    return %arg0, %c0_i32 : i32, i32
  }
  func.func @transform_1(%arg0: i32) -> (i32, i32) {
    %c0_i32 = arith.constant 0 : i32
    %c0_i32_0 = arith.constant 0 : i32
    return %arg0, %c0_i32 : i32, i32
  }
  func.func @transform_2(%arg0: i32) -> (i32, i32) {
    %c0_i32 = arith.constant 0 : i32
    %c0_i32_0 = arith.constant 0 : i32
    return %arg0, %c0_i32 : i32, i32
  }
}

module attributes {stable_mosaic.version = 14 : i64} {
  func.func @_tc_mm_body(%arg0: i32, %arg1: memref<1264x2xf32, #tpu.memory_space<vmem>>, %arg2: memref<1264x128xf32, #tpu.memory_space<vmem>>, %arg3: memref<1264x128xf32, #tpu.memory_space<vmem>>, %arg4: memref<1264x128xf32, #tpu.memory_space<vmem>>, %arg5: memref<128x256xf32, #tpu.memory_space<vmem>>, %arg6: memref<1x256xf32, #tpu.memory_space<vmem>>, %arg7: memref<256x128xf32, #tpu.memory_space<vmem>>, %arg8: memref<1264x128xf32, #tpu.memory_space<vmem>>) attributes {dimension_semantics = [#tpu.dimension_semantics<arbitrary>], iteration_bounds = array<i64: 8>, scalar_prefetch = 0 : i64, scratch_operands = 0 : i64, tpu.core_type = #tpu.core_type<tc>, window_params = [{transform_indices = @transform_0, window_bounds = array<i64: 1264, 2>}, {transform_indices = @transform_1, window_bounds = array<i64: 1264, 128>}, {transform_indices = @transform_2, window_bounds = array<i64: 1264, 128>}, {transform_indices = @transform_3, window_bounds = array<i64: 1264, 128>}, {pipeline_mode = #tpu.pipeline_mode<synchronous>, transform_indices = @transform_4, window_bounds = array<i64: 128, 256>}, {pipeline_mode = #tpu.pipeline_mode<synchronous>, transform_indices = @transform_5, window_bounds = array<i64: 1, 256>}, {pipeline_mode = #tpu.pipeline_mode<synchronous>, transform_indices = @transform_6, window_bounds = array<i64: 256, 128>}, {transform_indices = @transform_7, window_bounds = array<i64: 1264, 128>}]} {
    %get3A = arith.constant 0 : index
    %get3A_0 = arith.constant 0 : index
    %get3A_1 = vector.load %arg1[%get3A, %get3A_0] : memref<1264x2xf32, #tpu.memory_space<vmem>>, vector<1264x2xf32>
    %slice3A = vector.extract_strided_slice %get3A_1 {offsets = [0, 0], sizes = [1264, 1], strides = [1, 1]} : vector<1264x2xf32> to vector<1264x1xf32>
    %slice3A_2 = vector.extract_strided_slice %get3A_1 {offsets = [0, 1], sizes = [1264, 1], strides = [1, 1]} : vector<1264x2xf32> to vector<1264x1xf32>
    %add3A = arith.addf %slice3A, %slice3A_2 : vector<1264x1xf32>
    %add3A_3 = arith.constant 1.000000e+00 : f32
    %add3A_4 = vector.broadcast %add3A_3 : f32 to vector<1264x1xf32>
    %add3A_5 = arith.addf %add3A, %add3A_4 : vector<1264x1xf32>
    %rsqrt3A = math.rsqrt %add3A_5 : vector<1264x1xf32>
    %get3A_6 = arith.constant 0 : index
    %get3A_7 = arith.constant 0 : index
    %get3A_8 = vector.load %arg2[%get3A_6, %get3A_7] : memref<1264x128xf32, #tpu.memory_space<vmem>>, vector<1264x128xf32>
    %get3A_9 = arith.constant 0 : index
    %get3A_10 = arith.constant 0 : index
    %get3A_11 = vector.load %arg3[%get3A_9, %get3A_10] : memref<1264x128xf32, #tpu.memory_space<vmem>>, vector<1264x128xf32>
    %add3A_12 = arith.addf %get3A_8, %get3A_11 : vector<1264x128xf32>
    %get3A_13 = arith.constant 0 : index
    %get3A_14 = arith.constant 0 : index
    %get3A_15 = vector.load %arg4[%get3A_13, %get3A_14] : memref<1264x128xf32, #tpu.memory_space<vmem>>, vector<1264x128xf32>
    %add3A_16 = arith.addf %add3A_12, %get3A_15 : vector<1264x128xf32>
    %mul3A = vector.broadcast %rsqrt3A : vector<1264x1xf32> to vector<1264x128xf32>
    %mul3A_17 = arith.mulf %add3A_16, %mul3A : vector<1264x128xf32>
    %get3A_18 = arith.constant 0 : index
    %get3A_19 = arith.constant 0 : index
    %get3A_20 = vector.load %arg5[%get3A_18, %get3A_19] : memref<128x256xf32, #tpu.memory_space<vmem>>, vector<128x256xf32>
    %dot_general3A = arith.constant dense<0.000000e+00> : vector<1264x256xf32>
    %dot_general3A_21 = tpu.matmul %mul3A_17, %get3A_20, %dot_general3A {dimension_numbers = #tpu.dot_dimension_numbers<[1], [0], [0], [1], [0, 0, 1, 1], [], []>, transpose_lhs_hint = false} : vector<1264x128xf32>, vector<128x256xf32>, vector<1264x256xf32> -> vector<1264x256xf32>
    %get3A_22 = arith.constant 0 : index
    %get3A_23 = arith.constant 0 : index
    %get3A_24 = vector.load %arg6[%get3A_22, %get3A_23] : memref<1x256xf32, #tpu.memory_space<vmem>>, vector<1x256xf32>
    %add3A_25 = vector.broadcast %get3A_24 : vector<1x256xf32> to vector<1264x256xf32>
    %add3A_26 = arith.addf %dot_general3A_21, %add3A_25 : vector<1264x256xf32>
    %get3A_27 = arith.constant 0 : index
    %get3A_28 = arith.constant 0 : index
    %get3A_29 = vector.load %arg7[%get3A_27, %get3A_28] : memref<256x128xf32, #tpu.memory_space<vmem>>, vector<256x128xf32>
    %dot_general3A_30 = arith.constant dense<0.000000e+00> : vector<1264x128xf32>
    %dot_general3A_31 = tpu.matmul %add3A_26, %get3A_29, %dot_general3A_30 {dimension_numbers = #tpu.dot_dimension_numbers<[1], [0], [0], [1], [0, 0, 1, 1], [], []>, transpose_lhs_hint = false} : vector<1264x256xf32>, vector<256x128xf32>, vector<1264x128xf32> -> vector<1264x128xf32>
    %mul3A_32 = vector.broadcast %rsqrt3A : vector<1264x1xf32> to vector<1264x128xf32>
    %mul3A_33 = arith.mulf %dot_general3A_31, %mul3A_32 : vector<1264x128xf32>
    %swap3A = arith.constant 0 : index
    %swap3A_34 = arith.constant 0 : index
    %swap3A_35 = vector.load %arg8[%swap3A, %swap3A_34] : memref<1264x128xf32, #tpu.memory_space<vmem>>, vector<1264x128xf32>
    tpu.vector_store %arg8[%swap3A, %swap3A_34], %mul3A_33 {strides = array<i32>} : memref<1264x128xf32, #tpu.memory_space<vmem>>, vector<1264x128xf32>,
    return
  }
  func.func @transform_0(%arg0: i32) -> (i32, i32) {
    %c0_i32 = arith.constant 0 : i32
    %c0_i32_0 = arith.constant 0 : i32
    return %arg0, %c0_i32 : i32, i32
  }
  func.func @transform_1(%arg0: i32) -> (i32, i32) {
    %c0_i32 = arith.constant 0 : i32
    %c0_i32_0 = arith.constant 0 : i32
    return %arg0, %c0_i32 : i32, i32
  }
  func.func @transform_2(%arg0: i32) -> (i32, i32) {
    %add3A = arith.constant 8 : i32
    %add3A_0 = arith.addi %arg0, %add3A : i32
    %c0_i32 = arith.constant 0 : i32
    %c0_i32_1 = arith.constant 0 : i32
    return %add3A_0, %c0_i32 : i32, i32
  }
  func.func @transform_3(%arg0: i32) -> (i32, i32) {
    %c0_i32 = arith.constant 0 : i32
    %c0_i32_0 = arith.constant 0 : i32
    return %arg0, %c0_i32 : i32, i32
  }
  func.func @transform_4(%arg0: i32) -> (i32, i32) {
    %c0_i32 = arith.constant 0 : i32
    %c0_i32_0 = arith.constant 0 : i32
    %c0_i32_1 = arith.constant 0 : i32
    return %c0_i32, %c0_i32_0 : i32, i32
  }
  func.func @transform_5(%arg0: i32) -> (i32, i32) {
    %c0_i32 = arith.constant 0 : i32
    %c0_i32_0 = arith.constant 0 : i32
    %c0_i32_1 = arith.constant 0 : i32
    return %c0_i32, %c0_i32_0 : i32, i32
  }
  func.func @transform_6(%arg0: i32) -> (i32, i32) {
    %c0_i32 = arith.constant 0 : i32
    %c0_i32_0 = arith.constant 0 : i32
    %c0_i32_1 = arith.constant 0 : i32
    return %c0_i32, %c0_i32_0 : i32, i32
  }
  func.func @transform_7(%arg0: i32) -> (i32, i32) {
    %c0_i32 = arith.constant 0 : i32
    %c0_i32_0 = arith.constant 0 : i32
    return %arg0, %c0_i32 : i32, i32
  }
}

module attributes {stable_mosaic.version = 14 : i64} {
  func.func @_tc_fin_body(%arg0: i32, %arg1: i32, %arg2: memref<1264x2xf32, #tpu.memory_space<vmem>>, %arg3: memref<1264x128xf32, #tpu.memory_space<vmem>>, %arg4: memref<1264x128xf32, #tpu.memory_space<vmem>>, %arg5: memref<1264x128xf32, #tpu.memory_space<vmem>>, %arg6: memref<1x128xf32, #tpu.memory_space<vmem>>, %arg7: memref<1x128xf32, #tpu.memory_space<vmem>>, %arg8: memref<1x128xf32, #tpu.memory_space<vmem>>, %arg9: memref<1264x128xf32, #tpu.memory_space<vmem>>, %arg10: memref<8x128xf32, #tpu.memory_space<vmem>>) attributes {dimension_semantics = [#tpu.dimension_semantics<arbitrary>, #tpu.dimension_semantics<arbitrary>], iteration_bounds = array<i64: 2, 8>, scalar_prefetch = 0 : i64, scratch_operands = 1 : i64, tpu.core_type = #tpu.core_type<tc>, window_params = [{transform_indices = @transform_0, window_bounds = array<i64: 1264, 2>}, {transform_indices = @transform_1, window_bounds = array<i64: 1264, 128>}, {transform_indices = @transform_2, window_bounds = array<i64: 1264, 128>}, {transform_indices = @transform_3, window_bounds = array<i64: 1264, 128>}, {pipeline_mode = #tpu.pipeline_mode<synchronous>, transform_indices = @transform_4, window_bounds = array<i64: 1, 128>}, {pipeline_mode = #tpu.pipeline_mode<synchronous>, transform_indices = @transform_5, window_bounds = array<i64: 1, 128>}, {pipeline_mode = #tpu.pipeline_mode<synchronous>, transform_indices = @transform_6, window_bounds = array<i64: 1, 128>}, {transform_indices = @transform_7, window_bounds = array<i64: 1264, 128>}]} {
    %get3A = arith.constant 0 : index
    %get3A_0 = arith.constant 0 : index
    %get3A_1 = vector.load %arg2[%get3A, %get3A_0] : memref<1264x2xf32, #tpu.memory_space<vmem>>, vector<1264x2xf32>
    %slice3A = vector.extract_strided_slice %get3A_1 {offsets = [0, 0], sizes = [1264, 1], strides = [1, 1]} : vector<1264x2xf32> to vector<1264x1xf32>
    %slice3A_2 = vector.extract_strided_slice %get3A_1 {offsets = [0, 1], sizes = [1264, 1], strides = [1, 1]} : vector<1264x2xf32> to vector<1264x1xf32>
    %add3A = arith.addf %slice3A, %slice3A_2 : vector<1264x1xf32>
    %add3A_3 = arith.constant 1.000000e+00 : f32
    %add3A_4 = vector.broadcast %add3A_3 : f32 to vector<1264x1xf32>
    %add3A_5 = arith.addf %add3A, %add3A_4 : vector<1264x1xf32>
    %rsqrt3A = math.rsqrt %add3A_5 : vector<1264x1xf32>
    %get3A_6 = arith.constant 0 : index
    %get3A_7 = arith.constant 0 : index
    %get3A_8 = vector.load %arg3[%get3A_6, %get3A_7] : memref<1264x128xf32, #tpu.memory_space<vmem>>, vector<1264x128xf32>
    %get3A_9 = arith.constant 0 : index
    %get3A_10 = arith.constant 0 : index
    %get3A_11 = vector.load %arg4[%get3A_9, %get3A_10] : memref<1264x128xf32, #tpu.memory_space<vmem>>, vector<1264x128xf32>
    %add3A_12 = arith.addf %get3A_8, %get3A_11 : vector<1264x128xf32>
    %get3A_13 = arith.constant 0 : index
    %get3A_14 = arith.constant 0 : index
    %get3A_15 = vector.load %arg5[%get3A_13, %get3A_14] : memref<1264x128xf32, #tpu.memory_space<vmem>>, vector<1264x128xf32>
    %add3A_16 = arith.addf %add3A_12, %get3A_15 : vector<1264x128xf32>
    %mul3A = vector.broadcast %rsqrt3A : vector<1264x1xf32> to vector<1264x128xf32>
    %mul3A_17 = arith.mulf %add3A_16, %mul3A : vector<1264x128xf32>
    %get3A_18 = arith.constant 0 : index
    %get3A_19 = arith.constant 0 : index
    %get3A_20 = vector.load %arg6[%get3A_18, %get3A_19] : memref<1x128xf32, #tpu.memory_space<vmem>>, vector<1x128xf32>
    %add3A_21 = vector.broadcast %get3A_20 : vector<1x128xf32> to vector<1264x128xf32>
    %add3A_22 = arith.addf %mul3A_17, %add3A_21 : vector<1264x128xf32>
    %eq3A = arith.constant 0 : i32
    %eq3A_23 = arith.cmpi eq, %arg0, %eq3A : i32
    %convert_element_type3A = arith.extui %eq3A_23 : i1 to i32
    %cond3A = arith.constant 0 : i32
    %cond3A_24 = arith.cmpi ne, %convert_element_type3A, %cond3A : i32
    scf.if %cond3A_24 {
      %eq3A_30 = arith.constant 0 : i32
      %eq3A_31 = arith.cmpi eq, %arg1, %eq3A_30 : i32
      %convert_element_type3A_32 = arith.extui %eq3A_31 : i1 to i32
      %cond3A_33 = arith.constant 0 : i32
      %cond3A_34 = arith.cmpi ne, %convert_element_type3A_32, %cond3A_33 : i32
      scf.if %cond3A_34 {
        %broadcast_in_dim3A_60 = arith.constant 0.000000e+00 : f32
        %broadcast_in_dim3A_61 = vector.broadcast %broadcast_in_dim3A_60 : f32 to vector<8x128xf32>
        %swap3A_62 = arith.constant 0 : index
        %swap3A_63 = arith.constant 0 : index
        %swap3A_64 = vector.load %arg10[%swap3A_62, %swap3A_63] : memref<8x128xf32, #tpu.memory_space<vmem>>, vector<8x128xf32>
        tpu.vector_store %arg10[%swap3A_62, %swap3A_63], %broadcast_in_dim3A_61 {strides = array<i32>} : memref<8x128xf32, #tpu.memory_space<vmem>>, vector<8x128xf32>,
      } else {
      }
      %mul3A_35 = arith.constant 1264 : i32
      %mul3A_36 = arith.muli %arg1, %mul3A_35 : i32
      %iota3A = tpu.iota {dimensions = array<i32: 0>} : vector<1264x1xi32>
      %add3A_37 = vector.broadcast %mul3A_36 : i32 to vector<1264x1xi32>
      %add3A_38 = arith.addi %add3A_37, %iota3A : vector<1264x1xi32>
      %lt3A = arith.constant 10000 : i32
      %lt3A_39 = vector.broadcast %lt3A : i32 to vector<1264x1xi32>
      %lt3A_40 = arith.cmpi slt, %add3A_38, %lt3A_39 : vector<1264x1xi32>
      %jit3A = arith.constant 0.000000e+00 : f32
      %broadcast_in_dim3A = vector.shape_cast %lt3A_40 : vector<1264x1xi1> to vector<1264x1xi1>
      %broadcast_in_dim3A_41 = vector.broadcast %broadcast_in_dim3A : vector<1264x1xi1> to vector<1264x128xi1>
      %broadcast_in_dim3A_42 = vector.broadcast %jit3A : f32 to vector<1264x128xf32>
      %select_n3A = arith.select %broadcast_in_dim3A_41, %add3A_22, %broadcast_in_dim3A_42 : vector<1264x128xi1>, vector<1264x128xf32>
      %reduce_sum3A = arith.constant dense<0.000000e+00> : vector<128xf32>
      %reduce_sum3A_43 = vector.multi_reduction <add>, %select_n3A, %reduce_sum3A [0] : vector<1264x128xf32> to vector<128xf32>
      %broadcast_in_dim3A_44 = vector.shape_cast %reduce_sum3A_43 : vector<128xf32> to vector<1x128xf32>
      %mul3A_45 = arith.mulf %select_n3A, %select_n3A : vector<1264x128xf32>
      %reduce_sum3A_46 = arith.constant dense<0.000000e+00> : vector<128xf32>
      %reduce_sum3A_47 = vector.multi_reduction <add>, %mul3A_45, %reduce_sum3A_46 [0] : vector<1264x128xf32> to vector<128xf32>
      %broadcast_in_dim3A_48 = vector.shape_cast %reduce_sum3A_47 : vector<128xf32> to vector<1x128xf32>
      %get3A_49 = arith.constant 0 : index
      %get3A_50 = arith.constant 0 : index
      %get3A_51 = vector.load %arg10[%get3A_49, %get3A_50] : memref<8x128xf32, #tpu.memory_space<vmem>>, vector<8x128xf32>
      %broadcast_in_dim3A_52 = arith.constant 0.000000e+00 : f32
      %broadcast_in_dim3A_53 = vector.broadcast %broadcast_in_dim3A_52 : f32 to vector<6x128xf32>
      %concatenate3A = tpu.concatenate %broadcast_in_dim3A_44, %broadcast_in_dim3A_48, %broadcast_in_dim3A_53 in 0 : vector<1x128xf32>, vector<1x128xf32>, vector<6x128xf32> -> vector<8x128xf32>
      %add3A_54 = arith.addf %get3A_51, %concatenate3A : vector<8x128xf32>
      %swap3A = arith.constant 0 : index
      %swap3A_55 = arith.constant 0 : index
      %swap3A_56 = vector.load %arg10[%swap3A, %swap3A_55] : memref<8x128xf32, #tpu.memory_space<vmem>>, vector<8x128xf32>
      tpu.vector_store %arg10[%swap3A, %swap3A_55], %add3A_54 {strides = array<i32>} : memref<8x128xf32, #tpu.memory_space<vmem>>, vector<8x128xf32>,
      %swap3A_57 = arith.constant 0 : index
      %swap3A_58 = arith.constant 0 : index
      %swap3A_59 = vector.load %arg9[%swap3A_57, %swap3A_58] : memref<1264x128xf32, #tpu.memory_space<vmem>>, vector<1264x128xf32>
      tpu.vector_store %arg9[%swap3A_57, %swap3A_58], %add3A_22 {strides = array<i32>} : memref<1264x128xf32, #tpu.memory_space<vmem>>, vector<1264x128xf32>,
    } else {
    }
    %eq3A_25 = arith.constant 1 : i32
    %eq3A_26 = arith.cmpi eq, %arg0, %eq3A_25 : i32
    %convert_element_type3A_27 = arith.extui %eq3A_26 : i1 to i32
    %cond3A_28 = arith.constant 0 : i32
    %cond3A_29 = arith.cmpi ne, %convert_element_type3A_27, %cond3A_28 : i32
    scf.if %cond3A_29 {
      %get3A_30 = arith.constant 0 : index
      %get3A_31 = arith.constant 0 : index
      %get3A_32 = vector.load %arg10[%get3A_30, %get3A_31] : memref<8x128xf32, #tpu.memory_space<vmem>>, vector<1x128xf32>
      %div3A = arith.constant 1.000000e+04 : f32
      %div3A_33 = vector.broadcast %div3A : f32 to vector<1x128xf32>
      %div3A_34 = arith.divf %get3A_32, %div3A_33 : vector<1x128xf32>
      %get3A_35 = arith.constant 1 : index
      %get3A_36 = arith.constant 0 : index
      %get3A_37 = vector.load %arg10[%get3A_35, %get3A_36] : memref<8x128xf32, #tpu.memory_space<vmem>>, vector<1x128xf32>
      %div3A_38 = arith.constant 1.000000e+04 : f32
      %div3A_39 = vector.broadcast %div3A_38 : f32 to vector<1x128xf32>
      %div3A_40 = arith.divf %get3A_37, %div3A_39 : vector<1x128xf32>
      %mul3A_41 = arith.mulf %div3A_34, %div3A_34 : vector<1x128xf32>
      %sub3A = arith.subf %div3A_40, %mul3A_41 : vector<1x128xf32>
      %sub3A_42 = vector.broadcast %div3A_34 : vector<1x128xf32> to vector<1264x128xf32>
      %sub3A_43 = arith.subf %add3A_22, %sub3A_42 : vector<1264x128xf32>
      %add3A_44 = arith.constant 9.99999974E-6 : f32
      %add3A_45 = vector.broadcast %add3A_44 : f32 to vector<1x128xf32>
      %add3A_46 = arith.addf %sub3A, %add3A_45 : vector<1x128xf32>
      %rsqrt3A_47 = math.rsqrt %add3A_46 : vector<1x128xf32>
      %mul3A_48 = vector.broadcast %rsqrt3A_47 : vector<1x128xf32> to vector<1264x128xf32>
      %mul3A_49 = arith.mulf %sub3A_43, %mul3A_48 : vector<1264x128xf32>
      %get3A_50 = arith.constant 0 : index
      %get3A_51 = arith.constant 0 : index
      %get3A_52 = vector.load %arg7[%get3A_50, %get3A_51] : memref<1x128xf32, #tpu.memory_space<vmem>>, vector<1x128xf32>
      %mul3A_53 = vector.broadcast %get3A_52 : vector<1x128xf32> to vector<1264x128xf32>
      %mul3A_54 = arith.mulf %mul3A_49, %mul3A_53 : vector<1264x128xf32>
      %get3A_55 = arith.constant 0 : index
      %get3A_56 = arith.constant 0 : index
      %get3A_57 = vector.load %arg8[%get3A_55, %get3A_56] : memref<1x128xf32, #tpu.memory_space<vmem>>, vector<1x128xf32>
      %add3A_58 = vector.broadcast %get3A_57 : vector<1x128xf32> to vector<1264x128xf32>
      %add3A_59 = arith.addf %mul3A_54, %add3A_58 : vector<1264x128xf32>
      %swap3A = arith.constant 0 : index
      %swap3A_60 = arith.constant 0 : index
      %swap3A_61 = vector.load %arg9[%swap3A, %swap3A_60] : memref<1264x128xf32, #tpu.memory_space<vmem>>, vector<1264x128xf32>
      tpu.vector_store %arg9[%swap3A, %swap3A_60], %add3A_59 {strides = array<i32>} : memref<1264x128xf32, #tpu.memory_space<vmem>>, vector<1264x128xf32>,
    } else {
    }
    return
  }
  func.func @transform_0(%arg0: i32, %arg1: i32) -> (i32, i32) {
    %c0_i32 = arith.constant 0 : i32
    %c0_i32_0 = arith.constant 0 : i32
    return %arg1, %c0_i32 : i32, i32
  }
  func.func @transform_1(%arg0: i32, %arg1: i32) -> (i32, i32) {
    %c0_i32 = arith.constant 0 : i32
    %c0_i32_0 = arith.constant 0 : i32
    return %arg1, %c0_i32 : i32, i32
  }
  func.func @transform_2(%arg0: i32, %arg1: i32) -> (i32, i32) {
    %add3A = arith.constant 8 : i32
    %add3A_0 = arith.addi %arg1, %add3A : i32
    %c0_i32 = arith.constant 0 : i32
    %c0_i32_1 = arith.constant 0 : i32
    return %add3A_0, %c0_i32 : i32, i32
  }
  func.func @transform_3(%arg0: i32, %arg1: i32) -> (i32, i32) {
    %c0_i32 = arith.constant 0 : i32
    %c0_i32_0 = arith.constant 0 : i32
    return %arg1, %c0_i32 : i32, i32
  }
  func.func @transform_4(%arg0: i32, %arg1: i32) -> (i32, i32) {
    %c0_i32 = arith.constant 0 : i32
    %c0_i32_0 = arith.constant 0 : i32
    %c0_i32_1 = arith.constant 0 : i32
    return %c0_i32, %c0_i32_0 : i32, i32
  }
  func.func @transform_5(%arg0: i32, %arg1: i32) -> (i32, i32) {
    %c0_i32 = arith.constant 0 : i32
    %c0_i32_0 = arith.constant 0 : i32
    %c0_i32_1 = arith.constant 0 : i32
    return %c0_i32, %c0_i32_0 : i32, i32
  }
  func.func @transform_6(%arg0: i32, %arg1: i32) -> (i32, i32) {
    %c0_i32 = arith.constant 0 : i32
    %c0_i32_0 = arith.constant 0 : i32
    %c0_i32_1 = arith.constant 0 : i32
    return %c0_i32, %c0_i32_0 : i32, i32
  }
  func.func @transform_7(%arg0: i32, %arg1: i32) -> (i32, i32) {
    %c0_i32 = arith.constant 0 : i32
    %c0_i32_0 = arith.constant 0 : i32
    return %arg1, %c0_i32 : i32, i32
  }
}

</mosaic_0001>

<sc_bundles>
// kernel: kernel.11.cloned.1.call-start
scs
__scs_entry_jumppad:
0x0: {  	(pc) =	sbr.rel $0x88, $3  }
0x1: {  	(tag) =	ssettag $0x0;
	lr =	simm.s32 $0x1  }
0x2: {  	[smem:$0x3F99] =	sst lr;
	_ =	strace $0xD0000000  }
0x3: {  	_ = 	snop  }
0x4: {  	_ = 	snop  }
0x5: {  	_ = 	snop  }
0x6: {  	_ = 	snop  }
0x7: {  	_ = 	snop  }
__scs_overlays_trampoline_lowered:
0x8: {  	[smem:$0x3FA8] =	sst s0  }
0x9: {  	[smem:$0x3FA9] =	sst s1  }
0xa: {  	[smem:$0x3FAA] =	sst s2  }
0xb: {  	[smem:$0x3FAB] =	sst s3  }
0xc: {  	[smem:$0x3FAC] =	sst s4  }
0xd: {  	[smem:$0x3FAD] =	sst s5  }
0xe: {  	[smem:$0x3FAE] =	sst s6  }
0xf: {  	[smem:$0x3FAF] =	sst s7  }
0x10: {  	[smem:$0x3FB0] =	sst s8  }
0x11: {  	[smem:$0x3FB1] =	sst s9;
	s0 =	simm.s32 @!p0 $0x0  }
0x12: {  	s1 =	sld [smem:$0x3F97];
	s0 =	simm.s32 @p0 $0x1  }
0x13: {  	[smem:$0x3FB2] =	sst s0;
	s0 =	simm.s32 @!p1 $0x0  }
0x14: {  	s2 =	sld [smem:$0x3F96];
	s0 =	simm.s32 @p1 $0x1  }
0x15: {  	[smem:$0x3FB3] =	sst s0;
	s0 =	simm.s32 @!p2 $0x0  }
0x16: {  	s3 =	sld [smem:$0x3FDB];
	s0 =	simm.s32 @p2 $0x1  }
0x17: {  	s4 =	simm.s32 $0x1BF5;
	[smem:$0x3FB5] =	sst s0  }
0x18: {  	s0 =	sld [smem:$0x3F98];
	_ =	swait.ge [sflag:s4], $0x0  }
0x19: {  	s7 =	sld [smem:$0x3F99]  }
0x1a: {  	s8 =	sadd.s32 $0xFFFFE003, lr  }
0x1b: {  	s9 =	sadd.s32 $0xFFFFFEF7, lr;
	s5 =	simm.s32 $0xFFFFFFFF;
	p2 =	slt.u32 s8, $0xFFFFF086  }
0x1c: {  	p1 =	slt.u32 s9, $0xF7A;
	s5 =	simm.s32 @!p2 $0x0  }
0x1d: {  	s5 =	simm.s32 @p1 $0x1;
	p0 =	seq.s32 s7, s2  }
0x1e: {  	s7 =	smul.u32 @!p0 $0xF7A, s2;
	p2 =	seq.s32 @!p0 s5, $0x0  }
0x1f: {  	s9 =	smul.u32 $0xF7A, s1;
	s8 =	simm.s32 @!p0 $0x1BF5;
	p2 =	por !p2, p0  }
0x20: {  	[sflag:s8] =	ssyncset.s32 @!p0 $0xFFFFF086;
	s6 =	sadd.s32 @!p0 s3, s7;
	s7 =	simm.s32 @!p0 $0x108  }
0x21: {  	s3 =	sadd.s32 s3, s9;
	s6 =	sadd.s32 @!p0 $0x88, s6;
	s7 =	simm.s32 @p2 $0x1082  }
0x22: {  	[simem:s7], [sflag:s8] =	dma.local @!p0 [hbm:s6], $0xF7A  }
0x23: {  	s9 =	sor.u32 $0xD0000000, s2;
	s6 =	simm.s32 $0x108;
	_ =	swait.ge @!p0 [sflag:s8], $0x0  }
0x24: {  	s3 =	sadd.s32 $0x88, s3;
	s6 =	simm.s32 @!p1 $0x1082;
	[sflag:s4] =	ssyncset.s32 $0xFFFFF086  }
0x25: {  	[simem:s6], [sflag:s4] =	dma.local [hbm:s3], $0xF7A  }
0x26: {  	[smem:$0x3F99] =	sst s1;
	(tag) =	ssettag s2;
	_ =	strace s9  }
0x27: {  	s1 =	sld [smem:$0x3FA9]  }
0x28: {  	s2 =	sld [smem:$0x3FAA]  }
0x29: {  	s4 =	sld [smem:$0x3FAC]  }
0x2a: {  	p0 =	seq.s32 s5, $0x0;
	s5 =	sld [smem:$0x3FAD]  }
0x2b: {  	s6 =	sld [smem:$0x3FAE]  }
0x2c: {  	s7 =	sld [smem:$0x3FAF]  }
0x2d: {  	s3 =	simm.s32 $0x108;
	s8 =	sld [smem:$0x3FB0]  }
0x2e: {  	s3 =	simm.s32 @!p0 $0x1082;
	s9 =	sld [smem:$0x3FB1]  }
0x2f: {  	lr =	sadd.s32 s0, s3;
	s0 =	sld [smem:$0x3FA8]  }
0x30: {  	s3 =	sld [smem:$0x3FAB]  }
0x31: {  	[smem:$0x3FB4] =	sst s10  }
0x32: {  	s10 =	sld [smem:$0x3FB2];
	_ =	sdelay $0x3  }
0x33: {  	p0 =	seq.s32 s10, $0x1;
	s10 =	sld [smem:$0x3FB4];
	_ =	sdelay $0x3  }
0x34: {  	[smem:$0x3FB4] =	sst s10  }
0x35: {  	s10 =	sld [smem:$0x3FB3];
	_ =	sdelay $0x3  }
0x36: {  	p1 =	seq.s32 s10, $0x1;
	s10 =	sld [smem:$0x3FB4];
	_ =	sdelay $0x3  }
0x37: {  	[smem:$0x3FB4] =	sst s10  }
0x38: {  	s10 =	sld [smem:$0x3FB5]  }
0x39: {  	_ = 	snop;
	(pc) =	sbr.ind lr, $3  }
0x3a: {  	_ = 	snop  }
0x3b: {  	_ = 	snop  }
0x3c: {  	p2 =	seq.s32 s10, $0x1;
	s10 =	sld [smem:$0x3FB4]  }
0x3d: {  	_ =	shalt  }
0x3e: {  	_ =	shalt  }
0x3f: {  	_ =	shalt  }
0x40: {  	_ =	shalt  }
0x41: {  	_ =	shalt  }
0x42: {  	_ =	shalt  }
0x43: {  	_ =	shalt  }
0x44: {  	_ =	shalt  }
0x45: {  	_ =	shalt  }
0x46: {  	_ =	shalt  }
0x47: {  	_ =	shalt  }
0x48: {  	_ =	shalt  }
0x49: {  	_ =	shalt  }
0x4a: {  	_ =	shalt  }
0x4b: {  	_ =	shalt  }
0x4c: {  	_ =	shalt  }
0x4d: {  	_ =	shalt  }
0x4e: {  	_ =	shalt  }
0x4f: {  	_ =	shalt  }
0x50: {  	_ =	shalt  }
0x51: {  	_ =	shalt  }
0x52: {  	_ =	shalt  }
0x53: {  	_ =	shalt  }
0x54: {  	_ =	shalt  }
0x55: {  	_ =	shalt  }
0x56: {  	_ =	shalt  }
0x57: {  	_ =	shalt  }
0x58: {  	_ =	shalt  }
0x59: {  	_ =	shalt  }
0x5a: {  	_ =	shalt  }
0x5b: {  	_ =	shalt  }
0x5c: {  	_ =	shalt  }
0x5d: {  	_ =	shalt  }
0x5e: {  	_ =	shalt  }
0x5f: {  	_ =	shalt  }
0x60: {  	_ =	shalt  }
0x61: {  	_ =	shalt  }
0x62: {  	_ =	shalt  }
0x63: {  	_ =	shalt  }
0x64: {  	_ =	shalt  }
0x65: {  	_ =	shalt  }
0x66: {  	_ =	shalt  }
0x67: {  	_ =	shalt  }
0x68: {  	_ =	shalt  }
0x69: {  	_ =	shalt  }
0x6a: {  	_ =	shalt  }
0x6b: {  	_ =	shalt  }
0x6c: {  	_ =	shalt  }
0x6d: {  	_ =	shalt  }
0x6e: {  	_ =	shalt  }
0x6f: {  	_ =	shalt  }
0x70: {  	_ =	shalt  }
0x71: {  	_ =	shalt  }
0x72: {  	_ =	shalt  }
0x73: {  	_ =	shalt  }
0x74: {  	_ =	shalt  }
0x75: {  	_ =	shalt  }
0x76: {  	_ =	shalt  }
0x77: {  	_ =	shalt  }
0x78: {  	_ =	shalt  }
0x79: {  	_ =	shalt  }
0x7a: {  	_ =	shalt  }
0x7b: {  	_ =	shalt  }
0x7c: {  	_ =	shalt  }
0x7d: {  	_ =	shalt  }
0x7e: {  	_ =	shalt  }
0x7f: {  	_ =	shalt  }
0x80: {  	_ =	shalt  }
0x81: {  	_ =	shalt  }
0x82: {  	_ =	shalt  }
0x83: {  	_ =	shalt  }
0x84: {  	_ =	shalt  }
0x85: {  	_ =	shalt  }
0x86: {  	_ =	shalt  }
0x87: {  	_ =	shalt  }
.Lfunc_end0:
.L_simem_size_0:
called_computation.1_lowered:
.L_overlay_start_0:
0x88: {  	s2 =	sld [smem:$0x3FD9]  }
0x89: {  	s3 =	sld [smem:$0x3FFE];
	_ =	sdelay $0x1  }
0x8a: {  	s1 =	srdreg.scid  }
0x8b: {  	s0 =	sand.u32 $0x1, s1  }
0x8c: {  	s17 =	sshll.u32 s0, $0xA;
	s2 =	sadd.s32 s3, s2  }
0x8d: {  	s2 =	sadd.s32 s2, s17  }
0x8e: {  	[smem:$0x3FC0] =	sst s2  }
0x8f: {  	_ = 	snop  }
0x90: {  	s2 =	sld [smem:$0x3FD0];
	(tm) =	ssettm $0x1  }
0x91: {  	s18 =	sld [smem:$0x3FFB];
	_ =	sdelay $0x3  }
0x92: {  	_ =	strace s18  }
0x93: {  	s3 =	sld [smem:$0x3FFC];
	_ =	sdelay $0x3  }
0x94: {  	_ =	strace s3  }
0x95: {  	s3 =	sld [smem:$0x3FFD];
	_ =	sdelay $0x3  }
0x96: {  	_ =	strace s3  }
0x97: {  	_ =	strace $0x8FFFFFFF  }
0x98: {  	s19 =	sld [smem:$0x3FDB];
	_ =	sdelay $0x1  }
0x99: {  	s4 =	simm.s32 $_scs_section_size  }
0x9a: {  	s5 =	simm.s32 $_size__tile_overlayer_lowered;
	s6 =	simm.s32 $_tile_overlayer_lowered  }
0x9b: {  	s22 =	simm.s32 $0x1BFF;
	s21 =	sshll.u32 s6, $0x1;
	s3 =	sadd.s32 s4, s19  }
0x9c: {  	s7 =	simm.s32 $0x0;
	s20 =	sshll.u32 s5, $0x1;
	s5 =	sadd.s32 s21, s3  }
0x9d: {  	[timem:s7], [sflag:s22] =	dma.local [hbm:s5], s20  }
0x9e: {  	_ =	swait.ge [sflag:s22], s20  }
0x9f: {  	s4 =	ssub.s32 $0x0, s20;
	[sflag:s22] =	ssyncset.done $0x0  }
0xa0: {  	[sflag:s22] =	ssyncadd.s32 s4;
	_ =	sdelay $0x1  }
0xa1: {  	s23 =	simm.s32 $0x1B8B  }
0xa2: {  	_ =	swait.ge [sflag:s23], $0x1  }
0xa3: {  	[sflag:s23] =	ssyncset.done $0x0  }
0xa4: {  	s25 =	simm.s32 $0x1B8E;
	s24 =	sld [smem:$0x3FFE];
	[sflag:s23] =	ssyncadd.s32 $0xFFFFFFFF  }
0xa5: {  	s26 =	simm.s32 $execute0_lowered;
	[smem:$0x3FD2] =	sst s25  }
0xa6: {  	s5 =	sshll.u32 s26, $0x1;
	_ =	strace $0x80000049;
	[dreg:$0x1] =	wrdreg $0xFFFFFFFF  }
0xa7: {  	s28 =	simm.s32 $_size_execute0_lowered;
	s3 =	sadd.s32 s3, s5;
	[dreg:$0x0] =	wrdreg $0x0  }
0xa8: {  	s5 =	sshll.u32 s28, $0x1;
	[dreg:$0x2] =	wrdreg s3  }
0xa9: {  	[dreg:$0x3] =	wrdreg s5  }
0xaa: {  	[dreg:$0x4] =	wrdreg $0xC0  }
0xab: {  	_ =	task [dreg:s7], $0x5FFFF  }
0xac: {  	[dreg:$0x1] =	wrdreg $0xFFFFFFFF  }
0xad: {  	[dreg:$0x0] =	wrdreg $0x60  }
0xae: {  	[dreg:$0x2] =	wrdreg s24  }
0xaf: {  	[dreg:$0x3] =	wrdreg s2  }
0xb0: {  	[dreg:$0x4] =	wrdreg $0xA0000  }
0xb1: {  	[dreg:$0x5] =	wrdreg $0x9  }
0xb2: {  	_ =	task.clear_ibuf [dreg:s7], $0x6FFFF;
	_ =	strace $0x90000049  }
0xb3: {  	s29 =	simm.s32 $0x9;
	_ =	strace $0x8000004B  }
0xb4: {  	_ =	swait.ge [sflag:s29], $0x1  }
0xb5: {  	[sflag:s29] =	ssyncadd.s32 $0xFFFFFFFF  }
0xb6: {  	_ =	strace $0x9000004B  }
0xb7: {  	_ =	sfence  }
0xb8: {  	s30 =	sld [smem:$0x0];
	_ =	sdelay $0x2  }
0xb9: {  	s31 =	sshll.u32 s1, $0xD;
	s1 =	sshrl.u32 s1, $0x2  }
0xba: {  	s3 =	sand.u32 $0x4000, s31;
	s1 =	sadd.s32 s1, s30  }
0xbb: {  	s0 =	sor.u32 s3, s0;
	s1 =	sshll.u32 s1, $0x11  }
0xbc: {  	s0 =	sor.u32 s1, s0  }
0xbd: {  	s0 =	sadd.s32 $0x8F2B, s0  }
0xbe: {  	[sflag:s0] =	ssyncadd.remote.s32 $0x1  }
0xbf: {  	_ =	sfence.sel $0xFFFF  }
0xc0: {  	[dreg:$0x0] =	wrdreg $0xFFFFFFFF;
	(pc) =	sbr.abs _section_cstart, $3  }
0xc1: {  	[dreg:$0x1] =	wrdreg $0xFFFFFFFF  }
0xc2: {  	_ =	task.clear_ibuf [dreg:s7], $0x2FFFF;
	_ =	strace $0x9FFFFFFF  }
0xc3: {  	(tm) =	ssettm $0x7FFFFFFF  }
tec
execute0_lowered:
.L_overlay_start_1:
0x0: {  	(tag) =	ssettag $0x1  }
0x1: {  	s0 =	rddreg [dreg:$0x0]  }
0x2: {  	s3 =	rddreg [dreg:$0x1]  }
0x3: {  	s1 =	rddreg [dreg:$0x2];
	s2 =	simm.s32 $0x0  }
0x4: {  	s5 =	srdreg.scid;
	s13 =	stileid.u32;
	s28 =	simm.s32 $0x6000  }
0x5: {  	s29 =	simm.s32 $0x6;
	s30 =	simm.s32 $0x7;
	s31 =	simm.s32 $0x8  }
0x6: {  	[smem:$0x7FF] =	sst s2;
	s4 =	sadd.s32 $0xCC00, s0;
	s6 =	smul.u32 $0x2780, s13  }
0x7: {  	s7 =	sadd.s32 $0x2C00, s0;
	s5 =	sand.u32 $0x1, s5;
	s11 =	smul.u32 $0x4F000, s13  }
0x8: {  	s8 =	sadd.s32 $0x34400, s0;
	s17 =	sshll.u32 s13, $0x6;
	s18 =	smul.u32 $0xA, s13  }
0x9: {  	_ =	strace $0x8000004A;
	[dreg:$0x4] =	wrdreg s8;
	s25 =	smul.u32 $0x27800, s5  }
0xa: {  	s9 =	sshll.u32 s5, $0x4;
	s10 =	ssub.s32 $0x2, s5;
	s5 =	smul.u32 $0xA0, s5  }
0xb: {  	s9 =	sor.u32 s13, s9;
	s26 =	sshrl.u32 s10, $0x1;
	s16 =	sshrl.u32 s11, $0x2  }
0xc: {  	s6 =	sadd.s32 s6, s25;
	s12 =	smul.u32 $0x500, s9;
	s14 =	ssub.s32 s10, s26  }
0xd: {  	s9 =	smul.u32 $0x2800, s9;
	s15 =	sadd.s32 s16, s1;
	s5 =	sadd.s32 s18, s5  }
0xe: {  	s18 =	simm.s32 $0x9;
	s0 =	sadd.s32 s6, s0;
	s6 =	sor.u32 $0x1C09, s17  }
0xf: {  	s5 =	sshll.u32 s5, $0x7;
	s14 =	smax.u32 s14, $0x1;
	s17 =	sshrl.u32 s15, $0x3  }
0x10: {  	s19 =	sadd.s32 s3, s12;
	s20 =	sadd.s32 s7, s12;
	s12 =	sor.u32 $0x80, s12  }
0x11: {  	s22 =	sshrl.u32 s9, $0x3;
	s5 =	sadd.s32 $0x100, s5;
	[dreg:$0x5] =	wrdreg s19  }
0x12: {  	s13 =	sadd.s32 $0x36C00, s0;
	s0 =	simm.s32 $0x0;
	[dreg:$0x6] =	wrdreg s20  }
0x13: {  	s21 =	sadd.s32 s3, s12;
	s23 =	sadd.s32 s7, s12;
	s24 =	sadd.s32 $0x100, s22  }
0x14: {  	s25 =	sadd.s32 s5, s3;
	s26 =	sadd.s32 s5, s7;
	[dreg:$0x7] =	wrdreg s21  }
0x15: {  	[dreg:$0x8] =	wrdreg s23;
	s11 =	sadd.s32 s3, s24;
	s12 =	sadd.s32 s7, s24  }
0x16: {  	s22 =	sadd.s32 $0x80, s25;
	s21 =	sadd.s32 $0x80, s26;
	s23 =	simm.s32 $0x1  }
0x17: {  	s24 =	simm.s32 $0x80;
	s25 =	simm.s32 $0x2000;
	s26 =	simm.s32 $0x5  }
.LBB2_1:
0x18: {  	s3 =	rddreg [dreg:$0x4]  }
0x19: {  	[spmem:s17], [sflag:s6] =	dma.local [hbm:s3], $0x2780  }
0x1a: {  	_ =	swait.ge [sflag:s18], $0x2780  }
0x1b: {  	[sflag:s18] =	ssyncset.done $0x0  }
0x1c: {  	s9 =	rddreg [dreg:$0x5];
	[sflag:s18] =	ssyncadd.s32 $0xFFFFD880  }
0x1d: {  	[tilespmem:s2], [sflag:$0x1] =	stream.linear.gather [hbm4b:s9+s2], $0x400, $0x38;
	[tilespmem:$0x1DC00] =	vst v63  }
0x1e: {  	s3 =	simm.s32 $0x1000;
	s5 =	rddreg [dreg:$0x6]  }
0x1f: {  	[tilespmem:s3], [sflag:$0x1] =	stream.linear.gather [hbm4b:s5+s2], $0x400, $0x38;
	[tilespmem:$0x1DC00] =	vst v63  }
0x20: {  	s7 =	simm.s32 $0x400;
	s10 =	rddreg [dreg:$0x7]  }
0x21: {  	[tilespmem:s7], [sflag:$0x2] =	stream.linear.gather [hbm4b:s10+s2], $0x400, $0x38;
	[tilespmem:$0x1DC00] =	vst v63  }
0x22: {  	s16 =	simm.s32 $0x1400;
	s15 =	rddreg [dreg:$0x8]  }
0x23: {  	[tilespmem:s16], [sflag:$0x2] =	stream.linear.gather [hbm4b:s15+s2], $0x400, $0x38;
	[tilespmem:$0x1DC00] =	vst v63  }
0x24: {  	s19 =	simm.s32 $0x800  }
0x25: {  	[tilespmem:s19], [sflag:$0x3] =	stream.linear.gather [hbm4b:s11+s2], $0x400, $0x38;
	[tilespmem:$0x1DC00] =	vst v63  }
0x26: {  	s20 =	simm.s32 $0x1800  }
0x27: {  	[tilespmem:s20], [sflag:$0x3] =	stream.linear.gather [hbm4b:s12+s2], $0x400, $0x38;
	[tilespmem:$0x1DC00] =	vst v63  }
0x28: {  	[bflag:$0x0] =	sbarrier.arrive $0xFFFF  }
0x29: {  	_ =	swait.ge [sflag:s23], $0x400  }
0x2a: {  	[sflag:s23] =	ssyncset.done $0x0  }
0x2b: {  	[sflag:s23] =	ssyncadd.s32 $0xFFFFFC00  }
0x2c: {  	_ =	swait.ge [sflag:s23], $0x400  }
0x2d: {  	s16 =	smov.u32 s21;
	s15 =	smov.u32 s22;
	[sflag:s23] =	ssyncset.done $0x0  }
0x2e: {  	s19 =	simm.s32 $0x3;
	s20 =	simm.s32 $0x0;
	[sflag:s23] =	ssyncadd.s32 $0xFFFFFC00  }
0x2f: {  	[tilespmem:s25], [sflag:$0x5] =	stream.indirect.gather [hbm4b:s4+s24], $0x80, s2, s24, $0xb8;
	[tilespmem:$0x1DC00] =	vst v63  }
.LBB2_2:
0x30: {  	_ =	swait.ge [sflag:s26], $0x4000;
	s5 =	sand.u32 $0xC00, s20  }
0x31: {  	p0 =	seq.s32 s19, $0x3;
	s9 =	sadd.s32 $0xFFFFF000, s3;
	[sflag:s26] =	ssyncset.done $0x0  }
0x32: {  	s7 =	sor.u32 $0x1000, s5;
	s8 =	simm.s32 @!p0 $0x8;
	[sflag:s26] =	ssyncadd.s32 $0xFFFFC000  }
0x33: {  	[spmem:s1] =	stream.indirect.scatter.add.f32 [tilespmem:s25], [sflag:$0x7], $0x80, s7, s24, $0xb8;
	[tilespmem:$0x1DC00] =	vst v63  }
0x34: {  	s7 =	sand.u32 $0x3000, s9;
	_ =	swait.ge @!p0 [sflag:s8], $0x4000  }
0x35: {  	s7 =	sshrl.u32 s7, $0x2;
	[sflag:s8] =	ssyncset.done @!p0 $0x0  }
0x36: {  	s10 =	sor.u32 $0x80, s7;
	[sflag:s8] =	ssyncadd.s32 @!p0 $0xFFFFC000  }
0x37: {  	[tilespmem:s28], [sflag:$0x6] =	stream.indirect.gather [hbm4b:s4+s24], $0x80, s10, s24, $0xb8;
	[tilespmem:$0x1DC00] =	vst v63  }
0x38: {  	_ =	swait.ge [sflag:s29], $0x4000  }
0x39: {  	[sflag:s29] =	ssyncset.done $0x0  }
0x3a: {  	s9 =	sadd.s32 $0x1080, s5;
	[sflag:s29] =	ssyncadd.s32 $0xFFFFC000  }
0x3b: {  	[spmem:s1] =	stream.indirect.scatter.add.f32 [tilespmem:s28], [sflag:$0x8], $0x80, s9, s24, $0xb8;
	[tilespmem:$0x1DC00] =	vst v63  }
0x3c: {  	s10 =	sadd.s32 $0xFFFFFFFD, s19;
	_ =	swait.ge [sflag:s30], $0x4000  }
0x3d: {  	p0 =	sgt.u32 s10, $0x6;
	[sflag:s30] =	ssyncset.done $0x0  }
0x3e: {  	s8 =	sand.u32 @!p0 $0x3, s19;
	s9 =	sor.u32 $0x100, s7;
	[sflag:s30] =	ssyncadd.s32 $0xFFFFC000  }
0x3f: {  	[tilespmem:s25], [sflag:$0x5] =	stream.indirect.gather [hbm4b:s4+s24], $0x80, s9, s24, $0xb8;
	[tilespmem:$0x1DC00] =	vst v63  }
0x40: {  	s10 =	simm.s32 @!p0 $0x0;
	s9 =	sadd.s32 @!p0 $0x1, s8;
	s8 =	sshll.u32 @!p0 s8, $0xA  }
0x41: {  	[tilespmem:s8], [sflag:s9] =	stream.linear.gather @!p0 [hbm4b:s15+s10], $0x400, $0x38;
	[tilespmem:$0x1DC00] =	vst v63  }
0x42: {  	s8 =	sor.u32 @!p0 $0x1000, s8  }
0x43: {  	[tilespmem:s8], [sflag:s9] =	stream.linear.gather @!p0 [hbm4b:s16+s10], $0x400, $0x38;
	[tilespmem:$0x1DC00] =	vst v63  }
0x44: {  	_ =	swait.ge [sflag:s26], $0x4000  }
0x45: {  	[sflag:s26] =	ssyncset.done $0x0  }
0x46: {  	s10 =	sadd.s32 $0x1100, s5;
	[sflag:s26] =	ssyncadd.s32 $0xFFFFC000  }
0x47: {  	[spmem:s1] =	stream.indirect.scatter.add.f32 [tilespmem:s25], [sflag:$0x7], $0x80, s10, s24, $0xb8;
	[tilespmem:$0x1DC00] =	vst v63  }
0x48: {  	_ =	swait.ge [sflag:s31], $0x4000  }
0x49: {  	[sflag:s31] =	ssyncset.done $0x0  }
0x4a: {  	s9 =	sadd.s32 $0x180, s7;
	[sflag:s31] =	ssyncadd.s32 $0xFFFFC000  }
0x4b: {  	[tilespmem:s28], [sflag:$0x6] =	stream.indirect.gather [hbm4b:s4+s24], $0x80, s9, s24, $0xb8;
	[tilespmem:$0x1DC00] =	vst v63  }
0x4c: {  	_ =	swait.ge [sflag:s29], $0x4000  }
0x4d: {  	[sflag:s29] =	ssyncset.done $0x0  }
0x4e: {  	s10 =	sadd.s32 $0x1180, s5;
	[sflag:s29] =	ssyncadd.s32 $0xFFFFC000  }
0x4f: {  	[spmem:s1] =	stream.indirect.scatter.add.f32 [tilespmem:s28], [sflag:$0x8], $0x80, s10, s24, $0xb8;
	[tilespmem:$0x1DC00] =	vst v63  }
0x50: {  	_ =	swait.ge [sflag:s30], $0x4000  }
0x51: {  	[sflag:s30] =	ssyncset.done $0x0  }
0x52: {  	s9 =	sadd.s32 $0x200, s7;
	[sflag:s30] =	ssyncadd.s32 $0xFFFFC000  }
0x53: {  	[tilespmem:s25], [sflag:$0x5] =	stream.indirect.gather [hbm4b:s4+s24], $0x80, s9, s24, $0xb8;
	[tilespmem:$0x1DC00] =	vst v63  }
0x54: {  	_ =	swait.ge [sflag:s26], $0x4000  }
0x55: {  	[sflag:s26] =	ssyncset.done $0x0  }
0x56: {  	s10 =	sadd.s32 $0x1200, s5;
	[sflag:s26] =	ssyncadd.s32 $0xFFFFC000  }
0x57: {  	[spmem:s1] =	stream.indirect.scatter.add.f32 [tilespmem:s25], [sflag:$0x7], $0x80, s10, s24, $0xb8;
	[tilespmem:$0x1DC00] =	vst v63  }
0x58: {  	s8 =	sadd.s32 $0xFFFFFFFE, s19;
	p0 =	seq.s32 s19, $0xC;
	_ =	swait.ge [sflag:s31], $0x4000  }
0x59: {  	s8 =	sand.u32 @!p0 $0x3, s8;
	[sflag:s31] =	ssyncset.done $0x0  }
0x5a: {  	s8 =	sadd.s32 @!p0 $0x1, s8;
	s9 =	sadd.s32 $0x280, s7;
	[sflag:s31] =	ssyncadd.s32 $0xFFFFC000  }
0x5b: {  	[tilespmem:s28], [sflag:$0x6] =	stream.indirect.gather [hbm4b:s4+s24], $0x80, s9, s24, $0xb8;
	[tilespmem:$0x1DC00] =	vst v63  }
0x5c: {  	_ =	swait.ge @!p0 [sflag:s8], $0x400  }
0x5d: {  	[sflag:s8] =	ssyncset.done @!p0 $0x0  }
0x5e: {  	[sflag:s8] =	ssyncadd.s32 @!p0 $0xFFFFFC00  }
0x5f: {  	_ =	swait.ge @!p0 [sflag:s8], $0x400  }
0x60: {  	[sflag:s8] =	ssyncset.done @!p0 $0x0  }
0x61: {  	[sflag:s8] =	ssyncadd.s32 @!p0 $0xFFFFFC00  }
0x62: {  	_ =	swait.ge [sflag:s29], $0x4000  }
0x63: {  	[sflag:s29] =	ssyncset.done $0x0  }
0x64: {  	s10 =	sadd.s32 $0x1280, s5;
	[sflag:s29] =	ssyncadd.s32 $0xFFFFC000  }
0x65: {  	[spmem:s1] =	stream.indirect.scatter.add.f32 [tilespmem:s28], [sflag:$0x8], $0x80, s10, s24, $0xb8;
	[tilespmem:$0x1DC00] =	vst v63  }
0x66: {  	_ =	swait.ge [sflag:s30], $0x4000  }
0x67: {  	[sflag:s30] =	ssyncset.done $0x0  }
0x68: {  	s9 =	sadd.s32 $0x300, s7;
	[sflag:s30] =	ssyncadd.s32 $0xFFFFC000  }
0x69: {  	[tilespmem:s25], [sflag:$0x5] =	stream.indirect.gather [hbm4b:s4+s24], $0x80, s9, s24, $0xb8;
	[tilespmem:$0x1DC00] =	vst v63  }
0x6a: {  	_ =	swait.ge [sflag:s26], $0x4000  }
0x6b: {  	[sflag:s26] =	ssyncset.done $0x0  }
0x6c: {  	s10 =	sadd.s32 $0x1300, s5;
	[sflag:s26] =	ssyncadd.s32 $0xFFFFC000  }
0x6d: {  	[spmem:s1] =	stream.indirect.scatter.add.f32 [tilespmem:s25], [sflag:$0x7], $0x80, s10, s24, $0xb8;
	[tilespmem:$0x1DC00] =	vst v63  }
0x6e: {  	_ =	swait.ge [sflag:s31], $0x4000  }
0x6f: {  	[sflag:s31] =	ssyncset.done $0x0  }
0x70: {  	s7 =	sadd.s32 $0x380, s7;
	[sflag:s31] =	ssyncadd.s32 $0xFFFFC000  }
0x71: {  	[tilespmem:s28], [sflag:$0x6] =	stream.indirect.gather [hbm4b:s4+s24], $0x80, s7, s24, $0xb8;
	[tilespmem:$0x1DC00] =	vst v63  }
0x72: {  	s19 =	sadd.s32 @!p0 $0x1, s19;
	_ =	swait.ge [sflag:s29], $0x4000  }
0x73: {  	p1 =	sne.s32 @!p0 s19, $0xD;
	[sflag:s29] =	ssyncset.done $0x0  }
0x74: {  	p1 =	por p0, !p1;
	s5 =	sadd.s32 $0x1380, s5;
	[sflag:s29] =	ssyncadd.s32 $0xFFFFC000  }
0x75: {  	[spmem:s1] =	stream.indirect.scatter.add.f32 [tilespmem:s28], [sflag:$0x8], $0x80, s5, s24, $0xb8;
	[tilespmem:$0x1DC00] =	vst v63  }
.Ltmp0:
0x76: {  	s15 =	sadd.s32 @!p0 $0x80, s15;
	s16 =	sadd.s32 @!p0 $0x80, s16;
	(pc) =	sbr.rel @!p1 .LBB2_2-.Ltmp0, $4  }
0x77: {  	s20 =	sadd.s32 @!p0 $0x400, s20;
	s8 =	simm.s32 @!p0 $0x2000;
	_ =	swait.ge [sflag:s30], $0x4000  }
0x78: {  	s7 =	simm.s32 @!p0 $0x80;
	s5 =	sand.u32 @!p0 $0x3000, s3;
	[sflag:s30] =	ssyncset.done $0x0  }
0x79: {  	s3 =	sadd.s32 @!p0 $0x1000, s3;
	s5 =	sshrl.u32 @!p0 s5, $0x2;
	[sflag:s30] =	ssyncadd.s32 $0xFFFFC000  }
0x7a: {  	[tilespmem:s8], [sflag:$0x5] =	stream.indirect.gather @!p0 [hbm4b:s4+s7], $0x80, s5, s7, $0xb8;
	[tilespmem:$0x1DC00] =	vst v63  }
0x7b: {  	_ =	swait.ge [sflag:s31], $0x4000  }
0x7c: {  	s0 =	sadd.s32 $0x1, s0;
	[sflag:s31] =	ssyncset.done $0x0  }
0x7d: {  	p0 =	sne.s32 s0, s14;
	[sflag:s31] =	ssyncadd.s32 $0xFFFFC000  }
.Ltmp1:
0x7e: {  	[bflag:$0x0] =	sbarrier.arrive $0xFFFF;
	(pc) =	sbr.rel @p0 .LBB2_1-.Ltmp1, $4  }
0x7f: {  	[hbm:s13], [sflag:s6] =	dma.local [spmem:s17], $0x2780  }
0x80: {  	_ =	swait.ge [sflag:s18], $0x2780  }
0x81: {  	[sflag:s18] =	ssyncset.done $0x0  }
0x82: {  	[sflag:s18] =	ssyncadd.s32 $0xFFFFD880  }
0x83: {  	_ =	sfence.sel $0x180000  }
0x84: {  	[bflag:$0x0] =	sbarrier.arrive $0xFFFF  }
0x85: {  	_ =	strace $0x9000004A  }
0x86: {  	s0 =	stileid.u32;
	[bflag:$0x2] =	sbarrier.arrive $0xFFFF  }
0x87: {  	p0 =	sne.s32 s0, $0x0;
	s0 =	rddreg [dreg:$0x3]  }
0x88: {  	s0 =	sadd.s32 @!p0 $0x100000, s0  }
0x89: {  	[sflag:s0] =	ssyncadd.tile.s32 @!p0 $0x1;
	_ =	shalt  }
.Lfunc_end2:
_tile_overlayer_lowered:
.L_overlay_start_2:
0x8a: {  	(tag) =	ssettag $0x2  }
0x8b: {  	s0 =	rddreg [dreg:$0x0];
	s2 =	stileid.u32  }
0x8c: {  	s1 =	rddreg [dreg:$0x1];
	p0 =	sne.s32 s2, $0x0  }
0x8d: {  	s3 =	rddreg [dreg:$0x2];
	[bflag:$0x3] =	sbarrier.arrive $0xFFFF;
	s2 =	simm.s32 @!p0 $0x1C09  }
0x8e: {  	[timem:s3], [sflag:s2] =	dma.local @!p0 [hbm:s0], s1  }
0x8f: {  	s0 =	simm.s32 @!p0 $0x9  }
0x90: {  	_ =	swait.ge @!p0 [sflag:s0], s1  }
0x91: {  	s1 =	ssub.s32 @!p0 $0x0, s1;
	[sflag:s0] =	ssyncset.done @!p0 $0x0  }
0x92: {  	[sflag:s0] =	ssyncadd.s32 @!p0 s1  }
0x93: {  	[bflag:$0x3] =	sbarrier.arrive $0xFFFF  }
0x94: {  	_ =	shalt  }

// kernel: kernel.14.cloned.1.call-start
scs
__scs_entry_jumppad:
0x0: {  	(pc) =	sbr.rel $0x88, $3  }
0x1: {  	(tag) =	ssettag $0x0;
	lr =	simm.s32 $0x1  }
0x2: {  	[smem:$0x3F99] =	sst lr;
	_ =	strace $0xD0000000  }
0x3: {  	_ = 	snop  }
0x4: {  	_ = 	snop  }
0x5: {  	_ = 	snop  }
0x6: {  	_ = 	snop  }
0x7: {  	_ = 	snop  }
__scs_overlays_trampoline_lowered:
0x8: {  	[smem:$0x3FA8] =	sst s0  }
0x9: {  	[smem:$0x3FA9] =	sst s1  }
0xa: {  	[smem:$0x3FAA] =	sst s2  }
0xb: {  	[smem:$0x3FAB] =	sst s3  }
0xc: {  	[smem:$0x3FAC] =	sst s4  }
0xd: {  	[smem:$0x3FAD] =	sst s5  }
0xe: {  	[smem:$0x3FAE] =	sst s6  }
0xf: {  	[smem:$0x3FAF] =	sst s7  }
0x10: {  	[smem:$0x3FB0] =	sst s8  }
0x11: {  	[smem:$0x3FB1] =	sst s9;
	s0 =	simm.s32 @!p0 $0x0  }
0x12: {  	s1 =	sld [smem:$0x3F97];
	s0 =	simm.s32 @p0 $0x1  }
0x13: {  	[smem:$0x3FB2] =	sst s0;
	s0 =	simm.s32 @!p1 $0x0  }
0x14: {  	s2 =	sld [smem:$0x3F96];
	s0 =	simm.s32 @p1 $0x1  }
0x15: {  	[smem:$0x3FB3] =	sst s0;
	s0 =	simm.s32 @!p2 $0x0  }
0x16: {  	s3 =	sld [smem:$0x3FDB];
	s0 =	simm.s32 @p2 $0x1  }
0x17: {  	s4 =	simm.s32 $0x1BF5;
	[smem:$0x3FB5] =	sst s0  }
0x18: {  	s0 =	sld [smem:$0x3F98];
	_ =	swait.ge [sflag:s4], $0x0  }
0x19: {  	s7 =	sld [smem:$0x3F99]  }
0x1a: {  	s8 =	sadd.s32 $0xFFFFE003, lr  }
0x1b: {  	s9 =	sadd.s32 $0xFFFFFEF7, lr;
	s5 =	simm.s32 $0xFFFFFFFF;
	p2 =	slt.u32 s8, $0xFFFFF086  }
0x1c: {  	p1 =	slt.u32 s9, $0xF7A;
	s5 =	simm.s32 @!p2 $0x0  }
0x1d: {  	s5 =	simm.s32 @p1 $0x1;
	p0 =	seq.s32 s7, s2  }
0x1e: {  	s7 =	smul.u32 @!p0 $0xF7A, s2;
	p2 =	seq.s32 @!p0 s5, $0x0  }
0x1f: {  	s9 =	smul.u32 $0xF7A, s1;
	s8 =	simm.s32 @!p0 $0x1BF5;
	p2 =	por !p2, p0  }
0x20: {  	[sflag:s8] =	ssyncset.s32 @!p0 $0xFFFFF086;
	s6 =	sadd.s32 @!p0 s3, s7;
	s7 =	simm.s32 @!p0 $0x108  }
0x21: {  	s3 =	sadd.s32 s3, s9;
	s6 =	sadd.s32 @!p0 $0x88, s6;
	s7 =	simm.s32 @p2 $0x1082  }
0x22: {  	[simem:s7], [sflag:s8] =	dma.local @!p0 [hbm:s6], $0xF7A  }
0x23: {  	s9 =	sor.u32 $0xD0000000, s2;
	s6 =	simm.s32 $0x108;
	_ =	swait.ge @!p0 [sflag:s8], $0x0  }
0x24: {  	s3 =	sadd.s32 $0x88, s3;
	s6 =	simm.s32 @!p1 $0x1082;
	[sflag:s4] =	ssyncset.s32 $0xFFFFF086  }
0x25: {  	[simem:s6], [sflag:s4] =	dma.local [hbm:s3], $0xF7A  }
0x26: {  	[smem:$0x3F99] =	sst s1;
	(tag) =	ssettag s2;
	_ =	strace s9  }
0x27: {  	s1 =	sld [smem:$0x3FA9]  }
0x28: {  	s2 =	sld [smem:$0x3FAA]  }
0x29: {  	s4 =	sld [smem:$0x3FAC]  }
0x2a: {  	p0 =	seq.s32 s5, $0x0;
	s5 =	sld [smem:$0x3FAD]  }
0x2b: {  	s6 =	sld [smem:$0x3FAE]  }
0x2c: {  	s7 =	sld [smem:$0x3FAF]  }
0x2d: {  	s3 =	simm.s32 $0x108;
	s8 =	sld [smem:$0x3FB0]  }
0x2e: {  	s3 =	simm.s32 @!p0 $0x1082;
	s9 =	sld [smem:$0x3FB1]  }
0x2f: {  	lr =	sadd.s32 s0, s3;
	s0 =	sld [smem:$0x3FA8]  }
0x30: {  	s3 =	sld [smem:$0x3FAB]  }
0x31: {  	[smem:$0x3FB4] =	sst s10  }
0x32: {  	s10 =	sld [smem:$0x3FB2];
	_ =	sdelay $0x3  }
0x33: {  	p0 =	seq.s32 s10, $0x1;
	s10 =	sld [smem:$0x3FB4];
	_ =	sdelay $0x3  }
0x34: {  	[smem:$0x3FB4] =	sst s10  }
0x35: {  	s10 =	sld [smem:$0x3FB3];
	_ =	sdelay $0x3  }
0x36: {  	p1 =	seq.s32 s10, $0x1;
	s10 =	sld [smem:$0x3FB4];
	_ =	sdelay $0x3  }
0x37: {  	[smem:$0x3FB4] =	sst s10  }
0x38: {  	s10 =	sld [smem:$0x3FB5]  }
0x39: {  	_ = 	snop;
	(pc) =	sbr.ind lr, $3  }
0x3a: {  	_ = 	snop  }
0x3b: {  	_ = 	snop  }
0x3c: {  	p2 =	seq.s32 s10, $0x1;
	s10 =	sld [smem:$0x3FB4]  }
0x3d: {  	_ =	shalt  }
0x3e: {  	_ =	shalt  }
0x3f: {  	_ =	shalt  }
0x40: {  	_ =	shalt  }
0x41: {  	_ =	shalt  }
0x42: {  	_ =	shalt  }
0x43: {  	_ =	shalt  }
0x44: {  	_ =	shalt  }
0x45: {  	_ =	shalt  }
0x46: {  	_ =	shalt  }
0x47: {  	_ =	shalt  }
0x48: {  	_ =	shalt  }
0x49: {  	_ =	shalt  }
0x4a: {  	_ =	shalt  }
0x4b: {  	_ =	shalt  }
0x4c: {  	_ =	shalt  }
0x4d: {  	_ =	shalt  }
0x4e: {  	_ =	shalt  }
0x4f: {  	_ =	shalt  }
0x50: {  	_ =	shalt  }
0x51: {  	_ =	shalt  }
0x52: {  	_ =	shalt  }
0x53: {  	_ =	shalt  }
0x54: {  	_ =	shalt  }
0x55: {  	_ =	shalt  }
0x56: {  	_ =	shalt  }
0x57: {  	_ =	shalt  }
0x58: {  	_ =	shalt  }
0x59: {  	_ =	shalt  }
0x5a: {  	_ =	shalt  }
0x5b: {  	_ =	shalt  }
0x5c: {  	_ =	shalt  }
0x5d: {  	_ =	shalt  }
0x5e: {  	_ =	shalt  }
0x5f: {  	_ =	shalt  }
0x60: {  	_ =	shalt  }
0x61: {  	_ =	shalt  }
0x62: {  	_ =	shalt  }
0x63: {  	_ =	shalt  }
0x64: {  	_ =	shalt  }
0x65: {  	_ =	shalt  }
0x66: {  	_ =	shalt  }
0x67: {  	_ =	shalt  }
0x68: {  	_ =	shalt  }
0x69: {  	_ =	shalt  }
0x6a: {  	_ =	shalt  }
0x6b: {  	_ =	shalt  }
0x6c: {  	_ =	shalt  }
0x6d: {  	_ =	shalt  }
0x6e: {  	_ =	shalt  }
0x6f: {  	_ =	shalt  }
0x70: {  	_ =	shalt  }
0x71: {  	_ =	shalt  }
0x72: {  	_ =	shalt  }
0x73: {  	_ =	shalt  }
0x74: {  	_ =	shalt  }
0x75: {  	_ =	shalt  }
0x76: {  	_ =	shalt  }
0x77: {  	_ =	shalt  }
0x78: {  	_ =	shalt  }
0x79: {  	_ =	shalt  }
0x7a: {  	_ =	shalt  }
0x7b: {  	_ =	shalt  }
0x7c: {  	_ =	shalt  }
0x7d: {  	_ =	shalt  }
0x7e: {  	_ =	shalt  }
0x7f: {  	_ =	shalt  }
0x80: {  	_ =	shalt  }
0x81: {  	_ =	shalt  }
0x82: {  	_ =	shalt  }
0x83: {  	_ =	shalt  }
0x84: {  	_ =	shalt  }
0x85: {  	_ =	shalt  }
0x86: {  	_ =	shalt  }
0x87: {  	_ =	shalt  }
.Lfunc_end0:
.L_simem_size_0:
called_computation.2_lowered:
.L_overlay_start_0:
0x88: {  	s2 =	sld [smem:$0x3FD9]  }
0x89: {  	s3 =	sld [smem:$0x3FFE];
	_ =	sdelay $0x1  }
0x8a: {  	s1 =	srdreg.scid  }
0x8b: {  	s0 =	sand.u32 $0x1, s1  }
0x8c: {  	s17 =	sshll.u32 s0, $0xA;
	s2 =	sadd.s32 s3, s2  }
0x8d: {  	s2 =	sadd.s32 s2, s17  }
0x8e: {  	[smem:$0x3FC0] =	sst s2  }
0x8f: {  	_ = 	snop  }
0x90: {  	s2 =	sld [smem:$0x3FD0];
	(tm) =	ssettm $0x1  }
0x91: {  	s18 =	sld [smem:$0x3FFB];
	_ =	sdelay $0x3  }
0x92: {  	_ =	strace s18  }
0x93: {  	s3 =	sld [smem:$0x3FFC];
	_ =	sdelay $0x3  }
0x94: {  	_ =	strace s3  }
0x95: {  	s3 =	sld [smem:$0x3FFD];
	_ =	sdelay $0x3  }
0x96: {  	_ =	strace s3  }
0x97: {  	_ =	strace $0x8FFFFFFF  }
0x98: {  	s19 =	sld [smem:$0x3FDB];
	_ =	sdelay $0x1  }
0x99: {  	s4 =	simm.s32 $_scs_section_size  }
0x9a: {  	s5 =	simm.s32 $_size__tile_overlayer_lowered;
	s6 =	simm.s32 $_tile_overlayer_lowered  }
0x9b: {  	s22 =	simm.s32 $0x1BFF;
	s21 =	sshll.u32 s6, $0x1;
	s3 =	sadd.s32 s4, s19  }
0x9c: {  	s7 =	simm.s32 $0x0;
	s20 =	sshll.u32 s5, $0x1;
	s5 =	sadd.s32 s21, s3  }
0x9d: {  	[timem:s7], [sflag:s22] =	dma.local [hbm:s5], s20  }
0x9e: {  	_ =	swait.ge [sflag:s22], s20  }
0x9f: {  	s4 =	ssub.s32 $0x0, s20;
	[sflag:s22] =	ssyncset.done $0x0  }
0xa0: {  	[sflag:s22] =	ssyncadd.s32 s4;
	_ =	sdelay $0x1  }
0xa1: {  	s23 =	simm.s32 $0x1B8B  }
0xa2: {  	_ =	swait.ge [sflag:s23], $0x1  }
0xa3: {  	[sflag:s23] =	ssyncset.done $0x0  }
0xa4: {  	s25 =	simm.s32 $0x1B8E;
	s24 =	sld [smem:$0x3FFE];
	[sflag:s23] =	ssyncadd.s32 $0xFFFFFFFF  }
0xa5: {  	s26 =	simm.s32 $execute0_lowered;
	[smem:$0x3FD2] =	sst s25  }
0xa6: {  	s5 =	sshll.u32 s26, $0x1;
	_ =	strace $0x8000004C;
	[dreg:$0x1] =	wrdreg $0xFFFFFFFF  }
0xa7: {  	s28 =	simm.s32 $_size_execute0_lowered;
	s3 =	sadd.s32 s3, s5;
	[dreg:$0x0] =	wrdreg $0x0  }
0xa8: {  	s5 =	sshll.u32 s28, $0x1;
	[dreg:$0x2] =	wrdreg s3  }
0xa9: {  	[dreg:$0x3] =	wrdreg s5  }
0xaa: {  	[dreg:$0x4] =	wrdreg $0xC0  }
0xab: {  	_ =	task [dreg:s7], $0x5FFFF  }
0xac: {  	[dreg:$0x1] =	wrdreg $0xFFFFFFFF  }
0xad: {  	[dreg:$0x0] =	wrdreg $0x60  }
0xae: {  	[dreg:$0x2] =	wrdreg s24  }
0xaf: {  	[dreg:$0x3] =	wrdreg s2  }
0xb0: {  	[dreg:$0x4] =	wrdreg $0xA0000  }
0xb1: {  	[dreg:$0x5] =	wrdreg $0x9  }
0xb2: {  	_ =	task.clear_ibuf [dreg:s7], $0x6FFFF;
	_ =	strace $0x9000004C  }
0xb3: {  	s29 =	simm.s32 $0x9;
	_ =	strace $0x8000004E  }
0xb4: {  	_ =	swait.ge [sflag:s29], $0x1  }
0xb5: {  	[sflag:s29] =	ssyncadd.s32 $0xFFFFFFFF  }
0xb6: {  	_ =	strace $0x9000004E  }
0xb7: {  	_ =	sfence  }
0xb8: {  	s30 =	sld [smem:$0x0];
	_ =	sdelay $0x2  }
0xb9: {  	s31 =	sshll.u32 s1, $0xD;
	s1 =	sshrl.u32 s1, $0x2  }
0xba: {  	s3 =	sand.u32 $0x4000, s31;
	s1 =	sadd.s32 s1, s30  }
0xbb: {  	s0 =	sor.u32 s3, s0;
	s1 =	sshll.u32 s1, $0x11  }
0xbc: {  	s0 =	sor.u32 s1, s0  }
0xbd: {  	s0 =	sadd.s32 $0x8F2B, s0  }
0xbe: {  	[sflag:s0] =	ssyncadd.remote.s32 $0x1  }
0xbf: {  	_ =	sfence.sel $0xFFFF  }
0xc0: {  	[dreg:$0x0] =	wrdreg $0xFFFFFFFF;
	(pc) =	sbr.abs _section_cstart, $3  }
0xc1: {  	[dreg:$0x1] =	wrdreg $0xFFFFFFFF  }
0xc2: {  	_ =	task.clear_ibuf [dreg:s7], $0x2FFFF;
	_ =	strace $0x9FFFFFFF  }
0xc3: {  	(tm) =	ssettm $0x7FFFFFFF  }
tec
execute0_lowered:
.L_overlay_start_1:
0x0: {  	(tag) =	ssettag $0x1  }
0x1: {  	s0 =	rddreg [dreg:$0x0]  }
0x2: {  	s3 =	rddreg [dreg:$0x1]  }
0x3: {  	s1 =	rddreg [dreg:$0x2];
	s2 =	simm.s32 $0x0  }
0x4: {  	s5 =	srdreg.scid;
	s13 =	stileid.u32;
	s28 =	simm.s32 $0x6000  }
0x5: {  	s29 =	simm.s32 $0x6;
	s30 =	simm.s32 $0x7;
	s31 =	simm.s32 $0x8  }
0x6: {  	[smem:$0x7FF] =	sst s2;
	s4 =	sadd.s32 $0xCC00, s0;
	s6 =	smul.u32 $0x2780, s13  }
0x7: {  	s7 =	sadd.s32 $0x2C00, s0;
	s5 =	sand.u32 $0x1, s5;
	s11 =	smul.u32 $0x4F000, s13  }
0x8: {  	s8 =	sadd.s32 $0x34400, s0;
	s17 =	sshll.u32 s13, $0x6;
	s18 =	smul.u32 $0xA, s13  }
0x9: {  	_ =	strace $0x8000004D;
	[dreg:$0x4] =	wrdreg s8;
	s25 =	smul.u32 $0x27800, s5  }
0xa: {  	s9 =	sshll.u32 s5, $0x4;
	s10 =	ssub.s32 $0x2, s5;
	s5 =	smul.u32 $0xA0, s5  }
0xb: {  	s9 =	sor.u32 s13, s9;
	s26 =	sshrl.u32 s10, $0x1;
	s16 =	sshrl.u32 s11, $0x2  }
0xc: {  	s6 =	sadd.s32 s6, s25;
	s12 =	smul.u32 $0x500, s9;
	s14 =	ssub.s32 s10, s26  }
0xd: {  	s9 =	smul.u32 $0x2800, s9;
	s15 =	sadd.s32 s16, s1;
	s5 =	sadd.s32 s18, s5  }
0xe: {  	s18 =	simm.s32 $0x9;
	s0 =	sadd.s32 s6, s0;
	s6 =	sor.u32 $0x1C09, s17  }
0xf: {  	s5 =	sshll.u32 s5, $0x7;
	s14 =	smax.u32 s14, $0x1;
	s17 =	sshrl.u32 s15, $0x3  }
0x10: {  	s19 =	sadd.s32 s3, s12;
	s20 =	sadd.s32 s7, s12;
	s12 =	sor.u32 $0x80, s12  }
0x11: {  	s22 =	sshrl.u32 s9, $0x3;
	s5 =	sadd.s32 $0x100, s5;
	[dreg:$0x5] =	wrdreg s19  }
0x12: {  	s13 =	sadd.s32 $0x36C00, s0;
	s0 =	simm.s32 $0x0;
	[dreg:$0x6] =	wrdreg s20  }
0x13: {  	s21 =	sadd.s32 s3, s12;
	s23 =	sadd.s32 s7, s12;
	s24 =	sadd.s32 $0x100, s22  }
0x14: {  	s25 =	sadd.s32 s5, s3;
	s26 =	sadd.s32 s5, s7;
	[dreg:$0x7] =	wrdreg s21  }
0x15: {  	[dreg:$0x8] =	wrdreg s23;
	s11 =	sadd.s32 s3, s24;
	s12 =	sadd.s32 s7, s24  }
0x16: {  	s22 =	sadd.s32 $0x80, s25;
	s21 =	sadd.s32 $0x80, s26;
	s23 =	simm.s32 $0x1  }
0x17: {  	s24 =	simm.s32 $0x80;
	s25 =	simm.s32 $0x2000;
	s26 =	simm.s32 $0x5  }
.LBB2_1:
0x18: {  	s3 =	rddreg [dreg:$0x4]  }
0x19: {  	[spmem:s17], [sflag:s6] =	dma.local [hbm:s3], $0x2780  }
0x1a: {  	_ =	swait.ge [sflag:s18], $0x2780  }
0x1b: {  	[sflag:s18] =	ssyncset.done $0x0  }
0x1c: {  	s9 =	rddreg [dreg:$0x5];
	[sflag:s18] =	ssyncadd.s32 $0xFFFFD880  }
0x1d: {  	[tilespmem:s2], [sflag:$0x1] =	stream.linear.gather [hbm4b:s9+s2], $0x400, $0x38;
	[tilespmem:$0x1DC00] =	vst v63  }
0x1e: {  	s3 =	simm.s32 $0x1000;
	s5 =	rddreg [dreg:$0x6]  }
0x1f: {  	[tilespmem:s3], [sflag:$0x1] =	stream.linear.gather [hbm4b:s5+s2], $0x400, $0x38;
	[tilespmem:$0x1DC00] =	vst v63  }
0x20: {  	s7 =	simm.s32 $0x400;
	s10 =	rddreg [dreg:$0x7]  }
0x21: {  	[tilespmem:s7], [sflag:$0x2] =	stream.linear.gather [hbm4b:s10+s2], $0x400, $0x38;
	[tilespmem:$0x1DC00] =	vst v63  }
0x22: {  	s16 =	simm.s32 $0x1400;
	s15 =	rddreg [dreg:$0x8]  }
0x23: {  	[tilespmem:s16], [sflag:$0x2] =	stream.linear.gather [hbm4b:s15+s2], $0x400, $0x38;
	[tilespmem:$0x1DC00] =	vst v63  }
0x24: {  	s19 =	simm.s32 $0x800  }
0x25: {  	[tilespmem:s19], [sflag:$0x3] =	stream.linear.gather [hbm4b:s11+s2], $0x400, $0x38;
	[tilespmem:$0x1DC00] =	vst v63  }
0x26: {  	s20 =	simm.s32 $0x1800  }
0x27: {  	[tilespmem:s20], [sflag:$0x3] =	stream.linear.gather [hbm4b:s12+s2], $0x400, $0x38;
	[tilespmem:$0x1DC00] =	vst v63  }
0x28: {  	[bflag:$0x0] =	sbarrier.arrive $0xFFFF  }
0x29: {  	_ =	swait.ge [sflag:s23], $0x400  }
0x2a: {  	[sflag:s23] =	ssyncset.done $0x0  }
0x2b: {  	[sflag:s23] =	ssyncadd.s32 $0xFFFFFC00  }
0x2c: {  	_ =	swait.ge [sflag:s23], $0x400  }
0x2d: {  	s16 =	smov.u32 s21;
	s15 =	smov.u32 s22;
	[sflag:s23] =	ssyncset.done $0x0  }
0x2e: {  	s19 =	simm.s32 $0x3;
	s20 =	simm.s32 $0x0;
	[sflag:s23] =	ssyncadd.s32 $0xFFFFFC00  }
0x2f: {  	[tilespmem:s25], [sflag:$0x5] =	stream.indirect.gather [hbm4b:s4+s24], $0x80, s2, s24, $0xb8;
	[tilespmem:$0x1DC00] =	vst v63  }
.LBB2_2:
0x30: {  	_ =	swait.ge [sflag:s26], $0x4000;
	s5 =	sand.u32 $0xC00, s20  }
0x31: {  	p0 =	seq.s32 s19, $0x3;
	s9 =	sadd.s32 $0xFFFFF000, s3;
	[sflag:s26] =	ssyncset.done $0x0  }
0x32: {  	s7 =	sor.u32 $0x1000, s5;
	s8 =	simm.s32 @!p0 $0x8;
	[sflag:s26] =	ssyncadd.s32 $0xFFFFC000  }
0x33: {  	[spmem:s1] =	stream.indirect.scatter.add.f32 [tilespmem:s25], [sflag:$0x7], $0x80, s7, s24, $0xb8;
	[tilespmem:$0x1DC00] =	vst v63  }
0x34: {  	s7 =	sand.u32 $0x3000, s9;
	_ =	swait.ge @!p0 [sflag:s8], $0x4000  }
0x35: {  	s7 =	sshrl.u32 s7, $0x2;
	[sflag:s8] =	ssyncset.done @!p0 $0x0  }
0x36: {  	s10 =	sor.u32 $0x80, s7;
	[sflag:s8] =	ssyncadd.s32 @!p0 $0xFFFFC000  }
0x37: {  	[tilespmem:s28], [sflag:$0x6] =	stream.indirect.gather [hbm4b:s4+s24], $0x80, s10, s24, $0xb8;
	[tilespmem:$0x1DC00] =	vst v63  }
0x38: {  	_ =	swait.ge [sflag:s29], $0x4000  }
0x39: {  	[sflag:s29] =	ssyncset.done $0x0  }
0x3a: {  	s9 =	sadd.s32 $0x1080, s5;
	[sflag:s29] =	ssyncadd.s32 $0xFFFFC000  }
0x3b: {  	[spmem:s1] =	stream.indirect.scatter.add.f32 [tilespmem:s28], [sflag:$0x8], $0x80, s9, s24, $0xb8;
	[tilespmem:$0x1DC00] =	vst v63  }
0x3c: {  	s10 =	sadd.s32 $0xFFFFFFFD, s19;
	_ =	swait.ge [sflag:s30], $0x4000  }
0x3d: {  	p0 =	sgt.u32 s10, $0x6;
	[sflag:s30] =	ssyncset.done $0x0  }
0x3e: {  	s8 =	sand.u32 @!p0 $0x3, s19;
	s9 =	sor.u32 $0x100, s7;
	[sflag:s30] =	ssyncadd.s32 $0xFFFFC000  }
0x3f: {  	[tilespmem:s25], [sflag:$0x5] =	stream.indirect.gather [hbm4b:s4+s24], $0x80, s9, s24, $0xb8;
	[tilespmem:$0x1DC00] =	vst v63  }
0x40: {  	s10 =	simm.s32 @!p0 $0x0;
	s9 =	sadd.s32 @!p0 $0x1, s8;
	s8 =	sshll.u32 @!p0 s8, $0xA  }
0x41: {  	[tilespmem:s8], [sflag:s9] =	stream.linear.gather @!p0 [hbm4b:s15+s10], $0x400, $0x38;
	[tilespmem:$0x1DC00] =	vst v63  }
0x42: {  	s8 =	sor.u32 @!p0 $0x1000, s8  }
0x43: {  	[tilespmem:s8], [sflag:s9] =	stream.linear.gather @!p0 [hbm4b:s16+s10], $0x400, $0x38;
	[tilespmem:$0x1DC00] =	vst v63  }
0x44: {  	_ =	swait.ge [sflag:s26], $0x4000  }
0x45: {  	[sflag:s26] =	ssyncset.done $0x0  }
0x46: {  	s10 =	sadd.s32 $0x1100, s5;
	[sflag:s26] =	ssyncadd.s32 $0xFFFFC000  }
0x47: {  	[spmem:s1] =	stream.indirect.scatter.add.f32 [tilespmem:s25], [sflag:$0x7], $0x80, s10, s24, $0xb8;
	[tilespmem:$0x1DC00] =	vst v63  }
0x48: {  	_ =	swait.ge [sflag:s31], $0x4000  }
0x49: {  	[sflag:s31] =	ssyncset.done $0x0  }
0x4a: {  	s9 =	sadd.s32 $0x180, s7;
	[sflag:s31] =	ssyncadd.s32 $0xFFFFC000  }
0x4b: {  	[tilespmem:s28], [sflag:$0x6] =	stream.indirect.gather [hbm4b:s4+s24], $0x80, s9, s24, $0xb8;
	[tilespmem:$0x1DC00] =	vst v63  }
0x4c: {  	_ =	swait.ge [sflag:s29], $0x4000  }
0x4d: {  	[sflag:s29] =	ssyncset.done $0x0  }
0x4e: {  	s10 =	sadd.s32 $0x1180, s5;
	[sflag:s29] =	ssyncadd.s32 $0xFFFFC000  }
0x4f: {  	[spmem:s1] =	stream.indirect.scatter.add.f32 [tilespmem:s28], [sflag:$0x8], $0x80, s10, s24, $0xb8;
	[tilespmem:$0x1DC00] =	vst v63  }
0x50: {  	_ =	swait.ge [sflag:s30], $0x4000  }
0x51: {  	[sflag:s30] =	ssyncset.done $0x0  }
0x52: {  	s9 =	sadd.s32 $0x200, s7;
	[sflag:s30] =	ssyncadd.s32 $0xFFFFC000  }
0x53: {  	[tilespmem:s25], [sflag:$0x5] =	stream.indirect.gather [hbm4b:s4+s24], $0x80, s9, s24, $0xb8;
	[tilespmem:$0x1DC00] =	vst v63  }
0x54: {  	_ =	swait.ge [sflag:s26], $0x4000  }
0x55: {  	[sflag:s26] =	ssyncset.done $0x0  }
0x56: {  	s10 =	sadd.s32 $0x1200, s5;
	[sflag:s26] =	ssyncadd.s32 $0xFFFFC000  }
0x57: {  	[spmem:s1] =	stream.indirect.scatter.add.f32 [tilespmem:s25], [sflag:$0x7], $0x80, s10, s24, $0xb8;
	[tilespmem:$0x1DC00] =	vst v63  }
0x58: {  	s8 =	sadd.s32 $0xFFFFFFFE, s19;
	p0 =	seq.s32 s19, $0xC;
	_ =	swait.ge [sflag:s31], $0x4000  }
0x59: {  	s8 =	sand.u32 @!p0 $0x3, s8;
	[sflag:s31] =	ssyncset.done $0x0  }
0x5a: {  	s8 =	sadd.s32 @!p0 $0x1, s8;
	s9 =	sadd.s32 $0x280, s7;
	[sflag:s31] =	ssyncadd.s32 $0xFFFFC000  }
0x5b: {  	[tilespmem:s28], [sflag:$0x6] =	stream.indirect.gather [hbm4b:s4+s24], $0x80, s9, s24, $0xb8;
	[tilespmem:$0x1DC00] =	vst v63  }
0x5c: {  	_ =	swait.ge @!p0 [sflag:s8], $0x400  }
0x5d: {  	[sflag:s8] =	ssyncset.done @!p0 $0x0  }
0x5e: {  	[sflag:s8] =	ssyncadd.s32 @!p0 $0xFFFFFC00  }
0x5f: {  	_ =	swait.ge @!p0 [sflag:s8], $0x400  }
0x60: {  	[sflag:s8] =	ssyncset.done @!p0 $0x0  }
0x61: {  	[sflag:s8] =	ssyncadd.s32 @!p0 $0xFFFFFC00  }
0x62: {  	_ =	swait.ge [sflag:s29], $0x4000  }
0x63: {  	[sflag:s29] =	ssyncset.done $0x0  }
0x64: {  	s10 =	sadd.s32 $0x1280, s5;
	[sflag:s29] =	ssyncadd.s32 $0xFFFFC000  }
0x65: {  	[spmem:s1] =	stream.indirect.scatter.add.f32 [tilespmem:s28], [sflag:$0x8], $0x80, s10, s24, $0xb8;
	[tilespmem:$0x1DC00] =	vst v63  }
0x66: {  	_ =	swait.ge [sflag:s30], $0x4000  }
0x67: {  	[sflag:s30] =	ssyncset.done $0x0  }
0x68: {  	s9 =	sadd.s32 $0x300, s7;
	[sflag:s30] =	ssyncadd.s32 $0xFFFFC000  }
0x69: {  	[tilespmem:s25], [sflag:$0x5] =	stream.indirect.gather [hbm4b:s4+s24], $0x80, s9, s24, $0xb8;
	[tilespmem:$0x1DC00] =	vst v63  }
0x6a: {  	_ =	swait.ge [sflag:s26], $0x4000  }
0x6b: {  	[sflag:s26] =	ssyncset.done $0x0  }
0x6c: {  	s10 =	sadd.s32 $0x1300, s5;
	[sflag:s26] =	ssyncadd.s32 $0xFFFFC000  }
0x6d: {  	[spmem:s1] =	stream.indirect.scatter.add.f32 [tilespmem:s25], [sflag:$0x7], $0x80, s10, s24, $0xb8;
	[tilespmem:$0x1DC00] =	vst v63  }
0x6e: {  	_ =	swait.ge [sflag:s31], $0x4000  }
0x6f: {  	[sflag:s31] =	ssyncset.done $0x0  }
0x70: {  	s7 =	sadd.s32 $0x380, s7;
	[sflag:s31] =	ssyncadd.s32 $0xFFFFC000  }
0x71: {  	[tilespmem:s28], [sflag:$0x6] =	stream.indirect.gather [hbm4b:s4+s24], $0x80, s7, s24, $0xb8;
	[tilespmem:$0x1DC00] =	vst v63  }
0x72: {  	s19 =	sadd.s32 @!p0 $0x1, s19;
	_ =	swait.ge [sflag:s29], $0x4000  }
0x73: {  	p1 =	sne.s32 @!p0 s19, $0xD;
	[sflag:s29] =	ssyncset.done $0x0  }
0x74: {  	p1 =	por p0, !p1;
	s5 =	sadd.s32 $0x1380, s5;
	[sflag:s29] =	ssyncadd.s32 $0xFFFFC000  }
0x75: {  	[spmem:s1] =	stream.indirect.scatter.add.f32 [tilespmem:s28], [sflag:$0x8], $0x80, s5, s24, $0xb8;
	[tilespmem:$0x1DC00] =	vst v63  }
.Ltmp0:
0x76: {  	s15 =	sadd.s32 @!p0 $0x80, s15;
	s16 =	sadd.s32 @!p0 $0x80, s16;
	(pc) =	sbr.rel @!p1 .LBB2_2-.Ltmp0, $4  }
0x77: {  	s20 =	sadd.s32 @!p0 $0x400, s20;
	s8 =	simm.s32 @!p0 $0x2000;
	_ =	swait.ge [sflag:s30], $0x4000  }
0x78: {  	s7 =	simm.s32 @!p0 $0x80;
	s5 =	sand.u32 @!p0 $0x3000, s3;
	[sflag:s30] =	ssyncset.done $0x0  }
0x79: {  	s3 =	sadd.s32 @!p0 $0x1000, s3;
	s5 =	sshrl.u32 @!p0 s5, $0x2;
	[sflag:s30] =	ssyncadd.s32 $0xFFFFC000  }
0x7a: {  	[tilespmem:s8], [sflag:$0x5] =	stream.indirect.gather @!p0 [hbm4b:s4+s7], $0x80, s5, s7, $0xb8;
	[tilespmem:$0x1DC00] =	vst v63  }
0x7b: {  	_ =	swait.ge [sflag:s31], $0x4000  }
0x7c: {  	s0 =	sadd.s32 $0x1, s0;
	[sflag:s31] =	ssyncset.done $0x0  }
0x7d: {  	p0 =	sne.s32 s0, s14;
	[sflag:s31] =	ssyncadd.s32 $0xFFFFC000  }
.Ltmp1:
0x7e: {  	[bflag:$0x0] =	sbarrier.arrive $0xFFFF;
	(pc) =	sbr.rel @p0 .LBB2_1-.Ltmp1, $4  }
0x7f: {  	[hbm:s13], [sflag:s6] =	dma.local [spmem:s17], $0x2780  }
0x80: {  	_ =	swait.ge [sflag:s18], $0x2780  }
0x81: {  	[sflag:s18] =	ssyncset.done $0x0  }
0x82: {  	[sflag:s18] =	ssyncadd.s32 $0xFFFFD880  }
0x83: {  	_ =	sfence.sel $0x180000  }
0x84: {  	[bflag:$0x0] =	sbarrier.arrive $0xFFFF  }
0x85: {  	_ =	strace $0x9000004D  }
0x86: {  	s0 =	stileid.u32;
	[bflag:$0x2] =	sbarrier.arrive $0xFFFF  }
0x87: {  	p0 =	sne.s32 s0, $0x0;
	s0 =	rddreg [dreg:$0x3]  }
0x88: {  	s0 =	sadd.s32 @!p0 $0x100000, s0  }
0x89: {  	[sflag:s0] =	ssyncadd.tile.s32 @!p0 $0x1;
	_ =	shalt  }
.Lfunc_end2:
_tile_overlayer_lowered:
.L_overlay_start_2:
0x8a: {  	(tag) =	ssettag $0x2  }
0x8b: {  	s0 =	rddreg [dreg:$0x0];
	s2 =	stileid.u32  }
0x8c: {  	s1 =	rddreg [dreg:$0x1];
	p0 =	sne.s32 s2, $0x0  }
0x8d: {  	s3 =	rddreg [dreg:$0x2];
	[bflag:$0x3] =	sbarrier.arrive $0xFFFF;
	s2 =	simm.s32 @!p0 $0x1C09  }
0x8e: {  	[timem:s3], [sflag:s2] =	dma.local @!p0 [hbm:s0], s1  }
0x8f: {  	s0 =	simm.s32 @!p0 $0x9  }
0x90: {  	_ =	swait.ge @!p0 [sflag:s0], s1  }
0x91: {  	s1 =	ssub.s32 @!p0 $0x0, s1;
	[sflag:s0] =	ssyncset.done @!p0 $0x0  }
0x92: {  	[sflag:s0] =	ssyncadd.s32 @!p0 s1  }
0x93: {  	[bflag:$0x3] =	sbarrier.arrive $0xFFFF  }
0x94: {  	_ =	shalt  }

// kernel: kernel.8.cloned.1.call-start
scs
__scs_entry_jumppad:
0x0: {  	(pc) =	sbr.rel $0x88, $3  }
0x1: {  	(tag) =	ssettag $0x0;
	lr =	simm.s32 $0x1  }
0x2: {  	[smem:$0x3F99] =	sst lr;
	_ =	strace $0xD0000000  }
0x3: {  	_ = 	snop  }
0x4: {  	_ = 	snop  }
0x5: {  	_ = 	snop  }
0x6: {  	_ = 	snop  }
0x7: {  	_ = 	snop  }
__scs_overlays_trampoline_lowered:
0x8: {  	[smem:$0x3FA8] =	sst s0  }
0x9: {  	[smem:$0x3FA9] =	sst s1  }
0xa: {  	[smem:$0x3FAA] =	sst s2  }
0xb: {  	[smem:$0x3FAB] =	sst s3  }
0xc: {  	[smem:$0x3FAC] =	sst s4  }
0xd: {  	[smem:$0x3FAD] =	sst s5  }
0xe: {  	[smem:$0x3FAE] =	sst s6  }
0xf: {  	[smem:$0x3FAF] =	sst s7  }
0x10: {  	[smem:$0x3FB0] =	sst s8  }
0x11: {  	[smem:$0x3FB1] =	sst s9;
	s0 =	simm.s32 @!p0 $0x0  }
0x12: {  	s1 =	sld [smem:$0x3F97];
	s0 =	simm.s32 @p0 $0x1  }
0x13: {  	[smem:$0x3FB2] =	sst s0;
	s0 =	simm.s32 @!p1 $0x0  }
0x14: {  	s2 =	sld [smem:$0x3F96];
	s0 =	simm.s32 @p1 $0x1  }
0x15: {  	[smem:$0x3FB3] =	sst s0;
	s0 =	simm.s32 @!p2 $0x0  }
0x16: {  	s3 =	sld [smem:$0x3FDB];
	s0 =	simm.s32 @p2 $0x1  }
0x17: {  	s4 =	simm.s32 $0x1BF5;
	[smem:$0x3FB5] =	sst s0  }
0x18: {  	s0 =	sld [smem:$0x3F98];
	_ =	swait.ge [sflag:s4], $0x0  }
0x19: {  	s7 =	sld [smem:$0x3F99]  }
0x1a: {  	s8 =	sadd.s32 $0xFFFFE003, lr  }
0x1b: {  	s9 =	sadd.s32 $0xFFFFFEF7, lr;
	s5 =	simm.s32 $0xFFFFFFFF;
	p2 =	slt.u32 s8, $0xFFFFF086  }
0x1c: {  	p1 =	slt.u32 s9, $0xF7A;
	s5 =	simm.s32 @!p2 $0x0  }
0x1d: {  	s5 =	simm.s32 @p1 $0x1;
	p0 =	seq.s32 s7, s2  }
0x1e: {  	s7 =	smul.u32 @!p0 $0xF7A, s2;
	p2 =	seq.s32 @!p0 s5, $0x0  }
0x1f: {  	s9 =	smul.u32 $0xF7A, s1;
	s8 =	simm.s32 @!p0 $0x1BF5;
	p2 =	por !p2, p0  }
0x20: {  	[sflag:s8] =	ssyncset.s32 @!p0 $0xFFFFF086;
	s6 =	sadd.s32 @!p0 s3, s7;
	s7 =	simm.s32 @!p0 $0x108  }
0x21: {  	s3 =	sadd.s32 s3, s9;
	s6 =	sadd.s32 @!p0 $0x88, s6;
	s7 =	simm.s32 @p2 $0x1082  }
0x22: {  	[simem:s7], [sflag:s8] =	dma.local @!p0 [hbm:s6], $0xF7A  }
0x23: {  	s9 =	sor.u32 $0xD0000000, s2;
	s6 =	simm.s32 $0x108;
	_ =	swait.ge @!p0 [sflag:s8], $0x0  }
0x24: {  	s3 =	sadd.s32 $0x88, s3;
	s6 =	simm.s32 @!p1 $0x1082;
	[sflag:s4] =	ssyncset.s32 $0xFFFFF086  }
0x25: {  	[simem:s6], [sflag:s4] =	dma.local [hbm:s3], $0xF7A  }
0x26: {  	[smem:$0x3F99] =	sst s1;
	(tag) =	ssettag s2;
	_ =	strace s9  }
0x27: {  	s1 =	sld [smem:$0x3FA9]  }
0x28: {  	s2 =	sld [smem:$0x3FAA]  }
0x29: {  	s4 =	sld [smem:$0x3FAC]  }
0x2a: {  	p0 =	seq.s32 s5, $0x0;
	s5 =	sld [smem:$0x3FAD]  }
0x2b: {  	s6 =	sld [smem:$0x3FAE]  }
0x2c: {  	s7 =	sld [smem:$0x3FAF]  }
0x2d: {  	s3 =	simm.s32 $0x108;
	s8 =	sld [smem:$0x3FB0]  }
0x2e: {  	s3 =	simm.s32 @!p0 $0x1082;
	s9 =	sld [smem:$0x3FB1]  }
0x2f: {  	lr =	sadd.s32 s0, s3;
	s0 =	sld [smem:$0x3FA8]  }
0x30: {  	s3 =	sld [smem:$0x3FAB]  }
0x31: {  	[smem:$0x3FB4] =	sst s10  }
0x32: {  	s10 =	sld [smem:$0x3FB2];
	_ =	sdelay $0x3  }
0x33: {  	p0 =	seq.s32 s10, $0x1;
	s10 =	sld [smem:$0x3FB4];
	_ =	sdelay $0x3  }
0x34: {  	[smem:$0x3FB4] =	sst s10  }
0x35: {  	s10 =	sld [smem:$0x3FB3];
	_ =	sdelay $0x3  }
0x36: {  	p1 =	seq.s32 s10, $0x1;
	s10 =	sld [smem:$0x3FB4];
	_ =	sdelay $0x3  }
0x37: {  	[smem:$0x3FB4] =	sst s10  }
0x38: {  	s10 =	sld [smem:$0x3FB5]  }
0x39: {  	_ = 	snop;
	(pc) =	sbr.ind lr, $3  }
0x3a: {  	_ = 	snop  }
0x3b: {  	_ = 	snop  }
0x3c: {  	p2 =	seq.s32 s10, $0x1;
	s10 =	sld [smem:$0x3FB4]  }
0x3d: {  	_ =	shalt  }
0x3e: {  	_ =	shalt  }
0x3f: {  	_ =	shalt  }
0x40: {  	_ =	shalt  }
0x41: {  	_ =	shalt  }
0x42: {  	_ =	shalt  }
0x43: {  	_ =	shalt  }
0x44: {  	_ =	shalt  }
0x45: {  	_ =	shalt  }
0x46: {  	_ =	shalt  }
0x47: {  	_ =	shalt  }
0x48: {  	_ =	shalt  }
0x49: {  	_ =	shalt  }
0x4a: {  	_ =	shalt  }
0x4b: {  	_ =	shalt  }
0x4c: {  	_ =	shalt  }
0x4d: {  	_ =	shalt  }
0x4e: {  	_ =	shalt  }
0x4f: {  	_ =	shalt  }
0x50: {  	_ =	shalt  }
0x51: {  	_ =	shalt  }
0x52: {  	_ =	shalt  }
0x53: {  	_ =	shalt  }
0x54: {  	_ =	shalt  }
0x55: {  	_ =	shalt  }
0x56: {  	_ =	shalt  }
0x57: {  	_ =	shalt  }
0x58: {  	_ =	shalt  }
0x59: {  	_ =	shalt  }
0x5a: {  	_ =	shalt  }
0x5b: {  	_ =	shalt  }
0x5c: {  	_ =	shalt  }
0x5d: {  	_ =	shalt  }
0x5e: {  	_ =	shalt  }
0x5f: {  	_ =	shalt  }
0x60: {  	_ =	shalt  }
0x61: {  	_ =	shalt  }
0x62: {  	_ =	shalt  }
0x63: {  	_ =	shalt  }
0x64: {  	_ =	shalt  }
0x65: {  	_ =	shalt  }
0x66: {  	_ =	shalt  }
0x67: {  	_ =	shalt  }
0x68: {  	_ =	shalt  }
0x69: {  	_ =	shalt  }
0x6a: {  	_ =	shalt  }
0x6b: {  	_ =	shalt  }
0x6c: {  	_ =	shalt  }
0x6d: {  	_ =	shalt  }
0x6e: {  	_ =	shalt  }
0x6f: {  	_ =	shalt  }
0x70: {  	_ =	shalt  }
0x71: {  	_ =	shalt  }
0x72: {  	_ =	shalt  }
0x73: {  	_ =	shalt  }
0x74: {  	_ =	shalt  }
0x75: {  	_ =	shalt  }
0x76: {  	_ =	shalt  }
0x77: {  	_ =	shalt  }
0x78: {  	_ =	shalt  }
0x79: {  	_ =	shalt  }
0x7a: {  	_ =	shalt  }
0x7b: {  	_ =	shalt  }
0x7c: {  	_ =	shalt  }
0x7d: {  	_ =	shalt  }
0x7e: {  	_ =	shalt  }
0x7f: {  	_ =	shalt  }
0x80: {  	_ =	shalt  }
0x81: {  	_ =	shalt  }
0x82: {  	_ =	shalt  }
0x83: {  	_ =	shalt  }
0x84: {  	_ =	shalt  }
0x85: {  	_ =	shalt  }
0x86: {  	_ =	shalt  }
0x87: {  	_ =	shalt  }
.Lfunc_end0:
.L_simem_size_0:
called_computation_lowered:
.L_overlay_start_0:
0x88: {  	s2 =	sld [smem:$0x3FD9]  }
0x89: {  	s3 =	sld [smem:$0x3FFE];
	_ =	sdelay $0x1  }
0x8a: {  	s1 =	srdreg.scid  }
0x8b: {  	s0 =	sand.u32 $0x1, s1  }
0x8c: {  	s16 =	sshll.u32 s0, $0xA;
	s2 =	sadd.s32 s3, s2  }
0x8d: {  	s2 =	sadd.s32 s2, s16  }
0x8e: {  	[smem:$0x3FC0] =	sst s2  }
0x8f: {  	_ = 	snop  }
0x90: {  	(tm) =	ssettm $0x1  }
0x91: {  	s17 =	sld [smem:$0x3FFB];
	_ =	sdelay $0x3  }
0x92: {  	_ =	strace s17  }
0x93: {  	s2 =	sld [smem:$0x3FFC];
	_ =	sdelay $0x3  }
0x94: {  	_ =	strace s2  }
0x95: {  	s2 =	sld [smem:$0x3FFD];
	_ =	sdelay $0x3  }
0x96: {  	_ =	strace s2  }
0x97: {  	_ =	strace $0x8FFFFFFF  }
0x98: {  	s18 =	sld [smem:$0x3FDB];
	_ =	sdelay $0x1  }
0x99: {  	s19 =	simm.s32 $_scs_section_size  }
0x9a: {  	s4 =	simm.s32 $_size__tile_overlayer_lowered;
	s5 =	simm.s32 $_tile_overlayer_lowered  }
0x9b: {  	s22 =	simm.s32 $0x1BFF;
	s21 =	sshll.u32 s5, $0x1;
	s2 =	sadd.s32 s19, s18  }
0x9c: {  	s6 =	simm.s32 $0x0;
	s20 =	sshll.u32 s4, $0x1;
	s4 =	sadd.s32 s21, s2  }
0x9d: {  	[timem:s6], [sflag:s22] =	dma.local [hbm:s4], s20  }
0x9e: {  	_ =	swait.ge [sflag:s22], s20  }
0x9f: {  	s3 =	ssub.s32 $0x0, s20;
	[sflag:s22] =	ssyncset.done $0x0  }
0xa0: {  	[sflag:s22] =	ssyncadd.s32 s3;
	_ =	sdelay $0x1  }
0xa1: {  	s23 =	simm.s32 $0x1B8B  }
0xa2: {  	_ =	swait.ge [sflag:s23], $0x1  }
0xa3: {  	[sflag:s23] =	ssyncset.done $0x0  }
0xa4: {  	s25 =	simm.s32 $0x1B8E;
	s24 =	sld [smem:$0x3FFE];
	[sflag:s23] =	ssyncadd.s32 $0xFFFFFFFF  }
0xa5: {  	s26 =	simm.s32 $execute0_lowered;
	[smem:$0x3FD2] =	sst s25  }
0xa6: {  	s4 =	sshll.u32 s26, $0x1;
	_ =	strace $0x80000046;
	[dreg:$0x1] =	wrdreg $0xFFFFFFFF  }
0xa7: {  	s28 =	simm.s32 $_size_execute0_lowered;
	s2 =	sadd.s32 s2, s4;
	[dreg:$0x0] =	wrdreg $0x0  }
0xa8: {  	s4 =	sshll.u32 s28, $0x1;
	[dreg:$0x2] =	wrdreg s2  }
0xa9: {  	[dreg:$0x3] =	wrdreg s4  }
0xaa: {  	[dreg:$0x4] =	wrdreg $0xC0  }
0xab: {  	_ =	task [dreg:s6], $0x5FFFF  }
0xac: {  	[dreg:$0x1] =	wrdreg $0xFFFFFFFF  }
0xad: {  	[dreg:$0x0] =	wrdreg $0x60  }
0xae: {  	[dreg:$0x2] =	wrdreg s24  }
0xaf: {  	[dreg:$0x3] =	wrdreg $0x13000  }
0xb0: {  	[dreg:$0x4] =	wrdreg $0x9  }
0xb1: {  	_ =	task.clear_ibuf [dreg:s6], $0x5FFFF;
	_ =	strace $0x90000046  }
0xb2: {  	s29 =	simm.s32 $0x9;
	_ =	strace $0x80000048  }
0xb3: {  	_ =	swait.ge [sflag:s29], $0x1  }
0xb4: {  	[sflag:s29] =	ssyncadd.s32 $0xFFFFFFFF  }
0xb5: {  	_ =	strace $0x90000048  }
0xb6: {  	_ =	sfence  }
0xb7: {  	s30 =	sld [smem:$0x0];
	_ =	sdelay $0x2  }
0xb8: {  	s31 =	sshll.u32 s1, $0xD;
	s1 =	sshrl.u32 s1, $0x2  }
0xb9: {  	s3 =	sand.u32 $0x4000, s31;
	s1 =	sadd.s32 s1, s30  }
0xba: {  	s0 =	sor.u32 s3, s0;
	s1 =	sshll.u32 s1, $0x11  }
0xbb: {  	s0 =	sor.u32 s1, s0  }
0xbc: {  	s0 =	sadd.s32 $0x8F2B, s0  }
0xbd: {  	[sflag:s0] =	ssyncadd.remote.s32 $0x1  }
0xbe: {  	_ =	sfence.sel $0xFFFF  }
0xbf: {  	[dreg:$0x0] =	wrdreg $0xFFFFFFFF;
	(pc) =	sbr.abs _section_cstart, $3  }
0xc0: {  	[dreg:$0x1] =	wrdreg $0xFFFFFFFF  }
0xc1: {  	_ =	task.clear_ibuf [dreg:s6], $0x2FFFF;
	_ =	strace $0x9FFFFFFF  }
0xc2: {  	(tm) =	ssettm $0x7FFFFFFF  }
0xc3: {  	_ =	shalt  }
tec
execute0_lowered:
.L_overlay_start_1:
0x0: {  	(tag) =	ssettag $0x1  }
0x1: {  	s0 =	rddreg [dreg:$0x0]  }
0x2: {  	s2 =	rddreg [dreg:$0x1]  }
0x3: {  	s1 =	srdreg.scid;
	s9 =	stileid.u32;
	s3 =	simm.s32 $0x0  }
0x4: {  	s12 =	simm.s32 $0x1080;
	s13 =	simm.s32 $0x7;
	s15 =	simm.s32 $0x1  }
0x5: {  	s16 =	simm.s32 $0x80;
	s17 =	simm.s32 $0x1000;
	s19 =	simm.s32 $0x5  }
0x6: {  	s21 =	simm.s32 $0x6;
	s24 =	simm.s32 $0x2;
	s29 =	simm.s32 $0x400  }
0x7: {  	s14 =	simm.s32 $0x680;
	s18 =	simm.s32 $0x700;
	s20 =	simm.s32 $0x780  }
0x8: {  	s22 =	simm.s32 $0x0;
	s1 =	sand.u32 $0x1, s1;
	s4 =	smul.u32 $0x278, s9  }
0x9: {  	[smem:$0x7FF] =	sst s3;
	s10 =	sadd.s32 $0x2C00, s0;
	s6 =	smul.u32 $0x2780, s1  }
0xa: {  	s5 =	sshll.u32 s1, $0x4;
	s8 =	ssub.s32 $0x2, s1;
	s1 =	smul.u32 $0xA0, s1  }
0xb: {  	_ =	strace $0x80000047;
	s5 =	sor.u32 s9, s5;
	s9 =	smul.u32 $0xA, s9  }
0xc: {  	s26 =	sshrl.u32 s8, $0x1;
	s7 =	smul.u32 $0x500, s5;
	s6 =	sadd.s32 s4, s6  }
0xd: {  	s5 =	smul.u32 $0x2800, s5;
	s11 =	ssub.s32 s8, s26;
	s4 =	sadd.s32 s4, s2  }
0xe: {  	s6 =	sshrl.u32 s6, $0x3;
	s1 =	sadd.s32 s9, s1;
	s9 =	smax.u32 s11, $0x1  }
0xf: {  	s0 =	sadd.s32 s6, s0;
	s28 =	sshrl.u32 s5, $0x3;
	s5 =	sadd.s32 s10, s7  }
0x10: {  	s1 =	sshll.u32 s1, $0x7;
	s30 =	sadd.s32 s10, s28;
	s6 =	sadd.s32 $0x80, s5  }
0x11: {  	s8 =	sadd.s32 $0xCC00, s0;
	s31 =	sadd.s32 s10, s1;
	s10 =	sadd.s32 $0x180, s5  }
0x12: {  	v0 =	vimm.f32 $1.000000000e+00;
	v1 =	vimm.f32 $0.0e+00;
	s1 =	simm.s32 $0x600;
	s7 =	sadd.s32 $0x100, s30;
	s11 =	sadd.s32 $0x200, s31  }
.LBB2_1:
0x13: {  	[tilespmem:$0x1000] =	vst v0  }
0x14: {  	[tilespmem:$0x1010] =	vst v0  }
0x15: {  	[tilespmem:$0x1020] =	vst v0  }
0x16: {  	[tilespmem:$0x1030] =	vst v0  }
0x17: {  	[tilespmem:$0x1040] =	vst v0  }
0x18: {  	[tilespmem:$0x1050] =	vst v0  }
0x19: {  	[tilespmem:$0x1060] =	vst v0  }
0x1a: {  	[tilespmem:$0x1070] =	vst v0  }
0x1b: {  	[tilespmem:$0x1080] =	vst v1  }
0x1c: {  	[tilespmem:$0x1090] =	vst v1  }
0x1d: {  	[tilespmem:$0x10A0] =	vst v1  }
0x1e: {  	[tilespmem:$0x10B0] =	vst v1  }
0x1f: {  	[tilespmem:$0x10C0] =	vst v1  }
0x20: {  	[tilespmem:$0x10D0] =	vst v1  }
0x21: {  	[tilespmem:$0x10E0] =	vst v1  }
0x22: {  	[tilespmem:$0x10F0] =	vst v1  }
0x23: {  	[tilespmem:$0x1100] =	vst v1  }
0x24: {  	[tilespmem:$0x1110] =	vst v1  }
0x25: {  	[tilespmem:$0x1120] =	vst v1  }
0x26: {  	[tilespmem:$0x1130] =	vst v1  }
0x27: {  	[tilespmem:$0x1140] =	vst v1  }
0x28: {  	[tilespmem:$0x1150] =	vst v1  }
0x29: {  	[tilespmem:$0x1160] =	vst v1  }
0x2a: {  	[tilespmem:$0x1170] =	vst v1  }
0x2b: {  	[tilespmem:$0x1180] =	vst v1  }
0x2c: {  	[tilespmem:$0x1190] =	vst v1  }
0x2d: {  	[tilespmem:$0x11A0] =	vst v1  }
0x2e: {  	[tilespmem:$0x11B0] =	vst v1  }
0x2f: {  	[tilespmem:$0x11C0] =	vst v1  }
0x30: {  	[tilespmem:$0x11D0] =	vst v1  }
0x31: {  	[tilespmem:$0x11E0] =	vst v1  }
0x32: {  	[tilespmem:$0x11F0] =	vst v1  }
0x33: {  	[tilespmem:$0x1200] =	vst v1  }
0x34: {  	[tilespmem:$0x1210] =	vst v1  }
0x35: {  	[tilespmem:$0x1220] =	vst v1  }
0x36: {  	[tilespmem:$0x1230] =	vst v1  }
0x37: {  	[tilespmem:$0x1240] =	vst v1  }
0x38: {  	[tilespmem:$0x1250] =	vst v1  }
0x39: {  	[tilespmem:$0x1260] =	vst v1  }
0x3a: {  	[tilespmem:$0x1270] =	vst v1  }
0x3b: {  	[tilespmem:$0x1280] =	vst v1  }
0x3c: {  	[tilespmem:$0x1290] =	vst v1  }
0x3d: {  	[tilespmem:$0x12A0] =	vst v1  }
0x3e: {  	[tilespmem:$0x12B0] =	vst v1  }
0x3f: {  	[tilespmem:$0x12C0] =	vst v1  }
0x40: {  	[tilespmem:$0x12D0] =	vst v1  }
0x41: {  	[tilespmem:$0x12E0] =	vst v1  }
0x42: {  	[tilespmem:$0x12E8] =	vst v1  }
0x43: {  	[spmem:s4] =	stream.linear.scatter [tilespmem:s12], [sflag:$0x7], $0x278, $0x38;
	[tilespmem:$0x1578] =	vst v63  }
0x44: {  	_ =	swait.ge [sflag:s13], $0x278  }
0x45: {  	[sflag:s13] =	ssyncset.done $0x0  }
0x46: {  	[sflag:s13] =	ssyncadd.s32 $0xFFFFFD88  }
0x47: {  	[tilespmem:s3], [sflag:$0x1] =	stream.linear.gather [hbm4b:s5+s3], $0x400, $0x38;
	[tilespmem:$0x1578] =	vst v63  }
0x48: {  	_ = 	snop  }
0x49: {  	[tilespmem:s29], [sflag:$0x2] =	stream.linear.gather [hbm4b:s6+s3], $0x400, $0x38;
	[tilespmem:$0x1578] =	vst v63  }
0x4a: {  	s0 =	simm.s32 $0x800  }
0x4b: {  	[tilespmem:s0], [sflag:$0x3] =	stream.linear.gather [hbm4b:s7+s3], $0x400, $0x38;
	[tilespmem:$0x1578] =	vst v63  }
0x4c: {  	[bflag:$0x0] =	sbarrier.arrive $0xFFFF  }
0x4d: {  	_ =	swait.ge [sflag:s15], $0x400  }
0x4e: {  	[sflag:s15] =	ssyncset.done $0x0  }
0x4f: {  	[sflag:s15] =	ssyncadd.s32 $0xFFFFFC00  }
0x50: {  	[spmem:s2] =	stream.indirect.scatter.add.f32 [tilespmem:s17], [sflag:$0x5], $0x1, s3, s16, $0xb8;
	[tilespmem:$0x1578] =	vst v63  }
0x51: {  	_ = 	snop  }
0x52: {  	[spmem:s2] =	stream.indirect.scatter.add.f32 [tilespmem:s17], [sflag:$0x6], $0x1, s16, s16, $0xb8;
	[tilespmem:$0x1578] =	vst v63  }
0x53: {  	s25 =	simm.s32 $0xC00  }
0x54: {  	[tilespmem:s25], [sflag:$0x4] =	stream.linear.gather [hbm4b:s10+s3], $0x400, $0x38;
	[tilespmem:$0x1578] =	vst v63  }
0x55: {  	_ =	swait.ge [sflag:s19], $0x80  }
0x56: {  	[sflag:s19] =	ssyncset.done $0x0  }
0x57: {  	s26 =	simm.s32 $0x100;
	[sflag:s19] =	ssyncadd.s32 $0xFFFFFF80  }
0x58: {  	[spmem:s2] =	stream.indirect.scatter.add.f32 [tilespmem:s17], [sflag:$0x5], $0x1, s26, s16, $0xb8;
	[tilespmem:$0x1578] =	vst v63  }
0x59: {  	_ =	swait.ge [sflag:s21], $0x80  }
0x5a: {  	[sflag:s21] =	ssyncset.done $0x0  }
0x5b: {  	s30 =	simm.s32 $0x180;
	[sflag:s21] =	ssyncadd.s32 $0xFFFFFF80  }
0x5c: {  	[spmem:s2] =	stream.indirect.scatter.add.f32 [tilespmem:s17], [sflag:$0x6], $0x1, s30, s16, $0xb8;
	[tilespmem:$0x1578] =	vst v63  }
0x5d: {  	_ =	swait.ge [sflag:s19], $0x80  }
0x5e: {  	[sflag:s19] =	ssyncset.done $0x0  }
0x5f: {  	s31 =	simm.s32 $0x200;
	[sflag:s19] =	ssyncadd.s32 $0xFFFFFF80  }
0x60: {  	[spmem:s2] =	stream.indirect.scatter.add.f32 [tilespmem:s17], [sflag:$0x5], $0x1, s31, s16, $0xb8;
	[tilespmem:$0x1578] =	vst v63  }
0x61: {  	_ =	swait.ge [sflag:s24], $0x400  }
0x62: {  	[sflag:s24] =	ssyncset.done $0x0  }
0x63: {  	[sflag:s24] =	ssyncadd.s32 $0xFFFFFC00  }
0x64: {  	_ =	swait.ge [sflag:s21], $0x80  }
0x65: {  	[sflag:s21] =	ssyncset.done $0x0  }
0x66: {  	s23 =	simm.s32 $0x280;
	[sflag:s21] =	ssyncadd.s32 $0xFFFFFF80  }
0x67: {  	[spmem:s2] =	stream.indirect.scatter.add.f32 [tilespmem:s17], [sflag:$0x6], $0x1, s23, s16, $0xb8;
	[tilespmem:$0x1578] =	vst v63  }
0x68: {  	_ =	swait.ge [sflag:s19], $0x80  }
0x69: {  	[sflag:s19] =	ssyncset.done $0x0  }
0x6a: {  	s25 =	simm.s32 $0x300;
	[sflag:s19] =	ssyncadd.s32 $0xFFFFFF80  }
0x6b: {  	[spmem:s2] =	stream.indirect.scatter.add.f32 [tilespmem:s17], [sflag:$0x5], $0x1, s25, s16, $0xb8;
	[tilespmem:$0x1578] =	vst v63  }
0x6c: {  	_ =	swait.ge [sflag:s21], $0x80  }
0x6d: {  	[sflag:s21] =	ssyncset.done $0x0  }
0x6e: {  	s26 =	simm.s32 $0x380;
	[sflag:s21] =	ssyncadd.s32 $0xFFFFFF80  }
0x6f: {  	[spmem:s2] =	stream.indirect.scatter.add.f32 [tilespmem:s17], [sflag:$0x6], $0x1, s26, s16, $0xb8;
	[tilespmem:$0x1578] =	vst v63  }
0x70: {  	_ =	swait.ge [sflag:s19], $0x80  }
0x71: {  	[sflag:s19] =	ssyncset.done $0x0  }
0x72: {  	s26 =	sand.u32 $0xC00, s29;
	[sflag:s19] =	ssyncadd.s32 $0xFFFFFF80  }
0x73: {  	[spmem:s2] =	stream.indirect.scatter.add.f32 [tilespmem:s17], [sflag:$0x5], $0x1, s26, s16, $0xb8;
	[tilespmem:$0x1578] =	vst v63  }
0x74: {  	_ =	swait.ge [sflag:s21], $0x80  }
0x75: {  	p0 =	por $0x0, $0x0;
	s23 =	simm.s32 $0x4;
	[sflag:s21] =	ssyncset.done $0x0  }
0x76: {  	s28 =	sand.u32 @!p0 $0x3, s23;
	s25 =	sor.u32 $0x80, s26;
	[sflag:s21] =	ssyncadd.s32 $0xFFFFFF80  }
0x77: {  	[spmem:s2] =	stream.indirect.scatter.add.f32 [tilespmem:s17], [sflag:$0x6], $0x1, s25, s16, $0xb8;
	[tilespmem:$0x1578] =	vst v63  }
0x78: {  	s30 =	sshll.u32 @!p0 s28, $0xA;
	s28 =	sadd.s32 @!p0 $0x1, s28;
	s25 =	simm.s32 @!p0 $0x0  }
0x79: {  	[tilespmem:s30], [sflag:s28] =	stream.linear.gather @!p0 [hbm4b:s11+s25], $0x400, $0x38;
	[tilespmem:$0x1578] =	vst v63  }
0x7a: {  	_ =	swait.ge [sflag:s19], $0x80  }
0x7b: {  	[sflag:s19] =	ssyncset.done $0x0  }
0x7c: {  	s30 =	sadd.s32 $0x100, s26;
	[sflag:s19] =	ssyncadd.s32 $0xFFFFFF80  }
0x7d: {  	[spmem:s2] =	stream.indirect.scatter.add.f32 [tilespmem:s17], [sflag:$0x5], $0x1, s30, s16, $0xb8;
	[tilespmem:$0x1578] =	vst v63  }
0x7e: {  	_ =	swait.ge [sflag:s21], $0x80  }
0x7f: {  	[sflag:s21] =	ssyncset.done $0x0  }
0x80: {  	s31 =	sadd.s32 $0x180, s26;
	[sflag:s21] =	ssyncadd.s32 $0xFFFFFF80  }
0x81: {  	[spmem:s2] =	stream.indirect.scatter.add.f32 [tilespmem:s17], [sflag:$0x6], $0x1, s31, s16, $0xb8;
	[tilespmem:$0x1578] =	vst v63  }
0x82: {  	s0 =	simm.s32 $0x2;
	_ =	swait.ge [sflag:s19], $0x80  }
0x83: {  	s25 =	sand.u32 $0x3, s0;
	[sflag:s19] =	ssyncset.done $0x0  }
0x84: {  	s28 =	sadd.s32 $0x200, s26;
	s25 =	sadd.s32 $0x1, s25;
	[sflag:s19] =	ssyncadd.s32 $0xFFFFFF80  }
0x85: {  	[spmem:s2] =	stream.indirect.scatter.add.f32 [tilespmem:s17], [sflag:$0x5], $0x1, s28, s16, $0xb8;
	[tilespmem:$0x1578] =	vst v63  }
0x86: {  	_ =	swait.ge [sflag:s25], $0x400  }
0x87: {  	[sflag:s25] =	ssyncset.done $0x0  }
0x88: {  	[sflag:s25] =	ssyncadd.s32 $0xFFFFFC00  }
0x89: {  	_ =	swait.ge [sflag:s21], $0x80  }
0x8a: {  	[sflag:s21] =	ssyncset.done $0x0  }
0x8b: {  	s30 =	sadd.s32 $0x280, s26;
	[sflag:s21] =	ssyncadd.s32 $0xFFFFFF80  }
0x8c: {  	[spmem:s2] =	stream.indirect.scatter.add.f32 [tilespmem:s17], [sflag:$0x6], $0x1, s30, s16, $0xb8;
	[tilespmem:$0x1578] =	vst v63  }
0x8d: {  	_ =	swait.ge [sflag:s19], $0x80  }
0x8e: {  	[sflag:s19] =	ssyncset.done $0x0  }
0x8f: {  	s31 =	sadd.s32 $0x300, s26;
	[sflag:s19] =	ssyncadd.s32 $0xFFFFFF80  }
0x90: {  	[spmem:s2] =	stream.indirect.scatter.add.f32 [tilespmem:s17], [sflag:$0x5], $0x1, s31, s16, $0xb8;
	[tilespmem:$0x1578] =	vst v63  }
0x91: {  	s28 =	sadd.s32 $0x380, s26;
	_ =	swait.ge [sflag:s21], $0x80  }
0x92: {  	s26 =	sadd.s32 $0x80, s11;
	s25 =	simm.s32 $0x800;
	[sflag:s21] =	ssyncset.done $0x0  }
.LBB2_2:
0x93: {  	[sflag:s21] =	ssyncadd.s32 $0xFFFFFF80  }
0x94: {  	s23 =	sadd.s32 $0x1, s23;
	s30 =	smov.u32 s25;
	s25 =	sadd.s32 $0x400, s25  }
0x95: {  	[spmem:s2] =	stream.indirect.scatter.add.f32 [tilespmem:s17], [sflag:$0x6], $0x1, s28, s16, $0xb8;
	[tilespmem:$0x1578] =	vst v63  }
0x96: {  	p0 =	sne.s32 s25, $0x2400;
	_ =	swait.ge [sflag:s19], $0x80  }
0x97: {  	s28 =	sand.u32 $0xC00, s30;
	[sflag:s19] =	ssyncset.done $0x0  }
0x98: {  	[sflag:s19] =	ssyncadd.s32 $0xFFFFFF80  }
0x99: {  	[spmem:s2] =	stream.indirect.scatter.add.f32 [tilespmem:s17], [sflag:$0x5], $0x1, s28, s16, $0xb8;
	[tilespmem:$0x1578] =	vst v63  }
0x9a: {  	s30 =	sadd.s32 $0xFFFFFFFD, s23;
	_ =	swait.ge [sflag:s21], $0x80  }
0x9b: {  	s31 =	sor.u32 $0x80, s28;
	p1 =	sgt.u32 s30, $0x6;
	[sflag:s21] =	ssyncset.done $0x0  }
0x9c: {  	s30 =	sand.u32 @!p1 $0x3, s23;
	s0 =	simm.s32 @!p1 $0x0;
	[sflag:s21] =	ssyncadd.s32 $0xFFFFFF80  }
0x9d: {  	[spmem:s2] =	stream.indirect.scatter.add.f32 [tilespmem:s17], [sflag:$0x6], $0x1, s31, s16, $0xb8;
	[tilespmem:$0x1578] =	vst v63  }
0x9e: {  	s31 =	sshll.u32 @!p1 s30, $0xA;
	s30 =	sadd.s32 @!p1 $0x1, s30  }
0x9f: {  	[tilespmem:s31], [sflag:s30] =	stream.linear.gather @!p1 [hbm4b:s26+s0], $0x400, $0x38;
	[tilespmem:$0x1578] =	vst v63  }
0xa0: {  	_ =	swait.ge [sflag:s19], $0x80  }
0xa1: {  	s0 =	sadd.s32 $0x100, s28;
	[sflag:s19] =	ssyncset.done $0x0  }
0xa2: {  	[sflag:s19] =	ssyncadd.s32 $0xFFFFFF80  }
0xa3: {  	[spmem:s2] =	stream.indirect.scatter.add.f32 [tilespmem:s17], [sflag:$0x5], $0x1, s0, s16, $0xb8;
	[tilespmem:$0x1578] =	vst v63  }
0xa4: {  	_ =	swait.ge [sflag:s21], $0x80  }
0xa5: {  	s0 =	sadd.s32 $0x180, s28;
	[sflag:s21] =	ssyncset.done $0x0  }
0xa6: {  	[sflag:s21] =	ssyncadd.s32 $0xFFFFFF80  }
0xa7: {  	[spmem:s2] =	stream.indirect.scatter.add.f32 [tilespmem:s17], [sflag:$0x6], $0x1, s0, s16, $0xb8;
	[tilespmem:$0x1578] =	vst v63  }
0xa8: {  	s0 =	sadd.s32 $0xFFFFFFFE, s23;
	_ =	swait.ge [sflag:s19], $0x80  }
0xa9: {  	s30 =	sadd.s32 $0x200, s28;
	s0 =	sand.u32 $0x3, s0;
	[sflag:s19] =	ssyncset.done $0x0  }
0xaa: {  	s0 =	sadd.s32 $0x1, s0;
	[sflag:s19] =	ssyncadd.s32 $0xFFFFFF80  }
0xab: {  	[spmem:s2] =	stream.indirect.scatter.add.f32 [tilespmem:s17], [sflag:$0x5], $0x1, s30, s16, $0xb8;
	[tilespmem:$0x1578] =	vst v63  }
0xac: {  	_ =	swait.ge [sflag:s0], $0x400  }
0xad: {  	[sflag:s0] =	ssyncset.done $0x0  }
0xae: {  	[sflag:s0] =	ssyncadd.s32 $0xFFFFFC00  }
0xaf: {  	_ =	swait.ge [sflag:s21], $0x80  }
0xb0: {  	s0 =	sadd.s32 $0x280, s28;
	[sflag:s21] =	ssyncset.done $0x0  }
0xb1: {  	[sflag:s21] =	ssyncadd.s32 $0xFFFFFF80  }
0xb2: {  	[spmem:s2] =	stream.indirect.scatter.add.f32 [tilespmem:s17], [sflag:$0x6], $0x1, s0, s16, $0xb8;
	[tilespmem:$0x1578] =	vst v63  }
0xb3: {  	_ =	swait.ge [sflag:s19], $0x80  }
.Ltmp0:
0xb4: {  	s0 =	sadd.s32 $0x300, s28;
	[sflag:s19] =	ssyncset.done $0x0;
	(pc) =	sbr.rel @p0 .LBB2_2-.Ltmp0, $4  }
0xb5: {  	[sflag:s19] =	ssyncadd.s32 $0xFFFFFF80  }
0xb6: {  	[spmem:s2] =	stream.indirect.scatter.add.f32 [tilespmem:s17], [sflag:$0x5], $0x1, s0, s16, $0xb8;
	[tilespmem:$0x1578] =	vst v63  }
0xb7: {  	_ =	swait.ge [sflag:s21], $0x80  }
0xb8: {  	s26 =	sadd.s32 $0x80, s26;
	s28 =	sadd.s32 $0x380, s28;
	[sflag:s21] =	ssyncset.done $0x0  }
0xb9: {  	[sflag:s21] =	ssyncadd.s32 $0xFFFFFF80  }
0xba: {  	[spmem:s2] =	stream.indirect.scatter.add.f32 [tilespmem:s17], [sflag:$0x6], $0x1, s28, s16, $0xb8;
	[tilespmem:$0x1578] =	vst v63  }
0xbb: {  	_ =	swait.ge [sflag:s19], $0x80  }
0xbc: {  	[sflag:s19] =	ssyncset.done $0x0  }
0xbd: {  	[sflag:s19] =	ssyncadd.s32 $0xFFFFFF80  }
0xbe: {  	[spmem:s2] =	stream.indirect.scatter.add.f32 [tilespmem:s17], [sflag:$0x5], $0x1, s29, s16, $0xb8;
	[tilespmem:$0x1578] =	vst v63  }
0xbf: {  	_ =	swait.ge [sflag:s21], $0x80  }
0xc0: {  	[sflag:s21] =	ssyncset.done $0x0  }
0xc1: {  	s0 =	simm.s32 $0x480;
	[sflag:s21] =	ssyncadd.s32 $0xFFFFFF80  }
0xc2: {  	[spmem:s2] =	stream.indirect.scatter.add.f32 [tilespmem:s17], [sflag:$0x6], $0x1, s0, s16, $0xb8;
	[tilespmem:$0x1578] =	vst v63  }
0xc3: {  	_ =	swait.ge [sflag:s19], $0x80  }
0xc4: {  	[sflag:s19] =	ssyncset.done $0x0  }
0xc5: {  	s30 =	simm.s32 $0x500;
	[sflag:s19] =	ssyncadd.s32 $0xFFFFFF80  }
0xc6: {  	[spmem:s2] =	stream.indirect.scatter.add.f32 [tilespmem:s17], [sflag:$0x5], $0x1, s30, s16, $0xb8;
	[tilespmem:$0x1578] =	vst v63  }
0xc7: {  	_ =	swait.ge [sflag:s21], $0x80  }
0xc8: {  	[sflag:s21] =	ssyncset.done $0x0  }
0xc9: {  	s31 =	simm.s32 $0x580;
	[sflag:s21] =	ssyncadd.s32 $0xFFFFFF80  }
0xca: {  	[spmem:s2] =	stream.indirect.scatter.add.f32 [tilespmem:s17], [sflag:$0x6], $0x1, s31, s16, $0xb8;
	[tilespmem:$0x1578] =	vst v63  }
0xcb: {  	_ =	swait.ge [sflag:s19], $0x80  }
0xcc: {  	[sflag:s19] =	ssyncset.done $0x0  }
0xcd: {  	[sflag:s19] =	ssyncadd.s32 $0xFFFFFF80  }
0xce: {  	[spmem:s2] =	stream.indirect.scatter.add.f32 [tilespmem:s17], [sflag:$0x5], $0x1, s1, s16, $0xb8;
	[tilespmem:$0x1578] =	vst v63  }
0xcf: {  	_ =	swait.ge [sflag:s21], $0x80  }
0xd0: {  	[sflag:s21] =	ssyncset.done $0x0  }
0xd1: {  	[sflag:s21] =	ssyncadd.s32 $0xFFFFFF80  }
0xd2: {  	[spmem:s2] =	stream.indirect.scatter.add.f32 [tilespmem:s17], [sflag:$0x6], $0x1, s14, s16, $0xb8;
	[tilespmem:$0x1578] =	vst v63  }
0xd3: {  	_ =	swait.ge [sflag:s19], $0x80  }
0xd4: {  	[sflag:s19] =	ssyncset.done $0x0  }
0xd5: {  	[sflag:s19] =	ssyncadd.s32 $0xFFFFFF80  }
0xd6: {  	[spmem:s2] =	stream.indirect.scatter.add.f32 [tilespmem:s17], [sflag:$0x5], $0x1, s18, s16, $0xb8;
	[tilespmem:$0x1578] =	vst v63  }
0xd7: {  	_ =	swait.ge [sflag:s21], $0x80  }
0xd8: {  	[sflag:s21] =	ssyncset.done $0x0  }
0xd9: {  	[sflag:s21] =	ssyncadd.s32 $0xFFFFFF80  }
0xda: {  	[spmem:s2] =	stream.indirect.scatter.add.f32 [tilespmem:s17], [sflag:$0x6], $0x1, s20, s16, $0xb8;
	[tilespmem:$0x1578] =	vst v63  }
0xdb: {  	_ =	swait.ge [sflag:s19], $0x80  }
0xdc: {  	[sflag:s19] =	ssyncset.done $0x0  }
0xdd: {  	[sflag:s19] =	ssyncadd.s32 $0xFFFFFF80  }
0xde: {  	_ =	swait.ge [sflag:s21], $0x80  }
0xdf: {  	[sflag:s21] =	ssyncset.done $0x0  }
0xe0: {  	[sflag:s21] =	ssyncadd.s32 $0xFFFFFF80  }
0xe1: {  	[bflag:$0x0] =	sbarrier.arrive $0xFFFF  }
0xe2: {  	[tilespmem:s12], [sflag:$0x7] =	stream.linear.gather [spmem:s4], $0x278, $0x38;
	[tilespmem:$0x1578] =	vst v63  }
0xe3: {  	s22 =	sadd.s32 $0x1, s22;
	_ =	swait.ge [sflag:s13], $0x278  }
0xe4: {  	p0 =	sne.s32 s22, s9;
	[sflag:s13] =	ssyncset.done $0x0  }
.Ltmp1:
0xe5: {  	[sflag:s13] =	ssyncadd.s32 $0xFFFFFD88;
	(pc) =	sbr.rel @p0 .LBB2_1-.Ltmp1, $4  }
0xe6: {  	[hbm4b:s8+s3] =	stream.linear.scatter [tilespmem:s12], [sflag:$0x7], $0x278, $0x38;
	[tilespmem:$0x1578] =	vst v63  }
0xe7: {  	_ =	swait.ge [sflag:s13], $0x278  }
0xe8: {  	[sflag:s13] =	ssyncset.done $0x0  }
0xe9: {  	[sflag:s13] =	ssyncadd.s32 $0xFFFFFD88  }
0xea: {  	_ =	sfence.sel $0x180000  }
0xeb: {  	[bflag:$0x0] =	sbarrier.arrive $0xFFFF  }
0xec: {  	_ =	strace $0x90000047  }
0xed: {  	s0 =	stileid.u32;
	[bflag:$0x2] =	sbarrier.arrive $0xFFFF  }
0xee: {  	p0 =	sne.s32 s0, $0x0;
	s0 =	rddreg [dreg:$0x2]  }
0xef: {  	s0 =	sadd.s32 @!p0 $0x100000, s0  }
0xf0: {  	[sflag:s0] =	ssyncadd.tile.s32 @!p0 $0x1;
	_ =	shalt  }
.Lfunc_end2:
_tile_overlayer_lowered:
.L_overlay_start_2:
0xf1: {  	(tag) =	ssettag $0x2  }
0xf2: {  	s0 =	rddreg [dreg:$0x0];
	s2 =	stileid.u32  }
0xf3: {  	s1 =	rddreg [dreg:$0x1];
	p0 =	sne.s32 s2, $0x0  }
0xf4: {  	s3 =	rddreg [dreg:$0x2];
	[bflag:$0x3] =	sbarrier.arrive $0xFFFF;
	s2 =	simm.s32 @!p0 $0x1C07  }
0xf5: {  	[timem:s3], [sflag:s2] =	dma.local @!p0 [hbm:s0], s1  }
0xf6: {  	s0 =	simm.s32 @!p0 $0x7  }
0xf7: {  	_ =	swait.ge @!p0 [sflag:s0], s1  }
0xf8: {  	s1 =	ssub.s32 @!p0 $0x0, s1;
	[sflag:s0] =	ssyncset.done @!p0 $0x0  }
0xf9: {  	[sflag:s0] =	ssyncadd.s32 @!p0 s1  }
0xfa: {  	[bflag:$0x3] =	sbarrier.arrive $0xFFFF  }
0xfb: {  	_ =	shalt  }

</sc_bundles>
